<compile_context>
chip_gen: v7x
topology: tpu7x:2x2x1
jax: 0.10.2.dev20260603
libtpu: 0.0.44.dev20260713+nightly
codegen_flags: <defaults>
</compile_context>

<pallas_src>
import functools

import jax
import jax.numpy as jnp
from jax import lax
from jax.experimental import pallas as pl
from jax.experimental.pallas import tpu as pltpu
from jax.experimental.pallas import tpu_sc as plsc

_NW = 32


def _sc_gather(table, src_tm, seq, bsz):
    n = seq * bsz
    e = table.shape[1]
    per_w = n // _NW
    cw = 64
    ch = per_w // cw
    assert per_w * _NW == n and ch * cw == per_w and bsz % cw == 0
    mesh = plsc.VectorSubcoreMesh(core_axis_name="c", subcore_axis_name="s")

    @functools.partial(
        pl.kernel,
        mesh=mesh,
        out_type=jax.ShapeDtypeStruct((n, e), jnp.float32),
        scratch_types=[
            pltpu.VMEM((3, bsz), jnp.int32),
            pltpu.VMEM((per_w, e), jnp.float32),
            pltpu.SemaphoreType.DMA,
        ],
        compiler_params=pltpu.CompilerParams(use_tc_tiling_on_sc=False),
    )
    def gather_k(table_hbm, src_hbm, out_hbm, tsrc, rows_v, sb):
        wid = lax.axis_index("s") * 2 + lax.axis_index("c")
        base = wid * per_w
        t0 = base // bsz
        t0c = jnp.minimum(t0, seq - 3)
        d0 = base - t0c * bsz
        pltpu.sync_copy(src_hbm.at[pl.ds(t0c, 3), :], tsrc)
        cps = [
            pltpu.make_async_copy(
                table_hbm.at[
                    tsrc.at[(d0 + j * cw) // bsz,
                            pl.ds((d0 + j * cw) % bsz, cw)]],
                rows_v.at[pl.ds(j * cw, cw)],
                sb,
            )
            for j in range(ch)
        ]
        for cp in cps:
            cp.start()
        for cp in cps:
            cp.wait()
        pltpu.sync_copy(rows_v, out_hbm.at[pl.ds(base, per_w)])

    return gather_k(table, src_tm)


def _tr_body(s_ref, o_any, o_v, sem):
    o_v[...] = s_ref[...].T
    cp = pltpu.make_async_copy(o_v, o_any, sem)
    cp.start()
    cp.wait()


def _transpose_src(src):
    b, seq = src.shape
    return pl.pallas_call(
        _tr_body,
        out_shape=jax.ShapeDtypeStruct((seq, b), jnp.int32),
        out_specs=pl.BlockSpec(memory_space=pl.ANY),
        scratch_shapes=[
            pltpu.VMEM((seq, b), jnp.int32),
            pltpu.SemaphoreType.DMA,
        ],
    )(src)


def _cell(g, c, h_dim):
    ti = jnp.tanh(g[:, 0:h_dim])
    tf = jnp.tanh(g[:, h_dim:2 * h_dim])
    gg = jnp.tanh(g[:, 2 * h_dim:3 * h_dim])
    to = jnp.tanh(g[:, 3 * h_dim:4 * h_dim])
    c2 = (0.5 + 0.5 * tf) * c + (0.5 + 0.5 * ti) * gg
    h2 = (0.5 + 0.5 * to) * jnp.tanh(c2)
    return h2, c2


def _lstm_body(x_any, w0f, w0b, b0f, b0b, w1xf, w1xb, w1hf, w1hb, b1f, b1b,
               y_any, h_ref, c_ref, y0f, y0b,
               xf0, xf1, xb0, xb1, sxf0, sxf1, sxb0, sxb1,
               stf0, stf1, stb0, stb1, semf0, semf1, semb0, semb1):
    b = y0f.shape[1]
    seq = y0f.shape[0]
    h_dim = h_ref.shape[-1]
    e = x_any.shape[-1]
    f32 = jnp.float32
    bf16 = jnp.bfloat16

    w0fv = w0f[...]
    w0bv = w0b[...]
    b0fv = b0f[...]
    b0bv = b0b[...]
    nc = 4
    cw = b // nc
    zc = jnp.zeros((cw, h_dim), f32)
    zeros4 = tuple((zc, zc, zc, zc) for _ in range(nc))

    zpad = jnp.zeros((b, h_dim - e), f32)

    def xsrc(t):
        return x_any.at[pl.ds(t * b, b), :]

    pltpu.make_async_copy(xsrc(0), xf0, sxf0).start()
    pltpu.make_async_copy(xsrc(1), xf1, sxf1).start()
    pltpu.make_async_copy(xsrc(seq - 1), xb0, sxb0).start()
    pltpu.make_async_copy(xsrc(seq - 2), xb1, sxb1).start()

    def l0_step(k, carry):
        for par in range(2):
            t = 2 * k + par
            tb = seq - 1 - t
            xf = xf0 if par == 0 else xf1
            xb = xb0 if par == 0 else xb1
            sf = sxf0 if par == 0 else sxf1
            sb_ = sxb0 if par == 0 else sxb1
            pltpu.make_async_copy(xsrc(t), xf, sf).wait()
            pltpu.make_async_copy(xsrc(tb), xb, sb_).wait()
            xt = jnp.concatenate([xf[...], zpad], axis=1).astype(bf16)
            xtb = jnp.concatenate([xb[...], zpad], axis=1).astype(bf16)
            out = []
            for ic in range(nc):
                hf, cf, hb, cb = carry[ic]
                lo, hi = ic * cw, (ic + 1) * cw
                inf_ = jnp.concatenate([xt[lo:hi], hf.astype(bf16)], axis=1)
                inb_ = jnp.concatenate([xtb[lo:hi], hb.astype(bf16)], axis=1)
                g_f = jnp.dot(inf_, w0fv, preferred_element_type=f32) + b0fv
                g_b = jnp.dot(inb_, w0bv, preferred_element_type=f32) + b0bv
                hf, cf = _cell(g_f, cf, h_dim)
                hb, cb = _cell(g_b, cb, h_dim)
                y0f[t, lo:hi, :] = hf.astype(bf16)
                y0b[tb, lo:hi, :] = hb.astype(bf16)
                out.append((hf, cf, hb, cb))
            carry = tuple(out)

            @pl.when(k < (seq // 2) - 1)
            def _():
                pltpu.make_async_copy(xsrc(t + 2), xf, sf).start()
                pltpu.make_async_copy(xsrc(tb - 2), xb, sb_).start()

        return carry

    fin0 = lax.fori_loop(0, seq // 2, l0_step, zeros4)
    h_ref[0] = jnp.concatenate([fin0[ic][0] for ic in range(nc)], axis=0)
    h_ref[1] = jnp.concatenate([fin0[ic][2] for ic in range(nc)], axis=0)
    c_ref[0] = jnp.concatenate([fin0[ic][1] for ic in range(nc)], axis=0)
    c_ref[1] = jnp.concatenate([fin0[ic][3] for ic in range(nc)], axis=0)

    w1xfv = w1xf[...]
    w1xbv = w1xb[...]
    w1hfv = w1hf[...]
    w1hbv = w1hb[...]
    b1fv = b1f[...]
    b1bv = b1b[...]
    w1xf_hi = w1xfv[0:h_dim]
    w1xf_lo = w1xfv[h_dim:2 * h_dim]
    w1xb_hi = w1xbv[0:h_dim]
    w1xb_lo = w1xbv[h_dim:2 * h_dim]

    def l1_step(k, carry):
        for par in range(2):
            t = 2 * k + par
            tb = seq - 1 - t
            stf = stf0 if par == 0 else stf1
            stb = stb0 if par == 0 else stb1
            sf = semf0 if par == 0 else semf1
            sb = semb0 if par == 0 else semb1
            dst_f = y_any.at[:, t, 0:h_dim]
            dst_b = y_any.at[:, tb, h_dim:2 * h_dim]

            @pl.when(k > 0)
            def _():
                pltpu.make_async_copy(stf, dst_f, sf).wait()
                pltpu.make_async_copy(stb, dst_b, sb).wait()

            ytf = y0f[t]
            ytb_ = y0b[t]
            ybf = y0f[tb]
            ybb = y0b[tb]
            out = []
            for ic in range(nc):
                hf, cf, hb, cb = carry[ic]
                lo, hi = ic * cw, (ic + 1) * cw
                g_f = (jnp.dot(ytf[lo:hi], w1xf_hi, preferred_element_type=f32)
                       + jnp.dot(ytb_[lo:hi], w1xf_lo,
                                 preferred_element_type=f32)
                       + jnp.dot(hf.astype(bf16), w1hfv,
                                 preferred_element_type=f32)
                       + b1fv)
                g_b = (jnp.dot(ybf[lo:hi], w1xb_hi, preferred_element_type=f32)
                       + jnp.dot(ybb[lo:hi], w1xb_lo,
                                 preferred_element_type=f32)
                       + jnp.dot(hb.astype(bf16), w1hbv,
                                 preferred_element_type=f32)
                       + b1bv)
                hf, cf = _cell(g_f, cf, h_dim)
                hb, cb = _cell(g_b, cb, h_dim)
                stf[lo:hi, :] = hf
                stb[lo:hi, :] = hb
                out.append((hf, cf, hb, cb))
            carry = tuple(out)
            pltpu.make_async_copy(stf, dst_f, sf).start()
            pltpu.make_async_copy(stb, dst_b, sb).start()
        return carry

    fin1 = lax.fori_loop(0, seq // 2, l1_step, zeros4)
    h_ref[2] = jnp.concatenate([fin1[ic][0] for ic in range(nc)], axis=0)
    h_ref[3] = jnp.concatenate([fin1[ic][2] for ic in range(nc)], axis=0)
    c_ref[2] = jnp.concatenate([fin1[ic][1] for ic in range(nc)], axis=0)
    c_ref[3] = jnp.concatenate([fin1[ic][3] for ic in range(nc)], axis=0)

    for st, sem in ((stf0, semf0), (stf1, semf1), (stb0, semb0), (stb1, semb1)):
        pltpu.make_async_copy(st, y_any.at[:, 0, 0:h_dim], sem).wait()


def _run_lstm(x_flat, wp, seq, bsz):
    h_dim = wp[0].shape[1] // 4
    f32 = jnp.float32
    out_shape = [
        jax.ShapeDtypeStruct((bsz, seq, 2 * h_dim), f32),
        jax.ShapeDtypeStruct((4, bsz, h_dim), f32),
        jax.ShapeDtypeStruct((4, bsz, h_dim), f32),
    ]
    out_specs = [
        pl.BlockSpec(memory_space=pl.ANY),
        pl.BlockSpec(memory_space=pltpu.MemorySpace.VMEM),
        pl.BlockSpec(memory_space=pltpu.MemorySpace.VMEM),
    ]
    in_specs = [pl.BlockSpec(memory_space=pl.ANY)]
    in_specs += [pl.BlockSpec(memory_space=pltpu.MemorySpace.VMEM)] * 10
    return pl.pallas_call(
        _lstm_body,
        in_specs=in_specs,
        out_specs=out_specs,
        out_shape=out_shape,
        scratch_shapes=[
            pltpu.VMEM((seq, bsz, h_dim), jnp.bfloat16),
            pltpu.VMEM((seq, bsz, h_dim), jnp.bfloat16),
            pltpu.VMEM((bsz, 64), f32),
            pltpu.VMEM((bsz, 64), f32),
            pltpu.VMEM((bsz, 64), f32),
            pltpu.VMEM((bsz, 64), f32),
            pltpu.SemaphoreType.DMA,
            pltpu.SemaphoreType.DMA,
            pltpu.SemaphoreType.DMA,
            pltpu.SemaphoreType.DMA,
            pltpu.VMEM((bsz, h_dim), f32),
            pltpu.VMEM((bsz, h_dim), f32),
            pltpu.VMEM((bsz, h_dim), f32),
            pltpu.VMEM((bsz, h_dim), f32),
            pltpu.SemaphoreType.DMA,
            pltpu.SemaphoreType.DMA,
            pltpu.SemaphoreType.DMA,
            pltpu.SemaphoreType.DMA,
        ],
        compiler_params=pltpu.CompilerParams(
            vmem_limit_bytes=120 * 1024 * 1024,
        ),
    )(x_flat, *wp)


def kernel(src, emb_W, l0f_Wih, l0f_Whh, l0f_bih, l0f_bhh,
           l0b_Wih, l0b_Whh, l0b_bih, l0b_bhh,
           l1f_Wih, l1f_Whh, l1f_bih, l1f_bhh,
           l1b_Wih, l1b_Whh, l1b_bih, l1b_bhh):
    b, seq = src.shape
    e = emb_W.shape[1]
    h_dim = l0f_Whh.shape[1]
    src_tm = _transpose_src(src.astype(jnp.int32))
    x_flat = _sc_gather(emb_W, src_tm, seq, b)
    bf16 = jnp.bfloat16

    gate_scale = jnp.concatenate([
        jnp.full((2 * h_dim,), 0.5, jnp.float32),
        jnp.ones((h_dim,), jnp.float32),
        jnp.full((h_dim,), 0.5, jnp.float32),
    ])[None, :]

    def stack0(wih, whh):
        zpad = jnp.zeros((h_dim - e, 4 * h_dim), jnp.float32)
        w = jnp.concatenate([wih.T, zpad, whh.T], axis=0)
        return (w * gate_scale).astype(bf16)

    def sw(w):
        return (w.T * gate_scale).astype(bf16)

    def sb(bih, bhh):
        return ((bih + bhh).reshape(1, -1) * gate_scale)

    wp = (
        stack0(l0f_Wih, l0f_Whh), stack0(l0b_Wih, l0b_Whh),
        sb(l0f_bih, l0f_bhh), sb(l0b_bih, l0b_bhh),
        sw(l1f_Wih), sw(l1b_Wih), sw(l1f_Whh), sw(l1b_Whh),
        sb(l1f_bih, l1f_bhh), sb(l1b_bih, l1b_bhh),
    )
    y, hs, cs = _run_lstm(x_flat, wp, seq, b)
    return y, (hs, cs)

# --- scband reference (transcript-rebuilt; emitter-appended) ---
"""Pipeline reference for scband-encoder-52913997087491 (READ-ONLY COPY).

The authoritative reference and input builder live on the scoring server;
editing this copy changes nothing except your own understanding.
"""

import jax, jax.numpy as jnp
import numpy as np

B, L, V, E, H = 1024, 50, 1000000, 64, 128
PAD = 0


def _lstm_dir(x, Wih, Whh, bih, bhh, reverse):
    Bsz = x.shape[0]
    Hd = Whh.shape[1]

    def step(carry, xt):
        h, c = carry
        g = xt @ Wih.T + bih + h @ Whh.T + bhh
        i, f, gg, o = jnp.split(g, 4, axis=-1)
        i = jax.nn.sigmoid(i)
        f = jax.nn.sigmoid(f)
        gg = jnp.tanh(gg)
        o = jax.nn.sigmoid(o)
        c2 = f * c + i * gg
        h2 = o * jnp.tanh(c2)
        return (h2, c2), h2

    h0 = jnp.zeros((Bsz, Hd), dtype=x.dtype)
    c0 = jnp.zeros((Bsz, Hd), dtype=x.dtype)
    (hT, cT), ys = jax.lax.scan(step, (h0, c0), jnp.swapaxes(x, 0, 1), reverse=reverse)
    return jnp.swapaxes(ys, 0, 1), hT, cT


def setup_inputs(seed: int = 0):
    key = jax.random.key(seed)
    ks = jax.random.split(key, 20)
    src = jax.random.randint(ks[0], (B, L), 0, V)
    emb_W = (jax.random.normal(ks[1], (V, E), dtype=jnp.float32) * 0.02).at[PAD].set(0.0)
    bound = 1.0 / np.sqrt(H)
    inp = {"src": src, "emb_W": emb_W}
    idx = 2
    for layer in range(2):
        insz = E if layer == 0 else 2 * H
        for d in ("f", "b"):
            pre = "l%d%s_" % (layer, d)
            inp[pre + "Wih"] = jax.random.uniform(ks[idx], (4 * H, insz), minval=-bound, maxval=bound, dtype=jnp.float32); idx += 1
            inp[pre + "Whh"] = jax.random.uniform(ks[idx], (4 * H, H), minval=-bound, maxval=bound, dtype=jnp.float32); idx += 1
            inp[pre + "bih"] = jax.random.uniform(ks[idx], (4 * H,), minval=-bound, maxval=bound, dtype=jnp.float32); idx += 1
            inp[pre + "bhh"] = jax.random.uniform(ks[idx], (4 * H,), minval=-bound, maxval=bound, dtype=jnp.float32); idx += 1
    return inp


def reference(src, emb_W, l0f_Wih, l0f_Whh, l0f_bih, l0f_bhh, l0b_Wih, l0b_Whh, l0b_bih, l0b_bhh, l1f_Wih, l1f_Whh, l1f_bih, l1f_bhh, l1b_Wih, l1b_Whh, l1b_bih, l1b_bhh):
    table = emb_W.at[PAD].set(0.0)
    x = jnp.take(table, src, axis=0)
    hs = []
    cs = []
    layer_params = [
        ((l0f_Wih, l0f_Whh, l0f_bih, l0f_bhh), (l0b_Wih, l0b_Whh, l0b_bih, l0b_bhh)),
        ((l1f_Wih, l1f_Whh, l1f_bih, l1f_bhh), (l1b_Wih, l1b_Whh, l1b_bih, l1b_bhh)),
    ]
    for fw, bw in layer_params:
        yf, hf, cf = _lstm_dir(x, fw[0], fw[1], fw[2], fw[3], False)
        yb, hb, cb = _lstm_dir(x, bw[0], bw[1], bw[2], bw[3], True)
        x = jnp.concatenate([yf, yb], axis=-1)
        hs += [hf, hb]
        cs += [cf, cb]
    return x, (jnp.stack(hs), jnp.stack(cs))

if __name__ == "__main__":
    import jax
    _d = setup_inputs()
    print(jax.jit(kernel)(*tuple(_d.values())))

</pallas_src>

<mosaic_0001>
#map = affine_map<(d0, d1) -> (0, 0)>
module attributes {stable_mosaic.version = 14 : i64} {
  func.func @gather_k(%arg0: i32, %arg1: i32, %arg2: memref<1000000x64xf32, #tpu.memory_space<hbm>>, %arg3: memref<50x1024xi32, #tpu.memory_space<hbm>>, %arg4: memref<51200x64xf32, #tpu.memory_space<hbm>>, %arg5: memref<3x1024xi32, #tpu.memory_space<vmem>>, %arg6: memref<1600x64xf32, #tpu.memory_space<vmem>>, %arg7: memref<!tpu.dma_semaphore, #tpu.memory_space<semaphore_mem>>) attributes {dimension_semantics = [#tpu.dimension_semantics<core_parallel>, #tpu.dimension_semantics<subcore_parallel>], iteration_bounds = array<i64: 2, 16>, scalar_prefetch = 0 : i64, scratch_operands = 3 : i64, tpu.core_type = #tpu.core_type<sc_vector_subcore>, window_params = [{transform_indices = #map}, {transform_indices = #map}, {transform_indices = #map}]} {
    %mul3A = arith.constant 2 : i32
    %mul3A_0 = arith.muli %arg1, %mul3A : i32
    %add3A = arith.addi %mul3A_0, %arg0 : i32
    %mul3A_1 = arith.constant 1600 : i32
    %mul3A_2 = arith.muli %add3A, %mul3A_1 : i32
    %jit3A = arith.constant 1024 : i32
    %div3A = arith.divsi %mul3A_2, %jit3A : i32
    %sign3A = arith.constant 0 : i32
    %sign3A_3 = arith.cmpi sgt, %mul3A_2, %sign3A : i32
    %sign3A_4 = arith.extui %sign3A_3 : i1 to i32
    %sign3A_5 = arith.constant 0 : i32
    %sign3A_6 = arith.cmpi slt, %mul3A_2, %sign3A_5 : i32
    %sign3A_7 = arith.extui %sign3A_6 : i1 to i32
    %sign3A_8 = arith.subi %sign3A_4, %sign3A_7 : i32
    %sign3A_9 = arith.constant 0 : i32
    %sign3A_10 = arith.cmpi sgt, %jit3A, %sign3A_9 : i32
    %sign3A_11 = arith.extui %sign3A_10 : i1 to i32
    %sign3A_12 = arith.constant 0 : i32
    %sign3A_13 = arith.cmpi slt, %jit3A, %sign3A_12 : i32
    %sign3A_14 = arith.extui %sign3A_13 : i1 to i32
    %sign3A_15 = arith.subi %sign3A_11, %sign3A_14 : i32
    %ne3A = arith.cmpi ne, %sign3A_8, %sign3A_15 : i32
    %rem3A = arith.remsi %mul3A_2, %jit3A : i32
    %ne3A_16 = arith.constant 0 : i32
    %ne3A_17 = arith.cmpi ne, %rem3A, %ne3A_16 : i32
    %and3A = arith.andi %ne3A, %ne3A_17 : i1
    %sub3A = arith.constant 1 : i32
    %sub3A_18 = arith.subi %div3A, %sub3A : i32
    %select_n3A = arith.select %and3A, %sub3A_18, %div3A : i32
    %min3A = arith.constant 47 : i32
    %min3A_19 = arith.minsi %select_n3A, %min3A : i32
    %mul3A_20 = arith.constant 1024 : i32
    %mul3A_21 = arith.muli %min3A_19, %mul3A_20 : i32
    %sub3A_22 = arith.subi %mul3A_2, %mul3A_21 : i32
    "tpu.region"() ({
      %run_scoped3A = tpu.sem_alloc : memref<!tpu.dma_semaphore, #tpu.memory_space<semaphore_mem>>
      %dma_start3A_1519 = arith.constant 0 : i32
      %dma_start3A_1520 = tpu.memref_slice %arg3[%min3A_19, %dma_start3A_1519] : memref<50x1024xi32, #tpu.memory_space<hbm>> -> memref<3x1024xi32, #tpu.memory_space<hbm>>
      %dma_start3A_1521 = arith.constant 0 : i32
      %dma_start3A_1522 = tpu.memref_slice %arg3[%min3A_19, %dma_start3A_1521] : memref<50x1024xi32, #tpu.memory_space<hbm>> -> memref<3x1024xi32, #tpu.memory_space<hbm>>
      tpu.enqueue_dma source(%dma_start3A_1522 : memref<3x1024xi32, #tpu.memory_space<hbm>>) target(%arg5 : memref<3x1024xi32, #tpu.memory_space<vmem>>) target_semaphore(%run_scoped3A : memref<!tpu.dma_semaphore, #tpu.memory_space<semaphore_mem>>)
      %dma_wait3A_1523 = arith.constant 0 : i32
      %dma_wait3A_1524 = tpu.memref_slice %arg3[%min3A_19, %dma_wait3A_1523] : memref<50x1024xi32, #tpu.memory_space<hbm>> -> memref<3x1024xi32, #tpu.memory_space<hbm>>
      %dma_wait3A_1525 = arith.constant 0 : i32
      %dma_wait3A_1526 = tpu.memref_slice %arg3[%min3A_19, %dma_wait3A_1525] : memref<50x1024xi32, #tpu.memory_space<hbm>> -> memref<3x1024xi32, #tpu.memory_space<hbm>>
      tpu.wait_dma2 semaphore(%run_scoped3A : memref<!tpu.dma_semaphore, #tpu.memory_space<semaphore_mem>>) src(%dma_wait3A_1526 : memref<3x1024xi32, #tpu.memory_space<hbm>>) dst(%arg5 : memref<3x1024xi32, #tpu.memory_space<vmem>>)
      tpu.yield
    }) : () -> ()
    %add3A_23 = arith.constant 0 : i32
    %add3A_24 = arith.addi %sub3A_22, %add3A_23 : i32
    %jit3A_25 = arith.constant 1024 : i32
    %div3A_26 = arith.divsi %add3A_24, %jit3A_25 : i32
    %sign3A_27 = arith.constant 0 : i32
    %sign3A_28 = arith.cmpi sgt, %add3A_24, %sign3A_27 : i32
    %sign3A_29 = arith.extui %sign3A_28 : i1 to i32
    %sign3A_30 = arith.constant 0 : i32
    %sign3A_31 = arith.cmpi slt, %add3A_24, %sign3A_30 : i32
    %sign3A_32 = arith.extui %sign3A_31 : i1 to i32
    %sign3A_33 = arith.subi %sign3A_29, %sign3A_32 : i32
    %sign3A_34 = arith.constant 0 : i32
    %sign3A_35 = arith.cmpi sgt, %jit3A_25, %sign3A_34 : i32
    %sign3A_36 = arith.extui %sign3A_35 : i1 to i32
    %sign3A_37 = arith.constant 0 : i32
    %sign3A_38 = arith.cmpi slt, %jit3A_25, %sign3A_37 : i32
    %sign3A_39 = arith.extui %sign3A_38 : i1 to i32
    %sign3A_40 = arith.subi %sign3A_36, %sign3A_39 : i32
    %ne3A_41 = arith.cmpi ne, %sign3A_33, %sign3A_40 : i32
    %rem3A_42 = arith.remsi %add3A_24, %jit3A_25 : i32
    %ne3A_43 = arith.constant 0 : i32
    %ne3A_44 = arith.cmpi ne, %rem3A_42, %ne3A_43 : i32
    %and3A_45 = arith.andi %ne3A_41, %ne3A_44 : i1
    %sub3A_46 = arith.constant 1 : i32
    %sub3A_47 = arith.subi %div3A_26, %sub3A_46 : i32
    %select_n3A_48 = arith.select %and3A_45, %sub3A_47, %div3A_26 : i32
    %add3A_49 = arith.constant 0 : i32
    %add3A_50 = arith.addi %sub3A_22, %add3A_49 : i32
    %jit3A_51 = arith.constant 1024 : i32
    %eq3A = arith.constant 0 : i32
    %eq3A_52 = arith.cmpi eq, %jit3A_51, %eq3A : i32
    %jit3A_53 = arith.constant 1 : i32
    %select_n3A_54 = arith.select %eq3A_52, %jit3A_53, %jit3A_51 : i32
    %rem3A_55 = arith.remsi %add3A_50, %select_n3A_54 : i32
    %ne3A_56 = arith.constant 0 : i32
    %ne3A_57 = arith.cmpi ne, %rem3A_55, %ne3A_56 : i32
    %lt3A = arith.constant 0 : i32
    %lt3A_58 = arith.cmpi slt, %rem3A_55, %lt3A : i32
    %lt3A_59 = arith.constant 0 : i32
    %lt3A_60 = arith.cmpi slt, %select_n3A_54, %lt3A_59 : i32
    %ne3A_61 = arith.xori %lt3A_58, %lt3A_60 : i1
    %and3A_62 = arith.andi %ne3A_61, %ne3A_57 : i1
    %add3A_63 = arith.addi %rem3A_55, %select_n3A_54 : i32
    %select_n3A_64 = arith.select %and3A_62, %add3A_63, %rem3A_55 : i32
    %add3A_65 = arith.constant 64 : i32
    %add3A_66 = arith.addi %sub3A_22, %add3A_65 : i32
    %jit3A_67 = arith.constant 1024 : i32
    %div3A_68 = arith.divsi %add3A_66, %jit3A_67 : i32
    %sign3A_69 = arith.constant 0 : i32
    %sign3A_70 = arith.cmpi sgt, %add3A_66, %sign3A_69 : i32
    %sign3A_71 = arith.extui %sign3A_70 : i1 to i32
    %sign3A_72 = arith.constant 0 : i32
    %sign3A_73 = arith.cmpi slt, %add3A_66, %sign3A_72 : i32
    %sign3A_74 = arith.extui %sign3A_73 : i1 to i32
    %sign3A_75 = arith.subi %sign3A_71, %sign3A_74 : i32
    %sign3A_76 = arith.constant 0 : i32
    %sign3A_77 = arith.cmpi sgt, %jit3A_67, %sign3A_76 : i32
    %sign3A_78 = arith.extui %sign3A_77 : i1 to i32
    %sign3A_79 = arith.constant 0 : i32
    %sign3A_80 = arith.cmpi slt, %jit3A_67, %sign3A_79 : i32
    %sign3A_81 = arith.extui %sign3A_80 : i1 to i32
    %sign3A_82 = arith.subi %sign3A_78, %sign3A_81 : i32
    %ne3A_83 = arith.cmpi ne, %sign3A_75, %sign3A_82 : i32
    %rem3A_84 = arith.remsi %add3A_66, %jit3A_67 : i32
    %ne3A_85 = arith.constant 0 : i32
    %ne3A_86 = arith.cmpi ne, %rem3A_84, %ne3A_85 : i32
    %and3A_87 = arith.andi %ne3A_83, %ne3A_86 : i1
    %sub3A_88 = arith.constant 1 : i32
    %sub3A_89 = arith.subi %div3A_68, %sub3A_88 : i32
    %select_n3A_90 = arith.select %and3A_87, %sub3A_89, %div3A_68 : i32
    %add3A_91 = arith.constant 64 : i32
    %add3A_92 = arith.addi %sub3A_22, %add3A_91 : i32
    %jit3A_93 = arith.constant 1024 : i32
    %eq3A_94 = arith.constant 0 : i32
    %eq3A_95 = arith.cmpi eq, %jit3A_93, %eq3A_94 : i32
    %jit3A_96 = arith.constant 1 : i32
    %select_n3A_97 = arith.select %eq3A_95, %jit3A_96, %jit3A_93 : i32
    %rem3A_98 = arith.remsi %add3A_92, %select_n3A_97 : i32
    %ne3A_99 = arith.constant 0 : i32
    %ne3A_100 = arith.cmpi ne, %rem3A_98, %ne3A_99 : i32
    %lt3A_101 = arith.constant 0 : i32
    %lt3A_102 = arith.cmpi slt, %rem3A_98, %lt3A_101 : i32
    %lt3A_103 = arith.constant 0 : i32
    %lt3A_104 = arith.cmpi slt, %select_n3A_97, %lt3A_103 : i32
    %ne3A_105 = arith.xori %lt3A_102, %lt3A_104 : i1
    %and3A_106 = arith.andi %ne3A_105, %ne3A_100 : i1
    %add3A_107 = arith.addi %rem3A_98, %select_n3A_97 : i32
    %select_n3A_108 = arith.select %and3A_106, %add3A_107, %rem3A_98 : i32
    %add3A_109 = arith.constant 128 : i32
    %add3A_110 = arith.addi %sub3A_22, %add3A_109 : i32
    %jit3A_111 = arith.constant 1024 : i32
    %div3A_112 = arith.divsi %add3A_110, %jit3A_111 : i32
    %sign3A_113 = arith.constant 0 : i32
    %sign3A_114 = arith.cmpi sgt, %add3A_110, %sign3A_113 : i32
    %sign3A_115 = arith.extui %sign3A_114 : i1 to i32
    %sign3A_116 = arith.constant 0 : i32
    %sign3A_117 = arith.cmpi slt, %add3A_110, %sign3A_116 : i32
    %sign3A_118 = arith.extui %sign3A_117 : i1 to i32
    %sign3A_119 = arith.subi %sign3A_115, %sign3A_118 : i32
    %sign3A_120 = arith.constant 0 : i32
    %sign3A_121 = arith.cmpi sgt, %jit3A_111, %sign3A_120 : i32
    %sign3A_122 = arith.extui %sign3A_121 : i1 to i32
    %sign3A_123 = arith.constant 0 : i32
    %sign3A_124 = arith.cmpi slt, %jit3A_111, %sign3A_123 : i32
    %sign3A_125 = arith.extui %sign3A_124 : i1 to i32
    %sign3A_126 = arith.subi %sign3A_122, %sign3A_125 : i32
    %ne3A_127 = arith.cmpi ne, %sign3A_119, %sign3A_126 : i32
    %rem3A_128 = arith.remsi %add3A_110, %jit3A_111 : i32
    %ne3A_129 = arith.constant 0 : i32
    %ne3A_130 = arith.cmpi ne, %rem3A_128, %ne3A_129 : i32
    %and3A_131 = arith.andi %ne3A_127, %ne3A_130 : i1
    %sub3A_132 = arith.constant 1 : i32
    %sub3A_133 = arith.subi %div3A_112, %sub3A_132 : i32
    %select_n3A_134 = arith.select %and3A_131, %sub3A_133, %div3A_112 : i32
    %add3A_135 = arith.constant 128 : i32
    %add3A_136 = arith.addi %sub3A_22, %add3A_135 : i32
    %jit3A_137 = arith.constant 1024 : i32
    %eq3A_138 = arith.constant 0 : i32
    %eq3A_139 = arith.cmpi eq, %jit3A_137, %eq3A_138 : i32
    %jit3A_140 = arith.constant 1 : i32
    %select_n3A_141 = arith.select %eq3A_139, %jit3A_140, %jit3A_137 : i32
    %rem3A_142 = arith.remsi %add3A_136, %select_n3A_141 : i32
    %ne3A_143 = arith.constant 0 : i32
    %ne3A_144 = arith.cmpi ne, %rem3A_142, %ne3A_143 : i32
    %lt3A_145 = arith.constant 0 : i32
    %lt3A_146 = arith.cmpi slt, %rem3A_142, %lt3A_145 : i32
    %lt3A_147 = arith.constant 0 : i32
    %lt3A_148 = arith.cmpi slt, %select_n3A_141, %lt3A_147 : i32
    %ne3A_149 = arith.xori %lt3A_146, %lt3A_148 : i1
    %and3A_150 = arith.andi %ne3A_149, %ne3A_144 : i1
    %add3A_151 = arith.addi %rem3A_142, %select_n3A_141 : i32
    %select_n3A_152 = arith.select %and3A_150, %add3A_151, %rem3A_142 : i32
    %add3A_153 = arith.constant 192 : i32
    %add3A_154 = arith.addi %sub3A_22, %add3A_153 : i32
    %jit3A_155 = arith.constant 1024 : i32
    %div3A_156 = arith.divsi %add3A_154, %jit3A_155 : i32
    %sign3A_157 = arith.constant 0 : i32
    %sign3A_158 = arith.cmpi sgt, %add3A_154, %sign3A_157 : i32
    %sign3A_159 = arith.extui %sign3A_158 : i1 to i32
    %sign3A_160 = arith.constant 0 : i32
    %sign3A_161 = arith.cmpi slt, %add3A_154, %sign3A_160 : i32
    %sign3A_162 = arith.extui %sign3A_161 : i1 to i32
    %sign3A_163 = arith.subi %sign3A_159, %sign3A_162 : i32
    %sign3A_164 = arith.constant 0 : i32
    %sign3A_165 = arith.cmpi sgt, %jit3A_155, %sign3A_164 : i32
    %sign3A_166 = arith.extui %sign3A_165 : i1 to i32
    %sign3A_167 = arith.constant 0 : i32
    %sign3A_168 = arith.cmpi slt, %jit3A_155, %sign3A_167 : i32
    %sign3A_169 = arith.extui %sign3A_168 : i1 to i32
    %sign3A_170 = arith.subi %sign3A_166, %sign3A_169 : i32
    %ne3A_171 = arith.cmpi ne, %sign3A_163, %sign3A_170 : i32
    %rem3A_172 = arith.remsi %add3A_154, %jit3A_155 : i32
    %ne3A_173 = arith.constant 0 : i32
    %ne3A_174 = arith.cmpi ne, %rem3A_172, %ne3A_173 : i32
    %and3A_175 = arith.andi %ne3A_171, %ne3A_174 : i1
    %sub3A_176 = arith.constant 1 : i32
    %sub3A_177 = arith.subi %div3A_156, %sub3A_176 : i32
    %select_n3A_178 = arith.select %and3A_175, %sub3A_177, %div3A_156 : i32
    %add3A_179 = arith.constant 192 : i32
    %add3A_180 = arith.addi %sub3A_22, %add3A_179 : i32
    %jit3A_181 = arith.constant 1024 : i32
    %eq3A_182 = arith.constant 0 : i32
    %eq3A_183 = arith.cmpi eq, %jit3A_181, %eq3A_182 : i32
    %jit3A_184 = arith.constant 1 : i32
    %select_n3A_185 = arith.select %eq3A_183, %jit3A_184, %jit3A_181 : i32
    %rem3A_186 = arith.remsi %add3A_180, %select_n3A_185 : i32
    %ne3A_187 = arith.constant 0 : i32
    %ne3A_188 = arith.cmpi ne, %rem3A_186, %ne3A_187 : i32
    %lt3A_189 = arith.constant 0 : i32
    %lt3A_190 = arith.cmpi slt, %rem3A_186, %lt3A_189 : i32
    %lt3A_191 = arith.constant 0 : i32
    %lt3A_192 = arith.cmpi slt, %select_n3A_185, %lt3A_191 : i32
    %ne3A_193 = arith.xori %lt3A_190, %lt3A_192 : i1
    %and3A_194 = arith.andi %ne3A_193, %ne3A_188 : i1
    %add3A_195 = arith.addi %rem3A_186, %select_n3A_185 : i32
    %select_n3A_196 = arith.select %and3A_194, %add3A_195, %rem3A_186 : i32
    %add3A_197 = arith.constant 256 : i32
    %add3A_198 = arith.addi %sub3A_22, %add3A_197 : i32
    %jit3A_199 = arith.constant 1024 : i32
    %div3A_200 = arith.divsi %add3A_198, %jit3A_199 : i32
    %sign3A_201 = arith.constant 0 : i32
    %sign3A_202 = arith.cmpi sgt, %add3A_198, %sign3A_201 : i32
    %sign3A_203 = arith.extui %sign3A_202 : i1 to i32
    %sign3A_204 = arith.constant 0 : i32
    %sign3A_205 = arith.cmpi slt, %add3A_198, %sign3A_204 : i32
    %sign3A_206 = arith.extui %sign3A_205 : i1 to i32
    %sign3A_207 = arith.subi %sign3A_203, %sign3A_206 : i32
    %sign3A_208 = arith.constant 0 : i32
    %sign3A_209 = arith.cmpi sgt, %jit3A_199, %sign3A_208 : i32
    %sign3A_210 = arith.extui %sign3A_209 : i1 to i32
    %sign3A_211 = arith.constant 0 : i32
    %sign3A_212 = arith.cmpi slt, %jit3A_199, %sign3A_211 : i32
    %sign3A_213 = arith.extui %sign3A_212 : i1 to i32
    %sign3A_214 = arith.subi %sign3A_210, %sign3A_213 : i32
    %ne3A_215 = arith.cmpi ne, %sign3A_207, %sign3A_214 : i32
    %rem3A_216 = arith.remsi %add3A_198, %jit3A_199 : i32
    %ne3A_217 = arith.constant 0 : i32
    %ne3A_218 = arith.cmpi ne, %rem3A_216, %ne3A_217 : i32
    %and3A_219 = arith.andi %ne3A_215, %ne3A_218 : i1
    %sub3A_220 = arith.constant 1 : i32
    %sub3A_221 = arith.subi %div3A_200, %sub3A_220 : i32
    %select_n3A_222 = arith.select %and3A_219, %sub3A_221, %div3A_200 : i32
    %add3A_223 = arith.constant 256 : i32
    %add3A_224 = arith.addi %sub3A_22, %add3A_223 : i32
    %jit3A_225 = arith.constant 1024 : i32
    %eq3A_226 = arith.constant 0 : i32
    %eq3A_227 = arith.cmpi eq, %jit3A_225, %eq3A_226 : i32
    %jit3A_228 = arith.constant 1 : i32
    %select_n3A_229 = arith.select %eq3A_227, %jit3A_228, %jit3A_225 : i32
    %rem3A_230 = arith.remsi %add3A_224, %select_n3A_229 : i32
    %ne3A_231 = arith.constant 0 : i32
    %ne3A_232 = arith.cmpi ne, %rem3A_230, %ne3A_231 : i32
    %lt3A_233 = arith.constant 0 : i32
    %lt3A_234 = arith.cmpi slt, %rem3A_230, %lt3A_233 : i32
    %lt3A_235 = arith.constant 0 : i32
    %lt3A_236 = arith.cmpi slt, %select_n3A_229, %lt3A_235 : i32
    %ne3A_237 = arith.xori %lt3A_234, %lt3A_236 : i1
    %and3A_238 = arith.andi %ne3A_237, %ne3A_232 : i1
    %add3A_239 = arith.addi %rem3A_230, %select_n3A_229 : i32
    %select_n3A_240 = arith.select %and3A_238, %add3A_239, %rem3A_230 : i32
    %add3A_241 = arith.constant 320 : i32
    %add3A_242 = arith.addi %sub3A_22, %add3A_241 : i32
    %jit3A_243 = arith.constant 1024 : i32
    %div3A_244 = arith.divsi %add3A_242, %jit3A_243 : i32
    %sign3A_245 = arith.constant 0 : i32
    %sign3A_246 = arith.cmpi sgt, %add3A_242, %sign3A_245 : i32
    %sign3A_247 = arith.extui %sign3A_246 : i1 to i32
    %sign3A_248 = arith.constant 0 : i32
    %sign3A_249 = arith.cmpi slt, %add3A_242, %sign3A_248 : i32
    %sign3A_250 = arith.extui %sign3A_249 : i1 to i32
    %sign3A_251 = arith.subi %sign3A_247, %sign3A_250 : i32
    %sign3A_252 = arith.constant 0 : i32
    %sign3A_253 = arith.cmpi sgt, %jit3A_243, %sign3A_252 : i32
    %sign3A_254 = arith.extui %sign3A_253 : i1 to i32
    %sign3A_255 = arith.constant 0 : i32
    %sign3A_256 = arith.cmpi slt, %jit3A_243, %sign3A_255 : i32
    %sign3A_257 = arith.extui %sign3A_256 : i1 to i32
    %sign3A_258 = arith.subi %sign3A_254, %sign3A_257 : i32
    %ne3A_259 = arith.cmpi ne, %sign3A_251, %sign3A_258 : i32
    %rem3A_260 = arith.remsi %add3A_242, %jit3A_243 : i32
    %ne3A_261 = arith.constant 0 : i32
    %ne3A_262 = arith.cmpi ne, %rem3A_260, %ne3A_261 : i32
    %and3A_263 = arith.andi %ne3A_259, %ne3A_262 : i1
    %sub3A_264 = arith.constant 1 : i32
    %sub3A_265 = arith.subi %div3A_244, %sub3A_264 : i32
    %select_n3A_266 = arith.select %and3A_263, %sub3A_265, %div3A_244 : i32
    %add3A_267 = arith.constant 320 : i32
    %add3A_268 = arith.addi %sub3A_22, %add3A_267 : i32
    %jit3A_269 = arith.constant 1024 : i32
    %eq3A_270 = arith.constant 0 : i32
    %eq3A_271 = arith.cmpi eq, %jit3A_269, %eq3A_270 : i32
    %jit3A_272 = arith.constant 1 : i32
    %select_n3A_273 = arith.select %eq3A_271, %jit3A_272, %jit3A_269 : i32
    %rem3A_274 = arith.remsi %add3A_268, %select_n3A_273 : i32
    %ne3A_275 = arith.constant 0 : i32
    %ne3A_276 = arith.cmpi ne, %rem3A_274, %ne3A_275 : i32
    %lt3A_277 = arith.constant 0 : i32
    %lt3A_278 = arith.cmpi slt, %rem3A_274, %lt3A_277 : i32
    %lt3A_279 = arith.constant 0 : i32
    %lt3A_280 = arith.cmpi slt, %select_n3A_273, %lt3A_279 : i32
    %ne3A_281 = arith.xori %lt3A_278, %lt3A_280 : i1
    %and3A_282 = arith.andi %ne3A_281, %ne3A_276 : i1
    %add3A_283 = arith.addi %rem3A_274, %select_n3A_273 : i32
    %select_n3A_284 = arith.select %and3A_282, %add3A_283, %rem3A_274 : i32
    %add3A_285 = arith.constant 384 : i32
    %add3A_286 = arith.addi %sub3A_22, %add3A_285 : i32
    %jit3A_287 = arith.constant 1024 : i32
    %div3A_288 = arith.divsi %add3A_286, %jit3A_287 : i32
    %sign3A_289 = arith.constant 0 : i32
    %sign3A_290 = arith.cmpi sgt, %add3A_286, %sign3A_289 : i32
    %sign3A_291 = arith.extui %sign3A_290 : i1 to i32
    %sign3A_292 = arith.constant 0 : i32
    %sign3A_293 = arith.cmpi slt, %add3A_286, %sign3A_292 : i32
    %sign3A_294 = arith.extui %sign3A_293 : i1 to i32
    %sign3A_295 = arith.subi %sign3A_291, %sign3A_294 : i32
    %sign3A_296 = arith.constant 0 : i32
    %sign3A_297 = arith.cmpi sgt, %jit3A_287, %sign3A_296 : i32
    %sign3A_298 = arith.extui %sign3A_297 : i1 to i32
    %sign3A_299 = arith.constant 0 : i32
    %sign3A_300 = arith.cmpi slt, %jit3A_287, %sign3A_299 : i32
    %sign3A_301 = arith.extui %sign3A_300 : i1 to i32
    %sign3A_302 = arith.subi %sign3A_298, %sign3A_301 : i32
    %ne3A_303 = arith.cmpi ne, %sign3A_295, %sign3A_302 : i32
    %rem3A_304 = arith.remsi %add3A_286, %jit3A_287 : i32
    %ne3A_305 = arith.constant 0 : i32
    %ne3A_306 = arith.cmpi ne, %rem3A_304, %ne3A_305 : i32
    %and3A_307 = arith.andi %ne3A_303, %ne3A_306 : i1
    %sub3A_308 = arith.constant 1 : i32
    %sub3A_309 = arith.subi %div3A_288, %sub3A_308 : i32
    %select_n3A_310 = arith.select %and3A_307, %sub3A_309, %div3A_288 : i32
    %add3A_311 = arith.constant 384 : i32
    %add3A_312 = arith.addi %sub3A_22, %add3A_311 : i32
    %jit3A_313 = arith.constant 1024 : i32
    %eq3A_314 = arith.constant 0 : i32
    %eq3A_315 = arith.cmpi eq, %jit3A_313, %eq3A_314 : i32
    %jit3A_316 = arith.constant 1 : i32
    %select_n3A_317 = arith.select %eq3A_315, %jit3A_316, %jit3A_313 : i32
    %rem3A_318 = arith.remsi %add3A_312, %select_n3A_317 : i32
    %ne3A_319 = arith.constant 0 : i32
    %ne3A_320 = arith.cmpi ne, %rem3A_318, %ne3A_319 : i32
    %lt3A_321 = arith.constant 0 : i32
    %lt3A_322 = arith.cmpi slt, %rem3A_318, %lt3A_321 : i32
    %lt3A_323 = arith.constant 0 : i32
    %lt3A_324 = arith.cmpi slt, %select_n3A_317, %lt3A_323 : i32
    %ne3A_325 = arith.xori %lt3A_322, %lt3A_324 : i1
    %and3A_326 = arith.andi %ne3A_325, %ne3A_320 : i1
    %add3A_327 = arith.addi %rem3A_318, %select_n3A_317 : i32
    %select_n3A_328 = arith.select %and3A_326, %add3A_327, %rem3A_318 : i32
    %add3A_329 = arith.constant 448 : i32
    %add3A_330 = arith.addi %sub3A_22, %add3A_329 : i32
    %jit3A_331 = arith.constant 1024 : i32
    %div3A_332 = arith.divsi %add3A_330, %jit3A_331 : i32
    %sign3A_333 = arith.constant 0 : i32
    %sign3A_334 = arith.cmpi sgt, %add3A_330, %sign3A_333 : i32
    %sign3A_335 = arith.extui %sign3A_334 : i1 to i32
    %sign3A_336 = arith.constant 0 : i32
    %sign3A_337 = arith.cmpi slt, %add3A_330, %sign3A_336 : i32
    %sign3A_338 = arith.extui %sign3A_337 : i1 to i32
    %sign3A_339 = arith.subi %sign3A_335, %sign3A_338 : i32
    %sign3A_340 = arith.constant 0 : i32
    %sign3A_341 = arith.cmpi sgt, %jit3A_331, %sign3A_340 : i32
    %sign3A_342 = arith.extui %sign3A_341 : i1 to i32
    %sign3A_343 = arith.constant 0 : i32
    %sign3A_344 = arith.cmpi slt, %jit3A_331, %sign3A_343 : i32
    %sign3A_345 = arith.extui %sign3A_344 : i1 to i32
    %sign3A_346 = arith.subi %sign3A_342, %sign3A_345 : i32
    %ne3A_347 = arith.cmpi ne, %sign3A_339, %sign3A_346 : i32
    %rem3A_348 = arith.remsi %add3A_330, %jit3A_331 : i32
    %ne3A_349 = arith.constant 0 : i32
    %ne3A_350 = arith.cmpi ne, %rem3A_348, %ne3A_349 : i32
    %and3A_351 = arith.andi %ne3A_347, %ne3A_350 : i1
    %sub3A_352 = arith.constant 1 : i32
    %sub3A_353 = arith.subi %div3A_332, %sub3A_352 : i32
    %select_n3A_354 = arith.select %and3A_351, %sub3A_353, %div3A_332 : i32
    %add3A_355 = arith.constant 448 : i32
    %add3A_356 = arith.addi %sub3A_22, %add3A_355 : i32
    %jit3A_357 = arith.constant 1024 : i32
    %eq3A_358 = arith.constant 0 : i32
    %eq3A_359 = arith.cmpi eq, %jit3A_357, %eq3A_358 : i32
    %jit3A_360 = arith.constant 1 : i32
    %select_n3A_361 = arith.select %eq3A_359, %jit3A_360, %jit3A_357 : i32
    %rem3A_362 = arith.remsi %add3A_356, %select_n3A_361 : i32
    %ne3A_363 = arith.constant 0 : i32
    %ne3A_364 = arith.cmpi ne, %rem3A_362, %ne3A_363 : i32
    %lt3A_365 = arith.constant 0 : i32
    %lt3A_366 = arith.cmpi slt, %rem3A_362, %lt3A_365 : i32
    %lt3A_367 = arith.constant 0 : i32
    %lt3A_368 = arith.cmpi slt, %select_n3A_361, %lt3A_367 : i32
    %ne3A_369 = arith.xori %lt3A_366, %lt3A_368 : i1
    %and3A_370 = arith.andi %ne3A_369, %ne3A_364 : i1
    %add3A_371 = arith.addi %rem3A_362, %select_n3A_361 : i32
    %select_n3A_372 = arith.select %and3A_370, %add3A_371, %rem3A_362 : i32
    %add3A_373 = arith.constant 512 : i32
    %add3A_374 = arith.addi %sub3A_22, %add3A_373 : i32
    %jit3A_375 = arith.constant 1024 : i32
    %div3A_376 = arith.divsi %add3A_374, %jit3A_375 : i32
    %sign3A_377 = arith.constant 0 : i32
    %sign3A_378 = arith.cmpi sgt, %add3A_374, %sign3A_377 : i32
    %sign3A_379 = arith.extui %sign3A_378 : i1 to i32
    %sign3A_380 = arith.constant 0 : i32
    %sign3A_381 = arith.cmpi slt, %add3A_374, %sign3A_380 : i32
    %sign3A_382 = arith.extui %sign3A_381 : i1 to i32
    %sign3A_383 = arith.subi %sign3A_379, %sign3A_382 : i32
    %sign3A_384 = arith.constant 0 : i32
    %sign3A_385 = arith.cmpi sgt, %jit3A_375, %sign3A_384 : i32
    %sign3A_386 = arith.extui %sign3A_385 : i1 to i32
    %sign3A_387 = arith.constant 0 : i32
    %sign3A_388 = arith.cmpi slt, %jit3A_375, %sign3A_387 : i32
    %sign3A_389 = arith.extui %sign3A_388 : i1 to i32
    %sign3A_390 = arith.subi %sign3A_386, %sign3A_389 : i32
    %ne3A_391 = arith.cmpi ne, %sign3A_383, %sign3A_390 : i32
    %rem3A_392 = arith.remsi %add3A_374, %jit3A_375 : i32
    %ne3A_393 = arith.constant 0 : i32
    %ne3A_394 = arith.cmpi ne, %rem3A_392, %ne3A_393 : i32
    %and3A_395 = arith.andi %ne3A_391, %ne3A_394 : i1
    %sub3A_396 = arith.constant 1 : i32
    %sub3A_397 = arith.subi %div3A_376, %sub3A_396 : i32
    %select_n3A_398 = arith.select %and3A_395, %sub3A_397, %div3A_376 : i32
    %add3A_399 = arith.constant 512 : i32
    %add3A_400 = arith.addi %sub3A_22, %add3A_399 : i32
    %jit3A_401 = arith.constant 1024 : i32
    %eq3A_402 = arith.constant 0 : i32
    %eq3A_403 = arith.cmpi eq, %jit3A_401, %eq3A_402 : i32
    %jit3A_404 = arith.constant 1 : i32
    %select_n3A_405 = arith.select %eq3A_403, %jit3A_404, %jit3A_401 : i32
    %rem3A_406 = arith.remsi %add3A_400, %select_n3A_405 : i32
    %ne3A_407 = arith.constant 0 : i32
    %ne3A_408 = arith.cmpi ne, %rem3A_406, %ne3A_407 : i32
    %lt3A_409 = arith.constant 0 : i32
    %lt3A_410 = arith.cmpi slt, %rem3A_406, %lt3A_409 : i32
    %lt3A_411 = arith.constant 0 : i32
    %lt3A_412 = arith.cmpi slt, %select_n3A_405, %lt3A_411 : i32
    %ne3A_413 = arith.xori %lt3A_410, %lt3A_412 : i1
    %and3A_414 = arith.andi %ne3A_413, %ne3A_408 : i1
    %add3A_415 = arith.addi %rem3A_406, %select_n3A_405 : i32
    %select_n3A_416 = arith.select %and3A_414, %add3A_415, %rem3A_406 : i32
    %add3A_417 = arith.constant 576 : i32
    %add3A_418 = arith.addi %sub3A_22, %add3A_417 : i32
    %jit3A_419 = arith.constant 1024 : i32
    %div3A_420 = arith.divsi %add3A_418, %jit3A_419 : i32
    %sign3A_421 = arith.constant 0 : i32
    %sign3A_422 = arith.cmpi sgt, %add3A_418, %sign3A_421 : i32
    %sign3A_423 = arith.extui %sign3A_422 : i1 to i32
    %sign3A_424 = arith.constant 0 : i32
    %sign3A_425 = arith.cmpi slt, %add3A_418, %sign3A_424 : i32
    %sign3A_426 = arith.extui %sign3A_425 : i1 to i32
    %sign3A_427 = arith.subi %sign3A_423, %sign3A_426 : i32
    %sign3A_428 = arith.constant 0 : i32
    %sign3A_429 = arith.cmpi sgt, %jit3A_419, %sign3A_428 : i32
    %sign3A_430 = arith.extui %sign3A_429 : i1 to i32
    %sign3A_431 = arith.constant 0 : i32
    %sign3A_432 = arith.cmpi slt, %jit3A_419, %sign3A_431 : i32
    %sign3A_433 = arith.extui %sign3A_432 : i1 to i32
    %sign3A_434 = arith.subi %sign3A_430, %sign3A_433 : i32
    %ne3A_435 = arith.cmpi ne, %sign3A_427, %sign3A_434 : i32
    %rem3A_436 = arith.remsi %add3A_418, %jit3A_419 : i32
    %ne3A_437 = arith.constant 0 : i32
    %ne3A_438 = arith.cmpi ne, %rem3A_436, %ne3A_437 : i32
    %and3A_439 = arith.andi %ne3A_435, %ne3A_438 : i1
    %sub3A_440 = arith.constant 1 : i32
    %sub3A_441 = arith.subi %div3A_420, %sub3A_440 : i32
    %select_n3A_442 = arith.select %and3A_439, %sub3A_441, %div3A_420 : i32
    %add3A_443 = arith.constant 576 : i32
    %add3A_444 = arith.addi %sub3A_22, %add3A_443 : i32
    %jit3A_445 = arith.constant 1024 : i32
    %eq3A_446 = arith.constant 0 : i32
    %eq3A_447 = arith.cmpi eq, %jit3A_445, %eq3A_446 : i32
    %jit3A_448 = arith.constant 1 : i32
    %select_n3A_449 = arith.select %eq3A_447, %jit3A_448, %jit3A_445 : i32
    %rem3A_450 = arith.remsi %add3A_444, %select_n3A_449 : i32
    %ne3A_451 = arith.constant 0 : i32
    %ne3A_452 = arith.cmpi ne, %rem3A_450, %ne3A_451 : i32
    %lt3A_453 = arith.constant 0 : i32
    %lt3A_454 = arith.cmpi slt, %rem3A_450, %lt3A_453 : i32
    %lt3A_455 = arith.constant 0 : i32
    %lt3A_456 = arith.cmpi slt, %select_n3A_449, %lt3A_455 : i32
    %ne3A_457 = arith.xori %lt3A_454, %lt3A_456 : i1
    %and3A_458 = arith.andi %ne3A_457, %ne3A_452 : i1
    %add3A_459 = arith.addi %rem3A_450, %select_n3A_449 : i32
    %select_n3A_460 = arith.select %and3A_458, %add3A_459, %rem3A_450 : i32
    %add3A_461 = arith.constant 640 : i32
    %add3A_462 = arith.addi %sub3A_22, %add3A_461 : i32
    %jit3A_463 = arith.constant 1024 : i32
    %div3A_464 = arith.divsi %add3A_462, %jit3A_463 : i32
    %sign3A_465 = arith.constant 0 : i32
    %sign3A_466 = arith.cmpi sgt, %add3A_462, %sign3A_465 : i32
    %sign3A_467 = arith.extui %sign3A_466 : i1 to i32
    %sign3A_468 = arith.constant 0 : i32
    %sign3A_469 = arith.cmpi slt, %add3A_462, %sign3A_468 : i32
    %sign3A_470 = arith.extui %sign3A_469 : i1 to i32
    %sign3A_471 = arith.subi %sign3A_467, %sign3A_470 : i32
    %sign3A_472 = arith.constant 0 : i32
    %sign3A_473 = arith.cmpi sgt, %jit3A_463, %sign3A_472 : i32
    %sign3A_474 = arith.extui %sign3A_473 : i1 to i32
    %sign3A_475 = arith.constant 0 : i32
    %sign3A_476 = arith.cmpi slt, %jit3A_463, %sign3A_475 : i32
    %sign3A_477 = arith.extui %sign3A_476 : i1 to i32
    %sign3A_478 = arith.subi %sign3A_474, %sign3A_477 : i32
    %ne3A_479 = arith.cmpi ne, %sign3A_471, %sign3A_478 : i32
    %rem3A_480 = arith.remsi %add3A_462, %jit3A_463 : i32
    %ne3A_481 = arith.constant 0 : i32
    %ne3A_482 = arith.cmpi ne, %rem3A_480, %ne3A_481 : i32
    %and3A_483 = arith.andi %ne3A_479, %ne3A_482 : i1
    %sub3A_484 = arith.constant 1 : i32
    %sub3A_485 = arith.subi %div3A_464, %sub3A_484 : i32
    %select_n3A_486 = arith.select %and3A_483, %sub3A_485, %div3A_464 : i32
    %add3A_487 = arith.constant 640 : i32
    %add3A_488 = arith.addi %sub3A_22, %add3A_487 : i32
    %jit3A_489 = arith.constant 1024 : i32
    %eq3A_490 = arith.constant 0 : i32
    %eq3A_491 = arith.cmpi eq, %jit3A_489, %eq3A_490 : i32
    %jit3A_492 = arith.constant 1 : i32
    %select_n3A_493 = arith.select %eq3A_491, %jit3A_492, %jit3A_489 : i32
    %rem3A_494 = arith.remsi %add3A_488, %select_n3A_493 : i32
    %ne3A_495 = arith.constant 0 : i32
    %ne3A_496 = arith.cmpi ne, %rem3A_494, %ne3A_495 : i32
    %lt3A_497 = arith.constant 0 : i32
    %lt3A_498 = arith.cmpi slt, %rem3A_494, %lt3A_497 : i32
    %lt3A_499 = arith.constant 0 : i32
    %lt3A_500 = arith.cmpi slt, %select_n3A_493, %lt3A_499 : i32
    %ne3A_501 = arith.xori %lt3A_498, %lt3A_500 : i1
    %and3A_502 = arith.andi %ne3A_501, %ne3A_496 : i1
    %add3A_503 = arith.addi %rem3A_494, %select_n3A_493 : i32
    %select_n3A_504 = arith.select %and3A_502, %add3A_503, %rem3A_494 : i32
    %add3A_505 = arith.constant 704 : i32
    %add3A_506 = arith.addi %sub3A_22, %add3A_505 : i32
    %jit3A_507 = arith.constant 1024 : i32
    %div3A_508 = arith.divsi %add3A_506, %jit3A_507 : i32
    %sign3A_509 = arith.constant 0 : i32
    %sign3A_510 = arith.cmpi sgt, %add3A_506, %sign3A_509 : i32
    %sign3A_511 = arith.extui %sign3A_510 : i1 to i32
    %sign3A_512 = arith.constant 0 : i32
    %sign3A_513 = arith.cmpi slt, %add3A_506, %sign3A_512 : i32
    %sign3A_514 = arith.extui %sign3A_513 : i1 to i32
    %sign3A_515 = arith.subi %sign3A_511, %sign3A_514 : i32
    %sign3A_516 = arith.constant 0 : i32
    %sign3A_517 = arith.cmpi sgt, %jit3A_507, %sign3A_516 : i32
    %sign3A_518 = arith.extui %sign3A_517 : i1 to i32
    %sign3A_519 = arith.constant 0 : i32
    %sign3A_520 = arith.cmpi slt, %jit3A_507, %sign3A_519 : i32
    %sign3A_521 = arith.extui %sign3A_520 : i1 to i32
    %sign3A_522 = arith.subi %sign3A_518, %sign3A_521 : i32
    %ne3A_523 = arith.cmpi ne, %sign3A_515, %sign3A_522 : i32
    %rem3A_524 = arith.remsi %add3A_506, %jit3A_507 : i32
    %ne3A_525 = arith.constant 0 : i32
    %ne3A_526 = arith.cmpi ne, %rem3A_524, %ne3A_525 : i32
    %and3A_527 = arith.andi %ne3A_523, %ne3A_526 : i1
    %sub3A_528 = arith.constant 1 : i32
    %sub3A_529 = arith.subi %div3A_508, %sub3A_528 : i32
    %select_n3A_530 = arith.select %and3A_527, %sub3A_529, %div3A_508 : i32
    %add3A_531 = arith.constant 704 : i32
    %add3A_532 = arith.addi %sub3A_22, %add3A_531 : i32
    %jit3A_533 = arith.constant 1024 : i32
    %eq3A_534 = arith.constant 0 : i32
    %eq3A_535 = arith.cmpi eq, %jit3A_533, %eq3A_534 : i32
    %jit3A_536 = arith.constant 1 : i32
    %select_n3A_537 = arith.select %eq3A_535, %jit3A_536, %jit3A_533 : i32
    %rem3A_538 = arith.remsi %add3A_532, %select_n3A_537 : i32
    %ne3A_539 = arith.constant 0 : i32
    %ne3A_540 = arith.cmpi ne, %rem3A_538, %ne3A_539 : i32
    %lt3A_541 = arith.constant 0 : i32
    %lt3A_542 = arith.cmpi slt, %rem3A_538, %lt3A_541 : i32
    %lt3A_543 = arith.constant 0 : i32
    %lt3A_544 = arith.cmpi slt, %select_n3A_537, %lt3A_543 : i32
    %ne3A_545 = arith.xori %lt3A_542, %lt3A_544 : i1
    %and3A_546 = arith.andi %ne3A_545, %ne3A_540 : i1
    %add3A_547 = arith.addi %rem3A_538, %select_n3A_537 : i32
    %select_n3A_548 = arith.select %and3A_546, %add3A_547, %rem3A_538 : i32
    %add3A_549 = arith.constant 768 : i32
    %add3A_550 = arith.addi %sub3A_22, %add3A_549 : i32
    %jit3A_551 = arith.constant 1024 : i32
    %div3A_552 = arith.divsi %add3A_550, %jit3A_551 : i32
    %sign3A_553 = arith.constant 0 : i32
    %sign3A_554 = arith.cmpi sgt, %add3A_550, %sign3A_553 : i32
    %sign3A_555 = arith.extui %sign3A_554 : i1 to i32
    %sign3A_556 = arith.constant 0 : i32
    %sign3A_557 = arith.cmpi slt, %add3A_550, %sign3A_556 : i32
    %sign3A_558 = arith.extui %sign3A_557 : i1 to i32
    %sign3A_559 = arith.subi %sign3A_555, %sign3A_558 : i32
    %sign3A_560 = arith.constant 0 : i32
    %sign3A_561 = arith.cmpi sgt, %jit3A_551, %sign3A_560 : i32
    %sign3A_562 = arith.extui %sign3A_561 : i1 to i32
    %sign3A_563 = arith.constant 0 : i32
    %sign3A_564 = arith.cmpi slt, %jit3A_551, %sign3A_563 : i32
    %sign3A_565 = arith.extui %sign3A_564 : i1 to i32
    %sign3A_566 = arith.subi %sign3A_562, %sign3A_565 : i32
    %ne3A_567 = arith.cmpi ne, %sign3A_559, %sign3A_566 : i32
    %rem3A_568 = arith.remsi %add3A_550, %jit3A_551 : i32
    %ne3A_569 = arith.constant 0 : i32
    %ne3A_570 = arith.cmpi ne, %rem3A_568, %ne3A_569 : i32
    %and3A_571 = arith.andi %ne3A_567, %ne3A_570 : i1
    %sub3A_572 = arith.constant 1 : i32
    %sub3A_573 = arith.subi %div3A_552, %sub3A_572 : i32
    %select_n3A_574 = arith.select %and3A_571, %sub3A_573, %div3A_552 : i32
    %add3A_575 = arith.constant 768 : i32
    %add3A_576 = arith.addi %sub3A_22, %add3A_575 : i32
    %jit3A_577 = arith.constant 1024 : i32
    %eq3A_578 = arith.constant 0 : i32
    %eq3A_579 = arith.cmpi eq, %jit3A_577, %eq3A_578 : i32
    %jit3A_580 = arith.constant 1 : i32
    %select_n3A_581 = arith.select %eq3A_579, %jit3A_580, %jit3A_577 : i32
    %rem3A_582 = arith.remsi %add3A_576, %select_n3A_581 : i32
    %ne3A_583 = arith.constant 0 : i32
    %ne3A_584 = arith.cmpi ne, %rem3A_582, %ne3A_583 : i32
    %lt3A_585 = arith.constant 0 : i32
    %lt3A_586 = arith.cmpi slt, %rem3A_582, %lt3A_585 : i32
    %lt3A_587 = arith.constant 0 : i32
    %lt3A_588 = arith.cmpi slt, %select_n3A_581, %lt3A_587 : i32
    %ne3A_589 = arith.xori %lt3A_586, %lt3A_588 : i1
    %and3A_590 = arith.andi %ne3A_589, %ne3A_584 : i1
    %add3A_591 = arith.addi %rem3A_582, %select_n3A_581 : i32
    %select_n3A_592 = arith.select %and3A_590, %add3A_591, %rem3A_582 : i32
    %add3A_593 = arith.constant 832 : i32
    %add3A_594 = arith.addi %sub3A_22, %add3A_593 : i32
    %jit3A_595 = arith.constant 1024 : i32
    %div3A_596 = arith.divsi %add3A_594, %jit3A_595 : i32
    %sign3A_597 = arith.constant 0 : i32
    %sign3A_598 = arith.cmpi sgt, %add3A_594, %sign3A_597 : i32
    %sign3A_599 = arith.extui %sign3A_598 : i1 to i32
    %sign3A_600 = arith.constant 0 : i32
    %sign3A_601 = arith.cmpi slt, %add3A_594, %sign3A_600 : i32
    %sign3A_602 = arith.extui %sign3A_601 : i1 to i32
    %sign3A_603 = arith.subi %sign3A_599, %sign3A_602 : i32
    %sign3A_604 = arith.constant 0 : i32
    %sign3A_605 = arith.cmpi sgt, %jit3A_595, %sign3A_604 : i32
    %sign3A_606 = arith.extui %sign3A_605 : i1 to i32
    %sign3A_607 = arith.constant 0 : i32
    %sign3A_608 = arith.cmpi slt, %jit3A_595, %sign3A_607 : i32
    %sign3A_609 = arith.extui %sign3A_608 : i1 to i32
    %sign3A_610 = arith.subi %sign3A_606, %sign3A_609 : i32
    %ne3A_611 = arith.cmpi ne, %sign3A_603, %sign3A_610 : i32
    %rem3A_612 = arith.remsi %add3A_594, %jit3A_595 : i32
    %ne3A_613 = arith.constant 0 : i32
    %ne3A_614 = arith.cmpi ne, %rem3A_612, %ne3A_613 : i32
    %and3A_615 = arith.andi %ne3A_611, %ne3A_614 : i1
    %sub3A_616 = arith.constant 1 : i32
    %sub3A_617 = arith.subi %div3A_596, %sub3A_616 : i32
    %select_n3A_618 = arith.select %and3A_615, %sub3A_617, %div3A_596 : i32
    %add3A_619 = arith.constant 832 : i32
    %add3A_620 = arith.addi %sub3A_22, %add3A_619 : i32
    %jit3A_621 = arith.constant 1024 : i32
    %eq3A_622 = arith.constant 0 : i32
    %eq3A_623 = arith.cmpi eq, %jit3A_621, %eq3A_622 : i32
    %jit3A_624 = arith.constant 1 : i32
    %select_n3A_625 = arith.select %eq3A_623, %jit3A_624, %jit3A_621 : i32
    %rem3A_626 = arith.remsi %add3A_620, %select_n3A_625 : i32
    %ne3A_627 = arith.constant 0 : i32
    %ne3A_628 = arith.cmpi ne, %rem3A_626, %ne3A_627 : i32
    %lt3A_629 = arith.constant 0 : i32
    %lt3A_630 = arith.cmpi slt, %rem3A_626, %lt3A_629 : i32
    %lt3A_631 = arith.constant 0 : i32
    %lt3A_632 = arith.cmpi slt, %select_n3A_625, %lt3A_631 : i32
    %ne3A_633 = arith.xori %lt3A_630, %lt3A_632 : i1
    %and3A_634 = arith.andi %ne3A_633, %ne3A_628 : i1
    %add3A_635 = arith.addi %rem3A_626, %select_n3A_625 : i32
    %select_n3A_636 = arith.select %and3A_634, %add3A_635, %rem3A_626 : i32
    %add3A_637 = arith.constant 896 : i32
    %add3A_638 = arith.addi %sub3A_22, %add3A_637 : i32
    %jit3A_639 = arith.constant 1024 : i32
    %div3A_640 = arith.divsi %add3A_638, %jit3A_639 : i32
    %sign3A_641 = arith.constant 0 : i32
    %sign3A_642 = arith.cmpi sgt, %add3A_638, %sign3A_641 : i32
    %sign3A_643 = arith.extui %sign3A_642 : i1 to i32
    %sign3A_644 = arith.constant 0 : i32
    %sign3A_645 = arith.cmpi slt, %add3A_638, %sign3A_644 : i32
    %sign3A_646 = arith.extui %sign3A_645 : i1 to i32
    %sign3A_647 = arith.subi %sign3A_643, %sign3A_646 : i32
    %sign3A_648 = arith.constant 0 : i32
    %sign3A_649 = arith.cmpi sgt, %jit3A_639, %sign3A_648 : i32
    %sign3A_650 = arith.extui %sign3A_649 : i1 to i32
    %sign3A_651 = arith.constant 0 : i32
    %sign3A_652 = arith.cmpi slt, %jit3A_639, %sign3A_651 : i32
    %sign3A_653 = arith.extui %sign3A_652 : i1 to i32
    %sign3A_654 = arith.subi %sign3A_650, %sign3A_653 : i32
    %ne3A_655 = arith.cmpi ne, %sign3A_647, %sign3A_654 : i32
    %rem3A_656 = arith.remsi %add3A_638, %jit3A_639 : i32
    %ne3A_657 = arith.constant 0 : i32
    %ne3A_658 = arith.cmpi ne, %rem3A_656, %ne3A_657 : i32
    %and3A_659 = arith.andi %ne3A_655, %ne3A_658 : i1
    %sub3A_660 = arith.constant 1 : i32
    %sub3A_661 = arith.subi %div3A_640, %sub3A_660 : i32
    %select_n3A_662 = arith.select %and3A_659, %sub3A_661, %div3A_640 : i32
    %add3A_663 = arith.constant 896 : i32
    %add3A_664 = arith.addi %sub3A_22, %add3A_663 : i32
    %jit3A_665 = arith.constant 1024 : i32
    %eq3A_666 = arith.constant 0 : i32
    %eq3A_667 = arith.cmpi eq, %jit3A_665, %eq3A_666 : i32
    %jit3A_668 = arith.constant 1 : i32
    %select_n3A_669 = arith.select %eq3A_667, %jit3A_668, %jit3A_665 : i32
    %rem3A_670 = arith.remsi %add3A_664, %select_n3A_669 : i32
    %ne3A_671 = arith.constant 0 : i32
    %ne3A_672 = arith.cmpi ne, %rem3A_670, %ne3A_671 : i32
    %lt3A_673 = arith.constant 0 : i32
    %lt3A_674 = arith.cmpi slt, %rem3A_670, %lt3A_673 : i32
    %lt3A_675 = arith.constant 0 : i32
    %lt3A_676 = arith.cmpi slt, %select_n3A_669, %lt3A_675 : i32
    %ne3A_677 = arith.xori %lt3A_674, %lt3A_676 : i1
    %and3A_678 = arith.andi %ne3A_677, %ne3A_672 : i1
    %add3A_679 = arith.addi %rem3A_670, %select_n3A_669 : i32
    %select_n3A_680 = arith.select %and3A_678, %add3A_679, %rem3A_670 : i32
    %add3A_681 = arith.constant 960 : i32
    %add3A_682 = arith.addi %sub3A_22, %add3A_681 : i32
    %jit3A_683 = arith.constant 1024 : i32
    %div3A_684 = arith.divsi %add3A_682, %jit3A_683 : i32
    %sign3A_685 = arith.constant 0 : i32
    %sign3A_686 = arith.cmpi sgt, %add3A_682, %sign3A_685 : i32
    %sign3A_687 = arith.extui %sign3A_686 : i1 to i32
    %sign3A_688 = arith.constant 0 : i32
    %sign3A_689 = arith.cmpi slt, %add3A_682, %sign3A_688 : i32
    %sign3A_690 = arith.extui %sign3A_689 : i1 to i32
    %sign3A_691 = arith.subi %sign3A_687, %sign3A_690 : i32
    %sign3A_692 = arith.constant 0 : i32
    %sign3A_693 = arith.cmpi sgt, %jit3A_683, %sign3A_692 : i32
    %sign3A_694 = arith.extui %sign3A_693 : i1 to i32
    %sign3A_695 = arith.constant 0 : i32
    %sign3A_696 = arith.cmpi slt, %jit3A_683, %sign3A_695 : i32
    %sign3A_697 = arith.extui %sign3A_696 : i1 to i32
    %sign3A_698 = arith.subi %sign3A_694, %sign3A_697 : i32
    %ne3A_699 = arith.cmpi ne, %sign3A_691, %sign3A_698 : i32
    %rem3A_700 = arith.remsi %add3A_682, %jit3A_683 : i32
    %ne3A_701 = arith.constant 0 : i32
    %ne3A_702 = arith.cmpi ne, %rem3A_700, %ne3A_701 : i32
    %and3A_703 = arith.andi %ne3A_699, %ne3A_702 : i1
    %sub3A_704 = arith.constant 1 : i32
    %sub3A_705 = arith.subi %div3A_684, %sub3A_704 : i32
    %select_n3A_706 = arith.select %and3A_703, %sub3A_705, %div3A_684 : i32
    %add3A_707 = arith.constant 960 : i32
    %add3A_708 = arith.addi %sub3A_22, %add3A_707 : i32
    %jit3A_709 = arith.constant 1024 : i32
    %eq3A_710 = arith.constant 0 : i32
    %eq3A_711 = arith.cmpi eq, %jit3A_709, %eq3A_710 : i32
    %jit3A_712 = arith.constant 1 : i32
    %select_n3A_713 = arith.select %eq3A_711, %jit3A_712, %jit3A_709 : i32
    %rem3A_714 = arith.remsi %add3A_708, %select_n3A_713 : i32
    %ne3A_715 = arith.constant 0 : i32
    %ne3A_716 = arith.cmpi ne, %rem3A_714, %ne3A_715 : i32
    %lt3A_717 = arith.constant 0 : i32
    %lt3A_718 = arith.cmpi slt, %rem3A_714, %lt3A_717 : i32
    %lt3A_719 = arith.constant 0 : i32
    %lt3A_720 = arith.cmpi slt, %select_n3A_713, %lt3A_719 : i32
    %ne3A_721 = arith.xori %lt3A_718, %lt3A_720 : i1
    %and3A_722 = arith.andi %ne3A_721, %ne3A_716 : i1
    %add3A_723 = arith.addi %rem3A_714, %select_n3A_713 : i32
    %select_n3A_724 = arith.select %and3A_722, %add3A_723, %rem3A_714 : i32
    %add3A_725 = arith.constant 1024 : i32
    %add3A_726 = arith.addi %sub3A_22, %add3A_725 : i32
    %jit3A_727 = arith.constant 1024 : i32
    %div3A_728 = arith.divsi %add3A_726, %jit3A_727 : i32
    %sign3A_729 = arith.constant 0 : i32
    %sign3A_730 = arith.cmpi sgt, %add3A_726, %sign3A_729 : i32
    %sign3A_731 = arith.extui %sign3A_730 : i1 to i32
    %sign3A_732 = arith.constant 0 : i32
    %sign3A_733 = arith.cmpi slt, %add3A_726, %sign3A_732 : i32
    %sign3A_734 = arith.extui %sign3A_733 : i1 to i32
    %sign3A_735 = arith.subi %sign3A_731, %sign3A_734 : i32
    %sign3A_736 = arith.constant 0 : i32
    %sign3A_737 = arith.cmpi sgt, %jit3A_727, %sign3A_736 : i32
    %sign3A_738 = arith.extui %sign3A_737 : i1 to i32
    %sign3A_739 = arith.constant 0 : i32
    %sign3A_740 = arith.cmpi slt, %jit3A_727, %sign3A_739 : i32
    %sign3A_741 = arith.extui %sign3A_740 : i1 to i32
    %sign3A_742 = arith.subi %sign3A_738, %sign3A_741 : i32
    %ne3A_743 = arith.cmpi ne, %sign3A_735, %sign3A_742 : i32
    %rem3A_744 = arith.remsi %add3A_726, %jit3A_727 : i32
    %ne3A_745 = arith.constant 0 : i32
    %ne3A_746 = arith.cmpi ne, %rem3A_744, %ne3A_745 : i32
    %and3A_747 = arith.andi %ne3A_743, %ne3A_746 : i1
    %sub3A_748 = arith.constant 1 : i32
    %sub3A_749 = arith.subi %div3A_728, %sub3A_748 : i32
    %select_n3A_750 = arith.select %and3A_747, %sub3A_749, %div3A_728 : i32
    %add3A_751 = arith.constant 1024 : i32
    %add3A_752 = arith.addi %sub3A_22, %add3A_751 : i32
    %jit3A_753 = arith.constant 1024 : i32
    %eq3A_754 = arith.constant 0 : i32
    %eq3A_755 = arith.cmpi eq, %jit3A_753, %eq3A_754 : i32
    %jit3A_756 = arith.constant 1 : i32
    %select_n3A_757 = arith.select %eq3A_755, %jit3A_756, %jit3A_753 : i32
    %rem3A_758 = arith.remsi %add3A_752, %select_n3A_757 : i32
    %ne3A_759 = arith.constant 0 : i32
    %ne3A_760 = arith.cmpi ne, %rem3A_758, %ne3A_759 : i32
    %lt3A_761 = arith.constant 0 : i32
    %lt3A_762 = arith.cmpi slt, %rem3A_758, %lt3A_761 : i32
    %lt3A_763 = arith.constant 0 : i32
    %lt3A_764 = arith.cmpi slt, %select_n3A_757, %lt3A_763 : i32
    %ne3A_765 = arith.xori %lt3A_762, %lt3A_764 : i1
    %and3A_766 = arith.andi %ne3A_765, %ne3A_760 : i1
    %add3A_767 = arith.addi %rem3A_758, %select_n3A_757 : i32
    %select_n3A_768 = arith.select %and3A_766, %add3A_767, %rem3A_758 : i32
    %add3A_769 = arith.constant 1088 : i32
    %add3A_770 = arith.addi %sub3A_22, %add3A_769 : i32
    %jit3A_771 = arith.constant 1024 : i32
    %div3A_772 = arith.divsi %add3A_770, %jit3A_771 : i32
    %sign3A_773 = arith.constant 0 : i32
    %sign3A_774 = arith.cmpi sgt, %add3A_770, %sign3A_773 : i32
    %sign3A_775 = arith.extui %sign3A_774 : i1 to i32
    %sign3A_776 = arith.constant 0 : i32
    %sign3A_777 = arith.cmpi slt, %add3A_770, %sign3A_776 : i32
    %sign3A_778 = arith.extui %sign3A_777 : i1 to i32
    %sign3A_779 = arith.subi %sign3A_775, %sign3A_778 : i32
    %sign3A_780 = arith.constant 0 : i32
    %sign3A_781 = arith.cmpi sgt, %jit3A_771, %sign3A_780 : i32
    %sign3A_782 = arith.extui %sign3A_781 : i1 to i32
    %sign3A_783 = arith.constant 0 : i32
    %sign3A_784 = arith.cmpi slt, %jit3A_771, %sign3A_783 : i32
    %sign3A_785 = arith.extui %sign3A_784 : i1 to i32
    %sign3A_786 = arith.subi %sign3A_782, %sign3A_785 : i32
    %ne3A_787 = arith.cmpi ne, %sign3A_779, %sign3A_786 : i32
    %rem3A_788 = arith.remsi %add3A_770, %jit3A_771 : i32
    %ne3A_789 = arith.constant 0 : i32
    %ne3A_790 = arith.cmpi ne, %rem3A_788, %ne3A_789 : i32
    %and3A_791 = arith.andi %ne3A_787, %ne3A_790 : i1
    %sub3A_792 = arith.constant 1 : i32
    %sub3A_793 = arith.subi %div3A_772, %sub3A_792 : i32
    %select_n3A_794 = arith.select %and3A_791, %sub3A_793, %div3A_772 : i32
    %add3A_795 = arith.constant 1088 : i32
    %add3A_796 = arith.addi %sub3A_22, %add3A_795 : i32
    %jit3A_797 = arith.constant 1024 : i32
    %eq3A_798 = arith.constant 0 : i32
    %eq3A_799 = arith.cmpi eq, %jit3A_797, %eq3A_798 : i32
    %jit3A_800 = arith.constant 1 : i32
    %select_n3A_801 = arith.select %eq3A_799, %jit3A_800, %jit3A_797 : i32
    %rem3A_802 = arith.remsi %add3A_796, %select_n3A_801 : i32
    %ne3A_803 = arith.constant 0 : i32
    %ne3A_804 = arith.cmpi ne, %rem3A_802, %ne3A_803 : i32
    %lt3A_805 = arith.constant 0 : i32
    %lt3A_806 = arith.cmpi slt, %rem3A_802, %lt3A_805 : i32
    %lt3A_807 = arith.constant 0 : i32
    %lt3A_808 = arith.cmpi slt, %select_n3A_801, %lt3A_807 : i32
    %ne3A_809 = arith.xori %lt3A_806, %lt3A_808 : i1
    %and3A_810 = arith.andi %ne3A_809, %ne3A_804 : i1
    %add3A_811 = arith.addi %rem3A_802, %select_n3A_801 : i32
    %select_n3A_812 = arith.select %and3A_810, %add3A_811, %rem3A_802 : i32
    %add3A_813 = arith.constant 1152 : i32
    %add3A_814 = arith.addi %sub3A_22, %add3A_813 : i32
    %jit3A_815 = arith.constant 1024 : i32
    %div3A_816 = arith.divsi %add3A_814, %jit3A_815 : i32
    %sign3A_817 = arith.constant 0 : i32
    %sign3A_818 = arith.cmpi sgt, %add3A_814, %sign3A_817 : i32
    %sign3A_819 = arith.extui %sign3A_818 : i1 to i32
    %sign3A_820 = arith.constant 0 : i32
    %sign3A_821 = arith.cmpi slt, %add3A_814, %sign3A_820 : i32
    %sign3A_822 = arith.extui %sign3A_821 : i1 to i32
    %sign3A_823 = arith.subi %sign3A_819, %sign3A_822 : i32
    %sign3A_824 = arith.constant 0 : i32
    %sign3A_825 = arith.cmpi sgt, %jit3A_815, %sign3A_824 : i32
    %sign3A_826 = arith.extui %sign3A_825 : i1 to i32
    %sign3A_827 = arith.constant 0 : i32
    %sign3A_828 = arith.cmpi slt, %jit3A_815, %sign3A_827 : i32
    %sign3A_829 = arith.extui %sign3A_828 : i1 to i32
    %sign3A_830 = arith.subi %sign3A_826, %sign3A_829 : i32
    %ne3A_831 = arith.cmpi ne, %sign3A_823, %sign3A_830 : i32
    %rem3A_832 = arith.remsi %add3A_814, %jit3A_815 : i32
    %ne3A_833 = arith.constant 0 : i32
    %ne3A_834 = arith.cmpi ne, %rem3A_832, %ne3A_833 : i32
    %and3A_835 = arith.andi %ne3A_831, %ne3A_834 : i1
    %sub3A_836 = arith.constant 1 : i32
    %sub3A_837 = arith.subi %div3A_816, %sub3A_836 : i32
    %select_n3A_838 = arith.select %and3A_835, %sub3A_837, %div3A_816 : i32
    %add3A_839 = arith.constant 1152 : i32
    %add3A_840 = arith.addi %sub3A_22, %add3A_839 : i32
    %jit3A_841 = arith.constant 1024 : i32
    %eq3A_842 = arith.constant 0 : i32
    %eq3A_843 = arith.cmpi eq, %jit3A_841, %eq3A_842 : i32
    %jit3A_844 = arith.constant 1 : i32
    %select_n3A_845 = arith.select %eq3A_843, %jit3A_844, %jit3A_841 : i32
    %rem3A_846 = arith.remsi %add3A_840, %select_n3A_845 : i32
    %ne3A_847 = arith.constant 0 : i32
    %ne3A_848 = arith.cmpi ne, %rem3A_846, %ne3A_847 : i32
    %lt3A_849 = arith.constant 0 : i32
    %lt3A_850 = arith.cmpi slt, %rem3A_846, %lt3A_849 : i32
    %lt3A_851 = arith.constant 0 : i32
    %lt3A_852 = arith.cmpi slt, %select_n3A_845, %lt3A_851 : i32
    %ne3A_853 = arith.xori %lt3A_850, %lt3A_852 : i1
    %and3A_854 = arith.andi %ne3A_853, %ne3A_848 : i1
    %add3A_855 = arith.addi %rem3A_846, %select_n3A_845 : i32
    %select_n3A_856 = arith.select %and3A_854, %add3A_855, %rem3A_846 : i32
    %add3A_857 = arith.constant 1216 : i32
    %add3A_858 = arith.addi %sub3A_22, %add3A_857 : i32
    %jit3A_859 = arith.constant 1024 : i32
    %div3A_860 = arith.divsi %add3A_858, %jit3A_859 : i32
    %sign3A_861 = arith.constant 0 : i32
    %sign3A_862 = arith.cmpi sgt, %add3A_858, %sign3A_861 : i32
    %sign3A_863 = arith.extui %sign3A_862 : i1 to i32
    %sign3A_864 = arith.constant 0 : i32
    %sign3A_865 = arith.cmpi slt, %add3A_858, %sign3A_864 : i32
    %sign3A_866 = arith.extui %sign3A_865 : i1 to i32
    %sign3A_867 = arith.subi %sign3A_863, %sign3A_866 : i32
    %sign3A_868 = arith.constant 0 : i32
    %sign3A_869 = arith.cmpi sgt, %jit3A_859, %sign3A_868 : i32
    %sign3A_870 = arith.extui %sign3A_869 : i1 to i32
    %sign3A_871 = arith.constant 0 : i32
    %sign3A_872 = arith.cmpi slt, %jit3A_859, %sign3A_871 : i32
    %sign3A_873 = arith.extui %sign3A_872 : i1 to i32
    %sign3A_874 = arith.subi %sign3A_870, %sign3A_873 : i32
    %ne3A_875 = arith.cmpi ne, %sign3A_867, %sign3A_874 : i32
    %rem3A_876 = arith.remsi %add3A_858, %jit3A_859 : i32
    %ne3A_877 = arith.constant 0 : i32
    %ne3A_878 = arith.cmpi ne, %rem3A_876, %ne3A_877 : i32
    %and3A_879 = arith.andi %ne3A_875, %ne3A_878 : i1
    %sub3A_880 = arith.constant 1 : i32
    %sub3A_881 = arith.subi %div3A_860, %sub3A_880 : i32
    %select_n3A_882 = arith.select %and3A_879, %sub3A_881, %div3A_860 : i32
    %add3A_883 = arith.constant 1216 : i32
    %add3A_884 = arith.addi %sub3A_22, %add3A_883 : i32
    %jit3A_885 = arith.constant 1024 : i32
    %eq3A_886 = arith.constant 0 : i32
    %eq3A_887 = arith.cmpi eq, %jit3A_885, %eq3A_886 : i32
    %jit3A_888 = arith.constant 1 : i32
    %select_n3A_889 = arith.select %eq3A_887, %jit3A_888, %jit3A_885 : i32
    %rem3A_890 = arith.remsi %add3A_884, %select_n3A_889 : i32
    %ne3A_891 = arith.constant 0 : i32
    %ne3A_892 = arith.cmpi ne, %rem3A_890, %ne3A_891 : i32
    %lt3A_893 = arith.constant 0 : i32
    %lt3A_894 = arith.cmpi slt, %rem3A_890, %lt3A_893 : i32
    %lt3A_895 = arith.constant 0 : i32
    %lt3A_896 = arith.cmpi slt, %select_n3A_889, %lt3A_895 : i32
    %ne3A_897 = arith.xori %lt3A_894, %lt3A_896 : i1
    %and3A_898 = arith.andi %ne3A_897, %ne3A_892 : i1
    %add3A_899 = arith.addi %rem3A_890, %select_n3A_889 : i32
    %select_n3A_900 = arith.select %and3A_898, %add3A_899, %rem3A_890 : i32
    %add3A_901 = arith.constant 1280 : i32
    %add3A_902 = arith.addi %sub3A_22, %add3A_901 : i32
    %jit3A_903 = arith.constant 1024 : i32
    %div3A_904 = arith.divsi %add3A_902, %jit3A_903 : i32
    %sign3A_905 = arith.constant 0 : i32
    %sign3A_906 = arith.cmpi sgt, %add3A_902, %sign3A_905 : i32
    %sign3A_907 = arith.extui %sign3A_906 : i1 to i32
    %sign3A_908 = arith.constant 0 : i32
    %sign3A_909 = arith.cmpi slt, %add3A_902, %sign3A_908 : i32
    %sign3A_910 = arith.extui %sign3A_909 : i1 to i32
    %sign3A_911 = arith.subi %sign3A_907, %sign3A_910 : i32
    %sign3A_912 = arith.constant 0 : i32
    %sign3A_913 = arith.cmpi sgt, %jit3A_903, %sign3A_912 : i32
    %sign3A_914 = arith.extui %sign3A_913 : i1 to i32
    %sign3A_915 = arith.constant 0 : i32
    %sign3A_916 = arith.cmpi slt, %jit3A_903, %sign3A_915 : i32
    %sign3A_917 = arith.extui %sign3A_916 : i1 to i32
    %sign3A_918 = arith.subi %sign3A_914, %sign3A_917 : i32
    %ne3A_919 = arith.cmpi ne, %sign3A_911, %sign3A_918 : i32
    %rem3A_920 = arith.remsi %add3A_902, %jit3A_903 : i32
    %ne3A_921 = arith.constant 0 : i32
    %ne3A_922 = arith.cmpi ne, %rem3A_920, %ne3A_921 : i32
    %and3A_923 = arith.andi %ne3A_919, %ne3A_922 : i1
    %sub3A_924 = arith.constant 1 : i32
    %sub3A_925 = arith.subi %div3A_904, %sub3A_924 : i32
    %select_n3A_926 = arith.select %and3A_923, %sub3A_925, %div3A_904 : i32
    %add3A_927 = arith.constant 1280 : i32
    %add3A_928 = arith.addi %sub3A_22, %add3A_927 : i32
    %jit3A_929 = arith.constant 1024 : i32
    %eq3A_930 = arith.constant 0 : i32
    %eq3A_931 = arith.cmpi eq, %jit3A_929, %eq3A_930 : i32
    %jit3A_932 = arith.constant 1 : i32
    %select_n3A_933 = arith.select %eq3A_931, %jit3A_932, %jit3A_929 : i32
    %rem3A_934 = arith.remsi %add3A_928, %select_n3A_933 : i32
    %ne3A_935 = arith.constant 0 : i32
    %ne3A_936 = arith.cmpi ne, %rem3A_934, %ne3A_935 : i32
    %lt3A_937 = arith.constant 0 : i32
    %lt3A_938 = arith.cmpi slt, %rem3A_934, %lt3A_937 : i32
    %lt3A_939 = arith.constant 0 : i32
    %lt3A_940 = arith.cmpi slt, %select_n3A_933, %lt3A_939 : i32
    %ne3A_941 = arith.xori %lt3A_938, %lt3A_940 : i1
    %and3A_942 = arith.andi %ne3A_941, %ne3A_936 : i1
    %add3A_943 = arith.addi %rem3A_934, %select_n3A_933 : i32
    %select_n3A_944 = arith.select %and3A_942, %add3A_943, %rem3A_934 : i32
    %add3A_945 = arith.constant 1344 : i32
    %add3A_946 = arith.addi %sub3A_22, %add3A_945 : i32
    %jit3A_947 = arith.constant 1024 : i32
    %div3A_948 = arith.divsi %add3A_946, %jit3A_947 : i32
    %sign3A_949 = arith.constant 0 : i32
    %sign3A_950 = arith.cmpi sgt, %add3A_946, %sign3A_949 : i32
    %sign3A_951 = arith.extui %sign3A_950 : i1 to i32
    %sign3A_952 = arith.constant 0 : i32
    %sign3A_953 = arith.cmpi slt, %add3A_946, %sign3A_952 : i32
    %sign3A_954 = arith.extui %sign3A_953 : i1 to i32
    %sign3A_955 = arith.subi %sign3A_951, %sign3A_954 : i32
    %sign3A_956 = arith.constant 0 : i32
    %sign3A_957 = arith.cmpi sgt, %jit3A_947, %sign3A_956 : i32
    %sign3A_958 = arith.extui %sign3A_957 : i1 to i32
    %sign3A_959 = arith.constant 0 : i32
    %sign3A_960 = arith.cmpi slt, %jit3A_947, %sign3A_959 : i32
    %sign3A_961 = arith.extui %sign3A_960 : i1 to i32
    %sign3A_962 = arith.subi %sign3A_958, %sign3A_961 : i32
    %ne3A_963 = arith.cmpi ne, %sign3A_955, %sign3A_962 : i32
    %rem3A_964 = arith.remsi %add3A_946, %jit3A_947 : i32
    %ne3A_965 = arith.constant 0 : i32
    %ne3A_966 = arith.cmpi ne, %rem3A_964, %ne3A_965 : i32
    %and3A_967 = arith.andi %ne3A_963, %ne3A_966 : i1
    %sub3A_968 = arith.constant 1 : i32
    %sub3A_969 = arith.subi %div3A_948, %sub3A_968 : i32
    %select_n3A_970 = arith.select %and3A_967, %sub3A_969, %div3A_948 : i32
    %add3A_971 = arith.constant 1344 : i32
    %add3A_972 = arith.addi %sub3A_22, %add3A_971 : i32
    %jit3A_973 = arith.constant 1024 : i32
    %eq3A_974 = arith.constant 0 : i32
    %eq3A_975 = arith.cmpi eq, %jit3A_973, %eq3A_974 : i32
    %jit3A_976 = arith.constant 1 : i32
    %select_n3A_977 = arith.select %eq3A_975, %jit3A_976, %jit3A_973 : i32
    %rem3A_978 = arith.remsi %add3A_972, %select_n3A_977 : i32
    %ne3A_979 = arith.constant 0 : i32
    %ne3A_980 = arith.cmpi ne, %rem3A_978, %ne3A_979 : i32
    %lt3A_981 = arith.constant 0 : i32
    %lt3A_982 = arith.cmpi slt, %rem3A_978, %lt3A_981 : i32
    %lt3A_983 = arith.constant 0 : i32
    %lt3A_984 = arith.cmpi slt, %select_n3A_977, %lt3A_983 : i32
    %ne3A_985 = arith.xori %lt3A_982, %lt3A_984 : i1
    %and3A_986 = arith.andi %ne3A_985, %ne3A_980 : i1
    %add3A_987 = arith.addi %rem3A_978, %select_n3A_977 : i32
    %select_n3A_988 = arith.select %and3A_986, %add3A_987, %rem3A_978 : i32
    %add3A_989 = arith.constant 1408 : i32
    %add3A_990 = arith.addi %sub3A_22, %add3A_989 : i32
    %jit3A_991 = arith.constant 1024 : i32
    %div3A_992 = arith.divsi %add3A_990, %jit3A_991 : i32
    %sign3A_993 = arith.constant 0 : i32
    %sign3A_994 = arith.cmpi sgt, %add3A_990, %sign3A_993 : i32
    %sign3A_995 = arith.extui %sign3A_994 : i1 to i32
    %sign3A_996 = arith.constant 0 : i32
    %sign3A_997 = arith.cmpi slt, %add3A_990, %sign3A_996 : i32
    %sign3A_998 = arith.extui %sign3A_997 : i1 to i32
    %sign3A_999 = arith.subi %sign3A_995, %sign3A_998 : i32
    %sign3A_1000 = arith.constant 0 : i32
    %sign3A_1001 = arith.cmpi sgt, %jit3A_991, %sign3A_1000 : i32
    %sign3A_1002 = arith.extui %sign3A_1001 : i1 to i32
    %sign3A_1003 = arith.constant 0 : i32
    %sign3A_1004 = arith.cmpi slt, %jit3A_991, %sign3A_1003 : i32
    %sign3A_1005 = arith.extui %sign3A_1004 : i1 to i32
    %sign3A_1006 = arith.subi %sign3A_1002, %sign3A_1005 : i32
    %ne3A_1007 = arith.cmpi ne, %sign3A_999, %sign3A_1006 : i32
    %rem3A_1008 = arith.remsi %add3A_990, %jit3A_991 : i32
    %ne3A_1009 = arith.constant 0 : i32
    %ne3A_1010 = arith.cmpi ne, %rem3A_1008, %ne3A_1009 : i32
    %and3A_1011 = arith.andi %ne3A_1007, %ne3A_1010 : i1
    %sub3A_1012 = arith.constant 1 : i32
    %sub3A_1013 = arith.subi %div3A_992, %sub3A_1012 : i32
    %select_n3A_1014 = arith.select %and3A_1011, %sub3A_1013, %div3A_992 : i32
    %add3A_1015 = arith.constant 1408 : i32
    %add3A_1016 = arith.addi %sub3A_22, %add3A_1015 : i32
    %jit3A_1017 = arith.constant 1024 : i32
    %eq3A_1018 = arith.constant 0 : i32
    %eq3A_1019 = arith.cmpi eq, %jit3A_1017, %eq3A_1018 : i32
    %jit3A_1020 = arith.constant 1 : i32
    %select_n3A_1021 = arith.select %eq3A_1019, %jit3A_1020, %jit3A_1017 : i32
    %rem3A_1022 = arith.remsi %add3A_1016, %select_n3A_1021 : i32
    %ne3A_1023 = arith.constant 0 : i32
    %ne3A_1024 = arith.cmpi ne, %rem3A_1022, %ne3A_1023 : i32
    %lt3A_1025 = arith.constant 0 : i32
    %lt3A_1026 = arith.cmpi slt, %rem3A_1022, %lt3A_1025 : i32
    %lt3A_1027 = arith.constant 0 : i32
    %lt3A_1028 = arith.cmpi slt, %select_n3A_1021, %lt3A_1027 : i32
    %ne3A_1029 = arith.xori %lt3A_1026, %lt3A_1028 : i1
    %and3A_1030 = arith.andi %ne3A_1029, %ne3A_1024 : i1
    %add3A_1031 = arith.addi %rem3A_1022, %select_n3A_1021 : i32
    %select_n3A_1032 = arith.select %and3A_1030, %add3A_1031, %rem3A_1022 : i32
    %add3A_1033 = arith.constant 1472 : i32
    %add3A_1034 = arith.addi %sub3A_22, %add3A_1033 : i32
    %jit3A_1035 = arith.constant 1024 : i32
    %div3A_1036 = arith.divsi %add3A_1034, %jit3A_1035 : i32
    %sign3A_1037 = arith.constant 0 : i32
    %sign3A_1038 = arith.cmpi sgt, %add3A_1034, %sign3A_1037 : i32
    %sign3A_1039 = arith.extui %sign3A_1038 : i1 to i32
    %sign3A_1040 = arith.constant 0 : i32
    %sign3A_1041 = arith.cmpi slt, %add3A_1034, %sign3A_1040 : i32
    %sign3A_1042 = arith.extui %sign3A_1041 : i1 to i32
    %sign3A_1043 = arith.subi %sign3A_1039, %sign3A_1042 : i32
    %sign3A_1044 = arith.constant 0 : i32
    %sign3A_1045 = arith.cmpi sgt, %jit3A_1035, %sign3A_1044 : i32
    %sign3A_1046 = arith.extui %sign3A_1045 : i1 to i32
    %sign3A_1047 = arith.constant 0 : i32
    %sign3A_1048 = arith.cmpi slt, %jit3A_1035, %sign3A_1047 : i32
    %sign3A_1049 = arith.extui %sign3A_1048 : i1 to i32
    %sign3A_1050 = arith.subi %sign3A_1046, %sign3A_1049 : i32
    %ne3A_1051 = arith.cmpi ne, %sign3A_1043, %sign3A_1050 : i32
    %rem3A_1052 = arith.remsi %add3A_1034, %jit3A_1035 : i32
    %ne3A_1053 = arith.constant 0 : i32
    %ne3A_1054 = arith.cmpi ne, %rem3A_1052, %ne3A_1053 : i32
    %and3A_1055 = arith.andi %ne3A_1051, %ne3A_1054 : i1
    %sub3A_1056 = arith.constant 1 : i32
    %sub3A_1057 = arith.subi %div3A_1036, %sub3A_1056 : i32
    %select_n3A_1058 = arith.select %and3A_1055, %sub3A_1057, %div3A_1036 : i32
    %add3A_1059 = arith.constant 1472 : i32
    %add3A_1060 = arith.addi %sub3A_22, %add3A_1059 : i32
    %jit3A_1061 = arith.constant 1024 : i32
    %eq3A_1062 = arith.constant 0 : i32
    %eq3A_1063 = arith.cmpi eq, %jit3A_1061, %eq3A_1062 : i32
    %jit3A_1064 = arith.constant 1 : i32
    %select_n3A_1065 = arith.select %eq3A_1063, %jit3A_1064, %jit3A_1061 : i32
    %rem3A_1066 = arith.remsi %add3A_1060, %select_n3A_1065 : i32
    %ne3A_1067 = arith.constant 0 : i32
    %ne3A_1068 = arith.cmpi ne, %rem3A_1066, %ne3A_1067 : i32
    %lt3A_1069 = arith.constant 0 : i32
    %lt3A_1070 = arith.cmpi slt, %rem3A_1066, %lt3A_1069 : i32
    %lt3A_1071 = arith.constant 0 : i32
    %lt3A_1072 = arith.cmpi slt, %select_n3A_1065, %lt3A_1071 : i32
    %ne3A_1073 = arith.xori %lt3A_1070, %lt3A_1072 : i1
    %and3A_1074 = arith.andi %ne3A_1073, %ne3A_1068 : i1
    %add3A_1075 = arith.addi %rem3A_1066, %select_n3A_1065 : i32
    %select_n3A_1076 = arith.select %and3A_1074, %add3A_1075, %rem3A_1066 : i32
    %add3A_1077 = arith.constant 1536 : i32
    %add3A_1078 = arith.addi %sub3A_22, %add3A_1077 : i32
    %jit3A_1079 = arith.constant 1024 : i32
    %div3A_1080 = arith.divsi %add3A_1078, %jit3A_1079 : i32
    %sign3A_1081 = arith.constant 0 : i32
    %sign3A_1082 = arith.cmpi sgt, %add3A_1078, %sign3A_1081 : i32
    %sign3A_1083 = arith.extui %sign3A_1082 : i1 to i32
    %sign3A_1084 = arith.constant 0 : i32
    %sign3A_1085 = arith.cmpi slt, %add3A_1078, %sign3A_1084 : i32
    %sign3A_1086 = arith.extui %sign3A_1085 : i1 to i32
    %sign3A_1087 = arith.subi %sign3A_1083, %sign3A_1086 : i32
    %sign3A_1088 = arith.constant 0 : i32
    %sign3A_1089 = arith.cmpi sgt, %jit3A_1079, %sign3A_1088 : i32
    %sign3A_1090 = arith.extui %sign3A_1089 : i1 to i32
    %sign3A_1091 = arith.constant 0 : i32
    %sign3A_1092 = arith.cmpi slt, %jit3A_1079, %sign3A_1091 : i32
    %sign3A_1093 = arith.extui %sign3A_1092 : i1 to i32
    %sign3A_1094 = arith.subi %sign3A_1090, %sign3A_1093 : i32
    %ne3A_1095 = arith.cmpi ne, %sign3A_1087, %sign3A_1094 : i32
    %rem3A_1096 = arith.remsi %add3A_1078, %jit3A_1079 : i32
    %ne3A_1097 = arith.constant 0 : i32
    %ne3A_1098 = arith.cmpi ne, %rem3A_1096, %ne3A_1097 : i32
    %and3A_1099 = arith.andi %ne3A_1095, %ne3A_1098 : i1
    %sub3A_1100 = arith.constant 1 : i32
    %sub3A_1101 = arith.subi %div3A_1080, %sub3A_1100 : i32
    %select_n3A_1102 = arith.select %and3A_1099, %sub3A_1101, %div3A_1080 : i32
    %add3A_1103 = arith.constant 1536 : i32
    %add3A_1104 = arith.addi %sub3A_22, %add3A_1103 : i32
    %jit3A_1105 = arith.constant 1024 : i32
    %eq3A_1106 = arith.constant 0 : i32
    %eq3A_1107 = arith.cmpi eq, %jit3A_1105, %eq3A_1106 : i32
    %jit3A_1108 = arith.constant 1 : i32
    %select_n3A_1109 = arith.select %eq3A_1107, %jit3A_1108, %jit3A_1105 : i32
    %rem3A_1110 = arith.remsi %add3A_1104, %select_n3A_1109 : i32
    %ne3A_1111 = arith.constant 0 : i32
    %ne3A_1112 = arith.cmpi ne, %rem3A_1110, %ne3A_1111 : i32
    %lt3A_1113 = arith.constant 0 : i32
    %lt3A_1114 = arith.cmpi slt, %rem3A_1110, %lt3A_1113 : i32
    %lt3A_1115 = arith.constant 0 : i32
    %lt3A_1116 = arith.cmpi slt, %select_n3A_1109, %lt3A_1115 : i32
    %ne3A_1117 = arith.xori %lt3A_1114, %lt3A_1116 : i1
    %and3A_1118 = arith.andi %ne3A_1117, %ne3A_1112 : i1
    %add3A_1119 = arith.addi %rem3A_1110, %select_n3A_1109 : i32
    %select_n3A_1120 = arith.select %and3A_1118, %add3A_1119, %rem3A_1110 : i32
    %dma_start3A = arith.constant 0 : i32
    %dma_start3A_1121 = arith.constant 0 : i32
    %dma_start3A_1122 = tpu.memref_slice %arg6[%dma_start3A, %dma_start3A_1121] : memref<1600x64xf32, #tpu.memory_space<vmem>> -> memref<64x64xf32, #tpu.memory_space<vmem>>
    %dma_start3A_1123 = tpu.memref_slice %arg5[%select_n3A_48, %select_n3A_64] : memref<3x1024xi32, #tpu.memory_space<vmem>> -> memref<1x64xi32, #tpu.memory_space<vmem>>
    %dma_start3A_1124 = tpu.memref_squeeze %dma_start3A_1123 : memref<1x64xi32, #tpu.memory_space<vmem>> -> memref<64xi32, #tpu.memory_space<vmem>>
    %dma_start3A_1125 = arith.constant 0 : i32
    %dma_start3A_1126 = arith.constant 0 : i32
    %dma_start3A_1127 = tpu.memref_slice %arg2[%dma_start3A_1125, %dma_start3A_1126] : memref<1000000x64xf32, #tpu.memory_space<hbm>> -> memref<1000000x64xf32, #tpu.memory_space<hbm>>
    tpu.enqueue_indirect_dma source(%dma_start3A_1127 : memref<1000000x64xf32, #tpu.memory_space<hbm>>) target(%dma_start3A_1122 : memref<64x64xf32, #tpu.memory_space<vmem>>) offsets(%dma_start3A_1124 : memref<64xi32, #tpu.memory_space<vmem>>) semaphore(%arg7 : memref<!tpu.dma_semaphore, #tpu.memory_space<semaphore_mem>>)
    %dma_start3A_1128 = arith.constant 64 : i32
    %dma_start3A_1129 = arith.constant 0 : i32
    %dma_start3A_1130 = tpu.memref_slice %arg6[%dma_start3A_1128, %dma_start3A_1129] : memref<1600x64xf32, #tpu.memory_space<vmem>> -> memref<64x64xf32, #tpu.memory_space<vmem>>
    %dma_start3A_1131 = tpu.memref_slice %arg5[%select_n3A_90, %select_n3A_108] : memref<3x1024xi32, #tpu.memory_space<vmem>> -> memref<1x64xi32, #tpu.memory_space<vmem>>
    %dma_start3A_1132 = tpu.memref_squeeze %dma_start3A_1131 : memref<1x64xi32, #tpu.memory_space<vmem>> -> memref<64xi32, #tpu.memory_space<vmem>>
    %dma_start3A_1133 = arith.constant 0 : i32
    %dma_start3A_1134 = arith.constant 0 : i32
    %dma_start3A_1135 = tpu.memref_slice %arg2[%dma_start3A_1133, %dma_start3A_1134] : memref<1000000x64xf32, #tpu.memory_space<hbm>> -> memref<1000000x64xf32, #tpu.memory_space<hbm>>
    tpu.enqueue_indirect_dma source(%dma_start3A_1135 : memref<1000000x64xf32, #tpu.memory_space<hbm>>) target(%dma_start3A_1130 : memref<64x64xf32, #tpu.memory_space<vmem>>) offsets(%dma_start3A_1132 : memref<64xi32, #tpu.memory_space<vmem>>) semaphore(%arg7 : memref<!tpu.dma_semaphore, #tpu.memory_space<semaphore_mem>>)
    %dma_start3A_1136 = arith.constant 128 : i32
    %dma_start3A_1137 = arith.constant 0 : i32
    %dma_start3A_1138 = tpu.memref_slice %arg6[%dma_start3A_1136, %dma_start3A_1137] : memref<1600x64xf32, #tpu.memory_space<vmem>> -> memref<64x64xf32, #tpu.memory_space<vmem>>
    %dma_start3A_1139 = tpu.memref_slice %arg5[%select_n3A_134, %select_n3A_152] : memref<3x1024xi32, #tpu.memory_space<vmem>> -> memref<1x64xi32, #tpu.memory_space<vmem>>
    %dma_start3A_1140 = tpu.memref_squeeze %dma_start3A_1139 : memref<1x64xi32, #tpu.memory_space<vmem>> -> memref<64xi32, #tpu.memory_space<vmem>>
    %dma_start3A_1141 = arith.constant 0 : i32
    %dma_start3A_1142 = arith.constant 0 : i32
    %dma_start3A_1143 = tpu.memref_slice %arg2[%dma_start3A_1141, %dma_start3A_1142] : memref<1000000x64xf32, #tpu.memory_space<hbm>> -> memref<1000000x64xf32, #tpu.memory_space<hbm>>
    tpu.enqueue_indirect_dma source(%dma_start3A_1143 : memref<1000000x64xf32, #tpu.memory_space<hbm>>) target(%dma_start3A_1138 : memref<64x64xf32, #tpu.memory_space<vmem>>) offsets(%dma_start3A_1140 : memref<64xi32, #tpu.memory_space<vmem>>) semaphore(%arg7 : memref<!tpu.dma_semaphore, #tpu.memory_space<semaphore_mem>>)
    %dma_start3A_1144 = arith.constant 192 : i32
    %dma_start3A_1145 = arith.constant 0 : i32
    %dma_start3A_1146 = tpu.memref_slice %arg6[%dma_start3A_1144, %dma_start3A_1145] : memref<1600x64xf32, #tpu.memory_space<vmem>> -> memref<64x64xf32, #tpu.memory_space<vmem>>
    %dma_start3A_1147 = tpu.memref_slice %arg5[%select_n3A_178, %select_n3A_196] : memref<3x1024xi32, #tpu.memory_space<vmem>> -> memref<1x64xi32, #tpu.memory_space<vmem>>
    %dma_start3A_1148 = tpu.memref_squeeze %dma_start3A_1147 : memref<1x64xi32, #tpu.memory_space<vmem>> -> memref<64xi32, #tpu.memory_space<vmem>>
    %dma_start3A_1149 = arith.constant 0 : i32
    %dma_start3A_1150 = arith.constant 0 : i32
    %dma_start3A_1151 = tpu.memref_slice %arg2[%dma_start3A_1149, %dma_start3A_1150] : memref<1000000x64xf32, #tpu.memory_space<hbm>> -> memref<1000000x64xf32, #tpu.memory_space<hbm>>
    tpu.enqueue_indirect_dma source(%dma_start3A_1151 : memref<1000000x64xf32, #tpu.memory_space<hbm>>) target(%dma_start3A_1146 : memref<64x64xf32, #tpu.memory_space<vmem>>) offsets(%dma_start3A_1148 : memref<64xi32, #tpu.memory_space<vmem>>) semaphore(%arg7 : memref<!tpu.dma_semaphore, #tpu.memory_space<semaphore_mem>>)
    %dma_start3A_1152 = arith.constant 256 : i32
    %dma_start3A_1153 = arith.constant 0 : i32
    %dma_start3A_1154 = tpu.memref_slice %arg6[%dma_start3A_1152, %dma_start3A_1153] : memref<1600x64xf32, #tpu.memory_space<vmem>> -> memref<64x64xf32, #tpu.memory_space<vmem>>
    %dma_start3A_1155 = tpu.memref_slice %arg5[%select_n3A_222, %select_n3A_240] : memref<3x1024xi32, #tpu.memory_space<vmem>> -> memref<1x64xi32, #tpu.memory_space<vmem>>
    %dma_start3A_1156 = tpu.memref_squeeze %dma_start3A_1155 : memref<1x64xi32, #tpu.memory_space<vmem>> -> memref<64xi32, #tpu.memory_space<vmem>>
    %dma_start3A_1157 = arith.constant 0 : i32
    %dma_start3A_1158 = arith.constant 0 : i32
    %dma_start3A_1159 = tpu.memref_slice %arg2[%dma_start3A_1157, %dma_start3A_1158] : memref<1000000x64xf32, #tpu.memory_space<hbm>> -> memref<1000000x64xf32, #tpu.memory_space<hbm>>
    tpu.enqueue_indirect_dma source(%dma_start3A_1159 : memref<1000000x64xf32, #tpu.memory_space<hbm>>) target(%dma_start3A_1154 : memref<64x64xf32, #tpu.memory_space<vmem>>) offsets(%dma_start3A_1156 : memref<64xi32, #tpu.memory_space<vmem>>) semaphore(%arg7 : memref<!tpu.dma_semaphore, #tpu.memory_space<semaphore_mem>>)
    %dma_start3A_1160 = arith.constant 320 : i32
    %dma_start3A_1161 = arith.constant 0 : i32
    %dma_start3A_1162 = tpu.memref_slice %arg6[%dma_start3A_1160, %dma_start3A_1161] : memref<1600x64xf32, #tpu.memory_space<vmem>> -> memref<64x64xf32, #tpu.memory_space<vmem>>
    %dma_start3A_1163 = tpu.memref_slice %arg5[%select_n3A_266, %select_n3A_284] : memref<3x1024xi32, #tpu.memory_space<vmem>> -> memref<1x64xi32, #tpu.memory_space<vmem>>
    %dma_start3A_1164 = tpu.memref_squeeze %dma_start3A_1163 : memref<1x64xi32, #tpu.memory_space<vmem>> -> memref<64xi32, #tpu.memory_space<vmem>>
    %dma_start3A_1165 = arith.constant 0 : i32
    %dma_start3A_1166 = arith.constant 0 : i32
    %dma_start3A_1167 = tpu.memref_slice %arg2[%dma_start3A_1165, %dma_start3A_1166] : memref<1000000x64xf32, #tpu.memory_space<hbm>> -> memref<1000000x64xf32, #tpu.memory_space<hbm>>
    tpu.enqueue_indirect_dma source(%dma_start3A_1167 : memref<1000000x64xf32, #tpu.memory_space<hbm>>) target(%dma_start3A_1162 : memref<64x64xf32, #tpu.memory_space<vmem>>) offsets(%dma_start3A_1164 : memref<64xi32, #tpu.memory_space<vmem>>) semaphore(%arg7 : memref<!tpu.dma_semaphore, #tpu.memory_space<semaphore_mem>>)
    %dma_start3A_1168 = arith.constant 384 : i32
    %dma_start3A_1169 = arith.constant 0 : i32
    %dma_start3A_1170 = tpu.memref_slice %arg6[%dma_start3A_1168, %dma_start3A_1169] : memref<1600x64xf32, #tpu.memory_space<vmem>> -> memref<64x64xf32, #tpu.memory_space<vmem>>
    %dma_start3A_1171 = tpu.memref_slice %arg5[%select_n3A_310, %select_n3A_328] : memref<3x1024xi32, #tpu.memory_space<vmem>> -> memref<1x64xi32, #tpu.memory_space<vmem>>
    %dma_start3A_1172 = tpu.memref_squeeze %dma_start3A_1171 : memref<1x64xi32, #tpu.memory_space<vmem>> -> memref<64xi32, #tpu.memory_space<vmem>>
    %dma_start3A_1173 = arith.constant 0 : i32
    %dma_start3A_1174 = arith.constant 0 : i32
    %dma_start3A_1175 = tpu.memref_slice %arg2[%dma_start3A_1173, %dma_start3A_1174] : memref<1000000x64xf32, #tpu.memory_space<hbm>> -> memref<1000000x64xf32, #tpu.memory_space<hbm>>
    tpu.enqueue_indirect_dma source(%dma_start3A_1175 : memref<1000000x64xf32, #tpu.memory_space<hbm>>) target(%dma_start3A_1170 : memref<64x64xf32, #tpu.memory_space<vmem>>) offsets(%dma_start3A_1172 : memref<64xi32, #tpu.memory_space<vmem>>) semaphore(%arg7 : memref<!tpu.dma_semaphore, #tpu.memory_space<semaphore_mem>>)
    %dma_start3A_1176 = arith.constant 448 : i32
    %dma_start3A_1177 = arith.constant 0 : i32
    %dma_start3A_1178 = tpu.memref_slice %arg6[%dma_start3A_1176, %dma_start3A_1177] : memref<1600x64xf32, #tpu.memory_space<vmem>> -> memref<64x64xf32, #tpu.memory_space<vmem>>
    %dma_start3A_1179 = tpu.memref_slice %arg5[%select_n3A_354, %select_n3A_372] : memref<3x1024xi32, #tpu.memory_space<vmem>> -> memref<1x64xi32, #tpu.memory_space<vmem>>
    %dma_start3A_1180 = tpu.memref_squeeze %dma_start3A_1179 : memref<1x64xi32, #tpu.memory_space<vmem>> -> memref<64xi32, #tpu.memory_space<vmem>>
    %dma_start3A_1181 = arith.constant 0 : i32
    %dma_start3A_1182 = arith.constant 0 : i32
    %dma_start3A_1183 = tpu.memref_slice %arg2[%dma_start3A_1181, %dma_start3A_1182] : memref<1000000x64xf32, #tpu.memory_space<hbm>> -> memref<1000000x64xf32, #tpu.memory_space<hbm>>
    tpu.enqueue_indirect_dma source(%dma_start3A_1183 : memref<1000000x64xf32, #tpu.memory_space<hbm>>) target(%dma_start3A_1178 : memref<64x64xf32, #tpu.memory_space<vmem>>) offsets(%dma_start3A_1180 : memref<64xi32, #tpu.memory_space<vmem>>) semaphore(%arg7 : memref<!tpu.dma_semaphore, #tpu.memory_space<semaphore_mem>>)
    %dma_start3A_1184 = arith.constant 512 : i32
    %dma_start3A_1185 = arith.constant 0 : i32
    %dma_start3A_1186 = tpu.memref_slice %arg6[%dma_start3A_1184, %dma_start3A_1185] : memref<1600x64xf32, #tpu.memory_space<vmem>> -> memref<64x64xf32, #tpu.memory_space<vmem>>
    %dma_start3A_1187 = tpu.memref_slice %arg5[%select_n3A_398, %select_n3A_416] : memref<3x1024xi32, #tpu.memory_space<vmem>> -> memref<1x64xi32, #tpu.memory_space<vmem>>
    %dma_start3A_1188 = tpu.memref_squeeze %dma_start3A_1187 : memref<1x64xi32, #tpu.memory_space<vmem>> -> memref<64xi32, #tpu.memory_space<vmem>>
    %dma_start3A_1189 = arith.constant 0 : i32
    %dma_start3A_1190 = arith.constant 0 : i32
    %dma_start3A_1191 = tpu.memref_slice %arg2[%dma_start3A_1189, %dma_start3A_1190] : memref<1000000x64xf32, #tpu.memory_space<hbm>> -> memref<1000000x64xf32, #tpu.memory_space<hbm>>
    tpu.enqueue_indirect_dma source(%dma_start3A_1191 : memref<1000000x64xf32, #tpu.memory_space<hbm>>) target(%dma_start3A_1186 : memref<64x64xf32, #tpu.memory_space<vmem>>) offsets(%dma_start3A_1188 : memref<64xi32, #tpu.memory_space<vmem>>) semaphore(%arg7 : memref<!tpu.dma_semaphore, #tpu.memory_space<semaphore_mem>>)
    %dma_start3A_1192 = arith.constant 576 : i32
    %dma_start3A_1193 = arith.constant 0 : i32
    %dma_start3A_1194 = tpu.memref_slice %arg6[%dma_start3A_1192, %dma_start3A_1193] : memref<1600x64xf32, #tpu.memory_space<vmem>> -> memref<64x64xf32, #tpu.memory_space<vmem>>
    %dma_start3A_1195 = tpu.memref_slice %arg5[%select_n3A_442, %select_n3A_460] : memref<3x1024xi32, #tpu.memory_space<vmem>> -> memref<1x64xi32, #tpu.memory_space<vmem>>
    %dma_start3A_1196 = tpu.memref_squeeze %dma_start3A_1195 : memref<1x64xi32, #tpu.memory_space<vmem>> -> memref<64xi32, #tpu.memory_space<vmem>>
    %dma_start3A_1197 = arith.constant 0 : i32
    %dma_start3A_1198 = arith.constant 0 : i32
    %dma_start3A_1199 = tpu.memref_slice %arg2[%dma_start3A_1197, %dma_start3A_1198] : memref<1000000x64xf32, #tpu.memory_space<hbm>> -> memref<1000000x64xf32, #tpu.memory_space<hbm>>
    tpu.enqueue_indirect_dma source(%dma_start3A_1199 : memref<1000000x64xf32, #tpu.memory_space<hbm>>) target(%dma_start3A_1194 : memref<64x64xf32, #tpu.memory_space<vmem>>) offsets(%dma_start3A_1196 : memref<64xi32, #tpu.memory_space<vmem>>) semaphore(%arg7 : memref<!tpu.dma_semaphore, #tpu.memory_space<semaphore_mem>>)
    %dma_start3A_1200 = arith.constant 640 : i32
    %dma_start3A_1201 = arith.constant 0 : i32
    %dma_start3A_1202 = tpu.memref_slice %arg6[%dma_start3A_1200, %dma_start3A_1201] : memref<1600x64xf32, #tpu.memory_space<vmem>> -> memref<64x64xf32, #tpu.memory_space<vmem>>
    %dma_start3A_1203 = tpu.memref_slice %arg5[%select_n3A_486, %select_n3A_504] : memref<3x1024xi32, #tpu.memory_space<vmem>> -> memref<1x64xi32, #tpu.memory_space<vmem>>
    %dma_start3A_1204 = tpu.memref_squeeze %dma_start3A_1203 : memref<1x64xi32, #tpu.memory_space<vmem>> -> memref<64xi32, #tpu.memory_space<vmem>>
    %dma_start3A_1205 = arith.constant 0 : i32
    %dma_start3A_1206 = arith.constant 0 : i32
    %dma_start3A_1207 = tpu.memref_slice %arg2[%dma_start3A_1205, %dma_start3A_1206] : memref<1000000x64xf32, #tpu.memory_space<hbm>> -> memref<1000000x64xf32, #tpu.memory_space<hbm>>
    tpu.enqueue_indirect_dma source(%dma_start3A_1207 : memref<1000000x64xf32, #tpu.memory_space<hbm>>) target(%dma_start3A_1202 : memref<64x64xf32, #tpu.memory_space<vmem>>) offsets(%dma_start3A_1204 : memref<64xi32, #tpu.memory_space<vmem>>) semaphore(%arg7 : memref<!tpu.dma_semaphore, #tpu.memory_space<semaphore_mem>>)
    %dma_start3A_1208 = arith.constant 704 : i32
    %dma_start3A_1209 = arith.constant 0 : i32
    %dma_start3A_1210 = tpu.memref_slice %arg6[%dma_start3A_1208, %dma_start3A_1209] : memref<1600x64xf32, #tpu.memory_space<vmem>> -> memref<64x64xf32, #tpu.memory_space<vmem>>
    %dma_start3A_1211 = tpu.memref_slice %arg5[%select_n3A_530, %select_n3A_548] : memref<3x1024xi32, #tpu.memory_space<vmem>> -> memref<1x64xi32, #tpu.memory_space<vmem>>
    %dma_start3A_1212 = tpu.memref_squeeze %dma_start3A_1211 : memref<1x64xi32, #tpu.memory_space<vmem>> -> memref<64xi32, #tpu.memory_space<vmem>>
    %dma_start3A_1213 = arith.constant 0 : i32
    %dma_start3A_1214 = arith.constant 0 : i32
    %dma_start3A_1215 = tpu.memref_slice %arg2[%dma_start3A_1213, %dma_start3A_1214] : memref<1000000x64xf32, #tpu.memory_space<hbm>> -> memref<1000000x64xf32, #tpu.memory_space<hbm>>
    tpu.enqueue_indirect_dma source(%dma_start3A_1215 : memref<1000000x64xf32, #tpu.memory_space<hbm>>) target(%dma_start3A_1210 : memref<64x64xf32, #tpu.memory_space<vmem>>) offsets(%dma_start3A_1212 : memref<64xi32, #tpu.memory_space<vmem>>) semaphore(%arg7 : memref<!tpu.dma_semaphore, #tpu.memory_space<semaphore_mem>>)
    %dma_start3A_1216 = arith.constant 768 : i32
    %dma_start3A_1217 = arith.constant 0 : i32
    %dma_start3A_1218 = tpu.memref_slice %arg6[%dma_start3A_1216, %dma_start3A_1217] : memref<1600x64xf32, #tpu.memory_space<vmem>> -> memref<64x64xf32, #tpu.memory_space<vmem>>
    %dma_start3A_1219 = tpu.memref_slice %arg5[%select_n3A_574, %select_n3A_592] : memref<3x1024xi32, #tpu.memory_space<vmem>> -> memref<1x64xi32, #tpu.memory_space<vmem>>
    %dma_start3A_1220 = tpu.memref_squeeze %dma_start3A_1219 : memref<1x64xi32, #tpu.memory_space<vmem>> -> memref<64xi32, #tpu.memory_space<vmem>>
    %dma_start3A_1221 = arith.constant 0 : i32
    %dma_start3A_1222 = arith.constant 0 : i32
    %dma_start3A_1223 = tpu.memref_slice %arg2[%dma_start3A_1221, %dma_start3A_1222] : memref<1000000x64xf32, #tpu.memory_space<hbm>> -> memref<1000000x64xf32, #tpu.memory_space<hbm>>
    tpu.enqueue_indirect_dma source(%dma_start3A_1223 : memref<1000000x64xf32, #tpu.memory_space<hbm>>) target(%dma_start3A_1218 : memref<64x64xf32, #tpu.memory_space<vmem>>) offsets(%dma_start3A_1220 : memref<64xi32, #tpu.memory_space<vmem>>) semaphore(%arg7 : memref<!tpu.dma_semaphore, #tpu.memory_space<semaphore_mem>>)
    %dma_start3A_1224 = arith.constant 832 : i32
    %dma_start3A_1225 = arith.constant 0 : i32
    %dma_start3A_1226 = tpu.memref_slice %arg6[%dma_start3A_1224, %dma_start3A_1225] : memref<1600x64xf32, #tpu.memory_space<vmem>> -> memref<64x64xf32, #tpu.memory_space<vmem>>
    %dma_start3A_1227 = tpu.memref_slice %arg5[%select_n3A_618, %select_n3A_636] : memref<3x1024xi32, #tpu.memory_space<vmem>> -> memref<1x64xi32, #tpu.memory_space<vmem>>
    %dma_start3A_1228 = tpu.memref_squeeze %dma_start3A_1227 : memref<1x64xi32, #tpu.memory_space<vmem>> -> memref<64xi32, #tpu.memory_space<vmem>>
    %dma_start3A_1229 = arith.constant 0 : i32
    %dma_start3A_1230 = arith.constant 0 : i32
    %dma_start3A_1231 = tpu.memref_slice %arg2[%dma_start3A_1229, %dma_start3A_1230] : memref<1000000x64xf32, #tpu.memory_space<hbm>> -> memref<1000000x64xf32, #tpu.memory_space<hbm>>
    tpu.enqueue_indirect_dma source(%dma_start3A_1231 : memref<1000000x64xf32, #tpu.memory_space<hbm>>) target(%dma_start3A_1226 : memref<64x64xf32, #tpu.memory_space<vmem>>) offsets(%dma_start3A_1228 : memref<64xi32, #tpu.memory_space<vmem>>) semaphore(%arg7 : memref<!tpu.dma_semaphore, #tpu.memory_space<semaphore_mem>>)
    %dma_start3A_1232 = arith.constant 896 : i32
    %dma_start3A_1233 = arith.constant 0 : i32
    %dma_start3A_1234 = tpu.memref_slice %arg6[%dma_start3A_1232, %dma_start3A_1233] : memref<1600x64xf32, #tpu.memory_space<vmem>> -> memref<64x64xf32, #tpu.memory_space<vmem>>
    %dma_start3A_1235 = tpu.memref_slice %arg5[%select_n3A_662, %select_n3A_680] : memref<3x1024xi32, #tpu.memory_space<vmem>> -> memref<1x64xi32, #tpu.memory_space<vmem>>
    %dma_start3A_1236 = tpu.memref_squeeze %dma_start3A_1235 : memref<1x64xi32, #tpu.memory_space<vmem>> -> memref<64xi32, #tpu.memory_space<vmem>>
    %dma_start3A_1237 = arith.constant 0 : i32
    %dma_start3A_1238 = arith.constant 0 : i32
    %dma_start3A_1239 = tpu.memref_slice %arg2[%dma_start3A_1237, %dma_start3A_1238] : memref<1000000x64xf32, #tpu.memory_space<hbm>> -> memref<1000000x64xf32, #tpu.memory_space<hbm>>
    tpu.enqueue_indirect_dma source(%dma_start3A_1239 : memref<1000000x64xf32, #tpu.memory_space<hbm>>) target(%dma_start3A_1234 : memref<64x64xf32, #tpu.memory_space<vmem>>) offsets(%dma_start3A_1236 : memref<64xi32, #tpu.memory_space<vmem>>) semaphore(%arg7 : memref<!tpu.dma_semaphore, #tpu.memory_space<semaphore_mem>>)
    %dma_start3A_1240 = arith.constant 960 : i32
    %dma_start3A_1241 = arith.constant 0 : i32
    %dma_start3A_1242 = tpu.memref_slice %arg6[%dma_start3A_1240, %dma_start3A_1241] : memref<1600x64xf32, #tpu.memory_space<vmem>> -> memref<64x64xf32, #tpu.memory_space<vmem>>
    %dma_start3A_1243 = tpu.memref_slice %arg5[%select_n3A_706, %select_n3A_724] : memref<3x1024xi32, #tpu.memory_space<vmem>> -> memref<1x64xi32, #tpu.memory_space<vmem>>
    %dma_start3A_1244 = tpu.memref_squeeze %dma_start3A_1243 : memref<1x64xi32, #tpu.memory_space<vmem>> -> memref<64xi32, #tpu.memory_space<vmem>>
    %dma_start3A_1245 = arith.constant 0 : i32
    %dma_start3A_1246 = arith.constant 0 : i32
    %dma_start3A_1247 = tpu.memref_slice %arg2[%dma_start3A_1245, %dma_start3A_1246] : memref<1000000x64xf32, #tpu.memory_space<hbm>> -> memref<1000000x64xf32, #tpu.memory_space<hbm>>
    tpu.enqueue_indirect_dma source(%dma_start3A_1247 : memref<1000000x64xf32, #tpu.memory_space<hbm>>) target(%dma_start3A_1242 : memref<64x64xf32, #tpu.memory_space<vmem>>) offsets(%dma_start3A_1244 : memref<64xi32, #tpu.memory_space<vmem>>) semaphore(%arg7 : memref<!tpu.dma_semaphore, #tpu.memory_space<semaphore_mem>>)
    %dma_start3A_1248 = arith.constant 1024 : i32
    %dma_start3A_1249 = arith.constant 0 : i32
    %dma_start3A_1250 = tpu.memref_slice %arg6[%dma_start3A_1248, %dma_start3A_1249] : memref<1600x64xf32, #tpu.memory_space<vmem>> -> memref<64x64xf32, #tpu.memory_space<vmem>>
    %dma_start3A_1251 = tpu.memref_slice %arg5[%select_n3A_750, %select_n3A_768] : memref<3x1024xi32, #tpu.memory_space<vmem>> -> memref<1x64xi32, #tpu.memory_space<vmem>>
    %dma_start3A_1252 = tpu.memref_squeeze %dma_start3A_1251 : memref<1x64xi32, #tpu.memory_space<vmem>> -> memref<64xi32, #tpu.memory_space<vmem>>
    %dma_start3A_1253 = arith.constant 0 : i32
    %dma_start3A_1254 = arith.constant 0 : i32
    %dma_start3A_1255 = tpu.memref_slice %arg2[%dma_start3A_1253, %dma_start3A_1254] : memref<1000000x64xf32, #tpu.memory_space<hbm>> -> memref<1000000x64xf32, #tpu.memory_space<hbm>>
    tpu.enqueue_indirect_dma source(%dma_start3A_1255 : memref<1000000x64xf32, #tpu.memory_space<hbm>>) target(%dma_start3A_1250 : memref<64x64xf32, #tpu.memory_space<vmem>>) offsets(%dma_start3A_1252 : memref<64xi32, #tpu.memory_space<vmem>>) semaphore(%arg7 : memref<!tpu.dma_semaphore, #tpu.memory_space<semaphore_mem>>)
    %dma_start3A_1256 = arith.constant 1088 : i32
    %dma_start3A_1257 = arith.constant 0 : i32
    %dma_start3A_1258 = tpu.memref_slice %arg6[%dma_start3A_1256, %dma_start3A_1257] : memref<1600x64xf32, #tpu.memory_space<vmem>> -> memref<64x64xf32, #tpu.memory_space<vmem>>
    %dma_start3A_1259 = tpu.memref_slice %arg5[%select_n3A_794, %select_n3A_812] : memref<3x1024xi32, #tpu.memory_space<vmem>> -> memref<1x64xi32, #tpu.memory_space<vmem>>
    %dma_start3A_1260 = tpu.memref_squeeze %dma_start3A_1259 : memref<1x64xi32, #tpu.memory_space<vmem>> -> memref<64xi32, #tpu.memory_space<vmem>>
    %dma_start3A_1261 = arith.constant 0 : i32
    %dma_start3A_1262 = arith.constant 0 : i32
    %dma_start3A_1263 = tpu.memref_slice %arg2[%dma_start3A_1261, %dma_start3A_1262] : memref<1000000x64xf32, #tpu.memory_space<hbm>> -> memref<1000000x64xf32, #tpu.memory_space<hbm>>
    tpu.enqueue_indirect_dma source(%dma_start3A_1263 : memref<1000000x64xf32, #tpu.memory_space<hbm>>) target(%dma_start3A_1258 : memref<64x64xf32, #tpu.memory_space<vmem>>) offsets(%dma_start3A_1260 : memref<64xi32, #tpu.memory_space<vmem>>) semaphore(%arg7 : memref<!tpu.dma_semaphore, #tpu.memory_space<semaphore_mem>>)
    %dma_start3A_1264 = arith.constant 1152 : i32
    %dma_start3A_1265 = arith.constant 0 : i32
    %dma_start3A_1266 = tpu.memref_slice %arg6[%dma_start3A_1264, %dma_start3A_1265] : memref<1600x64xf32, #tpu.memory_space<vmem>> -> memref<64x64xf32, #tpu.memory_space<vmem>>
    %dma_start3A_1267 = tpu.memref_slice %arg5[%select_n3A_838, %select_n3A_856] : memref<3x1024xi32, #tpu.memory_space<vmem>> -> memref<1x64xi32, #tpu.memory_space<vmem>>
    %dma_start3A_1268 = tpu.memref_squeeze %dma_start3A_1267 : memref<1x64xi32, #tpu.memory_space<vmem>> -> memref<64xi32, #tpu.memory_space<vmem>>
    %dma_start3A_1269 = arith.constant 0 : i32
    %dma_start3A_1270 = arith.constant 0 : i32
    %dma_start3A_1271 = tpu.memref_slice %arg2[%dma_start3A_1269, %dma_start3A_1270] : memref<1000000x64xf32, #tpu.memory_space<hbm>> -> memref<1000000x64xf32, #tpu.memory_space<hbm>>
    tpu.enqueue_indirect_dma source(%dma_start3A_1271 : memref<1000000x64xf32, #tpu.memory_space<hbm>>) target(%dma_start3A_1266 : memref<64x64xf32, #tpu.memory_space<vmem>>) offsets(%dma_start3A_1268 : memref<64xi32, #tpu.memory_space<vmem>>) semaphore(%arg7 : memref<!tpu.dma_semaphore, #tpu.memory_space<semaphore_mem>>)
    %dma_start3A_1272 = arith.constant 1216 : i32
    %dma_start3A_1273 = arith.constant 0 : i32
    %dma_start3A_1274 = tpu.memref_slice %arg6[%dma_start3A_1272, %dma_start3A_1273] : memref<1600x64xf32, #tpu.memory_space<vmem>> -> memref<64x64xf32, #tpu.memory_space<vmem>>
    %dma_start3A_1275 = tpu.memref_slice %arg5[%select_n3A_882, %select_n3A_900] : memref<3x1024xi32, #tpu.memory_space<vmem>> -> memref<1x64xi32, #tpu.memory_space<vmem>>
    %dma_start3A_1276 = tpu.memref_squeeze %dma_start3A_1275 : memref<1x64xi32, #tpu.memory_space<vmem>> -> memref<64xi32, #tpu.memory_space<vmem>>
    %dma_start3A_1277 = arith.constant 0 : i32
    %dma_start3A_1278 = arith.constant 0 : i32
    %dma_start3A_1279 = tpu.memref_slice %arg2[%dma_start3A_1277, %dma_start3A_1278] : memref<1000000x64xf32, #tpu.memory_space<hbm>> -> memref<1000000x64xf32, #tpu.memory_space<hbm>>
    tpu.enqueue_indirect_dma source(%dma_start3A_1279 : memref<1000000x64xf32, #tpu.memory_space<hbm>>) target(%dma_start3A_1274 : memref<64x64xf32, #tpu.memory_space<vmem>>) offsets(%dma_start3A_1276 : memref<64xi32, #tpu.memory_space<vmem>>) semaphore(%arg7 : memref<!tpu.dma_semaphore, #tpu.memory_space<semaphore_mem>>)
    %dma_start3A_1280 = arith.constant 1280 : i32
    %dma_start3A_1281 = arith.constant 0 : i32
    %dma_start3A_1282 = tpu.memref_slice %arg6[%dma_start3A_1280, %dma_start3A_1281] : memref<1600x64xf32, #tpu.memory_space<vmem>> -> memref<64x64xf32, #tpu.memory_space<vmem>>
    %dma_start3A_1283 = tpu.memref_slice %arg5[%select_n3A_926, %select_n3A_944] : memref<3x1024xi32, #tpu.memory_space<vmem>> -> memref<1x64xi32, #tpu.memory_space<vmem>>
    %dma_start3A_1284 = tpu.memref_squeeze %dma_start3A_1283 : memref<1x64xi32, #tpu.memory_space<vmem>> -> memref<64xi32, #tpu.memory_space<vmem>>
    %dma_start3A_1285 = arith.constant 0 : i32
    %dma_start3A_1286 = arith.constant 0 : i32
    %dma_start3A_1287 = tpu.memref_slice %arg2[%dma_start3A_1285, %dma_start3A_1286] : memref<1000000x64xf32, #tpu.memory_space<hbm>> -> memref<1000000x64xf32, #tpu.memory_space<hbm>>
    tpu.enqueue_indirect_dma source(%dma_start3A_1287 : memref<1000000x64xf32, #tpu.memory_space<hbm>>) target(%dma_start3A_1282 : memref<64x64xf32, #tpu.memory_space<vmem>>) offsets(%dma_start3A_1284 : memref<64xi32, #tpu.memory_space<vmem>>) semaphore(%arg7 : memref<!tpu.dma_semaphore, #tpu.memory_space<semaphore_mem>>)
    %dma_start3A_1288 = arith.constant 1344 : i32
    %dma_start3A_1289 = arith.constant 0 : i32
    %dma_start3A_1290 = tpu.memref_slice %arg6[%dma_start3A_1288, %dma_start3A_1289] : memref<1600x64xf32, #tpu.memory_space<vmem>> -> memref<64x64xf32, #tpu.memory_space<vmem>>
    %dma_start3A_1291 = tpu.memref_slice %arg5[%select_n3A_970, %select_n3A_988] : memref<3x1024xi32, #tpu.memory_space<vmem>> -> memref<1x64xi32, #tpu.memory_space<vmem>>
    %dma_start3A_1292 = tpu.memref_squeeze %dma_start3A_1291 : memref<1x64xi32, #tpu.memory_space<vmem>> -> memref<64xi32, #tpu.memory_space<vmem>>
    %dma_start3A_1293 = arith.constant 0 : i32
    %dma_start3A_1294 = arith.constant 0 : i32
    %dma_start3A_1295 = tpu.memref_slice %arg2[%dma_start3A_1293, %dma_start3A_1294] : memref<1000000x64xf32, #tpu.memory_space<hbm>> -> memref<1000000x64xf32, #tpu.memory_space<hbm>>
    tpu.enqueue_indirect_dma source(%dma_start3A_1295 : memref<1000000x64xf32, #tpu.memory_space<hbm>>) target(%dma_start3A_1290 : memref<64x64xf32, #tpu.memory_space<vmem>>) offsets(%dma_start3A_1292 : memref<64xi32, #tpu.memory_space<vmem>>) semaphore(%arg7 : memref<!tpu.dma_semaphore, #tpu.memory_space<semaphore_mem>>)
    %dma_start3A_1296 = arith.constant 1408 : i32
    %dma_start3A_1297 = arith.constant 0 : i32
    %dma_start3A_1298 = tpu.memref_slice %arg6[%dma_start3A_1296, %dma_start3A_1297] : memref<1600x64xf32, #tpu.memory_space<vmem>> -> memref<64x64xf32, #tpu.memory_space<vmem>>
    %dma_start3A_1299 = tpu.memref_slice %arg5[%select_n3A_1014, %select_n3A_1032] : memref<3x1024xi32, #tpu.memory_space<vmem>> -> memref<1x64xi32, #tpu.memory_space<vmem>>
    %dma_start3A_1300 = tpu.memref_squeeze %dma_start3A_1299 : memref<1x64xi32, #tpu.memory_space<vmem>> -> memref<64xi32, #tpu.memory_space<vmem>>
    %dma_start3A_1301 = arith.constant 0 : i32
    %dma_start3A_1302 = arith.constant 0 : i32
    %dma_start3A_1303 = tpu.memref_slice %arg2[%dma_start3A_1301, %dma_start3A_1302] : memref<1000000x64xf32, #tpu.memory_space<hbm>> -> memref<1000000x64xf32, #tpu.memory_space<hbm>>
    tpu.enqueue_indirect_dma source(%dma_start3A_1303 : memref<1000000x64xf32, #tpu.memory_space<hbm>>) target(%dma_start3A_1298 : memref<64x64xf32, #tpu.memory_space<vmem>>) offsets(%dma_start3A_1300 : memref<64xi32, #tpu.memory_space<vmem>>) semaphore(%arg7 : memref<!tpu.dma_semaphore, #tpu.memory_space<semaphore_mem>>)
    %dma_start3A_1304 = arith.constant 1472 : i32
    %dma_start3A_1305 = arith.constant 0 : i32
    %dma_start3A_1306 = tpu.memref_slice %arg6[%dma_start3A_1304, %dma_start3A_1305] : memref<1600x64xf32, #tpu.memory_space<vmem>> -> memref<64x64xf32, #tpu.memory_space<vmem>>
    %dma_start3A_1307 = tpu.memref_slice %arg5[%select_n3A_1058, %select_n3A_1076] : memref<3x1024xi32, #tpu.memory_space<vmem>> -> memref<1x64xi32, #tpu.memory_space<vmem>>
    %dma_start3A_1308 = tpu.memref_squeeze %dma_start3A_1307 : memref<1x64xi32, #tpu.memory_space<vmem>> -> memref<64xi32, #tpu.memory_space<vmem>>
    %dma_start3A_1309 = arith.constant 0 : i32
    %dma_start3A_1310 = arith.constant 0 : i32
    %dma_start3A_1311 = tpu.memref_slice %arg2[%dma_start3A_1309, %dma_start3A_1310] : memref<1000000x64xf32, #tpu.memory_space<hbm>> -> memref<1000000x64xf32, #tpu.memory_space<hbm>>
    tpu.enqueue_indirect_dma source(%dma_start3A_1311 : memref<1000000x64xf32, #tpu.memory_space<hbm>>) target(%dma_start3A_1306 : memref<64x64xf32, #tpu.memory_space<vmem>>) offsets(%dma_start3A_1308 : memref<64xi32, #tpu.memory_space<vmem>>) semaphore(%arg7 : memref<!tpu.dma_semaphore, #tpu.memory_space<semaphore_mem>>)
    %dma_start3A_1312 = arith.constant 1536 : i32
    %dma_start3A_1313 = arith.constant 0 : i32
    %dma_start3A_1314 = tpu.memref_slice %arg6[%dma_start3A_1312, %dma_start3A_1313] : memref<1600x64xf32, #tpu.memory_space<vmem>> -> memref<64x64xf32, #tpu.memory_space<vmem>>
    %dma_start3A_1315 = tpu.memref_slice %arg5[%select_n3A_1102, %select_n3A_1120] : memref<3x1024xi32, #tpu.memory_space<vmem>> -> memref<1x64xi32, #tpu.memory_space<vmem>>
    %dma_start3A_1316 = tpu.memref_squeeze %dma_start3A_1315 : memref<1x64xi32, #tpu.memory_space<vmem>> -> memref<64xi32, #tpu.memory_space<vmem>>
    %dma_start3A_1317 = arith.constant 0 : i32
    %dma_start3A_1318 = arith.constant 0 : i32
    %dma_start3A_1319 = tpu.memref_slice %arg2[%dma_start3A_1317, %dma_start3A_1318] : memref<1000000x64xf32, #tpu.memory_space<hbm>> -> memref<1000000x64xf32, #tpu.memory_space<hbm>>
    tpu.enqueue_indirect_dma source(%dma_start3A_1319 : memref<1000000x64xf32, #tpu.memory_space<hbm>>) target(%dma_start3A_1314 : memref<64x64xf32, #tpu.memory_space<vmem>>) offsets(%dma_start3A_1316 : memref<64xi32, #tpu.memory_space<vmem>>) semaphore(%arg7 : memref<!tpu.dma_semaphore, #tpu.memory_space<semaphore_mem>>)
    %dma_wait3A = arith.constant 0 : i32
    %dma_wait3A_1320 = arith.constant 0 : i32
    %dma_wait3A_1321 = tpu.memref_slice %arg6[%dma_wait3A, %dma_wait3A_1320] : memref<1600x64xf32, #tpu.memory_space<vmem>> -> memref<64x64xf32, #tpu.memory_space<vmem>>
    %dma_wait3A_1322 = tpu.memref_slice %arg5[%select_n3A_48, %select_n3A_64] : memref<3x1024xi32, #tpu.memory_space<vmem>> -> memref<1x64xi32, #tpu.memory_space<vmem>>
    %dma_wait3A_1323 = tpu.memref_squeeze %dma_wait3A_1322 : memref<1x64xi32, #tpu.memory_space<vmem>> -> memref<64xi32, #tpu.memory_space<vmem>>
    %dma_wait3A_1324 = arith.constant 0 : i32
    %dma_wait3A_1325 = arith.constant 0 : i32
    %dma_wait3A_1326 = tpu.memref_slice %arg2[%dma_wait3A_1324, %dma_wait3A_1325] : memref<1000000x64xf32, #tpu.memory_space<hbm>> -> memref<1000000x64xf32, #tpu.memory_space<hbm>>
    tpu.wait_indirect_dma semaphore(%arg7 : memref<!tpu.dma_semaphore, #tpu.memory_space<semaphore_mem>>) src(%dma_wait3A_1326 : memref<1000000x64xf32, #tpu.memory_space<hbm>>) dst(%dma_wait3A_1321 : memref<64x64xf32, #tpu.memory_space<vmem>>)
    %dma_wait3A_1327 = arith.constant 64 : i32
    %dma_wait3A_1328 = arith.constant 0 : i32
    %dma_wait3A_1329 = tpu.memref_slice %arg6[%dma_wait3A_1327, %dma_wait3A_1328] : memref<1600x64xf32, #tpu.memory_space<vmem>> -> memref<64x64xf32, #tpu.memory_space<vmem>>
    %dma_wait3A_1330 = tpu.memref_slice %arg5[%select_n3A_90, %select_n3A_108] : memref<3x1024xi32, #tpu.memory_space<vmem>> -> memref<1x64xi32, #tpu.memory_space<vmem>>
    %dma_wait3A_1331 = tpu.memref_squeeze %dma_wait3A_1330 : memref<1x64xi32, #tpu.memory_space<vmem>> -> memref<64xi32, #tpu.memory_space<vmem>>
    %dma_wait3A_1332 = arith.constant 0 : i32
    %dma_wait3A_1333 = arith.constant 0 : i32
    %dma_wait3A_1334 = tpu.memref_slice %arg2[%dma_wait3A_1332, %dma_wait3A_1333] : memref<1000000x64xf32, #tpu.memory_space<hbm>> -> memref<1000000x64xf32, #tpu.memory_space<hbm>>
    tpu.wait_indirect_dma semaphore(%arg7 : memref<!tpu.dma_semaphore, #tpu.memory_space<semaphore_mem>>) src(%dma_wait3A_1334 : memref<1000000x64xf32, #tpu.memory_space<hbm>>) dst(%dma_wait3A_1329 : memref<64x64xf32, #tpu.memory_space<vmem>>)
    %dma_wait3A_1335 = arith.constant 128 : i32
    %dma_wait3A_1336 = arith.constant 0 : i32
    %dma_wait3A_1337 = tpu.memref_slice %arg6[%dma_wait3A_1335, %dma_wait3A_1336] : memref<1600x64xf32, #tpu.memory_space<vmem>> -> memref<64x64xf32, #tpu.memory_space<vmem>>
    %dma_wait3A_1338 = tpu.memref_slice %arg5[%select_n3A_134, %select_n3A_152] : memref<3x1024xi32, #tpu.memory_space<vmem>> -> memref<1x64xi32, #tpu.memory_space<vmem>>
    %dma_wait3A_1339 = tpu.memref_squeeze %dma_wait3A_1338 : memref<1x64xi32, #tpu.memory_space<vmem>> -> memref<64xi32, #tpu.memory_space<vmem>>
    %dma_wait3A_1340 = arith.constant 0 : i32
    %dma_wait3A_1341 = arith.constant 0 : i32
    %dma_wait3A_1342 = tpu.memref_slice %arg2[%dma_wait3A_1340, %dma_wait3A_1341] : memref<1000000x64xf32, #tpu.memory_space<hbm>> -> memref<1000000x64xf32, #tpu.memory_space<hbm>>
    tpu.wait_indirect_dma semaphore(%arg7 : memref<!tpu.dma_semaphore, #tpu.memory_space<semaphore_mem>>) src(%dma_wait3A_1342 : memref<1000000x64xf32, #tpu.memory_space<hbm>>) dst(%dma_wait3A_1337 : memref<64x64xf32, #tpu.memory_space<vmem>>)
    %dma_wait3A_1343 = arith.constant 192 : i32
    %dma_wait3A_1344 = arith.constant 0 : i32
    %dma_wait3A_1345 = tpu.memref_slice %arg6[%dma_wait3A_1343, %dma_wait3A_1344] : memref<1600x64xf32, #tpu.memory_space<vmem>> -> memref<64x64xf32, #tpu.memory_space<vmem>>
    %dma_wait3A_1346 = tpu.memref_slice %arg5[%select_n3A_178, %select_n3A_196] : memref<3x1024xi32, #tpu.memory_space<vmem>> -> memref<1x64xi32, #tpu.memory_space<vmem>>
    %dma_wait3A_1347 = tpu.memref_squeeze %dma_wait3A_1346 : memref<1x64xi32, #tpu.memory_space<vmem>> -> memref<64xi32, #tpu.memory_space<vmem>>
    %dma_wait3A_1348 = arith.constant 0 : i32
    %dma_wait3A_1349 = arith.constant 0 : i32
    %dma_wait3A_1350 = tpu.memref_slice %arg2[%dma_wait3A_1348, %dma_wait3A_1349] : memref<1000000x64xf32, #tpu.memory_space<hbm>> -> memref<1000000x64xf32, #tpu.memory_space<hbm>>
    tpu.wait_indirect_dma semaphore(%arg7 : memref<!tpu.dma_semaphore, #tpu.memory_space<semaphore_mem>>) src(%dma_wait3A_1350 : memref<1000000x64xf32, #tpu.memory_space<hbm>>) dst(%dma_wait3A_1345 : memref<64x64xf32, #tpu.memory_space<vmem>>)
    %dma_wait3A_1351 = arith.constant 256 : i32
    %dma_wait3A_1352 = arith.constant 0 : i32
    %dma_wait3A_1353 = tpu.memref_slice %arg6[%dma_wait3A_1351, %dma_wait3A_1352] : memref<1600x64xf32, #tpu.memory_space<vmem>> -> memref<64x64xf32, #tpu.memory_space<vmem>>
    %dma_wait3A_1354 = tpu.memref_slice %arg5[%select_n3A_222, %select_n3A_240] : memref<3x1024xi32, #tpu.memory_space<vmem>> -> memref<1x64xi32, #tpu.memory_space<vmem>>
    %dma_wait3A_1355 = tpu.memref_squeeze %dma_wait3A_1354 : memref<1x64xi32, #tpu.memory_space<vmem>> -> memref<64xi32, #tpu.memory_space<vmem>>
    %dma_wait3A_1356 = arith.constant 0 : i32
    %dma_wait3A_1357 = arith.constant 0 : i32
    %dma_wait3A_1358 = tpu.memref_slice %arg2[%dma_wait3A_1356, %dma_wait3A_1357] : memref<1000000x64xf32, #tpu.memory_space<hbm>> -> memref<1000000x64xf32, #tpu.memory_space<hbm>>
    tpu.wait_indirect_dma semaphore(%arg7 : memref<!tpu.dma_semaphore, #tpu.memory_space<semaphore_mem>>) src(%dma_wait3A_1358 : memref<1000000x64xf32, #tpu.memory_space<hbm>>) dst(%dma_wait3A_1353 : memref<64x64xf32, #tpu.memory_space<vmem>>)
    %dma_wait3A_1359 = arith.constant 320 : i32
    %dma_wait3A_1360 = arith.constant 0 : i32
    %dma_wait3A_1361 = tpu.memref_slice %arg6[%dma_wait3A_1359, %dma_wait3A_1360] : memref<1600x64xf32, #tpu.memory_space<vmem>> -> memref<64x64xf32, #tpu.memory_space<vmem>>
    %dma_wait3A_1362 = tpu.memref_slice %arg5[%select_n3A_266, %select_n3A_284] : memref<3x1024xi32, #tpu.memory_space<vmem>> -> memref<1x64xi32, #tpu.memory_space<vmem>>
    %dma_wait3A_1363 = tpu.memref_squeeze %dma_wait3A_1362 : memref<1x64xi32, #tpu.memory_space<vmem>> -> memref<64xi32, #tpu.memory_space<vmem>>
    %dma_wait3A_1364 = arith.constant 0 : i32
    %dma_wait3A_1365 = arith.constant 0 : i32
    %dma_wait3A_1366 = tpu.memref_slice %arg2[%dma_wait3A_1364, %dma_wait3A_1365] : memref<1000000x64xf32, #tpu.memory_space<hbm>> -> memref<1000000x64xf32, #tpu.memory_space<hbm>>
    tpu.wait_indirect_dma semaphore(%arg7 : memref<!tpu.dma_semaphore, #tpu.memory_space<semaphore_mem>>) src(%dma_wait3A_1366 : memref<1000000x64xf32, #tpu.memory_space<hbm>>) dst(%dma_wait3A_1361 : memref<64x64xf32, #tpu.memory_space<vmem>>)
    %dma_wait3A_1367 = arith.constant 384 : i32
    %dma_wait3A_1368 = arith.constant 0 : i32
    %dma_wait3A_1369 = tpu.memref_slice %arg6[%dma_wait3A_1367, %dma_wait3A_1368] : memref<1600x64xf32, #tpu.memory_space<vmem>> -> memref<64x64xf32, #tpu.memory_space<vmem>>
    %dma_wait3A_1370 = tpu.memref_slice %arg5[%select_n3A_310, %select_n3A_328] : memref<3x1024xi32, #tpu.memory_space<vmem>> -> memref<1x64xi32, #tpu.memory_space<vmem>>
    %dma_wait3A_1371 = tpu.memref_squeeze %dma_wait3A_1370 : memref<1x64xi32, #tpu.memory_space<vmem>> -> memref<64xi32, #tpu.memory_space<vmem>>
    %dma_wait3A_1372 = arith.constant 0 : i32
    %dma_wait3A_1373 = arith.constant 0 : i32
    %dma_wait3A_1374 = tpu.memref_slice %arg2[%dma_wait3A_1372, %dma_wait3A_1373] : memref<1000000x64xf32, #tpu.memory_space<hbm>> -> memref<1000000x64xf32, #tpu.memory_space<hbm>>
    tpu.wait_indirect_dma semaphore(%arg7 : memref<!tpu.dma_semaphore, #tpu.memory_space<semaphore_mem>>) src(%dma_wait3A_1374 : memref<1000000x64xf32, #tpu.memory_space<hbm>>) dst(%dma_wait3A_1369 : memref<64x64xf32, #tpu.memory_space<vmem>>)
    %dma_wait3A_1375 = arith.constant 448 : i32
    %dma_wait3A_1376 = arith.constant 0 : i32
    %dma_wait3A_1377 = tpu.memref_slice %arg6[%dma_wait3A_1375, %dma_wait3A_1376] : memref<1600x64xf32, #tpu.memory_space<vmem>> -> memref<64x64xf32, #tpu.memory_space<vmem>>
    %dma_wait3A_1378 = tpu.memref_slice %arg5[%select_n3A_354, %select_n3A_372] : memref<3x1024xi32, #tpu.memory_space<vmem>> -> memref<1x64xi32, #tpu.memory_space<vmem>>
    %dma_wait3A_1379 = tpu.memref_squeeze %dma_wait3A_1378 : memref<1x64xi32, #tpu.memory_space<vmem>> -> memref<64xi32, #tpu.memory_space<vmem>>
    %dma_wait3A_1380 = arith.constant 0 : i32
    %dma_wait3A_1381 = arith.constant 0 : i32
    %dma_wait3A_1382 = tpu.memref_slice %arg2[%dma_wait3A_1380, %dma_wait3A_1381] : memref<1000000x64xf32, #tpu.memory_space<hbm>> -> memref<1000000x64xf32, #tpu.memory_space<hbm>>
    tpu.wait_indirect_dma semaphore(%arg7 : memref<!tpu.dma_semaphore, #tpu.memory_space<semaphore_mem>>) src(%dma_wait3A_1382 : memref<1000000x64xf32, #tpu.memory_space<hbm>>) dst(%dma_wait3A_1377 : memref<64x64xf32, #tpu.memory_space<vmem>>)
    %dma_wait3A_1383 = arith.constant 512 : i32
    %dma_wait3A_1384 = arith.constant 0 : i32
    %dma_wait3A_1385 = tpu.memref_slice %arg6[%dma_wait3A_1383, %dma_wait3A_1384] : memref<1600x64xf32, #tpu.memory_space<vmem>> -> memref<64x64xf32, #tpu.memory_space<vmem>>
    %dma_wait3A_1386 = tpu.memref_slice %arg5[%select_n3A_398, %select_n3A_416] : memref<3x1024xi32, #tpu.memory_space<vmem>> -> memref<1x64xi32, #tpu.memory_space<vmem>>
    %dma_wait3A_1387 = tpu.memref_squeeze %dma_wait3A_1386 : memref<1x64xi32, #tpu.memory_space<vmem>> -> memref<64xi32, #tpu.memory_space<vmem>>
    %dma_wait3A_1388 = arith.constant 0 : i32
    %dma_wait3A_1389 = arith.constant 0 : i32
    %dma_wait3A_1390 = tpu.memref_slice %arg2[%dma_wait3A_1388, %dma_wait3A_1389] : memref<1000000x64xf32, #tpu.memory_space<hbm>> -> memref<1000000x64xf32, #tpu.memory_space<hbm>>
    tpu.wait_indirect_dma semaphore(%arg7 : memref<!tpu.dma_semaphore, #tpu.memory_space<semaphore_mem>>) src(%dma_wait3A_1390 : memref<1000000x64xf32, #tpu.memory_space<hbm>>) dst(%dma_wait3A_1385 : memref<64x64xf32, #tpu.memory_space<vmem>>)
    %dma_wait3A_1391 = arith.constant 576 : i32
    %dma_wait3A_1392 = arith.constant 0 : i32
    %dma_wait3A_1393 = tpu.memref_slice %arg6[%dma_wait3A_1391, %dma_wait3A_1392] : memref<1600x64xf32, #tpu.memory_space<vmem>> -> memref<64x64xf32, #tpu.memory_space<vmem>>
    %dma_wait3A_1394 = tpu.memref_slice %arg5[%select_n3A_442, %select_n3A_460] : memref<3x1024xi32, #tpu.memory_space<vmem>> -> memref<1x64xi32, #tpu.memory_space<vmem>>
    %dma_wait3A_1395 = tpu.memref_squeeze %dma_wait3A_1394 : memref<1x64xi32, #tpu.memory_space<vmem>> -> memref<64xi32, #tpu.memory_space<vmem>>
    %dma_wait3A_1396 = arith.constant 0 : i32
    %dma_wait3A_1397 = arith.constant 0 : i32
    %dma_wait3A_1398 = tpu.memref_slice %arg2[%dma_wait3A_1396, %dma_wait3A_1397] : memref<1000000x64xf32, #tpu.memory_space<hbm>> -> memref<1000000x64xf32, #tpu.memory_space<hbm>>
    tpu.wait_indirect_dma semaphore(%arg7 : memref<!tpu.dma_semaphore, #tpu.memory_space<semaphore_mem>>) src(%dma_wait3A_1398 : memref<1000000x64xf32, #tpu.memory_space<hbm>>) dst(%dma_wait3A_1393 : memref<64x64xf32, #tpu.memory_space<vmem>>)
    %dma_wait3A_1399 = arith.constant 640 : i32
    %dma_wait3A_1400 = arith.constant 0 : i32
    %dma_wait3A_1401 = tpu.memref_slice %arg6[%dma_wait3A_1399, %dma_wait3A_1400] : memref<1600x64xf32, #tpu.memory_space<vmem>> -> memref<64x64xf32, #tpu.memory_space<vmem>>
    %dma_wait3A_1402 = tpu.memref_slice %arg5[%select_n3A_486, %select_n3A_504] : memref<3x1024xi32, #tpu.memory_space<vmem>> -> memref<1x64xi32, #tpu.memory_space<vmem>>
    %dma_wait3A_1403 = tpu.memref_squeeze %dma_wait3A_1402 : memref<1x64xi32, #tpu.memory_space<vmem>> -> memref<64xi32, #tpu.memory_space<vmem>>
    %dma_wait3A_1404 = arith.constant 0 : i32
    %dma_wait3A_1405 = arith.constant 0 : i32
    %dma_wait3A_1406 = tpu.memref_slice %arg2[%dma_wait3A_1404, %dma_wait3A_1405] : memref<1000000x64xf32, #tpu.memory_space<hbm>> -> memref<1000000x64xf32, #tpu.memory_space<hbm>>
    tpu.wait_indirect_dma semaphore(%arg7 : memref<!tpu.dma_semaphore, #tpu.memory_space<semaphore_mem>>) src(%dma_wait3A_1406 : memref<1000000x64xf32, #tpu.memory_space<hbm>>) dst(%dma_wait3A_1401 : memref<64x64xf32, #tpu.memory_space<vmem>>)
    %dma_wait3A_1407 = arith.constant 704 : i32
    %dma_wait3A_1408 = arith.constant 0 : i32
    %dma_wait3A_1409 = tpu.memref_slice %arg6[%dma_wait3A_1407, %dma_wait3A_1408] : memref<1600x64xf32, #tpu.memory_space<vmem>> -> memref<64x64xf32, #tpu.memory_space<vmem>>
    %dma_wait3A_1410 = tpu.memref_slice %arg5[%select_n3A_530, %select_n3A_548] : memref<3x1024xi32, #tpu.memory_space<vmem>> -> memref<1x64xi32, #tpu.memory_space<vmem>>
    %dma_wait3A_1411 = tpu.memref_squeeze %dma_wait3A_1410 : memref<1x64xi32, #tpu.memory_space<vmem>> -> memref<64xi32, #tpu.memory_space<vmem>>
    %dma_wait3A_1412 = arith.constant 0 : i32
    %dma_wait3A_1413 = arith.constant 0 : i32
    %dma_wait3A_1414 = tpu.memref_slice %arg2[%dma_wait3A_1412, %dma_wait3A_1413] : memref<1000000x64xf32, #tpu.memory_space<hbm>> -> memref<1000000x64xf32, #tpu.memory_space<hbm>>
    tpu.wait_indirect_dma semaphore(%arg7 : memref<!tpu.dma_semaphore, #tpu.memory_space<semaphore_mem>>) src(%dma_wait3A_1414 : memref<1000000x64xf32, #tpu.memory_space<hbm>>) dst(%dma_wait3A_1409 : memref<64x64xf32, #tpu.memory_space<vmem>>)
    %dma_wait3A_1415 = arith.constant 768 : i32
    %dma_wait3A_1416 = arith.constant 0 : i32
    %dma_wait3A_1417 = tpu.memref_slice %arg6[%dma_wait3A_1415, %dma_wait3A_1416] : memref<1600x64xf32, #tpu.memory_space<vmem>> -> memref<64x64xf32, #tpu.memory_space<vmem>>
    %dma_wait3A_1418 = tpu.memref_slice %arg5[%select_n3A_574, %select_n3A_592] : memref<3x1024xi32, #tpu.memory_space<vmem>> -> memref<1x64xi32, #tpu.memory_space<vmem>>
    %dma_wait3A_1419 = tpu.memref_squeeze %dma_wait3A_1418 : memref<1x64xi32, #tpu.memory_space<vmem>> -> memref<64xi32, #tpu.memory_space<vmem>>
    %dma_wait3A_1420 = arith.constant 0 : i32
    %dma_wait3A_1421 = arith.constant 0 : i32
    %dma_wait3A_1422 = tpu.memref_slice %arg2[%dma_wait3A_1420, %dma_wait3A_1421] : memref<1000000x64xf32, #tpu.memory_space<hbm>> -> memref<1000000x64xf32, #tpu.memory_space<hbm>>
    tpu.wait_indirect_dma semaphore(%arg7 : memref<!tpu.dma_semaphore, #tpu.memory_space<semaphore_mem>>) src(%dma_wait3A_1422 : memref<1000000x64xf32, #tpu.memory_space<hbm>>) dst(%dma_wait3A_1417 : memref<64x64xf32, #tpu.memory_space<vmem>>)
    %dma_wait3A_1423 = arith.constant 832 : i32
    %dma_wait3A_1424 = arith.constant 0 : i32
    %dma_wait3A_1425 = tpu.memref_slice %arg6[%dma_wait3A_1423, %dma_wait3A_1424] : memref<1600x64xf32, #tpu.memory_space<vmem>> -> memref<64x64xf32, #tpu.memory_space<vmem>>
    %dma_wait3A_1426 = tpu.memref_slice %arg5[%select_n3A_618, %select_n3A_636] : memref<3x1024xi32, #tpu.memory_space<vmem>> -> memref<1x64xi32, #tpu.memory_space<vmem>>
    %dma_wait3A_1427 = tpu.memref_squeeze %dma_wait3A_1426 : memref<1x64xi32, #tpu.memory_space<vmem>> -> memref<64xi32, #tpu.memory_space<vmem>>
    %dma_wait3A_1428 = arith.constant 0 : i32
    %dma_wait3A_1429 = arith.constant 0 : i32
    %dma_wait3A_1430 = tpu.memref_slice %arg2[%dma_wait3A_1428, %dma_wait3A_1429] : memref<1000000x64xf32, #tpu.memory_space<hbm>> -> memref<1000000x64xf32, #tpu.memory_space<hbm>>
    tpu.wait_indirect_dma semaphore(%arg7 : memref<!tpu.dma_semaphore, #tpu.memory_space<semaphore_mem>>) src(%dma_wait3A_1430 : memref<1000000x64xf32, #tpu.memory_space<hbm>>) dst(%dma_wait3A_1425 : memref<64x64xf32, #tpu.memory_space<vmem>>)
    %dma_wait3A_1431 = arith.constant 896 : i32
    %dma_wait3A_1432 = arith.constant 0 : i32
    %dma_wait3A_1433 = tpu.memref_slice %arg6[%dma_wait3A_1431, %dma_wait3A_1432] : memref<1600x64xf32, #tpu.memory_space<vmem>> -> memref<64x64xf32, #tpu.memory_space<vmem>>
    %dma_wait3A_1434 = tpu.memref_slice %arg5[%select_n3A_662, %select_n3A_680] : memref<3x1024xi32, #tpu.memory_space<vmem>> -> memref<1x64xi32, #tpu.memory_space<vmem>>
    %dma_wait3A_1435 = tpu.memref_squeeze %dma_wait3A_1434 : memref<1x64xi32, #tpu.memory_space<vmem>> -> memref<64xi32, #tpu.memory_space<vmem>>
    %dma_wait3A_1436 = arith.constant 0 : i32
    %dma_wait3A_1437 = arith.constant 0 : i32
    %dma_wait3A_1438 = tpu.memref_slice %arg2[%dma_wait3A_1436, %dma_wait3A_1437] : memref<1000000x64xf32, #tpu.memory_space<hbm>> -> memref<1000000x64xf32, #tpu.memory_space<hbm>>
    tpu.wait_indirect_dma semaphore(%arg7 : memref<!tpu.dma_semaphore, #tpu.memory_space<semaphore_mem>>) src(%dma_wait3A_1438 : memref<1000000x64xf32, #tpu.memory_space<hbm>>) dst(%dma_wait3A_1433 : memref<64x64xf32, #tpu.memory_space<vmem>>)
    %dma_wait3A_1439 = arith.constant 960 : i32
    %dma_wait3A_1440 = arith.constant 0 : i32
    %dma_wait3A_1441 = tpu.memref_slice %arg6[%dma_wait3A_1439, %dma_wait3A_1440] : memref<1600x64xf32, #tpu.memory_space<vmem>> -> memref<64x64xf32, #tpu.memory_space<vmem>>
    %dma_wait3A_1442 = tpu.memref_slice %arg5[%select_n3A_706, %select_n3A_724] : memref<3x1024xi32, #tpu.memory_space<vmem>> -> memref<1x64xi32, #tpu.memory_space<vmem>>
    %dma_wait3A_1443 = tpu.memref_squeeze %dma_wait3A_1442 : memref<1x64xi32, #tpu.memory_space<vmem>> -> memref<64xi32, #tpu.memory_space<vmem>>
    %dma_wait3A_1444 = arith.constant 0 : i32
    %dma_wait3A_1445 = arith.constant 0 : i32
    %dma_wait3A_1446 = tpu.memref_slice %arg2[%dma_wait3A_1444, %dma_wait3A_1445] : memref<1000000x64xf32, #tpu.memory_space<hbm>> -> memref<1000000x64xf32, #tpu.memory_space<hbm>>
    tpu.wait_indirect_dma semaphore(%arg7 : memref<!tpu.dma_semaphore, #tpu.memory_space<semaphore_mem>>) src(%dma_wait3A_1446 : memref<1000000x64xf32, #tpu.memory_space<hbm>>) dst(%dma_wait3A_1441 : memref<64x64xf32, #tpu.memory_space<vmem>>)
    %dma_wait3A_1447 = arith.constant 1024 : i32
    %dma_wait3A_1448 = arith.constant 0 : i32
    %dma_wait3A_1449 = tpu.memref_slice %arg6[%dma_wait3A_1447, %dma_wait3A_1448] : memref<1600x64xf32, #tpu.memory_space<vmem>> -> memref<64x64xf32, #tpu.memory_space<vmem>>
    %dma_wait3A_1450 = tpu.memref_slice %arg5[%select_n3A_750, %select_n3A_768] : memref<3x1024xi32, #tpu.memory_space<vmem>> -> memref<1x64xi32, #tpu.memory_space<vmem>>
    %dma_wait3A_1451 = tpu.memref_squeeze %dma_wait3A_1450 : memref<1x64xi32, #tpu.memory_space<vmem>> -> memref<64xi32, #tpu.memory_space<vmem>>
    %dma_wait3A_1452 = arith.constant 0 : i32
    %dma_wait3A_1453 = arith.constant 0 : i32
    %dma_wait3A_1454 = tpu.memref_slice %arg2[%dma_wait3A_1452, %dma_wait3A_1453] : memref<1000000x64xf32, #tpu.memory_space<hbm>> -> memref<1000000x64xf32, #tpu.memory_space<hbm>>
    tpu.wait_indirect_dma semaphore(%arg7 : memref<!tpu.dma_semaphore, #tpu.memory_space<semaphore_mem>>) src(%dma_wait3A_1454 : memref<1000000x64xf32, #tpu.memory_space<hbm>>) dst(%dma_wait3A_1449 : memref<64x64xf32, #tpu.memory_space<vmem>>)
    %dma_wait3A_1455 = arith.constant 1088 : i32
    %dma_wait3A_1456 = arith.constant 0 : i32
    %dma_wait3A_1457 = tpu.memref_slice %arg6[%dma_wait3A_1455, %dma_wait3A_1456] : memref<1600x64xf32, #tpu.memory_space<vmem>> -> memref<64x64xf32, #tpu.memory_space<vmem>>
    %dma_wait3A_1458 = tpu.memref_slice %arg5[%select_n3A_794, %select_n3A_812] : memref<3x1024xi32, #tpu.memory_space<vmem>> -> memref<1x64xi32, #tpu.memory_space<vmem>>
    %dma_wait3A_1459 = tpu.memref_squeeze %dma_wait3A_1458 : memref<1x64xi32, #tpu.memory_space<vmem>> -> memref<64xi32, #tpu.memory_space<vmem>>
    %dma_wait3A_1460 = arith.constant 0 : i32
    %dma_wait3A_1461 = arith.constant 0 : i32
    %dma_wait3A_1462 = tpu.memref_slice %arg2[%dma_wait3A_1460, %dma_wait3A_1461] : memref<1000000x64xf32, #tpu.memory_space<hbm>> -> memref<1000000x64xf32, #tpu.memory_space<hbm>>
    tpu.wait_indirect_dma semaphore(%arg7 : memref<!tpu.dma_semaphore, #tpu.memory_space<semaphore_mem>>) src(%dma_wait3A_1462 : memref<1000000x64xf32, #tpu.memory_space<hbm>>) dst(%dma_wait3A_1457 : memref<64x64xf32, #tpu.memory_space<vmem>>)
    %dma_wait3A_1463 = arith.constant 1152 : i32
    %dma_wait3A_1464 = arith.constant 0 : i32
    %dma_wait3A_1465 = tpu.memref_slice %arg6[%dma_wait3A_1463, %dma_wait3A_1464] : memref<1600x64xf32, #tpu.memory_space<vmem>> -> memref<64x64xf32, #tpu.memory_space<vmem>>
    %dma_wait3A_1466 = tpu.memref_slice %arg5[%select_n3A_838, %select_n3A_856] : memref<3x1024xi32, #tpu.memory_space<vmem>> -> memref<1x64xi32, #tpu.memory_space<vmem>>
    %dma_wait3A_1467 = tpu.memref_squeeze %dma_wait3A_1466 : memref<1x64xi32, #tpu.memory_space<vmem>> -> memref<64xi32, #tpu.memory_space<vmem>>
    %dma_wait3A_1468 = arith.constant 0 : i32
    %dma_wait3A_1469 = arith.constant 0 : i32
    %dma_wait3A_1470 = tpu.memref_slice %arg2[%dma_wait3A_1468, %dma_wait3A_1469] : memref<1000000x64xf32, #tpu.memory_space<hbm>> -> memref<1000000x64xf32, #tpu.memory_space<hbm>>
    tpu.wait_indirect_dma semaphore(%arg7 : memref<!tpu.dma_semaphore, #tpu.memory_space<semaphore_mem>>) src(%dma_wait3A_1470 : memref<1000000x64xf32, #tpu.memory_space<hbm>>) dst(%dma_wait3A_1465 : memref<64x64xf32, #tpu.memory_space<vmem>>)
    %dma_wait3A_1471 = arith.constant 1216 : i32
    %dma_wait3A_1472 = arith.constant 0 : i32
    %dma_wait3A_1473 = tpu.memref_slice %arg6[%dma_wait3A_1471, %dma_wait3A_1472] : memref<1600x64xf32, #tpu.memory_space<vmem>> -> memref<64x64xf32, #tpu.memory_space<vmem>>
    %dma_wait3A_1474 = tpu.memref_slice %arg5[%select_n3A_882, %select_n3A_900] : memref<3x1024xi32, #tpu.memory_space<vmem>> -> memref<1x64xi32, #tpu.memory_space<vmem>>
    %dma_wait3A_1475 = tpu.memref_squeeze %dma_wait3A_1474 : memref<1x64xi32, #tpu.memory_space<vmem>> -> memref<64xi32, #tpu.memory_space<vmem>>
    %dma_wait3A_1476 = arith.constant 0 : i32
    %dma_wait3A_1477 = arith.constant 0 : i32
    %dma_wait3A_1478 = tpu.memref_slice %arg2[%dma_wait3A_1476, %dma_wait3A_1477] : memref<1000000x64xf32, #tpu.memory_space<hbm>> -> memref<1000000x64xf32, #tpu.memory_space<hbm>>
    tpu.wait_indirect_dma semaphore(%arg7 : memref<!tpu.dma_semaphore, #tpu.memory_space<semaphore_mem>>) src(%dma_wait3A_1478 : memref<1000000x64xf32, #tpu.memory_space<hbm>>) dst(%dma_wait3A_1473 : memref<64x64xf32, #tpu.memory_space<vmem>>)
    %dma_wait3A_1479 = arith.constant 1280 : i32
    %dma_wait3A_1480 = arith.constant 0 : i32
    %dma_wait3A_1481 = tpu.memref_slice %arg6[%dma_wait3A_1479, %dma_wait3A_1480] : memref<1600x64xf32, #tpu.memory_space<vmem>> -> memref<64x64xf32, #tpu.memory_space<vmem>>
    %dma_wait3A_1482 = tpu.memref_slice %arg5[%select_n3A_926, %select_n3A_944] : memref<3x1024xi32, #tpu.memory_space<vmem>> -> memref<1x64xi32, #tpu.memory_space<vmem>>
    %dma_wait3A_1483 = tpu.memref_squeeze %dma_wait3A_1482 : memref<1x64xi32, #tpu.memory_space<vmem>> -> memref<64xi32, #tpu.memory_space<vmem>>
    %dma_wait3A_1484 = arith.constant 0 : i32
    %dma_wait3A_1485 = arith.constant 0 : i32
    %dma_wait3A_1486 = tpu.memref_slice %arg2[%dma_wait3A_1484, %dma_wait3A_1485] : memref<1000000x64xf32, #tpu.memory_space<hbm>> -> memref<1000000x64xf32, #tpu.memory_space<hbm>>
    tpu.wait_indirect_dma semaphore(%arg7 : memref<!tpu.dma_semaphore, #tpu.memory_space<semaphore_mem>>) src(%dma_wait3A_1486 : memref<1000000x64xf32, #tpu.memory_space<hbm>>) dst(%dma_wait3A_1481 : memref<64x64xf32, #tpu.memory_space<vmem>>)
    %dma_wait3A_1487 = arith.constant 1344 : i32
    %dma_wait3A_1488 = arith.constant 0 : i32
    %dma_wait3A_1489 = tpu.memref_slice %arg6[%dma_wait3A_1487, %dma_wait3A_1488] : memref<1600x64xf32, #tpu.memory_space<vmem>> -> memref<64x64xf32, #tpu.memory_space<vmem>>
    %dma_wait3A_1490 = tpu.memref_slice %arg5[%select_n3A_970, %select_n3A_988] : memref<3x1024xi32, #tpu.memory_space<vmem>> -> memref<1x64xi32, #tpu.memory_space<vmem>>
    %dma_wait3A_1491 = tpu.memref_squeeze %dma_wait3A_1490 : memref<1x64xi32, #tpu.memory_space<vmem>> -> memref<64xi32, #tpu.memory_space<vmem>>
    %dma_wait3A_1492 = arith.constant 0 : i32
    %dma_wait3A_1493 = arith.constant 0 : i32
    %dma_wait3A_1494 = tpu.memref_slice %arg2[%dma_wait3A_1492, %dma_wait3A_1493] : memref<1000000x64xf32, #tpu.memory_space<hbm>> -> memref<1000000x64xf32, #tpu.memory_space<hbm>>
    tpu.wait_indirect_dma semaphore(%arg7 : memref<!tpu.dma_semaphore, #tpu.memory_space<semaphore_mem>>) src(%dma_wait3A_1494 : memref<1000000x64xf32, #tpu.memory_space<hbm>>) dst(%dma_wait3A_1489 : memref<64x64xf32, #tpu.memory_space<vmem>>)
    %dma_wait3A_1495 = arith.constant 1408 : i32
    %dma_wait3A_1496 = arith.constant 0 : i32
    %dma_wait3A_1497 = tpu.memref_slice %arg6[%dma_wait3A_1495, %dma_wait3A_1496] : memref<1600x64xf32, #tpu.memory_space<vmem>> -> memref<64x64xf32, #tpu.memory_space<vmem>>
    %dma_wait3A_1498 = tpu.memref_slice %arg5[%select_n3A_1014, %select_n3A_1032] : memref<3x1024xi32, #tpu.memory_space<vmem>> -> memref<1x64xi32, #tpu.memory_space<vmem>>
    %dma_wait3A_1499 = tpu.memref_squeeze %dma_wait3A_1498 : memref<1x64xi32, #tpu.memory_space<vmem>> -> memref<64xi32, #tpu.memory_space<vmem>>
    %dma_wait3A_1500 = arith.constant 0 : i32
    %dma_wait3A_1501 = arith.constant 0 : i32
    %dma_wait3A_1502 = tpu.memref_slice %arg2[%dma_wait3A_1500, %dma_wait3A_1501] : memref<1000000x64xf32, #tpu.memory_space<hbm>> -> memref<1000000x64xf32, #tpu.memory_space<hbm>>
    tpu.wait_indirect_dma semaphore(%arg7 : memref<!tpu.dma_semaphore, #tpu.memory_space<semaphore_mem>>) src(%dma_wait3A_1502 : memref<1000000x64xf32, #tpu.memory_space<hbm>>) dst(%dma_wait3A_1497 : memref<64x64xf32, #tpu.memory_space<vmem>>)
    %dma_wait3A_1503 = arith.constant 1472 : i32
    %dma_wait3A_1504 = arith.constant 0 : i32
    %dma_wait3A_1505 = tpu.memref_slice %arg6[%dma_wait3A_1503, %dma_wait3A_1504] : memref<1600x64xf32, #tpu.memory_space<vmem>> -> memref<64x64xf32, #tpu.memory_space<vmem>>
    %dma_wait3A_1506 = tpu.memref_slice %arg5[%select_n3A_1058, %select_n3A_1076] : memref<3x1024xi32, #tpu.memory_space<vmem>> -> memref<1x64xi32, #tpu.memory_space<vmem>>
    %dma_wait3A_1507 = tpu.memref_squeeze %dma_wait3A_1506 : memref<1x64xi32, #tpu.memory_space<vmem>> -> memref<64xi32, #tpu.memory_space<vmem>>
    %dma_wait3A_1508 = arith.constant 0 : i32
    %dma_wait3A_1509 = arith.constant 0 : i32
    %dma_wait3A_1510 = tpu.memref_slice %arg2[%dma_wait3A_1508, %dma_wait3A_1509] : memref<1000000x64xf32, #tpu.memory_space<hbm>> -> memref<1000000x64xf32, #tpu.memory_space<hbm>>
    tpu.wait_indirect_dma semaphore(%arg7 : memref<!tpu.dma_semaphore, #tpu.memory_space<semaphore_mem>>) src(%dma_wait3A_1510 : memref<1000000x64xf32, #tpu.memory_space<hbm>>) dst(%dma_wait3A_1505 : memref<64x64xf32, #tpu.memory_space<vmem>>)
    %dma_wait3A_1511 = arith.constant 1536 : i32
    %dma_wait3A_1512 = arith.constant 0 : i32
    %dma_wait3A_1513 = tpu.memref_slice %arg6[%dma_wait3A_1511, %dma_wait3A_1512] : memref<1600x64xf32, #tpu.memory_space<vmem>> -> memref<64x64xf32, #tpu.memory_space<vmem>>
    %dma_wait3A_1514 = tpu.memref_slice %arg5[%select_n3A_1102, %select_n3A_1120] : memref<3x1024xi32, #tpu.memory_space<vmem>> -> memref<1x64xi32, #tpu.memory_space<vmem>>
    %dma_wait3A_1515 = tpu.memref_squeeze %dma_wait3A_1514 : memref<1x64xi32, #tpu.memory_space<vmem>> -> memref<64xi32, #tpu.memory_space<vmem>>
    %dma_wait3A_1516 = arith.constant 0 : i32
    %dma_wait3A_1517 = arith.constant 0 : i32
    %dma_wait3A_1518 = tpu.memref_slice %arg2[%dma_wait3A_1516, %dma_wait3A_1517] : memref<1000000x64xf32, #tpu.memory_space<hbm>> -> memref<1000000x64xf32, #tpu.memory_space<hbm>>
    tpu.wait_indirect_dma semaphore(%arg7 : memref<!tpu.dma_semaphore, #tpu.memory_space<semaphore_mem>>) src(%dma_wait3A_1518 : memref<1000000x64xf32, #tpu.memory_space<hbm>>) dst(%dma_wait3A_1513 : memref<64x64xf32, #tpu.memory_space<vmem>>)
    "tpu.region"() ({
      %run_scoped3A = tpu.sem_alloc : memref<!tpu.dma_semaphore, #tpu.memory_space<semaphore_mem>>
      %dma_start3A_1519 = arith.constant 0 : i32
      %dma_start3A_1520 = tpu.memref_slice %arg4[%mul3A_2, %dma_start3A_1519] : memref<51200x64xf32, #tpu.memory_space<hbm>> -> memref<1600x64xf32, #tpu.memory_space<hbm>>
      %dma_start3A_1521 = arith.constant 0 : i32
      %dma_start3A_1522 = tpu.memref_slice %arg4[%mul3A_2, %dma_start3A_1521] : memref<51200x64xf32, #tpu.memory_space<hbm>> -> memref<1600x64xf32, #tpu.memory_space<hbm>>
      tpu.enqueue_dma source(%arg6 : memref<1600x64xf32, #tpu.memory_space<vmem>>) target(%dma_start3A_1522 : memref<1600x64xf32, #tpu.memory_space<hbm>>) target_semaphore(%run_scoped3A : memref<!tpu.dma_semaphore, #tpu.memory_space<semaphore_mem>>)
      %dma_wait3A_1523 = arith.constant 0 : i32
      %dma_wait3A_1524 = tpu.memref_slice %arg4[%mul3A_2, %dma_wait3A_1523] : memref<51200x64xf32, #tpu.memory_space<hbm>> -> memref<1600x64xf32, #tpu.memory_space<hbm>>
      %dma_wait3A_1525 = arith.constant 0 : i32
      %dma_wait3A_1526 = tpu.memref_slice %arg4[%mul3A_2, %dma_wait3A_1525] : memref<51200x64xf32, #tpu.memory_space<hbm>> -> memref<1600x64xf32, #tpu.memory_space<hbm>>
      tpu.wait_dma2 semaphore(%run_scoped3A : memref<!tpu.dma_semaphore, #tpu.memory_space<semaphore_mem>>) src(%arg6 : memref<1600x64xf32, #tpu.memory_space<vmem>>) dst(%dma_wait3A_1526 : memref<1600x64xf32, #tpu.memory_space<hbm>>)
      tpu.yield
    }) : () -> ()
    return
  }
}

module attributes {stable_mosaic.version = 14 : i64} {
  func.func @_tr_body(%arg0: memref<1024x50xi32, #tpu.memory_space<vmem>>, %arg1: memref<50x1024xi32, #tpu.memory_space<any>>, %arg2: memref<50x1024xi32, #tpu.memory_space<vmem>>, %arg3: memref<!tpu.dma_semaphore, #tpu.memory_space<semaphore_mem>>) attributes {dimension_semantics = [], scalar_prefetch = 0 : i64, scratch_operands = 2 : i64, tpu.core_type = #tpu.core_type<tc>} {
    %get3A = arith.constant 0 : index
    %get3A_0 = arith.constant 0 : index
    %get3A_1 = vector.load %arg0[%get3A, %get3A_0] : memref<1024x50xi32, #tpu.memory_space<vmem>>, vector<1024x50xi32>
    %transpose3A = tpu.transpose %get3A_1, [1, 0] : vector<1024x50xi32> -> vector<50x1024xi32>
    %swap3A = arith.constant 0 : index
    %swap3A_2 = arith.constant 0 : index
    %swap3A_3 = vector.load %arg2[%swap3A, %swap3A_2] : memref<50x1024xi32, #tpu.memory_space<vmem>>, vector<50x1024xi32>
    tpu.vector_store %arg2[%swap3A, %swap3A_2], %transpose3A {strides = array<i32>} : memref<50x1024xi32, #tpu.memory_space<vmem>>, vector<50x1024xi32>,
    tpu.enqueue_dma source(%arg2 : memref<50x1024xi32, #tpu.memory_space<vmem>>) target(%arg1 : memref<50x1024xi32, #tpu.memory_space<any>>) target_semaphore(%arg3 : memref<!tpu.dma_semaphore, #tpu.memory_space<semaphore_mem>>)
    tpu.wait_dma2 semaphore(%arg3 : memref<!tpu.dma_semaphore, #tpu.memory_space<semaphore_mem>>) src(%arg2 : memref<50x1024xi32, #tpu.memory_space<vmem>>) dst(%arg1 : memref<50x1024xi32, #tpu.memory_space<any>>)
    return
  }
}

module attributes {stable_mosaic.version = 14 : i64} {
  func.func @_lstm_body(%arg0: memref<51200x64xf32, #tpu.memory_space<any>>, %arg1: memref<256x512xbf16, #tpu.memory_space<vmem>>, %arg2: memref<256x512xbf16, #tpu.memory_space<vmem>>, %arg3: memref<1x512xf32, #tpu.memory_space<vmem>>, %arg4: memref<1x512xf32, #tpu.memory_space<vmem>>, %arg5: memref<256x512xbf16, #tpu.memory_space<vmem>>, %arg6: memref<256x512xbf16, #tpu.memory_space<vmem>>, %arg7: memref<128x512xbf16, #tpu.memory_space<vmem>>, %arg8: memref<128x512xbf16, #tpu.memory_space<vmem>>, %arg9: memref<1x512xf32, #tpu.memory_space<vmem>>, %arg10: memref<1x512xf32, #tpu.memory_space<vmem>>, %arg11: memref<1024x50x256xf32, #tpu.memory_space<any>>, %arg12: memref<4x1024x128xf32, #tpu.memory_space<vmem>>, %arg13: memref<4x1024x128xf32, #tpu.memory_space<vmem>>, %arg14: memref<50x1024x128xbf16, #tpu.memory_space<vmem>>, %arg15: memref<50x1024x128xbf16, #tpu.memory_space<vmem>>, %arg16: memref<1024x64xf32, #tpu.memory_space<vmem>>, %arg17: memref<1024x64xf32, #tpu.memory_space<vmem>>, %arg18: memref<1024x64xf32, #tpu.memory_space<vmem>>, %arg19: memref<1024x64xf32, #tpu.memory_space<vmem>>, %arg20: memref<!tpu.dma_semaphore, #tpu.memory_space<semaphore_mem>>, %arg21: memref<!tpu.dma_semaphore, #tpu.memory_space<semaphore_mem>>, %arg22: memref<!tpu.dma_semaphore, #tpu.memory_space<semaphore_mem>>, %arg23: memref<!tpu.dma_semaphore, #tpu.memory_space<semaphore_mem>>, %arg24: memref<1024x128xf32, #tpu.memory_space<vmem>>, %arg25: memref<1024x128xf32, #tpu.memory_space<vmem>>, %arg26: memref<1024x128xf32, #tpu.memory_space<vmem>>, %arg27: memref<1024x128xf32, #tpu.memory_space<vmem>>, %arg28: memref<!tpu.dma_semaphore, #tpu.memory_space<semaphore_mem>>, %arg29: memref<!tpu.dma_semaphore, #tpu.memory_space<semaphore_mem>>, %arg30: memref<!tpu.dma_semaphore, #tpu.memory_space<semaphore_mem>>, %arg31: memref<!tpu.dma_semaphore, #tpu.memory_space<semaphore_mem>>) attributes {dimension_semantics = [], scalar_prefetch = 0 : i64, scratch_operands = 18 : i64, tpu.core_type = #tpu.core_type<tc>} {
    %get3A = arith.constant 0 : index
    %get3A_0 = arith.constant 0 : index
    %get3A_1 = vector.load %arg1[%get3A, %get3A_0] : memref<256x512xbf16, #tpu.memory_space<vmem>>, vector<256x512xbf16>
    %get3A_2 = arith.constant 0 : index
    %get3A_3 = arith.constant 0 : index
    %get3A_4 = vector.load %arg2[%get3A_2, %get3A_3] : memref<256x512xbf16, #tpu.memory_space<vmem>>, vector<256x512xbf16>
    %get3A_5 = arith.constant 0 : index
    %get3A_6 = arith.constant 0 : index
    %get3A_7 = vector.load %arg3[%get3A_5, %get3A_6] : memref<1x512xf32, #tpu.memory_space<vmem>>, vector<1x512xf32>
    %get3A_8 = arith.constant 0 : index
    %get3A_9 = arith.constant 0 : index
    %get3A_10 = vector.load %arg4[%get3A_8, %get3A_9] : memref<1x512xf32, #tpu.memory_space<vmem>>, vector<1x512xf32>
    %broadcast_in_dim3A = arith.constant 0.000000e+00 : f32
    %broadcast_in_dim3A_11 = vector.broadcast %broadcast_in_dim3A : f32 to vector<256x128xf32>
    %broadcast_in_dim3A_12 = arith.constant 0.000000e+00 : f32
    %broadcast_in_dim3A_13 = vector.broadcast %broadcast_in_dim3A_12 : f32 to vector<1024x64xf32>
    %dma_start3A = arith.constant 0 : i32
    %dma_start3A_14 = arith.constant 0 : i32
    %dma_start3A_15 = tpu.memref_slice %arg0[%dma_start3A, %dma_start3A_14] : memref<51200x64xf32, #tpu.memory_space<any>> -> memref<1024x64xf32, #tpu.memory_space<any>>
    tpu.enqueue_dma source(%dma_start3A_15 : memref<1024x64xf32, #tpu.memory_space<any>>) target(%arg16 : memref<1024x64xf32, #tpu.memory_space<vmem>>) target_semaphore(%arg20 : memref<!tpu.dma_semaphore, #tpu.memory_space<semaphore_mem>>)
    %dma_start3A_16 = arith.constant 1024 : i32
    %dma_start3A_17 = arith.constant 0 : i32
    %dma_start3A_18 = tpu.memref_slice %arg0[%dma_start3A_16, %dma_start3A_17] : memref<51200x64xf32, #tpu.memory_space<any>> -> memref<1024x64xf32, #tpu.memory_space<any>>
    tpu.enqueue_dma source(%dma_start3A_18 : memref<1024x64xf32, #tpu.memory_space<any>>) target(%arg17 : memref<1024x64xf32, #tpu.memory_space<vmem>>) target_semaphore(%arg21 : memref<!tpu.dma_semaphore, #tpu.memory_space<semaphore_mem>>)
    %dma_start3A_19 = arith.constant 50176 : i32
    %dma_start3A_20 = arith.constant 0 : i32
    %dma_start3A_21 = tpu.memref_slice %arg0[%dma_start3A_19, %dma_start3A_20] : memref<51200x64xf32, #tpu.memory_space<any>> -> memref<1024x64xf32, #tpu.memory_space<any>>
    tpu.enqueue_dma source(%dma_start3A_21 : memref<1024x64xf32, #tpu.memory_space<any>>) target(%arg18 : memref<1024x64xf32, #tpu.memory_space<vmem>>) target_semaphore(%arg22 : memref<!tpu.dma_semaphore, #tpu.memory_space<semaphore_mem>>)
    %dma_start3A_22 = arith.constant 49152 : i32
    %dma_start3A_23 = arith.constant 0 : i32
    %dma_start3A_24 = tpu.memref_slice %arg0[%dma_start3A_22, %dma_start3A_23] : memref<51200x64xf32, #tpu.memory_space<any>> -> memref<1024x64xf32, #tpu.memory_space<any>>
    tpu.enqueue_dma source(%dma_start3A_24 : memref<1024x64xf32, #tpu.memory_space<any>>) target(%arg19 : memref<1024x64xf32, #tpu.memory_space<vmem>>) target_semaphore(%arg23 : memref<!tpu.dma_semaphore, #tpu.memory_space<semaphore_mem>>)
    %scan3A = arith.constant 0 : i32
    %scan3A_25 = arith.constant 25 : i32
    %scan3A_26 = arith.addi %scan3A, %scan3A_25 : i32
    %scan3A_27 = arith.constant 1 : i32
    %scan3A_28:16 = scf.for %scan3A_130 = %scan3A to %scan3A_26 step %scan3A_27 iter_args(%scan3A_131 = %broadcast_in_dim3A_11, %scan3A_132 = %broadcast_in_dim3A_11, %scan3A_133 = %broadcast_in_dim3A_11, %scan3A_134 = %broadcast_in_dim3A_11, %scan3A_135 = %broadcast_in_dim3A_11, %scan3A_136 = %broadcast_in_dim3A_11, %scan3A_137 = %broadcast_in_dim3A_11, %scan3A_138 = %broadcast_in_dim3A_11, %scan3A_139 = %broadcast_in_dim3A_11, %scan3A_140 = %broadcast_in_dim3A_11, %scan3A_141 = %broadcast_in_dim3A_11, %scan3A_142 = %broadcast_in_dim3A_11, %scan3A_143 = %broadcast_in_dim3A_11, %scan3A_144 = %broadcast_in_dim3A_11, %scan3A_145 = %broadcast_in_dim3A_11, %scan3A_146 = %broadcast_in_dim3A_11) -> (vector<256x128xf32>, vector<256x128xf32>, vector<256x128xf32>, vector<256x128xf32>, vector<256x128xf32>, vector<256x128xf32>, vector<256x128xf32>, vector<256x128xf32>, vector<256x128xf32>, vector<256x128xf32>, vector<256x128xf32>, vector<256x128xf32>, vector<256x128xf32>, vector<256x128xf32>, vector<256x128xf32>, vector<256x128xf32>)  : i32 {
      %mul3A = arith.constant 2 : i32
      %mul3A_147 = arith.muli %mul3A, %scan3A_130 : i32
      %add3A = arith.constant 0 : i32
      %add3A_148 = arith.addi %mul3A_147, %add3A : i32
      %sub3A = arith.constant 49 : i32
      %sub3A_149 = arith.subi %sub3A, %add3A_148 : i32
      %mul3A_150 = arith.constant 1024 : i32
      %mul3A_151 = arith.muli %add3A_148, %mul3A_150 : i32
      %dma_wait3A_152 = arith.constant 0 : i32
      %dma_wait3A_153 = tpu.memref_slice %arg0[%mul3A_151, %dma_wait3A_152] : memref<51200x64xf32, #tpu.memory_space<any>> -> memref<1024x64xf32, #tpu.memory_space<any>>
      tpu.wait_dma2 semaphore(%arg20 : memref<!tpu.dma_semaphore, #tpu.memory_space<semaphore_mem>>) src(%dma_wait3A_153 : memref<1024x64xf32, #tpu.memory_space<any>>) dst(%arg16 : memref<1024x64xf32, #tpu.memory_space<vmem>>)
      %mul3A_154 = arith.constant 1024 : i32
      %mul3A_155 = arith.muli %sub3A_149, %mul3A_154 : i32
      %dma_wait3A_156 = arith.constant 0 : i32
      %dma_wait3A_157 = tpu.memref_slice %arg0[%mul3A_155, %dma_wait3A_156] : memref<51200x64xf32, #tpu.memory_space<any>> -> memref<1024x64xf32, #tpu.memory_space<any>>
      tpu.wait_dma2 semaphore(%arg22 : memref<!tpu.dma_semaphore, #tpu.memory_space<semaphore_mem>>) src(%dma_wait3A_157 : memref<1024x64xf32, #tpu.memory_space<any>>) dst(%arg18 : memref<1024x64xf32, #tpu.memory_space<vmem>>)
      %get3A_158 = arith.constant 0 : index
      %get3A_159 = arith.constant 0 : index
      %get3A_160 = vector.load %arg16[%get3A_158, %get3A_159] : memref<1024x64xf32, #tpu.memory_space<vmem>>, vector<1024x64xf32>
      %concatenate3A_161 = tpu.concatenate %get3A_160, %broadcast_in_dim3A_13 in 1 : vector<1024x64xf32>, vector<1024x64xf32> -> vector<1024x128xf32>
      %convert_element_type3A = arith.truncf %concatenate3A_161 : vector<1024x128xf32> to vector<1024x128xbf16>
      %get3A_162 = arith.constant 0 : index
      %get3A_163 = arith.constant 0 : index
      %get3A_164 = vector.load %arg18[%get3A_162, %get3A_163] : memref<1024x64xf32, #tpu.memory_space<vmem>>, vector<1024x64xf32>
      %concatenate3A_165 = tpu.concatenate %get3A_164, %broadcast_in_dim3A_13 in 1 : vector<1024x64xf32>, vector<1024x64xf32> -> vector<1024x128xf32>
      %convert_element_type3A_166 = arith.truncf %concatenate3A_165 : vector<1024x128xf32> to vector<1024x128xbf16>
      %slice3A_167 = vector.extract_strided_slice %convert_element_type3A {offsets = [0, 0], sizes = [256, 128], strides = [1, 1]} : vector<1024x128xbf16> to vector<256x128xbf16>
      %convert_element_type3A_168 = arith.truncf %scan3A_131 : vector<256x128xf32> to vector<256x128xbf16>
      %concatenate3A_169 = tpu.concatenate %slice3A_167, %convert_element_type3A_168 in 1 : vector<256x128xbf16>, vector<256x128xbf16> -> vector<256x256xbf16>
      %slice3A_170 = vector.extract_strided_slice %convert_element_type3A_166 {offsets = [0, 0], sizes = [256, 128], strides = [1, 1]} : vector<1024x128xbf16> to vector<256x128xbf16>
      %convert_element_type3A_171 = arith.truncf %scan3A_133 : vector<256x128xf32> to vector<256x128xbf16>
      %concatenate3A_172 = tpu.concatenate %slice3A_170, %convert_element_type3A_171 in 1 : vector<256x128xbf16>, vector<256x128xbf16> -> vector<256x256xbf16>
      %dot_general3A = arith.constant dense<0.000000e+00> : vector<256x512xf32>
      %dot_general3A_173 = tpu.matmul %concatenate3A_169, %get3A_1, %dot_general3A {dimension_numbers = #tpu.dot_dimension_numbers<[1], [0], [0], [1], [0, 0, 1, 1], [], []>, transpose_lhs_hint = false} : vector<256x256xbf16>, vector<256x512xbf16>, vector<256x512xf32> -> vector<256x512xf32>
      %add3A_174 = vector.broadcast %get3A_7 : vector<1x512xf32> to vector<256x512xf32>
      %add3A_175 = arith.addf %dot_general3A_173, %add3A_174 : vector<256x512xf32>
      %dot_general3A_176 = arith.constant dense<0.000000e+00> : vector<256x512xf32>
      %dot_general3A_177 = tpu.matmul %concatenate3A_172, %get3A_4, %dot_general3A_176 {dimension_numbers = #tpu.dot_dimension_numbers<[1], [0], [0], [1], [0, 0, 1, 1], [], []>, transpose_lhs_hint = false} : vector<256x256xbf16>, vector<256x512xbf16>, vector<256x512xf32> -> vector<256x512xf32>
      %add3A_178 = vector.broadcast %get3A_10 : vector<1x512xf32> to vector<256x512xf32>
      %add3A_179 = arith.addf %dot_general3A_177, %add3A_178 : vector<256x512xf32>
      %slice3A_180 = vector.extract_strided_slice %add3A_175 {offsets = [0, 0], sizes = [256, 128], strides = [1, 1]} : vector<256x512xf32> to vector<256x128xf32>
      %tanh3A = math.tanh %slice3A_180 : vector<256x128xf32>
      %slice3A_181 = vector.extract_strided_slice %add3A_175 {offsets = [0, 128], sizes = [256, 128], strides = [1, 1]} : vector<256x512xf32> to vector<256x128xf32>
      %tanh3A_182 = math.tanh %slice3A_181 : vector<256x128xf32>
      %slice3A_183 = vector.extract_strided_slice %add3A_175 {offsets = [0, 256], sizes = [256, 128], strides = [1, 1]} : vector<256x512xf32> to vector<256x128xf32>
      %tanh3A_184 = math.tanh %slice3A_183 : vector<256x128xf32>
      %slice3A_185 = vector.extract_strided_slice %add3A_175 {offsets = [0, 384], sizes = [256, 128], strides = [1, 1]} : vector<256x512xf32> to vector<256x128xf32>
      %tanh3A_186 = math.tanh %slice3A_185 : vector<256x128xf32>
      %mul3A_187 = arith.constant 5.000000e-01 : f32
      %mul3A_188 = vector.broadcast %mul3A_187 : f32 to vector<256x128xf32>
      %mul3A_189 = arith.mulf %mul3A_188, %tanh3A_182 : vector<256x128xf32>
      %add3A_190 = arith.constant 5.000000e-01 : f32
      %add3A_191 = vector.broadcast %add3A_190 : f32 to vector<256x128xf32>
      %add3A_192 = arith.addf %add3A_191, %mul3A_189 : vector<256x128xf32>
      %mul3A_193 = arith.mulf %add3A_192, %scan3A_132 : vector<256x128xf32>
      %mul3A_194 = arith.constant 5.000000e-01 : f32
      %mul3A_195 = vector.broadcast %mul3A_194 : f32 to vector<256x128xf32>
      %mul3A_196 = arith.mulf %mul3A_195, %tanh3A : vector<256x128xf32>
      %add3A_197 = arith.constant 5.000000e-01 : f32
      %add3A_198 = vector.broadcast %add3A_197 : f32 to vector<256x128xf32>
      %add3A_199 = arith.addf %add3A_198, %mul3A_196 : vector<256x128xf32>
      %mul3A_200 = arith.mulf %add3A_199, %tanh3A_184 : vector<256x128xf32>
      %add3A_201 = arith.addf %mul3A_193, %mul3A_200 : vector<256x128xf32>
      %mul3A_202 = arith.constant 5.000000e-01 : f32
      %mul3A_203 = vector.broadcast %mul3A_202 : f32 to vector<256x128xf32>
      %mul3A_204 = arith.mulf %mul3A_203, %tanh3A_186 : vector<256x128xf32>
      %add3A_205 = arith.constant 5.000000e-01 : f32
      %add3A_206 = vector.broadcast %add3A_205 : f32 to vector<256x128xf32>
      %add3A_207 = arith.addf %add3A_206, %mul3A_204 : vector<256x128xf32>
      %tanh3A_208 = math.tanh %add3A_201 : vector<256x128xf32>
      %mul3A_209 = arith.mulf %add3A_207, %tanh3A_208 : vector<256x128xf32>
      %slice3A_210 = vector.extract_strided_slice %add3A_179 {offsets = [0, 0], sizes = [256, 128], strides = [1, 1]} : vector<256x512xf32> to vector<256x128xf32>
      %tanh3A_211 = math.tanh %slice3A_210 : vector<256x128xf32>
      %slice3A_212 = vector.extract_strided_slice %add3A_179 {offsets = [0, 128], sizes = [256, 128], strides = [1, 1]} : vector<256x512xf32> to vector<256x128xf32>
      %tanh3A_213 = math.tanh %slice3A_212 : vector<256x128xf32>
      %slice3A_214 = vector.extract_strided_slice %add3A_179 {offsets = [0, 256], sizes = [256, 128], strides = [1, 1]} : vector<256x512xf32> to vector<256x128xf32>
      %tanh3A_215 = math.tanh %slice3A_214 : vector<256x128xf32>
      %slice3A_216 = vector.extract_strided_slice %add3A_179 {offsets = [0, 384], sizes = [256, 128], strides = [1, 1]} : vector<256x512xf32> to vector<256x128xf32>
      %tanh3A_217 = math.tanh %slice3A_216 : vector<256x128xf32>
      %mul3A_218 = arith.constant 5.000000e-01 : f32
      %mul3A_219 = vector.broadcast %mul3A_218 : f32 to vector<256x128xf32>
      %mul3A_220 = arith.mulf %mul3A_219, %tanh3A_213 : vector<256x128xf32>
      %add3A_221 = arith.constant 5.000000e-01 : f32
      %add3A_222 = vector.broadcast %add3A_221 : f32 to vector<256x128xf32>
      %add3A_223 = arith.addf %add3A_222, %mul3A_220 : vector<256x128xf32>
      %mul3A_224 = arith.mulf %add3A_223, %scan3A_134 : vector<256x128xf32>
      %mul3A_225 = arith.constant 5.000000e-01 : f32
      %mul3A_226 = vector.broadcast %mul3A_225 : f32 to vector<256x128xf32>
      %mul3A_227 = arith.mulf %mul3A_226, %tanh3A_211 : vector<256x128xf32>
      %add3A_228 = arith.constant 5.000000e-01 : f32
      %add3A_229 = vector.broadcast %add3A_228 : f32 to vector<256x128xf32>
      %add3A_230 = arith.addf %add3A_229, %mul3A_227 : vector<256x128xf32>
      %mul3A_231 = arith.mulf %add3A_230, %tanh3A_215 : vector<256x128xf32>
      %add3A_232 = arith.addf %mul3A_224, %mul3A_231 : vector<256x128xf32>
      %mul3A_233 = arith.constant 5.000000e-01 : f32
      %mul3A_234 = vector.broadcast %mul3A_233 : f32 to vector<256x128xf32>
      %mul3A_235 = arith.mulf %mul3A_234, %tanh3A_217 : vector<256x128xf32>
      %add3A_236 = arith.constant 5.000000e-01 : f32
      %add3A_237 = vector.broadcast %add3A_236 : f32 to vector<256x128xf32>
      %add3A_238 = arith.addf %add3A_237, %mul3A_235 : vector<256x128xf32>
      %tanh3A_239 = math.tanh %add3A_232 : vector<256x128xf32>
      %mul3A_240 = arith.mulf %add3A_238, %tanh3A_239 : vector<256x128xf32>
      %convert_element_type3A_241 = arith.truncf %mul3A_209 : vector<256x128xf32> to vector<256x128xbf16>
      %swap3A_242 = arith.index_cast %add3A_148 : i32 to index
      %swap3A_243 = arith.constant 0 : index
      %swap3A_244 = arith.constant 0 : index
      %swap3A_245 = vector.load %arg14[%swap3A_242, %swap3A_243, %swap3A_244] : memref<50x1024x128xbf16, #tpu.memory_space<vmem>>, vector<1x256x128xbf16>
      %swap3A_246 = vector.shape_cast %swap3A_245 : vector<1x256x128xbf16> to vector<256x128xbf16>
      %swap3A_247 = vector.shape_cast %convert_element_type3A_241 : vector<256x128xbf16> to vector<1x256x128xbf16>
      tpu.vector_store %arg14[%swap3A_242, %swap3A_243, %swap3A_244], %swap3A_247 {strides = array<i32>} : memref<50x1024x128xbf16, #tpu.memory_space<vmem>>, vector<1x256x128xbf16>,
      %convert_element_type3A_248 = arith.truncf %mul3A_240 : vector<256x128xf32> to vector<256x128xbf16>
      %swap3A_249 = arith.index_cast %sub3A_149 : i32 to index
      %swap3A_250 = arith.constant 0 : index
      %swap3A_251 = arith.constant 0 : index
      %swap3A_252 = vector.load %arg15[%swap3A_249, %swap3A_250, %swap3A_251] : memref<50x1024x128xbf16, #tpu.memory_space<vmem>>, vector<1x256x128xbf16>
      %swap3A_253 = vector.shape_cast %swap3A_252 : vector<1x256x128xbf16> to vector<256x128xbf16>
      %swap3A_254 = vector.shape_cast %convert_element_type3A_248 : vector<256x128xbf16> to vector<1x256x128xbf16>
      tpu.vector_store %arg15[%swap3A_249, %swap3A_250, %swap3A_251], %swap3A_254 {strides = array<i32>} : memref<50x1024x128xbf16, #tpu.memory_space<vmem>>, vector<1x256x128xbf16>,
      %slice3A_255 = vector.extract_strided_slice %convert_element_type3A {offsets = [256, 0], sizes = [256, 128], strides = [1, 1]} : vector<1024x128xbf16> to vector<256x128xbf16>
      %convert_element_type3A_256 = arith.truncf %scan3A_135 : vector<256x128xf32> to vector<256x128xbf16>
      %concatenate3A_257 = tpu.concatenate %slice3A_255, %convert_element_type3A_256 in 1 : vector<256x128xbf16>, vector<256x128xbf16> -> vector<256x256xbf16>
      %slice3A_258 = vector.extract_strided_slice %convert_element_type3A_166 {offsets = [256, 0], sizes = [256, 128], strides = [1, 1]} : vector<1024x128xbf16> to vector<256x128xbf16>
      %convert_element_type3A_259 = arith.truncf %scan3A_137 : vector<256x128xf32> to vector<256x128xbf16>
      %concatenate3A_260 = tpu.concatenate %slice3A_258, %convert_element_type3A_259 in 1 : vector<256x128xbf16>, vector<256x128xbf16> -> vector<256x256xbf16>
      %dot_general3A_261 = arith.constant dense<0.000000e+00> : vector<256x512xf32>
      %dot_general3A_262 = tpu.matmul %concatenate3A_257, %get3A_1, %dot_general3A_261 {dimension_numbers = #tpu.dot_dimension_numbers<[1], [0], [0], [1], [0, 0, 1, 1], [], []>, transpose_lhs_hint = false} : vector<256x256xbf16>, vector<256x512xbf16>, vector<256x512xf32> -> vector<256x512xf32>
      %add3A_263 = vector.broadcast %get3A_7 : vector<1x512xf32> to vector<256x512xf32>
      %add3A_264 = arith.addf %dot_general3A_262, %add3A_263 : vector<256x512xf32>
      %dot_general3A_265 = arith.constant dense<0.000000e+00> : vector<256x512xf32>
      %dot_general3A_266 = tpu.matmul %concatenate3A_260, %get3A_4, %dot_general3A_265 {dimension_numbers = #tpu.dot_dimension_numbers<[1], [0], [0], [1], [0, 0, 1, 1], [], []>, transpose_lhs_hint = false} : vector<256x256xbf16>, vector<256x512xbf16>, vector<256x512xf32> -> vector<256x512xf32>
      %add3A_267 = vector.broadcast %get3A_10 : vector<1x512xf32> to vector<256x512xf32>
      %add3A_268 = arith.addf %dot_general3A_266, %add3A_267 : vector<256x512xf32>
      %slice3A_269 = vector.extract_strided_slice %add3A_264 {offsets = [0, 0], sizes = [256, 128], strides = [1, 1]} : vector<256x512xf32> to vector<256x128xf32>
      %tanh3A_270 = math.tanh %slice3A_269 : vector<256x128xf32>
      %slice3A_271 = vector.extract_strided_slice %add3A_264 {offsets = [0, 128], sizes = [256, 128], strides = [1, 1]} : vector<256x512xf32> to vector<256x128xf32>
      %tanh3A_272 = math.tanh %slice3A_271 : vector<256x128xf32>
      %slice3A_273 = vector.extract_strided_slice %add3A_264 {offsets = [0, 256], sizes = [256, 128], strides = [1, 1]} : vector<256x512xf32> to vector<256x128xf32>
      %tanh3A_274 = math.tanh %slice3A_273 : vector<256x128xf32>
      %slice3A_275 = vector.extract_strided_slice %add3A_264 {offsets = [0, 384], sizes = [256, 128], strides = [1, 1]} : vector<256x512xf32> to vector<256x128xf32>
      %tanh3A_276 = math.tanh %slice3A_275 : vector<256x128xf32>
      %mul3A_277 = arith.constant 5.000000e-01 : f32
      %mul3A_278 = vector.broadcast %mul3A_277 : f32 to vector<256x128xf32>
      %mul3A_279 = arith.mulf %mul3A_278, %tanh3A_272 : vector<256x128xf32>
      %add3A_280 = arith.constant 5.000000e-01 : f32
      %add3A_281 = vector.broadcast %add3A_280 : f32 to vector<256x128xf32>
      %add3A_282 = arith.addf %add3A_281, %mul3A_279 : vector<256x128xf32>
      %mul3A_283 = arith.mulf %add3A_282, %scan3A_136 : vector<256x128xf32>
      %mul3A_284 = arith.constant 5.000000e-01 : f32
      %mul3A_285 = vector.broadcast %mul3A_284 : f32 to vector<256x128xf32>
      %mul3A_286 = arith.mulf %mul3A_285, %tanh3A_270 : vector<256x128xf32>
      %add3A_287 = arith.constant 5.000000e-01 : f32
      %add3A_288 = vector.broadcast %add3A_287 : f32 to vector<256x128xf32>
      %add3A_289 = arith.addf %add3A_288, %mul3A_286 : vector<256x128xf32>
      %mul3A_290 = arith.mulf %add3A_289, %tanh3A_274 : vector<256x128xf32>
      %add3A_291 = arith.addf %mul3A_283, %mul3A_290 : vector<256x128xf32>
      %mul3A_292 = arith.constant 5.000000e-01 : f32
      %mul3A_293 = vector.broadcast %mul3A_292 : f32 to vector<256x128xf32>
      %mul3A_294 = arith.mulf %mul3A_293, %tanh3A_276 : vector<256x128xf32>
      %add3A_295 = arith.constant 5.000000e-01 : f32
      %add3A_296 = vector.broadcast %add3A_295 : f32 to vector<256x128xf32>
      %add3A_297 = arith.addf %add3A_296, %mul3A_294 : vector<256x128xf32>
      %tanh3A_298 = math.tanh %add3A_291 : vector<256x128xf32>
      %mul3A_299 = arith.mulf %add3A_297, %tanh3A_298 : vector<256x128xf32>
      %slice3A_300 = vector.extract_strided_slice %add3A_268 {offsets = [0, 0], sizes = [256, 128], strides = [1, 1]} : vector<256x512xf32> to vector<256x128xf32>
      %tanh3A_301 = math.tanh %slice3A_300 : vector<256x128xf32>
      %slice3A_302 = vector.extract_strided_slice %add3A_268 {offsets = [0, 128], sizes = [256, 128], strides = [1, 1]} : vector<256x512xf32> to vector<256x128xf32>
      %tanh3A_303 = math.tanh %slice3A_302 : vector<256x128xf32>
      %slice3A_304 = vector.extract_strided_slice %add3A_268 {offsets = [0, 256], sizes = [256, 128], strides = [1, 1]} : vector<256x512xf32> to vector<256x128xf32>
      %tanh3A_305 = math.tanh %slice3A_304 : vector<256x128xf32>
      %slice3A_306 = vector.extract_strided_slice %add3A_268 {offsets = [0, 384], sizes = [256, 128], strides = [1, 1]} : vector<256x512xf32> to vector<256x128xf32>
      %tanh3A_307 = math.tanh %slice3A_306 : vector<256x128xf32>
      %mul3A_308 = arith.constant 5.000000e-01 : f32
      %mul3A_309 = vector.broadcast %mul3A_308 : f32 to vector<256x128xf32>
      %mul3A_310 = arith.mulf %mul3A_309, %tanh3A_303 : vector<256x128xf32>
      %add3A_311 = arith.constant 5.000000e-01 : f32
      %add3A_312 = vector.broadcast %add3A_311 : f32 to vector<256x128xf32>
      %add3A_313 = arith.addf %add3A_312, %mul3A_310 : vector<256x128xf32>
      %mul3A_314 = arith.mulf %add3A_313, %scan3A_138 : vector<256x128xf32>
      %mul3A_315 = arith.constant 5.000000e-01 : f32
      %mul3A_316 = vector.broadcast %mul3A_315 : f32 to vector<256x128xf32>
      %mul3A_317 = arith.mulf %mul3A_316, %tanh3A_301 : vector<256x128xf32>
      %add3A_318 = arith.constant 5.000000e-01 : f32
      %add3A_319 = vector.broadcast %add3A_318 : f32 to vector<256x128xf32>
      %add3A_320 = arith.addf %add3A_319, %mul3A_317 : vector<256x128xf32>
      %mul3A_321 = arith.mulf %add3A_320, %tanh3A_305 : vector<256x128xf32>
      %add3A_322 = arith.addf %mul3A_314, %mul3A_321 : vector<256x128xf32>
      %mul3A_323 = arith.constant 5.000000e-01 : f32
      %mul3A_324 = vector.broadcast %mul3A_323 : f32 to vector<256x128xf32>
      %mul3A_325 = arith.mulf %mul3A_324, %tanh3A_307 : vector<256x128xf32>
      %add3A_326 = arith.constant 5.000000e-01 : f32
      %add3A_327 = vector.broadcast %add3A_326 : f32 to vector<256x128xf32>
      %add3A_328 = arith.addf %add3A_327, %mul3A_325 : vector<256x128xf32>
      %tanh3A_329 = math.tanh %add3A_322 : vector<256x128xf32>
      %mul3A_330 = arith.mulf %add3A_328, %tanh3A_329 : vector<256x128xf32>
      %convert_element_type3A_331 = arith.truncf %mul3A_299 : vector<256x128xf32> to vector<256x128xbf16>
      %swap3A_332 = arith.index_cast %add3A_148 : i32 to index
      %swap3A_333 = arith.constant 256 : index
      %swap3A_334 = arith.constant 0 : index
      %swap3A_335 = vector.load %arg14[%swap3A_332, %swap3A_333, %swap3A_334] : memref<50x1024x128xbf16, #tpu.memory_space<vmem>>, vector<1x256x128xbf16>
      %swap3A_336 = vector.shape_cast %swap3A_335 : vector<1x256x128xbf16> to vector<256x128xbf16>
      %swap3A_337 = vector.shape_cast %convert_element_type3A_331 : vector<256x128xbf16> to vector<1x256x128xbf16>
      tpu.vector_store %arg14[%swap3A_332, %swap3A_333, %swap3A_334], %swap3A_337 {strides = array<i32>} : memref<50x1024x128xbf16, #tpu.memory_space<vmem>>, vector<1x256x128xbf16>,
      %convert_element_type3A_338 = arith.truncf %mul3A_330 : vector<256x128xf32> to vector<256x128xbf16>
      %swap3A_339 = arith.index_cast %sub3A_149 : i32 to index
      %swap3A_340 = arith.constant 256 : index
      %swap3A_341 = arith.constant 0 : index
      %swap3A_342 = vector.load %arg15[%swap3A_339, %swap3A_340, %swap3A_341] : memref<50x1024x128xbf16, #tpu.memory_space<vmem>>, vector<1x256x128xbf16>
      %swap3A_343 = vector.shape_cast %swap3A_342 : vector<1x256x128xbf16> to vector<256x128xbf16>
      %swap3A_344 = vector.shape_cast %convert_element_type3A_338 : vector<256x128xbf16> to vector<1x256x128xbf16>
      tpu.vector_store %arg15[%swap3A_339, %swap3A_340, %swap3A_341], %swap3A_344 {strides = array<i32>} : memref<50x1024x128xbf16, #tpu.memory_space<vmem>>, vector<1x256x128xbf16>,
      %slice3A_345 = vector.extract_strided_slice %convert_element_type3A {offsets = [512, 0], sizes = [256, 128], strides = [1, 1]} : vector<1024x128xbf16> to vector<256x128xbf16>
      %convert_element_type3A_346 = arith.truncf %scan3A_139 : vector<256x128xf32> to vector<256x128xbf16>
      %concatenate3A_347 = tpu.concatenate %slice3A_345, %convert_element_type3A_346 in 1 : vector<256x128xbf16>, vector<256x128xbf16> -> vector<256x256xbf16>
      %slice3A_348 = vector.extract_strided_slice %convert_element_type3A_166 {offsets = [512, 0], sizes = [256, 128], strides = [1, 1]} : vector<1024x128xbf16> to vector<256x128xbf16>
      %convert_element_type3A_349 = arith.truncf %scan3A_141 : vector<256x128xf32> to vector<256x128xbf16>
      %concatenate3A_350 = tpu.concatenate %slice3A_348, %convert_element_type3A_349 in 1 : vector<256x128xbf16>, vector<256x128xbf16> -> vector<256x256xbf16>
      %dot_general3A_351 = arith.constant dense<0.000000e+00> : vector<256x512xf32>
      %dot_general3A_352 = tpu.matmul %concatenate3A_347, %get3A_1, %dot_general3A_351 {dimension_numbers = #tpu.dot_dimension_numbers<[1], [0], [0], [1], [0, 0, 1, 1], [], []>, transpose_lhs_hint = false} : vector<256x256xbf16>, vector<256x512xbf16>, vector<256x512xf32> -> vector<256x512xf32>
      %add3A_353 = vector.broadcast %get3A_7 : vector<1x512xf32> to vector<256x512xf32>
      %add3A_354 = arith.addf %dot_general3A_352, %add3A_353 : vector<256x512xf32>
      %dot_general3A_355 = arith.constant dense<0.000000e+00> : vector<256x512xf32>
      %dot_general3A_356 = tpu.matmul %concatenate3A_350, %get3A_4, %dot_general3A_355 {dimension_numbers = #tpu.dot_dimension_numbers<[1], [0], [0], [1], [0, 0, 1, 1], [], []>, transpose_lhs_hint = false} : vector<256x256xbf16>, vector<256x512xbf16>, vector<256x512xf32> -> vector<256x512xf32>
      %add3A_357 = vector.broadcast %get3A_10 : vector<1x512xf32> to vector<256x512xf32>
      %add3A_358 = arith.addf %dot_general3A_356, %add3A_357 : vector<256x512xf32>
      %slice3A_359 = vector.extract_strided_slice %add3A_354 {offsets = [0, 0], sizes = [256, 128], strides = [1, 1]} : vector<256x512xf32> to vector<256x128xf32>
      %tanh3A_360 = math.tanh %slice3A_359 : vector<256x128xf32>
      %slice3A_361 = vector.extract_strided_slice %add3A_354 {offsets = [0, 128], sizes = [256, 128], strides = [1, 1]} : vector<256x512xf32> to vector<256x128xf32>
      %tanh3A_362 = math.tanh %slice3A_361 : vector<256x128xf32>
      %slice3A_363 = vector.extract_strided_slice %add3A_354 {offsets = [0, 256], sizes = [256, 128], strides = [1, 1]} : vector<256x512xf32> to vector<256x128xf32>
      %tanh3A_364 = math.tanh %slice3A_363 : vector<256x128xf32>
      %slice3A_365 = vector.extract_strided_slice %add3A_354 {offsets = [0, 384], sizes = [256, 128], strides = [1, 1]} : vector<256x512xf32> to vector<256x128xf32>
      %tanh3A_366 = math.tanh %slice3A_365 : vector<256x128xf32>
      %mul3A_367 = arith.constant 5.000000e-01 : f32
      %mul3A_368 = vector.broadcast %mul3A_367 : f32 to vector<256x128xf32>
      %mul3A_369 = arith.mulf %mul3A_368, %tanh3A_362 : vector<256x128xf32>
      %add3A_370 = arith.constant 5.000000e-01 : f32
      %add3A_371 = vector.broadcast %add3A_370 : f32 to vector<256x128xf32>
      %add3A_372 = arith.addf %add3A_371, %mul3A_369 : vector<256x128xf32>
      %mul3A_373 = arith.mulf %add3A_372, %scan3A_140 : vector<256x128xf32>
      %mul3A_374 = arith.constant 5.000000e-01 : f32
      %mul3A_375 = vector.broadcast %mul3A_374 : f32 to vector<256x128xf32>
      %mul3A_376 = arith.mulf %mul3A_375, %tanh3A_360 : vector<256x128xf32>
      %add3A_377 = arith.constant 5.000000e-01 : f32
      %add3A_378 = vector.broadcast %add3A_377 : f32 to vector<256x128xf32>
      %add3A_379 = arith.addf %add3A_378, %mul3A_376 : vector<256x128xf32>
      %mul3A_380 = arith.mulf %add3A_379, %tanh3A_364 : vector<256x128xf32>
      %add3A_381 = arith.addf %mul3A_373, %mul3A_380 : vector<256x128xf32>
      %mul3A_382 = arith.constant 5.000000e-01 : f32
      %mul3A_383 = vector.broadcast %mul3A_382 : f32 to vector<256x128xf32>
      %mul3A_384 = arith.mulf %mul3A_383, %tanh3A_366 : vector<256x128xf32>
      %add3A_385 = arith.constant 5.000000e-01 : f32
      %add3A_386 = vector.broadcast %add3A_385 : f32 to vector<256x128xf32>
      %add3A_387 = arith.addf %add3A_386, %mul3A_384 : vector<256x128xf32>
      %tanh3A_388 = math.tanh %add3A_381 : vector<256x128xf32>
      %mul3A_389 = arith.mulf %add3A_387, %tanh3A_388 : vector<256x128xf32>
      %slice3A_390 = vector.extract_strided_slice %add3A_358 {offsets = [0, 0], sizes = [256, 128], strides = [1, 1]} : vector<256x512xf32> to vector<256x128xf32>
      %tanh3A_391 = math.tanh %slice3A_390 : vector<256x128xf32>
      %slice3A_392 = vector.extract_strided_slice %add3A_358 {offsets = [0, 128], sizes = [256, 128], strides = [1, 1]} : vector<256x512xf32> to vector<256x128xf32>
      %tanh3A_393 = math.tanh %slice3A_392 : vector<256x128xf32>
      %slice3A_394 = vector.extract_strided_slice %add3A_358 {offsets = [0, 256], sizes = [256, 128], strides = [1, 1]} : vector<256x512xf32> to vector<256x128xf32>
      %tanh3A_395 = math.tanh %slice3A_394 : vector<256x128xf32>
      %slice3A_396 = vector.extract_strided_slice %add3A_358 {offsets = [0, 384], sizes = [256, 128], strides = [1, 1]} : vector<256x512xf32> to vector<256x128xf32>
      %tanh3A_397 = math.tanh %slice3A_396 : vector<256x128xf32>
      %mul3A_398 = arith.constant 5.000000e-01 : f32
      %mul3A_399 = vector.broadcast %mul3A_398 : f32 to vector<256x128xf32>
      %mul3A_400 = arith.mulf %mul3A_399, %tanh3A_393 : vector<256x128xf32>
      %add3A_401 = arith.constant 5.000000e-01 : f32
      %add3A_402 = vector.broadcast %add3A_401 : f32 to vector<256x128xf32>
      %add3A_403 = arith.addf %add3A_402, %mul3A_400 : vector<256x128xf32>
      %mul3A_404 = arith.mulf %add3A_403, %scan3A_142 : vector<256x128xf32>
      %mul3A_405 = arith.constant 5.000000e-01 : f32
      %mul3A_406 = vector.broadcast %mul3A_405 : f32 to vector<256x128xf32>
      %mul3A_407 = arith.mulf %mul3A_406, %tanh3A_391 : vector<256x128xf32>
      %add3A_408 = arith.constant 5.000000e-01 : f32
      %add3A_409 = vector.broadcast %add3A_408 : f32 to vector<256x128xf32>
      %add3A_410 = arith.addf %add3A_409, %mul3A_407 : vector<256x128xf32>
      %mul3A_411 = arith.mulf %add3A_410, %tanh3A_395 : vector<256x128xf32>
      %add3A_412 = arith.addf %mul3A_404, %mul3A_411 : vector<256x128xf32>
      %mul3A_413 = arith.constant 5.000000e-01 : f32
      %mul3A_414 = vector.broadcast %mul3A_413 : f32 to vector<256x128xf32>
      %mul3A_415 = arith.mulf %mul3A_414, %tanh3A_397 : vector<256x128xf32>
      %add3A_416 = arith.constant 5.000000e-01 : f32
      %add3A_417 = vector.broadcast %add3A_416 : f32 to vector<256x128xf32>
      %add3A_418 = arith.addf %add3A_417, %mul3A_415 : vector<256x128xf32>
      %tanh3A_419 = math.tanh %add3A_412 : vector<256x128xf32>
      %mul3A_420 = arith.mulf %add3A_418, %tanh3A_419 : vector<256x128xf32>
      %convert_element_type3A_421 = arith.truncf %mul3A_389 : vector<256x128xf32> to vector<256x128xbf16>
      %swap3A_422 = arith.index_cast %add3A_148 : i32 to index
      %swap3A_423 = arith.constant 512 : index
      %swap3A_424 = arith.constant 0 : index
      %swap3A_425 = vector.load %arg14[%swap3A_422, %swap3A_423, %swap3A_424] : memref<50x1024x128xbf16, #tpu.memory_space<vmem>>, vector<1x256x128xbf16>
      %swap3A_426 = vector.shape_cast %swap3A_425 : vector<1x256x128xbf16> to vector<256x128xbf16>
      %swap3A_427 = vector.shape_cast %convert_element_type3A_421 : vector<256x128xbf16> to vector<1x256x128xbf16>
      tpu.vector_store %arg14[%swap3A_422, %swap3A_423, %swap3A_424], %swap3A_427 {strides = array<i32>} : memref<50x1024x128xbf16, #tpu.memory_space<vmem>>, vector<1x256x128xbf16>,
      %convert_element_type3A_428 = arith.truncf %mul3A_420 : vector<256x128xf32> to vector<256x128xbf16>
      %swap3A_429 = arith.index_cast %sub3A_149 : i32 to index
      %swap3A_430 = arith.constant 512 : index
      %swap3A_431 = arith.constant 0 : index
      %swap3A_432 = vector.load %arg15[%swap3A_429, %swap3A_430, %swap3A_431] : memref<50x1024x128xbf16, #tpu.memory_space<vmem>>, vector<1x256x128xbf16>
      %swap3A_433 = vector.shape_cast %swap3A_432 : vector<1x256x128xbf16> to vector<256x128xbf16>
      %swap3A_434 = vector.shape_cast %convert_element_type3A_428 : vector<256x128xbf16> to vector<1x256x128xbf16>
      tpu.vector_store %arg15[%swap3A_429, %swap3A_430, %swap3A_431], %swap3A_434 {strides = array<i32>} : memref<50x1024x128xbf16, #tpu.memory_space<vmem>>, vector<1x256x128xbf16>,
      %slice3A_435 = vector.extract_strided_slice %convert_element_type3A {offsets = [768, 0], sizes = [256, 128], strides = [1, 1]} : vector<1024x128xbf16> to vector<256x128xbf16>
      %convert_element_type3A_436 = arith.truncf %scan3A_143 : vector<256x128xf32> to vector<256x128xbf16>
      %concatenate3A_437 = tpu.concatenate %slice3A_435, %convert_element_type3A_436 in 1 : vector<256x128xbf16>, vector<256x128xbf16> -> vector<256x256xbf16>
      %slice3A_438 = vector.extract_strided_slice %convert_element_type3A_166 {offsets = [768, 0], sizes = [256, 128], strides = [1, 1]} : vector<1024x128xbf16> to vector<256x128xbf16>
      %convert_element_type3A_439 = arith.truncf %scan3A_145 : vector<256x128xf32> to vector<256x128xbf16>
      %concatenate3A_440 = tpu.concatenate %slice3A_438, %convert_element_type3A_439 in 1 : vector<256x128xbf16>, vector<256x128xbf16> -> vector<256x256xbf16>
      %dot_general3A_441 = arith.constant dense<0.000000e+00> : vector<256x512xf32>
      %dot_general3A_442 = tpu.matmul %concatenate3A_437, %get3A_1, %dot_general3A_441 {dimension_numbers = #tpu.dot_dimension_numbers<[1], [0], [0], [1], [0, 0, 1, 1], [], []>, transpose_lhs_hint = false} : vector<256x256xbf16>, vector<256x512xbf16>, vector<256x512xf32> -> vector<256x512xf32>
      %add3A_443 = vector.broadcast %get3A_7 : vector<1x512xf32> to vector<256x512xf32>
      %add3A_444 = arith.addf %dot_general3A_442, %add3A_443 : vector<256x512xf32>
      %dot_general3A_445 = arith.constant dense<0.000000e+00> : vector<256x512xf32>
      %dot_general3A_446 = tpu.matmul %concatenate3A_440, %get3A_4, %dot_general3A_445 {dimension_numbers = #tpu.dot_dimension_numbers<[1], [0], [0], [1], [0, 0, 1, 1], [], []>, transpose_lhs_hint = false} : vector<256x256xbf16>, vector<256x512xbf16>, vector<256x512xf32> -> vector<256x512xf32>
      %add3A_447 = vector.broadcast %get3A_10 : vector<1x512xf32> to vector<256x512xf32>
      %add3A_448 = arith.addf %dot_general3A_446, %add3A_447 : vector<256x512xf32>
      %slice3A_449 = vector.extract_strided_slice %add3A_444 {offsets = [0, 0], sizes = [256, 128], strides = [1, 1]} : vector<256x512xf32> to vector<256x128xf32>
      %tanh3A_450 = math.tanh %slice3A_449 : vector<256x128xf32>
      %slice3A_451 = vector.extract_strided_slice %add3A_444 {offsets = [0, 128], sizes = [256, 128], strides = [1, 1]} : vector<256x512xf32> to vector<256x128xf32>
      %tanh3A_452 = math.tanh %slice3A_451 : vector<256x128xf32>
      %slice3A_453 = vector.extract_strided_slice %add3A_444 {offsets = [0, 256], sizes = [256, 128], strides = [1, 1]} : vector<256x512xf32> to vector<256x128xf32>
      %tanh3A_454 = math.tanh %slice3A_453 : vector<256x128xf32>
      %slice3A_455 = vector.extract_strided_slice %add3A_444 {offsets = [0, 384], sizes = [256, 128], strides = [1, 1]} : vector<256x512xf32> to vector<256x128xf32>
      %tanh3A_456 = math.tanh %slice3A_455 : vector<256x128xf32>
      %mul3A_457 = arith.constant 5.000000e-01 : f32
      %mul3A_458 = vector.broadcast %mul3A_457 : f32 to vector<256x128xf32>
      %mul3A_459 = arith.mulf %mul3A_458, %tanh3A_452 : vector<256x128xf32>
      %add3A_460 = arith.constant 5.000000e-01 : f32
      %add3A_461 = vector.broadcast %add3A_460 : f32 to vector<256x128xf32>
      %add3A_462 = arith.addf %add3A_461, %mul3A_459 : vector<256x128xf32>
      %mul3A_463 = arith.mulf %add3A_462, %scan3A_144 : vector<256x128xf32>
      %mul3A_464 = arith.constant 5.000000e-01 : f32
      %mul3A_465 = vector.broadcast %mul3A_464 : f32 to vector<256x128xf32>
      %mul3A_466 = arith.mulf %mul3A_465, %tanh3A_450 : vector<256x128xf32>
      %add3A_467 = arith.constant 5.000000e-01 : f32
      %add3A_468 = vector.broadcast %add3A_467 : f32 to vector<256x128xf32>
      %add3A_469 = arith.addf %add3A_468, %mul3A_466 : vector<256x128xf32>
      %mul3A_470 = arith.mulf %add3A_469, %tanh3A_454 : vector<256x128xf32>
      %add3A_471 = arith.addf %mul3A_463, %mul3A_470 : vector<256x128xf32>
      %mul3A_472 = arith.constant 5.000000e-01 : f32
      %mul3A_473 = vector.broadcast %mul3A_472 : f32 to vector<256x128xf32>
      %mul3A_474 = arith.mulf %mul3A_473, %tanh3A_456 : vector<256x128xf32>
      %add3A_475 = arith.constant 5.000000e-01 : f32
      %add3A_476 = vector.broadcast %add3A_475 : f32 to vector<256x128xf32>
      %add3A_477 = arith.addf %add3A_476, %mul3A_474 : vector<256x128xf32>
      %tanh3A_478 = math.tanh %add3A_471 : vector<256x128xf32>
      %mul3A_479 = arith.mulf %add3A_477, %tanh3A_478 : vector<256x128xf32>
      %slice3A_480 = vector.extract_strided_slice %add3A_448 {offsets = [0, 0], sizes = [256, 128], strides = [1, 1]} : vector<256x512xf32> to vector<256x128xf32>
      %tanh3A_481 = math.tanh %slice3A_480 : vector<256x128xf32>
      %slice3A_482 = vector.extract_strided_slice %add3A_448 {offsets = [0, 128], sizes = [256, 128], strides = [1, 1]} : vector<256x512xf32> to vector<256x128xf32>
      %tanh3A_483 = math.tanh %slice3A_482 : vector<256x128xf32>
      %slice3A_484 = vector.extract_strided_slice %add3A_448 {offsets = [0, 256], sizes = [256, 128], strides = [1, 1]} : vector<256x512xf32> to vector<256x128xf32>
      %tanh3A_485 = math.tanh %slice3A_484 : vector<256x128xf32>
      %slice3A_486 = vector.extract_strided_slice %add3A_448 {offsets = [0, 384], sizes = [256, 128], strides = [1, 1]} : vector<256x512xf32> to vector<256x128xf32>
      %tanh3A_487 = math.tanh %slice3A_486 : vector<256x128xf32>
      %mul3A_488 = arith.constant 5.000000e-01 : f32
      %mul3A_489 = vector.broadcast %mul3A_488 : f32 to vector<256x128xf32>
      %mul3A_490 = arith.mulf %mul3A_489, %tanh3A_483 : vector<256x128xf32>
      %add3A_491 = arith.constant 5.000000e-01 : f32
      %add3A_492 = vector.broadcast %add3A_491 : f32 to vector<256x128xf32>
      %add3A_493 = arith.addf %add3A_492, %mul3A_490 : vector<256x128xf32>
      %mul3A_494 = arith.mulf %add3A_493, %scan3A_146 : vector<256x128xf32>
      %mul3A_495 = arith.constant 5.000000e-01 : f32
      %mul3A_496 = vector.broadcast %mul3A_495 : f32 to vector<256x128xf32>
      %mul3A_497 = arith.mulf %mul3A_496, %tanh3A_481 : vector<256x128xf32>
      %add3A_498 = arith.constant 5.000000e-01 : f32
      %add3A_499 = vector.broadcast %add3A_498 : f32 to vector<256x128xf32>
      %add3A_500 = arith.addf %add3A_499, %mul3A_497 : vector<256x128xf32>
      %mul3A_501 = arith.mulf %add3A_500, %tanh3A_485 : vector<256x128xf32>
      %add3A_502 = arith.addf %mul3A_494, %mul3A_501 : vector<256x128xf32>
      %mul3A_503 = arith.constant 5.000000e-01 : f32
      %mul3A_504 = vector.broadcast %mul3A_503 : f32 to vector<256x128xf32>
      %mul3A_505 = arith.mulf %mul3A_504, %tanh3A_487 : vector<256x128xf32>
      %add3A_506 = arith.constant 5.000000e-01 : f32
      %add3A_507 = vector.broadcast %add3A_506 : f32 to vector<256x128xf32>
      %add3A_508 = arith.addf %add3A_507, %mul3A_505 : vector<256x128xf32>
      %tanh3A_509 = math.tanh %add3A_502 : vector<256x128xf32>
      %mul3A_510 = arith.mulf %add3A_508, %tanh3A_509 : vector<256x128xf32>
      %convert_element_type3A_511 = arith.truncf %mul3A_479 : vector<256x128xf32> to vector<256x128xbf16>
      %swap3A_512 = arith.index_cast %add3A_148 : i32 to index
      %swap3A_513 = arith.constant 768 : index
      %swap3A_514 = arith.constant 0 : index
      %swap3A_515 = vector.load %arg14[%swap3A_512, %swap3A_513, %swap3A_514] : memref<50x1024x128xbf16, #tpu.memory_space<vmem>>, vector<1x256x128xbf16>
      %swap3A_516 = vector.shape_cast %swap3A_515 : vector<1x256x128xbf16> to vector<256x128xbf16>
      %swap3A_517 = vector.shape_cast %convert_element_type3A_511 : vector<256x128xbf16> to vector<1x256x128xbf16>
      tpu.vector_store %arg14[%swap3A_512, %swap3A_513, %swap3A_514], %swap3A_517 {strides = array<i32>} : memref<50x1024x128xbf16, #tpu.memory_space<vmem>>, vector<1x256x128xbf16>,
      %convert_element_type3A_518 = arith.truncf %mul3A_510 : vector<256x128xf32> to vector<256x128xbf16>
      %swap3A_519 = arith.index_cast %sub3A_149 : i32 to index
      %swap3A_520 = arith.constant 768 : index
      %swap3A_521 = arith.constant 0 : index
      %swap3A_522 = vector.load %arg15[%swap3A_519, %swap3A_520, %swap3A_521] : memref<50x1024x128xbf16, #tpu.memory_space<vmem>>, vector<1x256x128xbf16>
      %swap3A_523 = vector.shape_cast %swap3A_522 : vector<1x256x128xbf16> to vector<256x128xbf16>
      %swap3A_524 = vector.shape_cast %convert_element_type3A_518 : vector<256x128xbf16> to vector<1x256x128xbf16>
      tpu.vector_store %arg15[%swap3A_519, %swap3A_520, %swap3A_521], %swap3A_524 {strides = array<i32>} : memref<50x1024x128xbf16, #tpu.memory_space<vmem>>, vector<1x256x128xbf16>,
      %lt3A = arith.constant 24 : i32
      %lt3A_525 = arith.cmpi slt, %scan3A_130, %lt3A : i32
      %convert_element_type3A_526 = arith.extui %lt3A_525 : i1 to i32
      %cond3A = arith.constant 0 : i32
      %cond3A_527 = arith.cmpi ne, %convert_element_type3A_526, %cond3A : i32
      scf.if %cond3A_527 {
        %add3A_917 = arith.constant 2 : i32
        %add3A_918 = arith.addi %add3A_148, %add3A_917 : i32
        %mul3A_919 = arith.constant 1024 : i32
        %mul3A_920 = arith.muli %add3A_918, %mul3A_919 : i32
        %dma_start3A_921 = arith.constant 0 : i32
        %dma_start3A_922 = tpu.memref_slice %arg0[%mul3A_920, %dma_start3A_921] : memref<51200x64xf32, #tpu.memory_space<any>> -> memref<1024x64xf32, #tpu.memory_space<any>>
        tpu.enqueue_dma source(%dma_start3A_922 : memref<1024x64xf32, #tpu.memory_space<any>>) target(%arg16 : memref<1024x64xf32, #tpu.memory_space<vmem>>) target_semaphore(%arg20 : memref<!tpu.dma_semaphore, #tpu.memory_space<semaphore_mem>>)
        %sub3A_923 = arith.constant 2 : i32
        %sub3A_924 = arith.subi %sub3A_149, %sub3A_923 : i32
        %mul3A_925 = arith.constant 1024 : i32
        %mul3A_926 = arith.muli %sub3A_924, %mul3A_925 : i32
        %dma_start3A_927 = arith.constant 0 : i32
        %dma_start3A_928 = tpu.memref_slice %arg0[%mul3A_926, %dma_start3A_927] : memref<51200x64xf32, #tpu.memory_space<any>> -> memref<1024x64xf32, #tpu.memory_space<any>>
        tpu.enqueue_dma source(%dma_start3A_928 : memref<1024x64xf32, #tpu.memory_space<any>>) target(%arg18 : memref<1024x64xf32, #tpu.memory_space<vmem>>) target_semaphore(%arg22 : memref<!tpu.dma_semaphore, #tpu.memory_space<semaphore_mem>>)
      } else {
      }
      %mul3A_528 = arith.constant 2 : i32
      %mul3A_529 = arith.muli %mul3A_528, %scan3A_130 : i32
      %add3A_530 = arith.constant 1 : i32
      %add3A_531 = arith.addi %mul3A_529, %add3A_530 : i32
      %sub3A_532 = arith.constant 49 : i32
      %sub3A_533 = arith.subi %sub3A_532, %add3A_531 : i32
      %mul3A_534 = arith.constant 1024 : i32
      %mul3A_535 = arith.muli %add3A_531, %mul3A_534 : i32
      %dma_wait3A_536 = arith.constant 0 : i32
      %dma_wait3A_537 = tpu.memref_slice %arg0[%mul3A_535, %dma_wait3A_536] : memref<51200x64xf32, #tpu.memory_space<any>> -> memref<1024x64xf32, #tpu.memory_space<any>>
      tpu.wait_dma2 semaphore(%arg21 : memref<!tpu.dma_semaphore, #tpu.memory_space<semaphore_mem>>) src(%dma_wait3A_537 : memref<1024x64xf32, #tpu.memory_space<any>>) dst(%arg17 : memref<1024x64xf32, #tpu.memory_space<vmem>>)
      %mul3A_538 = arith.constant 1024 : i32
      %mul3A_539 = arith.muli %sub3A_533, %mul3A_538 : i32
      %dma_wait3A_540 = arith.constant 0 : i32
      %dma_wait3A_541 = tpu.memref_slice %arg0[%mul3A_539, %dma_wait3A_540] : memref<51200x64xf32, #tpu.memory_space<any>> -> memref<1024x64xf32, #tpu.memory_space<any>>
      tpu.wait_dma2 semaphore(%arg23 : memref<!tpu.dma_semaphore, #tpu.memory_space<semaphore_mem>>) src(%dma_wait3A_541 : memref<1024x64xf32, #tpu.memory_space<any>>) dst(%arg19 : memref<1024x64xf32, #tpu.memory_space<vmem>>)
      %get3A_542 = arith.constant 0 : index
      %get3A_543 = arith.constant 0 : index
      %get3A_544 = vector.load %arg17[%get3A_542, %get3A_543] : memref<1024x64xf32, #tpu.memory_space<vmem>>, vector<1024x64xf32>
      %concatenate3A_545 = tpu.concatenate %get3A_544, %broadcast_in_dim3A_13 in 1 : vector<1024x64xf32>, vector<1024x64xf32> -> vector<1024x128xf32>
      %convert_element_type3A_546 = arith.truncf %concatenate3A_545 : vector<1024x128xf32> to vector<1024x128xbf16>
      %get3A_547 = arith.constant 0 : index
      %get3A_548 = arith.constant 0 : index
      %get3A_549 = vector.load %arg19[%get3A_547, %get3A_548] : memref<1024x64xf32, #tpu.memory_space<vmem>>, vector<1024x64xf32>
      %concatenate3A_550 = tpu.concatenate %get3A_549, %broadcast_in_dim3A_13 in 1 : vector<1024x64xf32>, vector<1024x64xf32> -> vector<1024x128xf32>
      %convert_element_type3A_551 = arith.truncf %concatenate3A_550 : vector<1024x128xf32> to vector<1024x128xbf16>
      %slice3A_552 = vector.extract_strided_slice %convert_element_type3A_546 {offsets = [0, 0], sizes = [256, 128], strides = [1, 1]} : vector<1024x128xbf16> to vector<256x128xbf16>
      %convert_element_type3A_553 = arith.truncf %mul3A_209 : vector<256x128xf32> to vector<256x128xbf16>
      %concatenate3A_554 = tpu.concatenate %slice3A_552, %convert_element_type3A_553 in 1 : vector<256x128xbf16>, vector<256x128xbf16> -> vector<256x256xbf16>
      %slice3A_555 = vector.extract_strided_slice %convert_element_type3A_551 {offsets = [0, 0], sizes = [256, 128], strides = [1, 1]} : vector<1024x128xbf16> to vector<256x128xbf16>
      %convert_element_type3A_556 = arith.truncf %mul3A_240 : vector<256x128xf32> to vector<256x128xbf16>
      %concatenate3A_557 = tpu.concatenate %slice3A_555, %convert_element_type3A_556 in 1 : vector<256x128xbf16>, vector<256x128xbf16> -> vector<256x256xbf16>
      %dot_general3A_558 = arith.constant dense<0.000000e+00> : vector<256x512xf32>
      %dot_general3A_559 = tpu.matmul %concatenate3A_554, %get3A_1, %dot_general3A_558 {dimension_numbers = #tpu.dot_dimension_numbers<[1], [0], [0], [1], [0, 0, 1, 1], [], []>, transpose_lhs_hint = false} : vector<256x256xbf16>, vector<256x512xbf16>, vector<256x512xf32> -> vector<256x512xf32>
      %add3A_560 = vector.broadcast %get3A_7 : vector<1x512xf32> to vector<256x512xf32>
      %add3A_561 = arith.addf %dot_general3A_559, %add3A_560 : vector<256x512xf32>
      %dot_general3A_562 = arith.constant dense<0.000000e+00> : vector<256x512xf32>
      %dot_general3A_563 = tpu.matmul %concatenate3A_557, %get3A_4, %dot_general3A_562 {dimension_numbers = #tpu.dot_dimension_numbers<[1], [0], [0], [1], [0, 0, 1, 1], [], []>, transpose_lhs_hint = false} : vector<256x256xbf16>, vector<256x512xbf16>, vector<256x512xf32> -> vector<256x512xf32>
      %add3A_564 = vector.broadcast %get3A_10 : vector<1x512xf32> to vector<256x512xf32>
      %add3A_565 = arith.addf %dot_general3A_563, %add3A_564 : vector<256x512xf32>
      %slice3A_566 = vector.extract_strided_slice %add3A_561 {offsets = [0, 0], sizes = [256, 128], strides = [1, 1]} : vector<256x512xf32> to vector<256x128xf32>
      %tanh3A_567 = math.tanh %slice3A_566 : vector<256x128xf32>
      %slice3A_568 = vector.extract_strided_slice %add3A_561 {offsets = [0, 128], sizes = [256, 128], strides = [1, 1]} : vector<256x512xf32> to vector<256x128xf32>
      %tanh3A_569 = math.tanh %slice3A_568 : vector<256x128xf32>
      %slice3A_570 = vector.extract_strided_slice %add3A_561 {offsets = [0, 256], sizes = [256, 128], strides = [1, 1]} : vector<256x512xf32> to vector<256x128xf32>
      %tanh3A_571 = math.tanh %slice3A_570 : vector<256x128xf32>
      %slice3A_572 = vector.extract_strided_slice %add3A_561 {offsets = [0, 384], sizes = [256, 128], strides = [1, 1]} : vector<256x512xf32> to vector<256x128xf32>
      %tanh3A_573 = math.tanh %slice3A_572 : vector<256x128xf32>
      %mul3A_574 = arith.constant 5.000000e-01 : f32
      %mul3A_575 = vector.broadcast %mul3A_574 : f32 to vector<256x128xf32>
      %mul3A_576 = arith.mulf %mul3A_575, %tanh3A_569 : vector<256x128xf32>
      %add3A_577 = arith.constant 5.000000e-01 : f32
      %add3A_578 = vector.broadcast %add3A_577 : f32 to vector<256x128xf32>
      %add3A_579 = arith.addf %add3A_578, %mul3A_576 : vector<256x128xf32>
      %mul3A_580 = arith.mulf %add3A_579, %add3A_201 : vector<256x128xf32>
      %mul3A_581 = arith.constant 5.000000e-01 : f32
      %mul3A_582 = vector.broadcast %mul3A_581 : f32 to vector<256x128xf32>
      %mul3A_583 = arith.mulf %mul3A_582, %tanh3A_567 : vector<256x128xf32>
      %add3A_584 = arith.constant 5.000000e-01 : f32
      %add3A_585 = vector.broadcast %add3A_584 : f32 to vector<256x128xf32>
      %add3A_586 = arith.addf %add3A_585, %mul3A_583 : vector<256x128xf32>
      %mul3A_587 = arith.mulf %add3A_586, %tanh3A_571 : vector<256x128xf32>
      %add3A_588 = arith.addf %mul3A_580, %mul3A_587 : vector<256x128xf32>
      %mul3A_589 = arith.constant 5.000000e-01 : f32
      %mul3A_590 = vector.broadcast %mul3A_589 : f32 to vector<256x128xf32>
      %mul3A_591 = arith.mulf %mul3A_590, %tanh3A_573 : vector<256x128xf32>
      %add3A_592 = arith.constant 5.000000e-01 : f32
      %add3A_593 = vector.broadcast %add3A_592 : f32 to vector<256x128xf32>
      %add3A_594 = arith.addf %add3A_593, %mul3A_591 : vector<256x128xf32>
      %tanh3A_595 = math.tanh %add3A_588 : vector<256x128xf32>
      %mul3A_596 = arith.mulf %add3A_594, %tanh3A_595 : vector<256x128xf32>
      %slice3A_597 = vector.extract_strided_slice %add3A_565 {offsets = [0, 0], sizes = [256, 128], strides = [1, 1]} : vector<256x512xf32> to vector<256x128xf32>
      %tanh3A_598 = math.tanh %slice3A_597 : vector<256x128xf32>
      %slice3A_599 = vector.extract_strided_slice %add3A_565 {offsets = [0, 128], sizes = [256, 128], strides = [1, 1]} : vector<256x512xf32> to vector<256x128xf32>
      %tanh3A_600 = math.tanh %slice3A_599 : vector<256x128xf32>
      %slice3A_601 = vector.extract_strided_slice %add3A_565 {offsets = [0, 256], sizes = [256, 128], strides = [1, 1]} : vector<256x512xf32> to vector<256x128xf32>
      %tanh3A_602 = math.tanh %slice3A_601 : vector<256x128xf32>
      %slice3A_603 = vector.extract_strided_slice %add3A_565 {offsets = [0, 384], sizes = [256, 128], strides = [1, 1]} : vector<256x512xf32> to vector<256x128xf32>
      %tanh3A_604 = math.tanh %slice3A_603 : vector<256x128xf32>
      %mul3A_605 = arith.constant 5.000000e-01 : f32
      %mul3A_606 = vector.broadcast %mul3A_605 : f32 to vector<256x128xf32>
      %mul3A_607 = arith.mulf %mul3A_606, %tanh3A_600 : vector<256x128xf32>
      %add3A_608 = arith.constant 5.000000e-01 : f32
      %add3A_609 = vector.broadcast %add3A_608 : f32 to vector<256x128xf32>
      %add3A_610 = arith.addf %add3A_609, %mul3A_607 : vector<256x128xf32>
      %mul3A_611 = arith.mulf %add3A_610, %add3A_232 : vector<256x128xf32>
      %mul3A_612 = arith.constant 5.000000e-01 : f32
      %mul3A_613 = vector.broadcast %mul3A_612 : f32 to vector<256x128xf32>
      %mul3A_614 = arith.mulf %mul3A_613, %tanh3A_598 : vector<256x128xf32>
      %add3A_615 = arith.constant 5.000000e-01 : f32
      %add3A_616 = vector.broadcast %add3A_615 : f32 to vector<256x128xf32>
      %add3A_617 = arith.addf %add3A_616, %mul3A_614 : vector<256x128xf32>
      %mul3A_618 = arith.mulf %add3A_617, %tanh3A_602 : vector<256x128xf32>
      %add3A_619 = arith.addf %mul3A_611, %mul3A_618 : vector<256x128xf32>
      %mul3A_620 = arith.constant 5.000000e-01 : f32
      %mul3A_621 = vector.broadcast %mul3A_620 : f32 to vector<256x128xf32>
      %mul3A_622 = arith.mulf %mul3A_621, %tanh3A_604 : vector<256x128xf32>
      %add3A_623 = arith.constant 5.000000e-01 : f32
      %add3A_624 = vector.broadcast %add3A_623 : f32 to vector<256x128xf32>
      %add3A_625 = arith.addf %add3A_624, %mul3A_622 : vector<256x128xf32>
      %tanh3A_626 = math.tanh %add3A_619 : vector<256x128xf32>
      %mul3A_627 = arith.mulf %add3A_625, %tanh3A_626 : vector<256x128xf32>
      %convert_element_type3A_628 = arith.truncf %mul3A_596 : vector<256x128xf32> to vector<256x128xbf16>
      %swap3A_629 = arith.index_cast %add3A_531 : i32 to index
      %swap3A_630 = arith.constant 0 : index
      %swap3A_631 = arith.constant 0 : index
      %swap3A_632 = vector.load %arg14[%swap3A_629, %swap3A_630, %swap3A_631] : memref<50x1024x128xbf16, #tpu.memory_space<vmem>>, vector<1x256x128xbf16>
      %swap3A_633 = vector.shape_cast %swap3A_632 : vector<1x256x128xbf16> to vector<256x128xbf16>
      %swap3A_634 = vector.shape_cast %convert_element_type3A_628 : vector<256x128xbf16> to vector<1x256x128xbf16>
      tpu.vector_store %arg14[%swap3A_629, %swap3A_630, %swap3A_631], %swap3A_634 {strides = array<i32>} : memref<50x1024x128xbf16, #tpu.memory_space<vmem>>, vector<1x256x128xbf16>,
      %convert_element_type3A_635 = arith.truncf %mul3A_627 : vector<256x128xf32> to vector<256x128xbf16>
      %swap3A_636 = arith.index_cast %sub3A_533 : i32 to index
      %swap3A_637 = arith.constant 0 : index
      %swap3A_638 = arith.constant 0 : index
      %swap3A_639 = vector.load %arg15[%swap3A_636, %swap3A_637, %swap3A_638] : memref<50x1024x128xbf16, #tpu.memory_space<vmem>>, vector<1x256x128xbf16>
      %swap3A_640 = vector.shape_cast %swap3A_639 : vector<1x256x128xbf16> to vector<256x128xbf16>
      %swap3A_641 = vector.shape_cast %convert_element_type3A_635 : vector<256x128xbf16> to vector<1x256x128xbf16>
      tpu.vector_store %arg15[%swap3A_636, %swap3A_637, %swap3A_638], %swap3A_641 {strides = array<i32>} : memref<50x1024x128xbf16, #tpu.memory_space<vmem>>, vector<1x256x128xbf16>,
      %slice3A_642 = vector.extract_strided_slice %convert_element_type3A_546 {offsets = [256, 0], sizes = [256, 128], strides = [1, 1]} : vector<1024x128xbf16> to vector<256x128xbf16>
      %convert_element_type3A_643 = arith.truncf %mul3A_299 : vector<256x128xf32> to vector<256x128xbf16>
      %concatenate3A_644 = tpu.concatenate %slice3A_642, %convert_element_type3A_643 in 1 : vector<256x128xbf16>, vector<256x128xbf16> -> vector<256x256xbf16>
      %slice3A_645 = vector.extract_strided_slice %convert_element_type3A_551 {offsets = [256, 0], sizes = [256, 128], strides = [1, 1]} : vector<1024x128xbf16> to vector<256x128xbf16>
      %convert_element_type3A_646 = arith.truncf %mul3A_330 : vector<256x128xf32> to vector<256x128xbf16>
      %concatenate3A_647 = tpu.concatenate %slice3A_645, %convert_element_type3A_646 in 1 : vector<256x128xbf16>, vector<256x128xbf16> -> vector<256x256xbf16>
      %dot_general3A_648 = arith.constant dense<0.000000e+00> : vector<256x512xf32>
      %dot_general3A_649 = tpu.matmul %concatenate3A_644, %get3A_1, %dot_general3A_648 {dimension_numbers = #tpu.dot_dimension_numbers<[1], [0], [0], [1], [0, 0, 1, 1], [], []>, transpose_lhs_hint = false} : vector<256x256xbf16>, vector<256x512xbf16>, vector<256x512xf32> -> vector<256x512xf32>
      %add3A_650 = vector.broadcast %get3A_7 : vector<1x512xf32> to vector<256x512xf32>
      %add3A_651 = arith.addf %dot_general3A_649, %add3A_650 : vector<256x512xf32>
      %dot_general3A_652 = arith.constant dense<0.000000e+00> : vector<256x512xf32>
      %dot_general3A_653 = tpu.matmul %concatenate3A_647, %get3A_4, %dot_general3A_652 {dimension_numbers = #tpu.dot_dimension_numbers<[1], [0], [0], [1], [0, 0, 1, 1], [], []>, transpose_lhs_hint = false} : vector<256x256xbf16>, vector<256x512xbf16>, vector<256x512xf32> -> vector<256x512xf32>
      %add3A_654 = vector.broadcast %get3A_10 : vector<1x512xf32> to vector<256x512xf32>
      %add3A_655 = arith.addf %dot_general3A_653, %add3A_654 : vector<256x512xf32>
      %slice3A_656 = vector.extract_strided_slice %add3A_651 {offsets = [0, 0], sizes = [256, 128], strides = [1, 1]} : vector<256x512xf32> to vector<256x128xf32>
      %tanh3A_657 = math.tanh %slice3A_656 : vector<256x128xf32>
      %slice3A_658 = vector.extract_strided_slice %add3A_651 {offsets = [0, 128], sizes = [256, 128], strides = [1, 1]} : vector<256x512xf32> to vector<256x128xf32>
      %tanh3A_659 = math.tanh %slice3A_658 : vector<256x128xf32>
      %slice3A_660 = vector.extract_strided_slice %add3A_651 {offsets = [0, 256], sizes = [256, 128], strides = [1, 1]} : vector<256x512xf32> to vector<256x128xf32>
      %tanh3A_661 = math.tanh %slice3A_660 : vector<256x128xf32>
      %slice3A_662 = vector.extract_strided_slice %add3A_651 {offsets = [0, 384], sizes = [256, 128], strides = [1, 1]} : vector<256x512xf32> to vector<256x128xf32>
      %tanh3A_663 = math.tanh %slice3A_662 : vector<256x128xf32>
      %mul3A_664 = arith.constant 5.000000e-01 : f32
      %mul3A_665 = vector.broadcast %mul3A_664 : f32 to vector<256x128xf32>
      %mul3A_666 = arith.mulf %mul3A_665, %tanh3A_659 : vector<256x128xf32>
      %add3A_667 = arith.constant 5.000000e-01 : f32
      %add3A_668 = vector.broadcast %add3A_667 : f32 to vector<256x128xf32>
      %add3A_669 = arith.addf %add3A_668, %mul3A_666 : vector<256x128xf32>
      %mul3A_670 = arith.mulf %add3A_669, %add3A_291 : vector<256x128xf32>
      %mul3A_671 = arith.constant 5.000000e-01 : f32
      %mul3A_672 = vector.broadcast %mul3A_671 : f32 to vector<256x128xf32>
      %mul3A_673 = arith.mulf %mul3A_672, %tanh3A_657 : vector<256x128xf32>
      %add3A_674 = arith.constant 5.000000e-01 : f32
      %add3A_675 = vector.broadcast %add3A_674 : f32 to vector<256x128xf32>
      %add3A_676 = arith.addf %add3A_675, %mul3A_673 : vector<256x128xf32>
      %mul3A_677 = arith.mulf %add3A_676, %tanh3A_661 : vector<256x128xf32>
      %add3A_678 = arith.addf %mul3A_670, %mul3A_677 : vector<256x128xf32>
      %mul3A_679 = arith.constant 5.000000e-01 : f32
      %mul3A_680 = vector.broadcast %mul3A_679 : f32 to vector<256x128xf32>
      %mul3A_681 = arith.mulf %mul3A_680, %tanh3A_663 : vector<256x128xf32>
      %add3A_682 = arith.constant 5.000000e-01 : f32
      %add3A_683 = vector.broadcast %add3A_682 : f32 to vector<256x128xf32>
      %add3A_684 = arith.addf %add3A_683, %mul3A_681 : vector<256x128xf32>
      %tanh3A_685 = math.tanh %add3A_678 : vector<256x128xf32>
      %mul3A_686 = arith.mulf %add3A_684, %tanh3A_685 : vector<256x128xf32>
      %slice3A_687 = vector.extract_strided_slice %add3A_655 {offsets = [0, 0], sizes = [256, 128], strides = [1, 1]} : vector<256x512xf32> to vector<256x128xf32>
      %tanh3A_688 = math.tanh %slice3A_687 : vector<256x128xf32>
      %slice3A_689 = vector.extract_strided_slice %add3A_655 {offsets = [0, 128], sizes = [256, 128], strides = [1, 1]} : vector<256x512xf32> to vector<256x128xf32>
      %tanh3A_690 = math.tanh %slice3A_689 : vector<256x128xf32>
      %slice3A_691 = vector.extract_strided_slice %add3A_655 {offsets = [0, 256], sizes = [256, 128], strides = [1, 1]} : vector<256x512xf32> to vector<256x128xf32>
      %tanh3A_692 = math.tanh %slice3A_691 : vector<256x128xf32>
      %slice3A_693 = vector.extract_strided_slice %add3A_655 {offsets = [0, 384], sizes = [256, 128], strides = [1, 1]} : vector<256x512xf32> to vector<256x128xf32>
      %tanh3A_694 = math.tanh %slice3A_693 : vector<256x128xf32>
      %mul3A_695 = arith.constant 5.000000e-01 : f32
      %mul3A_696 = vector.broadcast %mul3A_695 : f32 to vector<256x128xf32>
      %mul3A_697 = arith.mulf %mul3A_696, %tanh3A_690 : vector<256x128xf32>
      %add3A_698 = arith.constant 5.000000e-01 : f32
      %add3A_699 = vector.broadcast %add3A_698 : f32 to vector<256x128xf32>
      %add3A_700 = arith.addf %add3A_699, %mul3A_697 : vector<256x128xf32>
      %mul3A_701 = arith.mulf %add3A_700, %add3A_322 : vector<256x128xf32>
      %mul3A_702 = arith.constant 5.000000e-01 : f32
      %mul3A_703 = vector.broadcast %mul3A_702 : f32 to vector<256x128xf32>
      %mul3A_704 = arith.mulf %mul3A_703, %tanh3A_688 : vector<256x128xf32>
      %add3A_705 = arith.constant 5.000000e-01 : f32
      %add3A_706 = vector.broadcast %add3A_705 : f32 to vector<256x128xf32>
      %add3A_707 = arith.addf %add3A_706, %mul3A_704 : vector<256x128xf32>
      %mul3A_708 = arith.mulf %add3A_707, %tanh3A_692 : vector<256x128xf32>
      %add3A_709 = arith.addf %mul3A_701, %mul3A_708 : vector<256x128xf32>
      %mul3A_710 = arith.constant 5.000000e-01 : f32
      %mul3A_711 = vector.broadcast %mul3A_710 : f32 to vector<256x128xf32>
      %mul3A_712 = arith.mulf %mul3A_711, %tanh3A_694 : vector<256x128xf32>
      %add3A_713 = arith.constant 5.000000e-01 : f32
      %add3A_714 = vector.broadcast %add3A_713 : f32 to vector<256x128xf32>
      %add3A_715 = arith.addf %add3A_714, %mul3A_712 : vector<256x128xf32>
      %tanh3A_716 = math.tanh %add3A_709 : vector<256x128xf32>
      %mul3A_717 = arith.mulf %add3A_715, %tanh3A_716 : vector<256x128xf32>
      %convert_element_type3A_718 = arith.truncf %mul3A_686 : vector<256x128xf32> to vector<256x128xbf16>
      %swap3A_719 = arith.index_cast %add3A_531 : i32 to index
      %swap3A_720 = arith.constant 256 : index
      %swap3A_721 = arith.constant 0 : index
      %swap3A_722 = vector.load %arg14[%swap3A_719, %swap3A_720, %swap3A_721] : memref<50x1024x128xbf16, #tpu.memory_space<vmem>>, vector<1x256x128xbf16>
      %swap3A_723 = vector.shape_cast %swap3A_722 : vector<1x256x128xbf16> to vector<256x128xbf16>
      %swap3A_724 = vector.shape_cast %convert_element_type3A_718 : vector<256x128xbf16> to vector<1x256x128xbf16>
      tpu.vector_store %arg14[%swap3A_719, %swap3A_720, %swap3A_721], %swap3A_724 {strides = array<i32>} : memref<50x1024x128xbf16, #tpu.memory_space<vmem>>, vector<1x256x128xbf16>,
      %convert_element_type3A_725 = arith.truncf %mul3A_717 : vector<256x128xf32> to vector<256x128xbf16>
      %swap3A_726 = arith.index_cast %sub3A_533 : i32 to index
      %swap3A_727 = arith.constant 256 : index
      %swap3A_728 = arith.constant 0 : index
      %swap3A_729 = vector.load %arg15[%swap3A_726, %swap3A_727, %swap3A_728] : memref<50x1024x128xbf16, #tpu.memory_space<vmem>>, vector<1x256x128xbf16>
      %swap3A_730 = vector.shape_cast %swap3A_729 : vector<1x256x128xbf16> to vector<256x128xbf16>
      %swap3A_731 = vector.shape_cast %convert_element_type3A_725 : vector<256x128xbf16> to vector<1x256x128xbf16>
      tpu.vector_store %arg15[%swap3A_726, %swap3A_727, %swap3A_728], %swap3A_731 {strides = array<i32>} : memref<50x1024x128xbf16, #tpu.memory_space<vmem>>, vector<1x256x128xbf16>,
      %slice3A_732 = vector.extract_strided_slice %convert_element_type3A_546 {offsets = [512, 0], sizes = [256, 128], strides = [1, 1]} : vector<1024x128xbf16> to vector<256x128xbf16>
      %convert_element_type3A_733 = arith.truncf %mul3A_389 : vector<256x128xf32> to vector<256x128xbf16>
      %concatenate3A_734 = tpu.concatenate %slice3A_732, %convert_element_type3A_733 in 1 : vector<256x128xbf16>, vector<256x128xbf16> -> vector<256x256xbf16>
      %slice3A_735 = vector.extract_strided_slice %convert_element_type3A_551 {offsets = [512, 0], sizes = [256, 128], strides = [1, 1]} : vector<1024x128xbf16> to vector<256x128xbf16>
      %convert_element_type3A_736 = arith.truncf %mul3A_420 : vector<256x128xf32> to vector<256x128xbf16>
      %concatenate3A_737 = tpu.concatenate %slice3A_735, %convert_element_type3A_736 in 1 : vector<256x128xbf16>, vector<256x128xbf16> -> vector<256x256xbf16>
      %dot_general3A_738 = arith.constant dense<0.000000e+00> : vector<256x512xf32>
      %dot_general3A_739 = tpu.matmul %concatenate3A_734, %get3A_1, %dot_general3A_738 {dimension_numbers = #tpu.dot_dimension_numbers<[1], [0], [0], [1], [0, 0, 1, 1], [], []>, transpose_lhs_hint = false} : vector<256x256xbf16>, vector<256x512xbf16>, vector<256x512xf32> -> vector<256x512xf32>
      %add3A_740 = vector.broadcast %get3A_7 : vector<1x512xf32> to vector<256x512xf32>
      %add3A_741 = arith.addf %dot_general3A_739, %add3A_740 : vector<256x512xf32>
      %dot_general3A_742 = arith.constant dense<0.000000e+00> : vector<256x512xf32>
      %dot_general3A_743 = tpu.matmul %concatenate3A_737, %get3A_4, %dot_general3A_742 {dimension_numbers = #tpu.dot_dimension_numbers<[1], [0], [0], [1], [0, 0, 1, 1], [], []>, transpose_lhs_hint = false} : vector<256x256xbf16>, vector<256x512xbf16>, vector<256x512xf32> -> vector<256x512xf32>
      %add3A_744 = vector.broadcast %get3A_10 : vector<1x512xf32> to vector<256x512xf32>
      %add3A_745 = arith.addf %dot_general3A_743, %add3A_744 : vector<256x512xf32>
      %slice3A_746 = vector.extract_strided_slice %add3A_741 {offsets = [0, 0], sizes = [256, 128], strides = [1, 1]} : vector<256x512xf32> to vector<256x128xf32>
      %tanh3A_747 = math.tanh %slice3A_746 : vector<256x128xf32>
      %slice3A_748 = vector.extract_strided_slice %add3A_741 {offsets = [0, 128], sizes = [256, 128], strides = [1, 1]} : vector<256x512xf32> to vector<256x128xf32>
      %tanh3A_749 = math.tanh %slice3A_748 : vector<256x128xf32>
      %slice3A_750 = vector.extract_strided_slice %add3A_741 {offsets = [0, 256], sizes = [256, 128], strides = [1, 1]} : vector<256x512xf32> to vector<256x128xf32>
      %tanh3A_751 = math.tanh %slice3A_750 : vector<256x128xf32>
      %slice3A_752 = vector.extract_strided_slice %add3A_741 {offsets = [0, 384], sizes = [256, 128], strides = [1, 1]} : vector<256x512xf32> to vector<256x128xf32>
      %tanh3A_753 = math.tanh %slice3A_752 : vector<256x128xf32>
      %mul3A_754 = arith.constant 5.000000e-01 : f32
      %mul3A_755 = vector.broadcast %mul3A_754 : f32 to vector<256x128xf32>
      %mul3A_756 = arith.mulf %mul3A_755, %tanh3A_749 : vector<256x128xf32>
      %add3A_757 = arith.constant 5.000000e-01 : f32
      %add3A_758 = vector.broadcast %add3A_757 : f32 to vector<256x128xf32>
      %add3A_759 = arith.addf %add3A_758, %mul3A_756 : vector<256x128xf32>
      %mul3A_760 = arith.mulf %add3A_759, %add3A_381 : vector<256x128xf32>
      %mul3A_761 = arith.constant 5.000000e-01 : f32
      %mul3A_762 = vector.broadcast %mul3A_761 : f32 to vector<256x128xf32>
      %mul3A_763 = arith.mulf %mul3A_762, %tanh3A_747 : vector<256x128xf32>
      %add3A_764 = arith.constant 5.000000e-01 : f32
      %add3A_765 = vector.broadcast %add3A_764 : f32 to vector<256x128xf32>
      %add3A_766 = arith.addf %add3A_765, %mul3A_763 : vector<256x128xf32>
      %mul3A_767 = arith.mulf %add3A_766, %tanh3A_751 : vector<256x128xf32>
      %add3A_768 = arith.addf %mul3A_760, %mul3A_767 : vector<256x128xf32>
      %mul3A_769 = arith.constant 5.000000e-01 : f32
      %mul3A_770 = vector.broadcast %mul3A_769 : f32 to vector<256x128xf32>
      %mul3A_771 = arith.mulf %mul3A_770, %tanh3A_753 : vector<256x128xf32>
      %add3A_772 = arith.constant 5.000000e-01 : f32
      %add3A_773 = vector.broadcast %add3A_772 : f32 to vector<256x128xf32>
      %add3A_774 = arith.addf %add3A_773, %mul3A_771 : vector<256x128xf32>
      %tanh3A_775 = math.tanh %add3A_768 : vector<256x128xf32>
      %mul3A_776 = arith.mulf %add3A_774, %tanh3A_775 : vector<256x128xf32>
      %slice3A_777 = vector.extract_strided_slice %add3A_745 {offsets = [0, 0], sizes = [256, 128], strides = [1, 1]} : vector<256x512xf32> to vector<256x128xf32>
      %tanh3A_778 = math.tanh %slice3A_777 : vector<256x128xf32>
      %slice3A_779 = vector.extract_strided_slice %add3A_745 {offsets = [0, 128], sizes = [256, 128], strides = [1, 1]} : vector<256x512xf32> to vector<256x128xf32>
      %tanh3A_780 = math.tanh %slice3A_779 : vector<256x128xf32>
      %slice3A_781 = vector.extract_strided_slice %add3A_745 {offsets = [0, 256], sizes = [256, 128], strides = [1, 1]} : vector<256x512xf32> to vector<256x128xf32>
      %tanh3A_782 = math.tanh %slice3A_781 : vector<256x128xf32>
      %slice3A_783 = vector.extract_strided_slice %add3A_745 {offsets = [0, 384], sizes = [256, 128], strides = [1, 1]} : vector<256x512xf32> to vector<256x128xf32>
      %tanh3A_784 = math.tanh %slice3A_783 : vector<256x128xf32>
      %mul3A_785 = arith.constant 5.000000e-01 : f32
      %mul3A_786 = vector.broadcast %mul3A_785 : f32 to vector<256x128xf32>
      %mul3A_787 = arith.mulf %mul3A_786, %tanh3A_780 : vector<256x128xf32>
      %add3A_788 = arith.constant 5.000000e-01 : f32
      %add3A_789 = vector.broadcast %add3A_788 : f32 to vector<256x128xf32>
      %add3A_790 = arith.addf %add3A_789, %mul3A_787 : vector<256x128xf32>
      %mul3A_791 = arith.mulf %add3A_790, %add3A_412 : vector<256x128xf32>
      %mul3A_792 = arith.constant 5.000000e-01 : f32
      %mul3A_793 = vector.broadcast %mul3A_792 : f32 to vector<256x128xf32>
      %mul3A_794 = arith.mulf %mul3A_793, %tanh3A_778 : vector<256x128xf32>
      %add3A_795 = arith.constant 5.000000e-01 : f32
      %add3A_796 = vector.broadcast %add3A_795 : f32 to vector<256x128xf32>
      %add3A_797 = arith.addf %add3A_796, %mul3A_794 : vector<256x128xf32>
      %mul3A_798 = arith.mulf %add3A_797, %tanh3A_782 : vector<256x128xf32>
      %add3A_799 = arith.addf %mul3A_791, %mul3A_798 : vector<256x128xf32>
      %mul3A_800 = arith.constant 5.000000e-01 : f32
      %mul3A_801 = vector.broadcast %mul3A_800 : f32 to vector<256x128xf32>
      %mul3A_802 = arith.mulf %mul3A_801, %tanh3A_784 : vector<256x128xf32>
      %add3A_803 = arith.constant 5.000000e-01 : f32
      %add3A_804 = vector.broadcast %add3A_803 : f32 to vector<256x128xf32>
      %add3A_805 = arith.addf %add3A_804, %mul3A_802 : vector<256x128xf32>
      %tanh3A_806 = math.tanh %add3A_799 : vector<256x128xf32>
      %mul3A_807 = arith.mulf %add3A_805, %tanh3A_806 : vector<256x128xf32>
      %convert_element_type3A_808 = arith.truncf %mul3A_776 : vector<256x128xf32> to vector<256x128xbf16>
      %swap3A_809 = arith.index_cast %add3A_531 : i32 to index
      %swap3A_810 = arith.constant 512 : index
      %swap3A_811 = arith.constant 0 : index
      %swap3A_812 = vector.load %arg14[%swap3A_809, %swap3A_810, %swap3A_811] : memref<50x1024x128xbf16, #tpu.memory_space<vmem>>, vector<1x256x128xbf16>
      %swap3A_813 = vector.shape_cast %swap3A_812 : vector<1x256x128xbf16> to vector<256x128xbf16>
      %swap3A_814 = vector.shape_cast %convert_element_type3A_808 : vector<256x128xbf16> to vector<1x256x128xbf16>
      tpu.vector_store %arg14[%swap3A_809, %swap3A_810, %swap3A_811], %swap3A_814 {strides = array<i32>} : memref<50x1024x128xbf16, #tpu.memory_space<vmem>>, vector<1x256x128xbf16>,
      %convert_element_type3A_815 = arith.truncf %mul3A_807 : vector<256x128xf32> to vector<256x128xbf16>
      %swap3A_816 = arith.index_cast %sub3A_533 : i32 to index
      %swap3A_817 = arith.constant 512 : index
      %swap3A_818 = arith.constant 0 : index
      %swap3A_819 = vector.load %arg15[%swap3A_816, %swap3A_817, %swap3A_818] : memref<50x1024x128xbf16, #tpu.memory_space<vmem>>, vector<1x256x128xbf16>
      %swap3A_820 = vector.shape_cast %swap3A_819 : vector<1x256x128xbf16> to vector<256x128xbf16>
      %swap3A_821 = vector.shape_cast %convert_element_type3A_815 : vector<256x128xbf16> to vector<1x256x128xbf16>
      tpu.vector_store %arg15[%swap3A_816, %swap3A_817, %swap3A_818], %swap3A_821 {strides = array<i32>} : memref<50x1024x128xbf16, #tpu.memory_space<vmem>>, vector<1x256x128xbf16>,
      %slice3A_822 = vector.extract_strided_slice %convert_element_type3A_546 {offsets = [768, 0], sizes = [256, 128], strides = [1, 1]} : vector<1024x128xbf16> to vector<256x128xbf16>
      %convert_element_type3A_823 = arith.truncf %mul3A_479 : vector<256x128xf32> to vector<256x128xbf16>
      %concatenate3A_824 = tpu.concatenate %slice3A_822, %convert_element_type3A_823 in 1 : vector<256x128xbf16>, vector<256x128xbf16> -> vector<256x256xbf16>
      %slice3A_825 = vector.extract_strided_slice %convert_element_type3A_551 {offsets = [768, 0], sizes = [256, 128], strides = [1, 1]} : vector<1024x128xbf16> to vector<256x128xbf16>
      %convert_element_type3A_826 = arith.truncf %mul3A_510 : vector<256x128xf32> to vector<256x128xbf16>
      %concatenate3A_827 = tpu.concatenate %slice3A_825, %convert_element_type3A_826 in 1 : vector<256x128xbf16>, vector<256x128xbf16> -> vector<256x256xbf16>
      %dot_general3A_828 = arith.constant dense<0.000000e+00> : vector<256x512xf32>
      %dot_general3A_829 = tpu.matmul %concatenate3A_824, %get3A_1, %dot_general3A_828 {dimension_numbers = #tpu.dot_dimension_numbers<[1], [0], [0], [1], [0, 0, 1, 1], [], []>, transpose_lhs_hint = false} : vector<256x256xbf16>, vector<256x512xbf16>, vector<256x512xf32> -> vector<256x512xf32>
      %add3A_830 = vector.broadcast %get3A_7 : vector<1x512xf32> to vector<256x512xf32>
      %add3A_831 = arith.addf %dot_general3A_829, %add3A_830 : vector<256x512xf32>
      %dot_general3A_832 = arith.constant dense<0.000000e+00> : vector<256x512xf32>
      %dot_general3A_833 = tpu.matmul %concatenate3A_827, %get3A_4, %dot_general3A_832 {dimension_numbers = #tpu.dot_dimension_numbers<[1], [0], [0], [1], [0, 0, 1, 1], [], []>, transpose_lhs_hint = false} : vector<256x256xbf16>, vector<256x512xbf16>, vector<256x512xf32> -> vector<256x512xf32>
      %add3A_834 = vector.broadcast %get3A_10 : vector<1x512xf32> to vector<256x512xf32>
      %add3A_835 = arith.addf %dot_general3A_833, %add3A_834 : vector<256x512xf32>
      %slice3A_836 = vector.extract_strided_slice %add3A_831 {offsets = [0, 0], sizes = [256, 128], strides = [1, 1]} : vector<256x512xf32> to vector<256x128xf32>
      %tanh3A_837 = math.tanh %slice3A_836 : vector<256x128xf32>
      %slice3A_838 = vector.extract_strided_slice %add3A_831 {offsets = [0, 128], sizes = [256, 128], strides = [1, 1]} : vector<256x512xf32> to vector<256x128xf32>
      %tanh3A_839 = math.tanh %slice3A_838 : vector<256x128xf32>
      %slice3A_840 = vector.extract_strided_slice %add3A_831 {offsets = [0, 256], sizes = [256, 128], strides = [1, 1]} : vector<256x512xf32> to vector<256x128xf32>
      %tanh3A_841 = math.tanh %slice3A_840 : vector<256x128xf32>
      %slice3A_842 = vector.extract_strided_slice %add3A_831 {offsets = [0, 384], sizes = [256, 128], strides = [1, 1]} : vector<256x512xf32> to vector<256x128xf32>
      %tanh3A_843 = math.tanh %slice3A_842 : vector<256x128xf32>
      %mul3A_844 = arith.constant 5.000000e-01 : f32
      %mul3A_845 = vector.broadcast %mul3A_844 : f32 to vector<256x128xf32>
      %mul3A_846 = arith.mulf %mul3A_845, %tanh3A_839 : vector<256x128xf32>
      %add3A_847 = arith.constant 5.000000e-01 : f32
      %add3A_848 = vector.broadcast %add3A_847 : f32 to vector<256x128xf32>
      %add3A_849 = arith.addf %add3A_848, %mul3A_846 : vector<256x128xf32>
      %mul3A_850 = arith.mulf %add3A_849, %add3A_471 : vector<256x128xf32>
      %mul3A_851 = arith.constant 5.000000e-01 : f32
      %mul3A_852 = vector.broadcast %mul3A_851 : f32 to vector<256x128xf32>
      %mul3A_853 = arith.mulf %mul3A_852, %tanh3A_837 : vector<256x128xf32>
      %add3A_854 = arith.constant 5.000000e-01 : f32
      %add3A_855 = vector.broadcast %add3A_854 : f32 to vector<256x128xf32>
      %add3A_856 = arith.addf %add3A_855, %mul3A_853 : vector<256x128xf32>
      %mul3A_857 = arith.mulf %add3A_856, %tanh3A_841 : vector<256x128xf32>
      %add3A_858 = arith.addf %mul3A_850, %mul3A_857 : vector<256x128xf32>
      %mul3A_859 = arith.constant 5.000000e-01 : f32
      %mul3A_860 = vector.broadcast %mul3A_859 : f32 to vector<256x128xf32>
      %mul3A_861 = arith.mulf %mul3A_860, %tanh3A_843 : vector<256x128xf32>
      %add3A_862 = arith.constant 5.000000e-01 : f32
      %add3A_863 = vector.broadcast %add3A_862 : f32 to vector<256x128xf32>
      %add3A_864 = arith.addf %add3A_863, %mul3A_861 : vector<256x128xf32>
      %tanh3A_865 = math.tanh %add3A_858 : vector<256x128xf32>
      %mul3A_866 = arith.mulf %add3A_864, %tanh3A_865 : vector<256x128xf32>
      %slice3A_867 = vector.extract_strided_slice %add3A_835 {offsets = [0, 0], sizes = [256, 128], strides = [1, 1]} : vector<256x512xf32> to vector<256x128xf32>
      %tanh3A_868 = math.tanh %slice3A_867 : vector<256x128xf32>
      %slice3A_869 = vector.extract_strided_slice %add3A_835 {offsets = [0, 128], sizes = [256, 128], strides = [1, 1]} : vector<256x512xf32> to vector<256x128xf32>
      %tanh3A_870 = math.tanh %slice3A_869 : vector<256x128xf32>
      %slice3A_871 = vector.extract_strided_slice %add3A_835 {offsets = [0, 256], sizes = [256, 128], strides = [1, 1]} : vector<256x512xf32> to vector<256x128xf32>
      %tanh3A_872 = math.tanh %slice3A_871 : vector<256x128xf32>
      %slice3A_873 = vector.extract_strided_slice %add3A_835 {offsets = [0, 384], sizes = [256, 128], strides = [1, 1]} : vector<256x512xf32> to vector<256x128xf32>
      %tanh3A_874 = math.tanh %slice3A_873 : vector<256x128xf32>
      %mul3A_875 = arith.constant 5.000000e-01 : f32
      %mul3A_876 = vector.broadcast %mul3A_875 : f32 to vector<256x128xf32>
      %mul3A_877 = arith.mulf %mul3A_876, %tanh3A_870 : vector<256x128xf32>
      %add3A_878 = arith.constant 5.000000e-01 : f32
      %add3A_879 = vector.broadcast %add3A_878 : f32 to vector<256x128xf32>
      %add3A_880 = arith.addf %add3A_879, %mul3A_877 : vector<256x128xf32>
      %mul3A_881 = arith.mulf %add3A_880, %add3A_502 : vector<256x128xf32>
      %mul3A_882 = arith.constant 5.000000e-01 : f32
      %mul3A_883 = vector.broadcast %mul3A_882 : f32 to vector<256x128xf32>
      %mul3A_884 = arith.mulf %mul3A_883, %tanh3A_868 : vector<256x128xf32>
      %add3A_885 = arith.constant 5.000000e-01 : f32
      %add3A_886 = vector.broadcast %add3A_885 : f32 to vector<256x128xf32>
      %add3A_887 = arith.addf %add3A_886, %mul3A_884 : vector<256x128xf32>
      %mul3A_888 = arith.mulf %add3A_887, %tanh3A_872 : vector<256x128xf32>
      %add3A_889 = arith.addf %mul3A_881, %mul3A_888 : vector<256x128xf32>
      %mul3A_890 = arith.constant 5.000000e-01 : f32
      %mul3A_891 = vector.broadcast %mul3A_890 : f32 to vector<256x128xf32>
      %mul3A_892 = arith.mulf %mul3A_891, %tanh3A_874 : vector<256x128xf32>
      %add3A_893 = arith.constant 5.000000e-01 : f32
      %add3A_894 = vector.broadcast %add3A_893 : f32 to vector<256x128xf32>
      %add3A_895 = arith.addf %add3A_894, %mul3A_892 : vector<256x128xf32>
      %tanh3A_896 = math.tanh %add3A_889 : vector<256x128xf32>
      %mul3A_897 = arith.mulf %add3A_895, %tanh3A_896 : vector<256x128xf32>
      %convert_element_type3A_898 = arith.truncf %mul3A_866 : vector<256x128xf32> to vector<256x128xbf16>
      %swap3A_899 = arith.index_cast %add3A_531 : i32 to index
      %swap3A_900 = arith.constant 768 : index
      %swap3A_901 = arith.constant 0 : index
      %swap3A_902 = vector.load %arg14[%swap3A_899, %swap3A_900, %swap3A_901] : memref<50x1024x128xbf16, #tpu.memory_space<vmem>>, vector<1x256x128xbf16>
      %swap3A_903 = vector.shape_cast %swap3A_902 : vector<1x256x128xbf16> to vector<256x128xbf16>
      %swap3A_904 = vector.shape_cast %convert_element_type3A_898 : vector<256x128xbf16> to vector<1x256x128xbf16>
      tpu.vector_store %arg14[%swap3A_899, %swap3A_900, %swap3A_901], %swap3A_904 {strides = array<i32>} : memref<50x1024x128xbf16, #tpu.memory_space<vmem>>, vector<1x256x128xbf16>,
      %convert_element_type3A_905 = arith.truncf %mul3A_897 : vector<256x128xf32> to vector<256x128xbf16>
      %swap3A_906 = arith.index_cast %sub3A_533 : i32 to index
      %swap3A_907 = arith.constant 768 : index
      %swap3A_908 = arith.constant 0 : index
      %swap3A_909 = vector.load %arg15[%swap3A_906, %swap3A_907, %swap3A_908] : memref<50x1024x128xbf16, #tpu.memory_space<vmem>>, vector<1x256x128xbf16>
      %swap3A_910 = vector.shape_cast %swap3A_909 : vector<1x256x128xbf16> to vector<256x128xbf16>
      %swap3A_911 = vector.shape_cast %convert_element_type3A_905 : vector<256x128xbf16> to vector<1x256x128xbf16>
      tpu.vector_store %arg15[%swap3A_906, %swap3A_907, %swap3A_908], %swap3A_911 {strides = array<i32>} : memref<50x1024x128xbf16, #tpu.memory_space<vmem>>, vector<1x256x128xbf16>,
      %lt3A_912 = arith.constant 24 : i32
      %lt3A_913 = arith.cmpi slt, %scan3A_130, %lt3A_912 : i32
      %convert_element_type3A_914 = arith.extui %lt3A_913 : i1 to i32
      %cond3A_915 = arith.constant 0 : i32
      %cond3A_916 = arith.cmpi ne, %convert_element_type3A_914, %cond3A_915 : i32
      scf.if %cond3A_916 {
        %add3A_917 = arith.constant 2 : i32
        %add3A_918 = arith.addi %add3A_531, %add3A_917 : i32
        %mul3A_919 = arith.constant 1024 : i32
        %mul3A_920 = arith.muli %add3A_918, %mul3A_919 : i32
        %dma_start3A_921 = arith.constant 0 : i32
        %dma_start3A_922 = tpu.memref_slice %arg0[%mul3A_920, %dma_start3A_921] : memref<51200x64xf32, #tpu.memory_space<any>> -> memref<1024x64xf32, #tpu.memory_space<any>>
        tpu.enqueue_dma source(%dma_start3A_922 : memref<1024x64xf32, #tpu.memory_space<any>>) target(%arg17 : memref<1024x64xf32, #tpu.memory_space<vmem>>) target_semaphore(%arg21 : memref<!tpu.dma_semaphore, #tpu.memory_space<semaphore_mem>>)
        %sub3A_923 = arith.constant 2 : i32
        %sub3A_924 = arith.subi %sub3A_533, %sub3A_923 : i32
        %mul3A_925 = arith.constant 1024 : i32
        %mul3A_926 = arith.muli %sub3A_924, %mul3A_925 : i32
        %dma_start3A_927 = arith.constant 0 : i32
        %dma_start3A_928 = tpu.memref_slice %arg0[%mul3A_926, %dma_start3A_927] : memref<51200x64xf32, #tpu.memory_space<any>> -> memref<1024x64xf32, #tpu.memory_space<any>>
        tpu.enqueue_dma source(%dma_start3A_928 : memref<1024x64xf32, #tpu.memory_space<any>>) target(%arg19 : memref<1024x64xf32, #tpu.memory_space<vmem>>) target_semaphore(%arg23 : memref<!tpu.dma_semaphore, #tpu.memory_space<semaphore_mem>>)
      } else {
      }
      scf.yield %mul3A_596, %add3A_588, %mul3A_627, %add3A_619, %mul3A_686, %add3A_678, %mul3A_717, %add3A_709, %mul3A_776, %add3A_768, %mul3A_807, %add3A_799, %mul3A_866, %add3A_858, %mul3A_897, %add3A_889 : vector<256x128xf32>, vector<256x128xf32>, vector<256x128xf32>, vector<256x128xf32>, vector<256x128xf32>, vector<256x128xf32>, vector<256x128xf32>, vector<256x128xf32>, vector<256x128xf32>, vector<256x128xf32>, vector<256x128xf32>, vector<256x128xf32>, vector<256x128xf32>, vector<256x128xf32>, vector<256x128xf32>, vector<256x128xf32>
    }
    %scan3A_29 = arith.constant 25 : i32
    %concatenate3A = tpu.concatenate %scan3A_28#0, %scan3A_28#4, %scan3A_28#8, %scan3A_28#12 in 0 : vector<256x128xf32>, vector<256x128xf32>, vector<256x128xf32>, vector<256x128xf32> -> vector<1024x128xf32>
    %swap3A = arith.constant 0 : index
    %swap3A_30 = arith.constant 0 : index
    %swap3A_31 = arith.constant 0 : index
    %swap3A_32 = vector.load %arg12[%swap3A, %swap3A_30, %swap3A_31] : memref<4x1024x128xf32, #tpu.memory_space<vmem>>, vector<1x1024x128xf32>
    %swap3A_33 = vector.shape_cast %swap3A_32 : vector<1x1024x128xf32> to vector<1024x128xf32>
    %swap3A_34 = vector.shape_cast %concatenate3A : vector<1024x128xf32> to vector<1x1024x128xf32>
    tpu.vector_store %arg12[%swap3A, %swap3A_30, %swap3A_31], %swap3A_34 {strides = array<i32>} : memref<4x1024x128xf32, #tpu.memory_space<vmem>>, vector<1x1024x128xf32>,
    %concatenate3A_35 = tpu.concatenate %scan3A_28#2, %scan3A_28#6, %scan3A_28#10, %scan3A_28#14 in 0 : vector<256x128xf32>, vector<256x128xf32>, vector<256x128xf32>, vector<256x128xf32> -> vector<1024x128xf32>
    %swap3A_36 = arith.constant 1 : index
    %swap3A_37 = arith.constant 0 : index
    %swap3A_38 = arith.constant 0 : index
    %swap3A_39 = vector.load %arg12[%swap3A_36, %swap3A_37, %swap3A_38] : memref<4x1024x128xf32, #tpu.memory_space<vmem>>, vector<1x1024x128xf32>
    %swap3A_40 = vector.shape_cast %swap3A_39 : vector<1x1024x128xf32> to vector<1024x128xf32>
    %swap3A_41 = vector.shape_cast %concatenate3A_35 : vector<1024x128xf32> to vector<1x1024x128xf32>
    tpu.vector_store %arg12[%swap3A_36, %swap3A_37, %swap3A_38], %swap3A_41 {strides = array<i32>} : memref<4x1024x128xf32, #tpu.memory_space<vmem>>, vector<1x1024x128xf32>,
    %concatenate3A_42 = tpu.concatenate %scan3A_28#1, %scan3A_28#5, %scan3A_28#9, %scan3A_28#13 in 0 : vector<256x128xf32>, vector<256x128xf32>, vector<256x128xf32>, vector<256x128xf32> -> vector<1024x128xf32>
    %swap3A_43 = arith.constant 0 : index
    %swap3A_44 = arith.constant 0 : index
    %swap3A_45 = arith.constant 0 : index
    %swap3A_46 = vector.load %arg13[%swap3A_43, %swap3A_44, %swap3A_45] : memref<4x1024x128xf32, #tpu.memory_space<vmem>>, vector<1x1024x128xf32>
    %swap3A_47 = vector.shape_cast %swap3A_46 : vector<1x1024x128xf32> to vector<1024x128xf32>
    %swap3A_48 = vector.shape_cast %concatenate3A_42 : vector<1024x128xf32> to vector<1x1024x128xf32>
    tpu.vector_store %arg13[%swap3A_43, %swap3A_44, %swap3A_45], %swap3A_48 {strides = array<i32>} : memref<4x1024x128xf32, #tpu.memory_space<vmem>>, vector<1x1024x128xf32>,
    %concatenate3A_49 = tpu.concatenate %scan3A_28#3, %scan3A_28#7, %scan3A_28#11, %scan3A_28#15 in 0 : vector<256x128xf32>, vector<256x128xf32>, vector<256x128xf32>, vector<256x128xf32> -> vector<1024x128xf32>
    %swap3A_50 = arith.constant 1 : index
    %swap3A_51 = arith.constant 0 : index
    %swap3A_52 = arith.constant 0 : index
    %swap3A_53 = vector.load %arg13[%swap3A_50, %swap3A_51, %swap3A_52] : memref<4x1024x128xf32, #tpu.memory_space<vmem>>, vector<1x1024x128xf32>
    %swap3A_54 = vector.shape_cast %swap3A_53 : vector<1x1024x128xf32> to vector<1024x128xf32>
    %swap3A_55 = vector.shape_cast %concatenate3A_49 : vector<1024x128xf32> to vector<1x1024x128xf32>
    tpu.vector_store %arg13[%swap3A_50, %swap3A_51, %swap3A_52], %swap3A_55 {strides = array<i32>} : memref<4x1024x128xf32, #tpu.memory_space<vmem>>, vector<1x1024x128xf32>,
    %get3A_56 = arith.constant 0 : index
    %get3A_57 = arith.constant 0 : index
    %get3A_58 = vector.load %arg5[%get3A_56, %get3A_57] : memref<256x512xbf16, #tpu.memory_space<vmem>>, vector<256x512xbf16>
    %get3A_59 = arith.constant 0 : index
    %get3A_60 = arith.constant 0 : index
    %get3A_61 = vector.load %arg6[%get3A_59, %get3A_60] : memref<256x512xbf16, #tpu.memory_space<vmem>>, vector<256x512xbf16>
    %get3A_62 = arith.constant 0 : index
    %get3A_63 = arith.constant 0 : index
    %get3A_64 = vector.load %arg7[%get3A_62, %get3A_63] : memref<128x512xbf16, #tpu.memory_space<vmem>>, vector<128x512xbf16>
    %get3A_65 = arith.constant 0 : index
    %get3A_66 = arith.constant 0 : index
    %get3A_67 = vector.load %arg8[%get3A_65, %get3A_66] : memref<128x512xbf16, #tpu.memory_space<vmem>>, vector<128x512xbf16>
    %get3A_68 = arith.constant 0 : index
    %get3A_69 = arith.constant 0 : index
    %get3A_70 = vector.load %arg9[%get3A_68, %get3A_69] : memref<1x512xf32, #tpu.memory_space<vmem>>, vector<1x512xf32>
    %get3A_71 = arith.constant 0 : index
    %get3A_72 = arith.constant 0 : index
    %get3A_73 = vector.load %arg10[%get3A_71, %get3A_72] : memref<1x512xf32, #tpu.memory_space<vmem>>, vector<1x512xf32>
    %slice3A = vector.extract_strided_slice %get3A_58 {offsets = [0, 0], sizes = [128, 512], strides = [1, 1]} : vector<256x512xbf16> to vector<128x512xbf16>
    %slice3A_74 = vector.extract_strided_slice %get3A_58 {offsets = [128, 0], sizes = [128, 512], strides = [1, 1]} : vector<256x512xbf16> to vector<128x512xbf16>
    %slice3A_75 = vector.extract_strided_slice %get3A_61 {offsets = [0, 0], sizes = [128, 512], strides = [1, 1]} : vector<256x512xbf16> to vector<128x512xbf16>
    %slice3A_76 = vector.extract_strided_slice %get3A_61 {offsets = [128, 0], sizes = [128, 512], strides = [1, 1]} : vector<256x512xbf16> to vector<128x512xbf16>
    %scan3A_77 = arith.constant 0 : i32
    %scan3A_78 = arith.constant 25 : i32
    %scan3A_79 = arith.addi %scan3A_77, %scan3A_78 : i32
    %scan3A_80 = arith.constant 1 : i32
    %scan3A_81:16 = scf.for %scan3A_130 = %scan3A_77 to %scan3A_79 step %scan3A_80 iter_args(%scan3A_131 = %broadcast_in_dim3A_11, %scan3A_132 = %broadcast_in_dim3A_11, %scan3A_133 = %broadcast_in_dim3A_11, %scan3A_134 = %broadcast_in_dim3A_11, %scan3A_135 = %broadcast_in_dim3A_11, %scan3A_136 = %broadcast_in_dim3A_11, %scan3A_137 = %broadcast_in_dim3A_11, %scan3A_138 = %broadcast_in_dim3A_11, %scan3A_139 = %broadcast_in_dim3A_11, %scan3A_140 = %broadcast_in_dim3A_11, %scan3A_141 = %broadcast_in_dim3A_11, %scan3A_142 = %broadcast_in_dim3A_11, %scan3A_143 = %broadcast_in_dim3A_11, %scan3A_144 = %broadcast_in_dim3A_11, %scan3A_145 = %broadcast_in_dim3A_11, %scan3A_146 = %broadcast_in_dim3A_11) -> (vector<256x128xf32>, vector<256x128xf32>, vector<256x128xf32>, vector<256x128xf32>, vector<256x128xf32>, vector<256x128xf32>, vector<256x128xf32>, vector<256x128xf32>, vector<256x128xf32>, vector<256x128xf32>, vector<256x128xf32>, vector<256x128xf32>, vector<256x128xf32>, vector<256x128xf32>, vector<256x128xf32>, vector<256x128xf32>)  : i32 {
      %mul3A = arith.constant 2 : i32
      %mul3A_147 = arith.muli %mul3A, %scan3A_130 : i32
      %add3A = arith.constant 0 : i32
      %add3A_148 = arith.addi %mul3A_147, %add3A : i32
      %sub3A = arith.constant 49 : i32
      %sub3A_149 = arith.subi %sub3A, %add3A_148 : i32
      %gt3A = arith.constant 0 : i32
      %gt3A_150 = arith.cmpi sgt, %scan3A_130, %gt3A : i32
      %convert_element_type3A = arith.extui %gt3A_150 : i1 to i32
      %cond3A = arith.constant 0 : i32
      %cond3A_151 = arith.cmpi ne, %convert_element_type3A, %cond3A : i32
      scf.if %cond3A_151 {
        %dma_wait3A_969 = arith.constant 0 : i32
        %dma_wait3A_970 = arith.constant 0 : i32
        %dma_wait3A_971 = tpu.memref_slice %arg11[%dma_wait3A_969, %add3A_148, %dma_wait3A_970] : memref<1024x50x256xf32, #tpu.memory_space<any>> -> memref<1024x1x128xf32, #tpu.memory_space<any>>
        %dma_wait3A_972 = tpu.memref_squeeze %dma_wait3A_971 : memref<1024x1x128xf32, #tpu.memory_space<any>> -> memref<1024x128xf32, #tpu.memory_space<any>>
        tpu.wait_dma2 semaphore(%arg28 : memref<!tpu.dma_semaphore, #tpu.memory_space<semaphore_mem>>) src(%arg24 : memref<1024x128xf32, #tpu.memory_space<vmem>>) dst(%dma_wait3A_972 : memref<1024x128xf32, #tpu.memory_space<any>>)
        %dma_wait3A_973 = arith.constant 0 : i32
        %dma_wait3A_974 = arith.constant 128 : i32
        %dma_wait3A_975 = tpu.memref_slice %arg11[%dma_wait3A_973, %sub3A_149, %dma_wait3A_974] : memref<1024x50x256xf32, #tpu.memory_space<any>> -> memref<1024x1x128xf32, #tpu.memory_space<any>>
        %dma_wait3A_976 = tpu.memref_squeeze %dma_wait3A_975 : memref<1024x1x128xf32, #tpu.memory_space<any>> -> memref<1024x128xf32, #tpu.memory_space<any>>
        tpu.wait_dma2 semaphore(%arg30 : memref<!tpu.dma_semaphore, #tpu.memory_space<semaphore_mem>>) src(%arg26 : memref<1024x128xf32, #tpu.memory_space<vmem>>) dst(%dma_wait3A_976 : memref<1024x128xf32, #tpu.memory_space<any>>)
      } else {
      }
      %get3A_152 = arith.index_cast %add3A_148 : i32 to index
      %get3A_153 = arith.constant 0 : index
      %get3A_154 = arith.constant 0 : index
      %get3A_155 = vector.load %arg14[%get3A_152, %get3A_153, %get3A_154] : memref<50x1024x128xbf16, #tpu.memory_space<vmem>>, vector<1x1024x128xbf16>
      %get3A_156 = vector.shape_cast %get3A_155 : vector<1x1024x128xbf16> to vector<1024x128xbf16>
      %get3A_157 = arith.index_cast %add3A_148 : i32 to index
      %get3A_158 = arith.constant 0 : index
      %get3A_159 = arith.constant 0 : index
      %get3A_160 = vector.load %arg15[%get3A_157, %get3A_158, %get3A_159] : memref<50x1024x128xbf16, #tpu.memory_space<vmem>>, vector<1x1024x128xbf16>
      %get3A_161 = vector.shape_cast %get3A_160 : vector<1x1024x128xbf16> to vector<1024x128xbf16>
      %get3A_162 = arith.index_cast %sub3A_149 : i32 to index
      %get3A_163 = arith.constant 0 : index
      %get3A_164 = arith.constant 0 : index
      %get3A_165 = vector.load %arg14[%get3A_162, %get3A_163, %get3A_164] : memref<50x1024x128xbf16, #tpu.memory_space<vmem>>, vector<1x1024x128xbf16>
      %get3A_166 = vector.shape_cast %get3A_165 : vector<1x1024x128xbf16> to vector<1024x128xbf16>
      %get3A_167 = arith.index_cast %sub3A_149 : i32 to index
      %get3A_168 = arith.constant 0 : index
      %get3A_169 = arith.constant 0 : index
      %get3A_170 = vector.load %arg15[%get3A_167, %get3A_168, %get3A_169] : memref<50x1024x128xbf16, #tpu.memory_space<vmem>>, vector<1x1024x128xbf16>
      %get3A_171 = vector.shape_cast %get3A_170 : vector<1x1024x128xbf16> to vector<1024x128xbf16>
      %slice3A_172 = vector.extract_strided_slice %get3A_156 {offsets = [0, 0], sizes = [256, 128], strides = [1, 1]} : vector<1024x128xbf16> to vector<256x128xbf16>
      %dot_general3A = arith.constant dense<0.000000e+00> : vector<256x512xf32>
      %dot_general3A_173 = tpu.matmul %slice3A_172, %slice3A, %dot_general3A {dimension_numbers = #tpu.dot_dimension_numbers<[1], [0], [0], [1], [0, 0, 1, 1], [], []>, transpose_lhs_hint = false} : vector<256x128xbf16>, vector<128x512xbf16>, vector<256x512xf32> -> vector<256x512xf32>
      %slice3A_174 = vector.extract_strided_slice %get3A_161 {offsets = [0, 0], sizes = [256, 128], strides = [1, 1]} : vector<1024x128xbf16> to vector<256x128xbf16>
      %dot_general3A_175 = arith.constant dense<0.000000e+00> : vector<256x512xf32>
      %dot_general3A_176 = tpu.matmul %slice3A_174, %slice3A_74, %dot_general3A_175 {dimension_numbers = #tpu.dot_dimension_numbers<[1], [0], [0], [1], [0, 0, 1, 1], [], []>, transpose_lhs_hint = false} : vector<256x128xbf16>, vector<128x512xbf16>, vector<256x512xf32> -> vector<256x512xf32>
      %add3A_177 = arith.addf %dot_general3A_173, %dot_general3A_176 : vector<256x512xf32>
      %convert_element_type3A_178 = arith.truncf %scan3A_131 : vector<256x128xf32> to vector<256x128xbf16>
      %dot_general3A_179 = arith.constant dense<0.000000e+00> : vector<256x512xf32>
      %dot_general3A_180 = tpu.matmul %convert_element_type3A_178, %get3A_64, %dot_general3A_179 {dimension_numbers = #tpu.dot_dimension_numbers<[1], [0], [0], [1], [0, 0, 1, 1], [], []>, transpose_lhs_hint = false} : vector<256x128xbf16>, vector<128x512xbf16>, vector<256x512xf32> -> vector<256x512xf32>
      %add3A_181 = arith.addf %add3A_177, %dot_general3A_180 : vector<256x512xf32>
      %add3A_182 = vector.broadcast %get3A_70 : vector<1x512xf32> to vector<256x512xf32>
      %add3A_183 = arith.addf %add3A_181, %add3A_182 : vector<256x512xf32>
      %slice3A_184 = vector.extract_strided_slice %get3A_166 {offsets = [0, 0], sizes = [256, 128], strides = [1, 1]} : vector<1024x128xbf16> to vector<256x128xbf16>
      %dot_general3A_185 = arith.constant dense<0.000000e+00> : vector<256x512xf32>
      %dot_general3A_186 = tpu.matmul %slice3A_184, %slice3A_75, %dot_general3A_185 {dimension_numbers = #tpu.dot_dimension_numbers<[1], [0], [0], [1], [0, 0, 1, 1], [], []>, transpose_lhs_hint = false} : vector<256x128xbf16>, vector<128x512xbf16>, vector<256x512xf32> -> vector<256x512xf32>
      %slice3A_187 = vector.extract_strided_slice %get3A_171 {offsets = [0, 0], sizes = [256, 128], strides = [1, 1]} : vector<1024x128xbf16> to vector<256x128xbf16>
      %dot_general3A_188 = arith.constant dense<0.000000e+00> : vector<256x512xf32>
      %dot_general3A_189 = tpu.matmul %slice3A_187, %slice3A_76, %dot_general3A_188 {dimension_numbers = #tpu.dot_dimension_numbers<[1], [0], [0], [1], [0, 0, 1, 1], [], []>, transpose_lhs_hint = false} : vector<256x128xbf16>, vector<128x512xbf16>, vector<256x512xf32> -> vector<256x512xf32>
      %add3A_190 = arith.addf %dot_general3A_186, %dot_general3A_189 : vector<256x512xf32>
      %convert_element_type3A_191 = arith.truncf %scan3A_133 : vector<256x128xf32> to vector<256x128xbf16>
      %dot_general3A_192 = arith.constant dense<0.000000e+00> : vector<256x512xf32>
      %dot_general3A_193 = tpu.matmul %convert_element_type3A_191, %get3A_67, %dot_general3A_192 {dimension_numbers = #tpu.dot_dimension_numbers<[1], [0], [0], [1], [0, 0, 1, 1], [], []>, transpose_lhs_hint = false} : vector<256x128xbf16>, vector<128x512xbf16>, vector<256x512xf32> -> vector<256x512xf32>
      %add3A_194 = arith.addf %add3A_190, %dot_general3A_193 : vector<256x512xf32>
      %add3A_195 = vector.broadcast %get3A_73 : vector<1x512xf32> to vector<256x512xf32>
      %add3A_196 = arith.addf %add3A_194, %add3A_195 : vector<256x512xf32>
      %slice3A_197 = vector.extract_strided_slice %add3A_183 {offsets = [0, 0], sizes = [256, 128], strides = [1, 1]} : vector<256x512xf32> to vector<256x128xf32>
      %tanh3A = math.tanh %slice3A_197 : vector<256x128xf32>
      %slice3A_198 = vector.extract_strided_slice %add3A_183 {offsets = [0, 128], sizes = [256, 128], strides = [1, 1]} : vector<256x512xf32> to vector<256x128xf32>
      %tanh3A_199 = math.tanh %slice3A_198 : vector<256x128xf32>
      %slice3A_200 = vector.extract_strided_slice %add3A_183 {offsets = [0, 256], sizes = [256, 128], strides = [1, 1]} : vector<256x512xf32> to vector<256x128xf32>
      %tanh3A_201 = math.tanh %slice3A_200 : vector<256x128xf32>
      %slice3A_202 = vector.extract_strided_slice %add3A_183 {offsets = [0, 384], sizes = [256, 128], strides = [1, 1]} : vector<256x512xf32> to vector<256x128xf32>
      %tanh3A_203 = math.tanh %slice3A_202 : vector<256x128xf32>
      %mul3A_204 = arith.constant 5.000000e-01 : f32
      %mul3A_205 = vector.broadcast %mul3A_204 : f32 to vector<256x128xf32>
      %mul3A_206 = arith.mulf %mul3A_205, %tanh3A_199 : vector<256x128xf32>
      %add3A_207 = arith.constant 5.000000e-01 : f32
      %add3A_208 = vector.broadcast %add3A_207 : f32 to vector<256x128xf32>
      %add3A_209 = arith.addf %add3A_208, %mul3A_206 : vector<256x128xf32>
      %mul3A_210 = arith.mulf %add3A_209, %scan3A_132 : vector<256x128xf32>
      %mul3A_211 = arith.constant 5.000000e-01 : f32
      %mul3A_212 = vector.broadcast %mul3A_211 : f32 to vector<256x128xf32>
      %mul3A_213 = arith.mulf %mul3A_212, %tanh3A : vector<256x128xf32>
      %add3A_214 = arith.constant 5.000000e-01 : f32
      %add3A_215 = vector.broadcast %add3A_214 : f32 to vector<256x128xf32>
      %add3A_216 = arith.addf %add3A_215, %mul3A_213 : vector<256x128xf32>
      %mul3A_217 = arith.mulf %add3A_216, %tanh3A_201 : vector<256x128xf32>
      %add3A_218 = arith.addf %mul3A_210, %mul3A_217 : vector<256x128xf32>
      %mul3A_219 = arith.constant 5.000000e-01 : f32
      %mul3A_220 = vector.broadcast %mul3A_219 : f32 to vector<256x128xf32>
      %mul3A_221 = arith.mulf %mul3A_220, %tanh3A_203 : vector<256x128xf32>
      %add3A_222 = arith.constant 5.000000e-01 : f32
      %add3A_223 = vector.broadcast %add3A_222 : f32 to vector<256x128xf32>
      %add3A_224 = arith.addf %add3A_223, %mul3A_221 : vector<256x128xf32>
      %tanh3A_225 = math.tanh %add3A_218 : vector<256x128xf32>
      %mul3A_226 = arith.mulf %add3A_224, %tanh3A_225 : vector<256x128xf32>
      %slice3A_227 = vector.extract_strided_slice %add3A_196 {offsets = [0, 0], sizes = [256, 128], strides = [1, 1]} : vector<256x512xf32> to vector<256x128xf32>
      %tanh3A_228 = math.tanh %slice3A_227 : vector<256x128xf32>
      %slice3A_229 = vector.extract_strided_slice %add3A_196 {offsets = [0, 128], sizes = [256, 128], strides = [1, 1]} : vector<256x512xf32> to vector<256x128xf32>
      %tanh3A_230 = math.tanh %slice3A_229 : vector<256x128xf32>
      %slice3A_231 = vector.extract_strided_slice %add3A_196 {offsets = [0, 256], sizes = [256, 128], strides = [1, 1]} : vector<256x512xf32> to vector<256x128xf32>
      %tanh3A_232 = math.tanh %slice3A_231 : vector<256x128xf32>
      %slice3A_233 = vector.extract_strided_slice %add3A_196 {offsets = [0, 384], sizes = [256, 128], strides = [1, 1]} : vector<256x512xf32> to vector<256x128xf32>
      %tanh3A_234 = math.tanh %slice3A_233 : vector<256x128xf32>
      %mul3A_235 = arith.constant 5.000000e-01 : f32
      %mul3A_236 = vector.broadcast %mul3A_235 : f32 to vector<256x128xf32>
      %mul3A_237 = arith.mulf %mul3A_236, %tanh3A_230 : vector<256x128xf32>
      %add3A_238 = arith.constant 5.000000e-01 : f32
      %add3A_239 = vector.broadcast %add3A_238 : f32 to vector<256x128xf32>
      %add3A_240 = arith.addf %add3A_239, %mul3A_237 : vector<256x128xf32>
      %mul3A_241 = arith.mulf %add3A_240, %scan3A_134 : vector<256x128xf32>
      %mul3A_242 = arith.constant 5.000000e-01 : f32
      %mul3A_243 = vector.broadcast %mul3A_242 : f32 to vector<256x128xf32>
      %mul3A_244 = arith.mulf %mul3A_243, %tanh3A_228 : vector<256x128xf32>
      %add3A_245 = arith.constant 5.000000e-01 : f32
      %add3A_246 = vector.broadcast %add3A_245 : f32 to vector<256x128xf32>
      %add3A_247 = arith.addf %add3A_246, %mul3A_244 : vector<256x128xf32>
      %mul3A_248 = arith.mulf %add3A_247, %tanh3A_232 : vector<256x128xf32>
      %add3A_249 = arith.addf %mul3A_241, %mul3A_248 : vector<256x128xf32>
      %mul3A_250 = arith.constant 5.000000e-01 : f32
      %mul3A_251 = vector.broadcast %mul3A_250 : f32 to vector<256x128xf32>
      %mul3A_252 = arith.mulf %mul3A_251, %tanh3A_234 : vector<256x128xf32>
      %add3A_253 = arith.constant 5.000000e-01 : f32
      %add3A_254 = vector.broadcast %add3A_253 : f32 to vector<256x128xf32>
      %add3A_255 = arith.addf %add3A_254, %mul3A_252 : vector<256x128xf32>
      %tanh3A_256 = math.tanh %add3A_249 : vector<256x128xf32>
      %mul3A_257 = arith.mulf %add3A_255, %tanh3A_256 : vector<256x128xf32>
      %swap3A_258 = arith.constant 0 : index
      %swap3A_259 = arith.constant 0 : index
      %swap3A_260 = vector.load %arg24[%swap3A_258, %swap3A_259] : memref<1024x128xf32, #tpu.memory_space<vmem>>, vector<256x128xf32>
      tpu.vector_store %arg24[%swap3A_258, %swap3A_259], %mul3A_226 {strides = array<i32>} : memref<1024x128xf32, #tpu.memory_space<vmem>>, vector<256x128xf32>,
      %swap3A_261 = arith.constant 0 : index
      %swap3A_262 = arith.constant 0 : index
      %swap3A_263 = vector.load %arg26[%swap3A_261, %swap3A_262] : memref<1024x128xf32, #tpu.memory_space<vmem>>, vector<256x128xf32>
      tpu.vector_store %arg26[%swap3A_261, %swap3A_262], %mul3A_257 {strides = array<i32>} : memref<1024x128xf32, #tpu.memory_space<vmem>>, vector<256x128xf32>,
      %slice3A_264 = vector.extract_strided_slice %get3A_156 {offsets = [256, 0], sizes = [256, 128], strides = [1, 1]} : vector<1024x128xbf16> to vector<256x128xbf16>
      %dot_general3A_265 = arith.constant dense<0.000000e+00> : vector<256x512xf32>
      %dot_general3A_266 = tpu.matmul %slice3A_264, %slice3A, %dot_general3A_265 {dimension_numbers = #tpu.dot_dimension_numbers<[1], [0], [0], [1], [0, 0, 1, 1], [], []>, transpose_lhs_hint = false} : vector<256x128xbf16>, vector<128x512xbf16>, vector<256x512xf32> -> vector<256x512xf32>
      %slice3A_267 = vector.extract_strided_slice %get3A_161 {offsets = [256, 0], sizes = [256, 128], strides = [1, 1]} : vector<1024x128xbf16> to vector<256x128xbf16>
      %dot_general3A_268 = arith.constant dense<0.000000e+00> : vector<256x512xf32>
      %dot_general3A_269 = tpu.matmul %slice3A_267, %slice3A_74, %dot_general3A_268 {dimension_numbers = #tpu.dot_dimension_numbers<[1], [0], [0], [1], [0, 0, 1, 1], [], []>, transpose_lhs_hint = false} : vector<256x128xbf16>, vector<128x512xbf16>, vector<256x512xf32> -> vector<256x512xf32>
      %add3A_270 = arith.addf %dot_general3A_266, %dot_general3A_269 : vector<256x512xf32>
      %convert_element_type3A_271 = arith.truncf %scan3A_135 : vector<256x128xf32> to vector<256x128xbf16>
      %dot_general3A_272 = arith.constant dense<0.000000e+00> : vector<256x512xf32>
      %dot_general3A_273 = tpu.matmul %convert_element_type3A_271, %get3A_64, %dot_general3A_272 {dimension_numbers = #tpu.dot_dimension_numbers<[1], [0], [0], [1], [0, 0, 1, 1], [], []>, transpose_lhs_hint = false} : vector<256x128xbf16>, vector<128x512xbf16>, vector<256x512xf32> -> vector<256x512xf32>
      %add3A_274 = arith.addf %add3A_270, %dot_general3A_273 : vector<256x512xf32>
      %add3A_275 = vector.broadcast %get3A_70 : vector<1x512xf32> to vector<256x512xf32>
      %add3A_276 = arith.addf %add3A_274, %add3A_275 : vector<256x512xf32>
      %slice3A_277 = vector.extract_strided_slice %get3A_166 {offsets = [256, 0], sizes = [256, 128], strides = [1, 1]} : vector<1024x128xbf16> to vector<256x128xbf16>
      %dot_general3A_278 = arith.constant dense<0.000000e+00> : vector<256x512xf32>
      %dot_general3A_279 = tpu.matmul %slice3A_277, %slice3A_75, %dot_general3A_278 {dimension_numbers = #tpu.dot_dimension_numbers<[1], [0], [0], [1], [0, 0, 1, 1], [], []>, transpose_lhs_hint = false} : vector<256x128xbf16>, vector<128x512xbf16>, vector<256x512xf32> -> vector<256x512xf32>
      %slice3A_280 = vector.extract_strided_slice %get3A_171 {offsets = [256, 0], sizes = [256, 128], strides = [1, 1]} : vector<1024x128xbf16> to vector<256x128xbf16>
      %dot_general3A_281 = arith.constant dense<0.000000e+00> : vector<256x512xf32>
      %dot_general3A_282 = tpu.matmul %slice3A_280, %slice3A_76, %dot_general3A_281 {dimension_numbers = #tpu.dot_dimension_numbers<[1], [0], [0], [1], [0, 0, 1, 1], [], []>, transpose_lhs_hint = false} : vector<256x128xbf16>, vector<128x512xbf16>, vector<256x512xf32> -> vector<256x512xf32>
      %add3A_283 = arith.addf %dot_general3A_279, %dot_general3A_282 : vector<256x512xf32>
      %convert_element_type3A_284 = arith.truncf %scan3A_137 : vector<256x128xf32> to vector<256x128xbf16>
      %dot_general3A_285 = arith.constant dense<0.000000e+00> : vector<256x512xf32>
      %dot_general3A_286 = tpu.matmul %convert_element_type3A_284, %get3A_67, %dot_general3A_285 {dimension_numbers = #tpu.dot_dimension_numbers<[1], [0], [0], [1], [0, 0, 1, 1], [], []>, transpose_lhs_hint = false} : vector<256x128xbf16>, vector<128x512xbf16>, vector<256x512xf32> -> vector<256x512xf32>
      %add3A_287 = arith.addf %add3A_283, %dot_general3A_286 : vector<256x512xf32>
      %add3A_288 = vector.broadcast %get3A_73 : vector<1x512xf32> to vector<256x512xf32>
      %add3A_289 = arith.addf %add3A_287, %add3A_288 : vector<256x512xf32>
      %slice3A_290 = vector.extract_strided_slice %add3A_276 {offsets = [0, 0], sizes = [256, 128], strides = [1, 1]} : vector<256x512xf32> to vector<256x128xf32>
      %tanh3A_291 = math.tanh %slice3A_290 : vector<256x128xf32>
      %slice3A_292 = vector.extract_strided_slice %add3A_276 {offsets = [0, 128], sizes = [256, 128], strides = [1, 1]} : vector<256x512xf32> to vector<256x128xf32>
      %tanh3A_293 = math.tanh %slice3A_292 : vector<256x128xf32>
      %slice3A_294 = vector.extract_strided_slice %add3A_276 {offsets = [0, 256], sizes = [256, 128], strides = [1, 1]} : vector<256x512xf32> to vector<256x128xf32>
      %tanh3A_295 = math.tanh %slice3A_294 : vector<256x128xf32>
      %slice3A_296 = vector.extract_strided_slice %add3A_276 {offsets = [0, 384], sizes = [256, 128], strides = [1, 1]} : vector<256x512xf32> to vector<256x128xf32>
      %tanh3A_297 = math.tanh %slice3A_296 : vector<256x128xf32>
      %mul3A_298 = arith.constant 5.000000e-01 : f32
      %mul3A_299 = vector.broadcast %mul3A_298 : f32 to vector<256x128xf32>
      %mul3A_300 = arith.mulf %mul3A_299, %tanh3A_293 : vector<256x128xf32>
      %add3A_301 = arith.constant 5.000000e-01 : f32
      %add3A_302 = vector.broadcast %add3A_301 : f32 to vector<256x128xf32>
      %add3A_303 = arith.addf %add3A_302, %mul3A_300 : vector<256x128xf32>
      %mul3A_304 = arith.mulf %add3A_303, %scan3A_136 : vector<256x128xf32>
      %mul3A_305 = arith.constant 5.000000e-01 : f32
      %mul3A_306 = vector.broadcast %mul3A_305 : f32 to vector<256x128xf32>
      %mul3A_307 = arith.mulf %mul3A_306, %tanh3A_291 : vector<256x128xf32>
      %add3A_308 = arith.constant 5.000000e-01 : f32
      %add3A_309 = vector.broadcast %add3A_308 : f32 to vector<256x128xf32>
      %add3A_310 = arith.addf %add3A_309, %mul3A_307 : vector<256x128xf32>
      %mul3A_311 = arith.mulf %add3A_310, %tanh3A_295 : vector<256x128xf32>
      %add3A_312 = arith.addf %mul3A_304, %mul3A_311 : vector<256x128xf32>
      %mul3A_313 = arith.constant 5.000000e-01 : f32
      %mul3A_314 = vector.broadcast %mul3A_313 : f32 to vector<256x128xf32>
      %mul3A_315 = arith.mulf %mul3A_314, %tanh3A_297 : vector<256x128xf32>
      %add3A_316 = arith.constant 5.000000e-01 : f32
      %add3A_317 = vector.broadcast %add3A_316 : f32 to vector<256x128xf32>
      %add3A_318 = arith.addf %add3A_317, %mul3A_315 : vector<256x128xf32>
      %tanh3A_319 = math.tanh %add3A_312 : vector<256x128xf32>
      %mul3A_320 = arith.mulf %add3A_318, %tanh3A_319 : vector<256x128xf32>
      %slice3A_321 = vector.extract_strided_slice %add3A_289 {offsets = [0, 0], sizes = [256, 128], strides = [1, 1]} : vector<256x512xf32> to vector<256x128xf32>
      %tanh3A_322 = math.tanh %slice3A_321 : vector<256x128xf32>
      %slice3A_323 = vector.extract_strided_slice %add3A_289 {offsets = [0, 128], sizes = [256, 128], strides = [1, 1]} : vector<256x512xf32> to vector<256x128xf32>
      %tanh3A_324 = math.tanh %slice3A_323 : vector<256x128xf32>
      %slice3A_325 = vector.extract_strided_slice %add3A_289 {offsets = [0, 256], sizes = [256, 128], strides = [1, 1]} : vector<256x512xf32> to vector<256x128xf32>
      %tanh3A_326 = math.tanh %slice3A_325 : vector<256x128xf32>
      %slice3A_327 = vector.extract_strided_slice %add3A_289 {offsets = [0, 384], sizes = [256, 128], strides = [1, 1]} : vector<256x512xf32> to vector<256x128xf32>
      %tanh3A_328 = math.tanh %slice3A_327 : vector<256x128xf32>
      %mul3A_329 = arith.constant 5.000000e-01 : f32
      %mul3A_330 = vector.broadcast %mul3A_329 : f32 to vector<256x128xf32>
      %mul3A_331 = arith.mulf %mul3A_330, %tanh3A_324 : vector<256x128xf32>
      %add3A_332 = arith.constant 5.000000e-01 : f32
      %add3A_333 = vector.broadcast %add3A_332 : f32 to vector<256x128xf32>
      %add3A_334 = arith.addf %add3A_333, %mul3A_331 : vector<256x128xf32>
      %mul3A_335 = arith.mulf %add3A_334, %scan3A_138 : vector<256x128xf32>
      %mul3A_336 = arith.constant 5.000000e-01 : f32
      %mul3A_337 = vector.broadcast %mul3A_336 : f32 to vector<256x128xf32>
      %mul3A_338 = arith.mulf %mul3A_337, %tanh3A_322 : vector<256x128xf32>
      %add3A_339 = arith.constant 5.000000e-01 : f32
      %add3A_340 = vector.broadcast %add3A_339 : f32 to vector<256x128xf32>
      %add3A_341 = arith.addf %add3A_340, %mul3A_338 : vector<256x128xf32>
      %mul3A_342 = arith.mulf %add3A_341, %tanh3A_326 : vector<256x128xf32>
      %add3A_343 = arith.addf %mul3A_335, %mul3A_342 : vector<256x128xf32>
      %mul3A_344 = arith.constant 5.000000e-01 : f32
      %mul3A_345 = vector.broadcast %mul3A_344 : f32 to vector<256x128xf32>
      %mul3A_346 = arith.mulf %mul3A_345, %tanh3A_328 : vector<256x128xf32>
      %add3A_347 = arith.constant 5.000000e-01 : f32
      %add3A_348 = vector.broadcast %add3A_347 : f32 to vector<256x128xf32>
      %add3A_349 = arith.addf %add3A_348, %mul3A_346 : vector<256x128xf32>
      %tanh3A_350 = math.tanh %add3A_343 : vector<256x128xf32>
      %mul3A_351 = arith.mulf %add3A_349, %tanh3A_350 : vector<256x128xf32>
      %swap3A_352 = arith.constant 256 : index
      %swap3A_353 = arith.constant 0 : index
      %swap3A_354 = vector.load %arg24[%swap3A_352, %swap3A_353] : memref<1024x128xf32, #tpu.memory_space<vmem>>, vector<256x128xf32>
      tpu.vector_store %arg24[%swap3A_352, %swap3A_353], %mul3A_320 {strides = array<i32>} : memref<1024x128xf32, #tpu.memory_space<vmem>>, vector<256x128xf32>,
      %swap3A_355 = arith.constant 256 : index
      %swap3A_356 = arith.constant 0 : index
      %swap3A_357 = vector.load %arg26[%swap3A_355, %swap3A_356] : memref<1024x128xf32, #tpu.memory_space<vmem>>, vector<256x128xf32>
      tpu.vector_store %arg26[%swap3A_355, %swap3A_356], %mul3A_351 {strides = array<i32>} : memref<1024x128xf32, #tpu.memory_space<vmem>>, vector<256x128xf32>,
      %slice3A_358 = vector.extract_strided_slice %get3A_156 {offsets = [512, 0], sizes = [256, 128], strides = [1, 1]} : vector<1024x128xbf16> to vector<256x128xbf16>
      %dot_general3A_359 = arith.constant dense<0.000000e+00> : vector<256x512xf32>
      %dot_general3A_360 = tpu.matmul %slice3A_358, %slice3A, %dot_general3A_359 {dimension_numbers = #tpu.dot_dimension_numbers<[1], [0], [0], [1], [0, 0, 1, 1], [], []>, transpose_lhs_hint = false} : vector<256x128xbf16>, vector<128x512xbf16>, vector<256x512xf32> -> vector<256x512xf32>
      %slice3A_361 = vector.extract_strided_slice %get3A_161 {offsets = [512, 0], sizes = [256, 128], strides = [1, 1]} : vector<1024x128xbf16> to vector<256x128xbf16>
      %dot_general3A_362 = arith.constant dense<0.000000e+00> : vector<256x512xf32>
      %dot_general3A_363 = tpu.matmul %slice3A_361, %slice3A_74, %dot_general3A_362 {dimension_numbers = #tpu.dot_dimension_numbers<[1], [0], [0], [1], [0, 0, 1, 1], [], []>, transpose_lhs_hint = false} : vector<256x128xbf16>, vector<128x512xbf16>, vector<256x512xf32> -> vector<256x512xf32>
      %add3A_364 = arith.addf %dot_general3A_360, %dot_general3A_363 : vector<256x512xf32>
      %convert_element_type3A_365 = arith.truncf %scan3A_139 : vector<256x128xf32> to vector<256x128xbf16>
      %dot_general3A_366 = arith.constant dense<0.000000e+00> : vector<256x512xf32>
      %dot_general3A_367 = tpu.matmul %convert_element_type3A_365, %get3A_64, %dot_general3A_366 {dimension_numbers = #tpu.dot_dimension_numbers<[1], [0], [0], [1], [0, 0, 1, 1], [], []>, transpose_lhs_hint = false} : vector<256x128xbf16>, vector<128x512xbf16>, vector<256x512xf32> -> vector<256x512xf32>
      %add3A_368 = arith.addf %add3A_364, %dot_general3A_367 : vector<256x512xf32>
      %add3A_369 = vector.broadcast %get3A_70 : vector<1x512xf32> to vector<256x512xf32>
      %add3A_370 = arith.addf %add3A_368, %add3A_369 : vector<256x512xf32>
      %slice3A_371 = vector.extract_strided_slice %get3A_166 {offsets = [512, 0], sizes = [256, 128], strides = [1, 1]} : vector<1024x128xbf16> to vector<256x128xbf16>
      %dot_general3A_372 = arith.constant dense<0.000000e+00> : vector<256x512xf32>
      %dot_general3A_373 = tpu.matmul %slice3A_371, %slice3A_75, %dot_general3A_372 {dimension_numbers = #tpu.dot_dimension_numbers<[1], [0], [0], [1], [0, 0, 1, 1], [], []>, transpose_lhs_hint = false} : vector<256x128xbf16>, vector<128x512xbf16>, vector<256x512xf32> -> vector<256x512xf32>
      %slice3A_374 = vector.extract_strided_slice %get3A_171 {offsets = [512, 0], sizes = [256, 128], strides = [1, 1]} : vector<1024x128xbf16> to vector<256x128xbf16>
      %dot_general3A_375 = arith.constant dense<0.000000e+00> : vector<256x512xf32>
      %dot_general3A_376 = tpu.matmul %slice3A_374, %slice3A_76, %dot_general3A_375 {dimension_numbers = #tpu.dot_dimension_numbers<[1], [0], [0], [1], [0, 0, 1, 1], [], []>, transpose_lhs_hint = false} : vector<256x128xbf16>, vector<128x512xbf16>, vector<256x512xf32> -> vector<256x512xf32>
      %add3A_377 = arith.addf %dot_general3A_373, %dot_general3A_376 : vector<256x512xf32>
      %convert_element_type3A_378 = arith.truncf %scan3A_141 : vector<256x128xf32> to vector<256x128xbf16>
      %dot_general3A_379 = arith.constant dense<0.000000e+00> : vector<256x512xf32>
      %dot_general3A_380 = tpu.matmul %convert_element_type3A_378, %get3A_67, %dot_general3A_379 {dimension_numbers = #tpu.dot_dimension_numbers<[1], [0], [0], [1], [0, 0, 1, 1], [], []>, transpose_lhs_hint = false} : vector<256x128xbf16>, vector<128x512xbf16>, vector<256x512xf32> -> vector<256x512xf32>
      %add3A_381 = arith.addf %add3A_377, %dot_general3A_380 : vector<256x512xf32>
      %add3A_382 = vector.broadcast %get3A_73 : vector<1x512xf32> to vector<256x512xf32>
      %add3A_383 = arith.addf %add3A_381, %add3A_382 : vector<256x512xf32>
      %slice3A_384 = vector.extract_strided_slice %add3A_370 {offsets = [0, 0], sizes = [256, 128], strides = [1, 1]} : vector<256x512xf32> to vector<256x128xf32>
      %tanh3A_385 = math.tanh %slice3A_384 : vector<256x128xf32>
      %slice3A_386 = vector.extract_strided_slice %add3A_370 {offsets = [0, 128], sizes = [256, 128], strides = [1, 1]} : vector<256x512xf32> to vector<256x128xf32>
      %tanh3A_387 = math.tanh %slice3A_386 : vector<256x128xf32>
      %slice3A_388 = vector.extract_strided_slice %add3A_370 {offsets = [0, 256], sizes = [256, 128], strides = [1, 1]} : vector<256x512xf32> to vector<256x128xf32>
      %tanh3A_389 = math.tanh %slice3A_388 : vector<256x128xf32>
      %slice3A_390 = vector.extract_strided_slice %add3A_370 {offsets = [0, 384], sizes = [256, 128], strides = [1, 1]} : vector<256x512xf32> to vector<256x128xf32>
      %tanh3A_391 = math.tanh %slice3A_390 : vector<256x128xf32>
      %mul3A_392 = arith.constant 5.000000e-01 : f32
      %mul3A_393 = vector.broadcast %mul3A_392 : f32 to vector<256x128xf32>
      %mul3A_394 = arith.mulf %mul3A_393, %tanh3A_387 : vector<256x128xf32>
      %add3A_395 = arith.constant 5.000000e-01 : f32
      %add3A_396 = vector.broadcast %add3A_395 : f32 to vector<256x128xf32>
      %add3A_397 = arith.addf %add3A_396, %mul3A_394 : vector<256x128xf32>
      %mul3A_398 = arith.mulf %add3A_397, %scan3A_140 : vector<256x128xf32>
      %mul3A_399 = arith.constant 5.000000e-01 : f32
      %mul3A_400 = vector.broadcast %mul3A_399 : f32 to vector<256x128xf32>
      %mul3A_401 = arith.mulf %mul3A_400, %tanh3A_385 : vector<256x128xf32>
      %add3A_402 = arith.constant 5.000000e-01 : f32
      %add3A_403 = vector.broadcast %add3A_402 : f32 to vector<256x128xf32>
      %add3A_404 = arith.addf %add3A_403, %mul3A_401 : vector<256x128xf32>
      %mul3A_405 = arith.mulf %add3A_404, %tanh3A_389 : vector<256x128xf32>
      %add3A_406 = arith.addf %mul3A_398, %mul3A_405 : vector<256x128xf32>
      %mul3A_407 = arith.constant 5.000000e-01 : f32
      %mul3A_408 = vector.broadcast %mul3A_407 : f32 to vector<256x128xf32>
      %mul3A_409 = arith.mulf %mul3A_408, %tanh3A_391 : vector<256x128xf32>
      %add3A_410 = arith.constant 5.000000e-01 : f32
      %add3A_411 = vector.broadcast %add3A_410 : f32 to vector<256x128xf32>
      %add3A_412 = arith.addf %add3A_411, %mul3A_409 : vector<256x128xf32>
      %tanh3A_413 = math.tanh %add3A_406 : vector<256x128xf32>
      %mul3A_414 = arith.mulf %add3A_412, %tanh3A_413 : vector<256x128xf32>
      %slice3A_415 = vector.extract_strided_slice %add3A_383 {offsets = [0, 0], sizes = [256, 128], strides = [1, 1]} : vector<256x512xf32> to vector<256x128xf32>
      %tanh3A_416 = math.tanh %slice3A_415 : vector<256x128xf32>
      %slice3A_417 = vector.extract_strided_slice %add3A_383 {offsets = [0, 128], sizes = [256, 128], strides = [1, 1]} : vector<256x512xf32> to vector<256x128xf32>
      %tanh3A_418 = math.tanh %slice3A_417 : vector<256x128xf32>
      %slice3A_419 = vector.extract_strided_slice %add3A_383 {offsets = [0, 256], sizes = [256, 128], strides = [1, 1]} : vector<256x512xf32> to vector<256x128xf32>
      %tanh3A_420 = math.tanh %slice3A_419 : vector<256x128xf32>
      %slice3A_421 = vector.extract_strided_slice %add3A_383 {offsets = [0, 384], sizes = [256, 128], strides = [1, 1]} : vector<256x512xf32> to vector<256x128xf32>
      %tanh3A_422 = math.tanh %slice3A_421 : vector<256x128xf32>
      %mul3A_423 = arith.constant 5.000000e-01 : f32
      %mul3A_424 = vector.broadcast %mul3A_423 : f32 to vector<256x128xf32>
      %mul3A_425 = arith.mulf %mul3A_424, %tanh3A_418 : vector<256x128xf32>
      %add3A_426 = arith.constant 5.000000e-01 : f32
      %add3A_427 = vector.broadcast %add3A_426 : f32 to vector<256x128xf32>
      %add3A_428 = arith.addf %add3A_427, %mul3A_425 : vector<256x128xf32>
      %mul3A_429 = arith.mulf %add3A_428, %scan3A_142 : vector<256x128xf32>
      %mul3A_430 = arith.constant 5.000000e-01 : f32
      %mul3A_431 = vector.broadcast %mul3A_430 : f32 to vector<256x128xf32>
      %mul3A_432 = arith.mulf %mul3A_431, %tanh3A_416 : vector<256x128xf32>
      %add3A_433 = arith.constant 5.000000e-01 : f32
      %add3A_434 = vector.broadcast %add3A_433 : f32 to vector<256x128xf32>
      %add3A_435 = arith.addf %add3A_434, %mul3A_432 : vector<256x128xf32>
      %mul3A_436 = arith.mulf %add3A_435, %tanh3A_420 : vector<256x128xf32>
      %add3A_437 = arith.addf %mul3A_429, %mul3A_436 : vector<256x128xf32>
      %mul3A_438 = arith.constant 5.000000e-01 : f32
      %mul3A_439 = vector.broadcast %mul3A_438 : f32 to vector<256x128xf32>
      %mul3A_440 = arith.mulf %mul3A_439, %tanh3A_422 : vector<256x128xf32>
      %add3A_441 = arith.constant 5.000000e-01 : f32
      %add3A_442 = vector.broadcast %add3A_441 : f32 to vector<256x128xf32>
      %add3A_443 = arith.addf %add3A_442, %mul3A_440 : vector<256x128xf32>
      %tanh3A_444 = math.tanh %add3A_437 : vector<256x128xf32>
      %mul3A_445 = arith.mulf %add3A_443, %tanh3A_444 : vector<256x128xf32>
      %swap3A_446 = arith.constant 512 : index
      %swap3A_447 = arith.constant 0 : index
      %swap3A_448 = vector.load %arg24[%swap3A_446, %swap3A_447] : memref<1024x128xf32, #tpu.memory_space<vmem>>, vector<256x128xf32>
      tpu.vector_store %arg24[%swap3A_446, %swap3A_447], %mul3A_414 {strides = array<i32>} : memref<1024x128xf32, #tpu.memory_space<vmem>>, vector<256x128xf32>,
      %swap3A_449 = arith.constant 512 : index
      %swap3A_450 = arith.constant 0 : index
      %swap3A_451 = vector.load %arg26[%swap3A_449, %swap3A_450] : memref<1024x128xf32, #tpu.memory_space<vmem>>, vector<256x128xf32>
      tpu.vector_store %arg26[%swap3A_449, %swap3A_450], %mul3A_445 {strides = array<i32>} : memref<1024x128xf32, #tpu.memory_space<vmem>>, vector<256x128xf32>,
      %slice3A_452 = vector.extract_strided_slice %get3A_156 {offsets = [768, 0], sizes = [256, 128], strides = [1, 1]} : vector<1024x128xbf16> to vector<256x128xbf16>
      %dot_general3A_453 = arith.constant dense<0.000000e+00> : vector<256x512xf32>
      %dot_general3A_454 = tpu.matmul %slice3A_452, %slice3A, %dot_general3A_453 {dimension_numbers = #tpu.dot_dimension_numbers<[1], [0], [0], [1], [0, 0, 1, 1], [], []>, transpose_lhs_hint = false} : vector<256x128xbf16>, vector<128x512xbf16>, vector<256x512xf32> -> vector<256x512xf32>
      %slice3A_455 = vector.extract_strided_slice %get3A_161 {offsets = [768, 0], sizes = [256, 128], strides = [1, 1]} : vector<1024x128xbf16> to vector<256x128xbf16>
      %dot_general3A_456 = arith.constant dense<0.000000e+00> : vector<256x512xf32>
      %dot_general3A_457 = tpu.matmul %slice3A_455, %slice3A_74, %dot_general3A_456 {dimension_numbers = #tpu.dot_dimension_numbers<[1], [0], [0], [1], [0, 0, 1, 1], [], []>, transpose_lhs_hint = false} : vector<256x128xbf16>, vector<128x512xbf16>, vector<256x512xf32> -> vector<256x512xf32>
      %add3A_458 = arith.addf %dot_general3A_454, %dot_general3A_457 : vector<256x512xf32>
      %convert_element_type3A_459 = arith.truncf %scan3A_143 : vector<256x128xf32> to vector<256x128xbf16>
      %dot_general3A_460 = arith.constant dense<0.000000e+00> : vector<256x512xf32>
      %dot_general3A_461 = tpu.matmul %convert_element_type3A_459, %get3A_64, %dot_general3A_460 {dimension_numbers = #tpu.dot_dimension_numbers<[1], [0], [0], [1], [0, 0, 1, 1], [], []>, transpose_lhs_hint = false} : vector<256x128xbf16>, vector<128x512xbf16>, vector<256x512xf32> -> vector<256x512xf32>
      %add3A_462 = arith.addf %add3A_458, %dot_general3A_461 : vector<256x512xf32>
      %add3A_463 = vector.broadcast %get3A_70 : vector<1x512xf32> to vector<256x512xf32>
      %add3A_464 = arith.addf %add3A_462, %add3A_463 : vector<256x512xf32>
      %slice3A_465 = vector.extract_strided_slice %get3A_166 {offsets = [768, 0], sizes = [256, 128], strides = [1, 1]} : vector<1024x128xbf16> to vector<256x128xbf16>
      %dot_general3A_466 = arith.constant dense<0.000000e+00> : vector<256x512xf32>
      %dot_general3A_467 = tpu.matmul %slice3A_465, %slice3A_75, %dot_general3A_466 {dimension_numbers = #tpu.dot_dimension_numbers<[1], [0], [0], [1], [0, 0, 1, 1], [], []>, transpose_lhs_hint = false} : vector<256x128xbf16>, vector<128x512xbf16>, vector<256x512xf32> -> vector<256x512xf32>
      %slice3A_468 = vector.extract_strided_slice %get3A_171 {offsets = [768, 0], sizes = [256, 128], strides = [1, 1]} : vector<1024x128xbf16> to vector<256x128xbf16>
      %dot_general3A_469 = arith.constant dense<0.000000e+00> : vector<256x512xf32>
      %dot_general3A_470 = tpu.matmul %slice3A_468, %slice3A_76, %dot_general3A_469 {dimension_numbers = #tpu.dot_dimension_numbers<[1], [0], [0], [1], [0, 0, 1, 1], [], []>, transpose_lhs_hint = false} : vector<256x128xbf16>, vector<128x512xbf16>, vector<256x512xf32> -> vector<256x512xf32>
      %add3A_471 = arith.addf %dot_general3A_467, %dot_general3A_470 : vector<256x512xf32>
      %convert_element_type3A_472 = arith.truncf %scan3A_145 : vector<256x128xf32> to vector<256x128xbf16>
      %dot_general3A_473 = arith.constant dense<0.000000e+00> : vector<256x512xf32>
      %dot_general3A_474 = tpu.matmul %convert_element_type3A_472, %get3A_67, %dot_general3A_473 {dimension_numbers = #tpu.dot_dimension_numbers<[1], [0], [0], [1], [0, 0, 1, 1], [], []>, transpose_lhs_hint = false} : vector<256x128xbf16>, vector<128x512xbf16>, vector<256x512xf32> -> vector<256x512xf32>
      %add3A_475 = arith.addf %add3A_471, %dot_general3A_474 : vector<256x512xf32>
      %add3A_476 = vector.broadcast %get3A_73 : vector<1x512xf32> to vector<256x512xf32>
      %add3A_477 = arith.addf %add3A_475, %add3A_476 : vector<256x512xf32>
      %slice3A_478 = vector.extract_strided_slice %add3A_464 {offsets = [0, 0], sizes = [256, 128], strides = [1, 1]} : vector<256x512xf32> to vector<256x128xf32>
      %tanh3A_479 = math.tanh %slice3A_478 : vector<256x128xf32>
      %slice3A_480 = vector.extract_strided_slice %add3A_464 {offsets = [0, 128], sizes = [256, 128], strides = [1, 1]} : vector<256x512xf32> to vector<256x128xf32>
      %tanh3A_481 = math.tanh %slice3A_480 : vector<256x128xf32>
      %slice3A_482 = vector.extract_strided_slice %add3A_464 {offsets = [0, 256], sizes = [256, 128], strides = [1, 1]} : vector<256x512xf32> to vector<256x128xf32>
      %tanh3A_483 = math.tanh %slice3A_482 : vector<256x128xf32>
      %slice3A_484 = vector.extract_strided_slice %add3A_464 {offsets = [0, 384], sizes = [256, 128], strides = [1, 1]} : vector<256x512xf32> to vector<256x128xf32>
      %tanh3A_485 = math.tanh %slice3A_484 : vector<256x128xf32>
      %mul3A_486 = arith.constant 5.000000e-01 : f32
      %mul3A_487 = vector.broadcast %mul3A_486 : f32 to vector<256x128xf32>
      %mul3A_488 = arith.mulf %mul3A_487, %tanh3A_481 : vector<256x128xf32>
      %add3A_489 = arith.constant 5.000000e-01 : f32
      %add3A_490 = vector.broadcast %add3A_489 : f32 to vector<256x128xf32>
      %add3A_491 = arith.addf %add3A_490, %mul3A_488 : vector<256x128xf32>
      %mul3A_492 = arith.mulf %add3A_491, %scan3A_144 : vector<256x128xf32>
      %mul3A_493 = arith.constant 5.000000e-01 : f32
      %mul3A_494 = vector.broadcast %mul3A_493 : f32 to vector<256x128xf32>
      %mul3A_495 = arith.mulf %mul3A_494, %tanh3A_479 : vector<256x128xf32>
      %add3A_496 = arith.constant 5.000000e-01 : f32
      %add3A_497 = vector.broadcast %add3A_496 : f32 to vector<256x128xf32>
      %add3A_498 = arith.addf %add3A_497, %mul3A_495 : vector<256x128xf32>
      %mul3A_499 = arith.mulf %add3A_498, %tanh3A_483 : vector<256x128xf32>
      %add3A_500 = arith.addf %mul3A_492, %mul3A_499 : vector<256x128xf32>
      %mul3A_501 = arith.constant 5.000000e-01 : f32
      %mul3A_502 = vector.broadcast %mul3A_501 : f32 to vector<256x128xf32>
      %mul3A_503 = arith.mulf %mul3A_502, %tanh3A_485 : vector<256x128xf32>
      %add3A_504 = arith.constant 5.000000e-01 : f32
      %add3A_505 = vector.broadcast %add3A_504 : f32 to vector<256x128xf32>
      %add3A_506 = arith.addf %add3A_505, %mul3A_503 : vector<256x128xf32>
      %tanh3A_507 = math.tanh %add3A_500 : vector<256x128xf32>
      %mul3A_508 = arith.mulf %add3A_506, %tanh3A_507 : vector<256x128xf32>
      %slice3A_509 = vector.extract_strided_slice %add3A_477 {offsets = [0, 0], sizes = [256, 128], strides = [1, 1]} : vector<256x512xf32> to vector<256x128xf32>
      %tanh3A_510 = math.tanh %slice3A_509 : vector<256x128xf32>
      %slice3A_511 = vector.extract_strided_slice %add3A_477 {offsets = [0, 128], sizes = [256, 128], strides = [1, 1]} : vector<256x512xf32> to vector<256x128xf32>
      %tanh3A_512 = math.tanh %slice3A_511 : vector<256x128xf32>
      %slice3A_513 = vector.extract_strided_slice %add3A_477 {offsets = [0, 256], sizes = [256, 128], strides = [1, 1]} : vector<256x512xf32> to vector<256x128xf32>
      %tanh3A_514 = math.tanh %slice3A_513 : vector<256x128xf32>
      %slice3A_515 = vector.extract_strided_slice %add3A_477 {offsets = [0, 384], sizes = [256, 128], strides = [1, 1]} : vector<256x512xf32> to vector<256x128xf32>
      %tanh3A_516 = math.tanh %slice3A_515 : vector<256x128xf32>
      %mul3A_517 = arith.constant 5.000000e-01 : f32
      %mul3A_518 = vector.broadcast %mul3A_517 : f32 to vector<256x128xf32>
      %mul3A_519 = arith.mulf %mul3A_518, %tanh3A_512 : vector<256x128xf32>
      %add3A_520 = arith.constant 5.000000e-01 : f32
      %add3A_521 = vector.broadcast %add3A_520 : f32 to vector<256x128xf32>
      %add3A_522 = arith.addf %add3A_521, %mul3A_519 : vector<256x128xf32>
      %mul3A_523 = arith.mulf %add3A_522, %scan3A_146 : vector<256x128xf32>
      %mul3A_524 = arith.constant 5.000000e-01 : f32
      %mul3A_525 = vector.broadcast %mul3A_524 : f32 to vector<256x128xf32>
      %mul3A_526 = arith.mulf %mul3A_525, %tanh3A_510 : vector<256x128xf32>
      %add3A_527 = arith.constant 5.000000e-01 : f32
      %add3A_528 = vector.broadcast %add3A_527 : f32 to vector<256x128xf32>
      %add3A_529 = arith.addf %add3A_528, %mul3A_526 : vector<256x128xf32>
      %mul3A_530 = arith.mulf %add3A_529, %tanh3A_514 : vector<256x128xf32>
      %add3A_531 = arith.addf %mul3A_523, %mul3A_530 : vector<256x128xf32>
      %mul3A_532 = arith.constant 5.000000e-01 : f32
      %mul3A_533 = vector.broadcast %mul3A_532 : f32 to vector<256x128xf32>
      %mul3A_534 = arith.mulf %mul3A_533, %tanh3A_516 : vector<256x128xf32>
      %add3A_535 = arith.constant 5.000000e-01 : f32
      %add3A_536 = vector.broadcast %add3A_535 : f32 to vector<256x128xf32>
      %add3A_537 = arith.addf %add3A_536, %mul3A_534 : vector<256x128xf32>
      %tanh3A_538 = math.tanh %add3A_531 : vector<256x128xf32>
      %mul3A_539 = arith.mulf %add3A_537, %tanh3A_538 : vector<256x128xf32>
      %swap3A_540 = arith.constant 768 : index
      %swap3A_541 = arith.constant 0 : index
      %swap3A_542 = vector.load %arg24[%swap3A_540, %swap3A_541] : memref<1024x128xf32, #tpu.memory_space<vmem>>, vector<256x128xf32>
      tpu.vector_store %arg24[%swap3A_540, %swap3A_541], %mul3A_508 {strides = array<i32>} : memref<1024x128xf32, #tpu.memory_space<vmem>>, vector<256x128xf32>,
      %swap3A_543 = arith.constant 768 : index
      %swap3A_544 = arith.constant 0 : index
      %swap3A_545 = vector.load %arg26[%swap3A_543, %swap3A_544] : memref<1024x128xf32, #tpu.memory_space<vmem>>, vector<256x128xf32>
      tpu.vector_store %arg26[%swap3A_543, %swap3A_544], %mul3A_539 {strides = array<i32>} : memref<1024x128xf32, #tpu.memory_space<vmem>>, vector<256x128xf32>,
      %dma_start3A_546 = arith.constant 0 : i32
      %dma_start3A_547 = arith.constant 0 : i32
      %dma_start3A_548 = tpu.memref_slice %arg11[%dma_start3A_546, %add3A_148, %dma_start3A_547] : memref<1024x50x256xf32, #tpu.memory_space<any>> -> memref<1024x1x128xf32, #tpu.memory_space<any>>
      %dma_start3A_549 = tpu.memref_squeeze %dma_start3A_548 : memref<1024x1x128xf32, #tpu.memory_space<any>> -> memref<1024x128xf32, #tpu.memory_space<any>>
      tpu.enqueue_dma source(%arg24 : memref<1024x128xf32, #tpu.memory_space<vmem>>) target(%dma_start3A_549 : memref<1024x128xf32, #tpu.memory_space<any>>) target_semaphore(%arg28 : memref<!tpu.dma_semaphore, #tpu.memory_space<semaphore_mem>>)
      %dma_start3A_550 = arith.constant 0 : i32
      %dma_start3A_551 = arith.constant 128 : i32
      %dma_start3A_552 = tpu.memref_slice %arg11[%dma_start3A_550, %sub3A_149, %dma_start3A_551] : memref<1024x50x256xf32, #tpu.memory_space<any>> -> memref<1024x1x128xf32, #tpu.memory_space<any>>
      %dma_start3A_553 = tpu.memref_squeeze %dma_start3A_552 : memref<1024x1x128xf32, #tpu.memory_space<any>> -> memref<1024x128xf32, #tpu.memory_space<any>>
      tpu.enqueue_dma source(%arg26 : memref<1024x128xf32, #tpu.memory_space<vmem>>) target(%dma_start3A_553 : memref<1024x128xf32, #tpu.memory_space<any>>) target_semaphore(%arg30 : memref<!tpu.dma_semaphore, #tpu.memory_space<semaphore_mem>>)
      %mul3A_554 = arith.constant 2 : i32
      %mul3A_555 = arith.muli %mul3A_554, %scan3A_130 : i32
      %add3A_556 = arith.constant 1 : i32
      %add3A_557 = arith.addi %mul3A_555, %add3A_556 : i32
      %sub3A_558 = arith.constant 49 : i32
      %sub3A_559 = arith.subi %sub3A_558, %add3A_557 : i32
      %gt3A_560 = arith.constant 0 : i32
      %gt3A_561 = arith.cmpi sgt, %scan3A_130, %gt3A_560 : i32
      %convert_element_type3A_562 = arith.extui %gt3A_561 : i1 to i32
      %cond3A_563 = arith.constant 0 : i32
      %cond3A_564 = arith.cmpi ne, %convert_element_type3A_562, %cond3A_563 : i32
      scf.if %cond3A_564 {
        %dma_wait3A_969 = arith.constant 0 : i32
        %dma_wait3A_970 = arith.constant 0 : i32
        %dma_wait3A_971 = tpu.memref_slice %arg11[%dma_wait3A_969, %add3A_557, %dma_wait3A_970] : memref<1024x50x256xf32, #tpu.memory_space<any>> -> memref<1024x1x128xf32, #tpu.memory_space<any>>
        %dma_wait3A_972 = tpu.memref_squeeze %dma_wait3A_971 : memref<1024x1x128xf32, #tpu.memory_space<any>> -> memref<1024x128xf32, #tpu.memory_space<any>>
        tpu.wait_dma2 semaphore(%arg29 : memref<!tpu.dma_semaphore, #tpu.memory_space<semaphore_mem>>) src(%arg25 : memref<1024x128xf32, #tpu.memory_space<vmem>>) dst(%dma_wait3A_972 : memref<1024x128xf32, #tpu.memory_space<any>>)
        %dma_wait3A_973 = arith.constant 0 : i32
        %dma_wait3A_974 = arith.constant 128 : i32
        %dma_wait3A_975 = tpu.memref_slice %arg11[%dma_wait3A_973, %sub3A_559, %dma_wait3A_974] : memref<1024x50x256xf32, #tpu.memory_space<any>> -> memref<1024x1x128xf32, #tpu.memory_space<any>>
        %dma_wait3A_976 = tpu.memref_squeeze %dma_wait3A_975 : memref<1024x1x128xf32, #tpu.memory_space<any>> -> memref<1024x128xf32, #tpu.memory_space<any>>
        tpu.wait_dma2 semaphore(%arg31 : memref<!tpu.dma_semaphore, #tpu.memory_space<semaphore_mem>>) src(%arg27 : memref<1024x128xf32, #tpu.memory_space<vmem>>) dst(%dma_wait3A_976 : memref<1024x128xf32, #tpu.memory_space<any>>)
      } else {
      }
      %get3A_565 = arith.index_cast %add3A_557 : i32 to index
      %get3A_566 = arith.constant 0 : index
      %get3A_567 = arith.constant 0 : index
      %get3A_568 = vector.load %arg14[%get3A_565, %get3A_566, %get3A_567] : memref<50x1024x128xbf16, #tpu.memory_space<vmem>>, vector<1x1024x128xbf16>
      %get3A_569 = vector.shape_cast %get3A_568 : vector<1x1024x128xbf16> to vector<1024x128xbf16>
      %get3A_570 = arith.index_cast %add3A_557 : i32 to index
      %get3A_571 = arith.constant 0 : index
      %get3A_572 = arith.constant 0 : index
      %get3A_573 = vector.load %arg15[%get3A_570, %get3A_571, %get3A_572] : memref<50x1024x128xbf16, #tpu.memory_space<vmem>>, vector<1x1024x128xbf16>
      %get3A_574 = vector.shape_cast %get3A_573 : vector<1x1024x128xbf16> to vector<1024x128xbf16>
      %get3A_575 = arith.index_cast %sub3A_559 : i32 to index
      %get3A_576 = arith.constant 0 : index
      %get3A_577 = arith.constant 0 : index
      %get3A_578 = vector.load %arg14[%get3A_575, %get3A_576, %get3A_577] : memref<50x1024x128xbf16, #tpu.memory_space<vmem>>, vector<1x1024x128xbf16>
      %get3A_579 = vector.shape_cast %get3A_578 : vector<1x1024x128xbf16> to vector<1024x128xbf16>
      %get3A_580 = arith.index_cast %sub3A_559 : i32 to index
      %get3A_581 = arith.constant 0 : index
      %get3A_582 = arith.constant 0 : index
      %get3A_583 = vector.load %arg15[%get3A_580, %get3A_581, %get3A_582] : memref<50x1024x128xbf16, #tpu.memory_space<vmem>>, vector<1x1024x128xbf16>
      %get3A_584 = vector.shape_cast %get3A_583 : vector<1x1024x128xbf16> to vector<1024x128xbf16>
      %slice3A_585 = vector.extract_strided_slice %get3A_569 {offsets = [0, 0], sizes = [256, 128], strides = [1, 1]} : vector<1024x128xbf16> to vector<256x128xbf16>
      %dot_general3A_586 = arith.constant dense<0.000000e+00> : vector<256x512xf32>
      %dot_general3A_587 = tpu.matmul %slice3A_585, %slice3A, %dot_general3A_586 {dimension_numbers = #tpu.dot_dimension_numbers<[1], [0], [0], [1], [0, 0, 1, 1], [], []>, transpose_lhs_hint = false} : vector<256x128xbf16>, vector<128x512xbf16>, vector<256x512xf32> -> vector<256x512xf32>
      %slice3A_588 = vector.extract_strided_slice %get3A_574 {offsets = [0, 0], sizes = [256, 128], strides = [1, 1]} : vector<1024x128xbf16> to vector<256x128xbf16>
      %dot_general3A_589 = arith.constant dense<0.000000e+00> : vector<256x512xf32>
      %dot_general3A_590 = tpu.matmul %slice3A_588, %slice3A_74, %dot_general3A_589 {dimension_numbers = #tpu.dot_dimension_numbers<[1], [0], [0], [1], [0, 0, 1, 1], [], []>, transpose_lhs_hint = false} : vector<256x128xbf16>, vector<128x512xbf16>, vector<256x512xf32> -> vector<256x512xf32>
      %add3A_591 = arith.addf %dot_general3A_587, %dot_general3A_590 : vector<256x512xf32>
      %convert_element_type3A_592 = arith.truncf %mul3A_226 : vector<256x128xf32> to vector<256x128xbf16>
      %dot_general3A_593 = arith.constant dense<0.000000e+00> : vector<256x512xf32>
      %dot_general3A_594 = tpu.matmul %convert_element_type3A_592, %get3A_64, %dot_general3A_593 {dimension_numbers = #tpu.dot_dimension_numbers<[1], [0], [0], [1], [0, 0, 1, 1], [], []>, transpose_lhs_hint = false} : vector<256x128xbf16>, vector<128x512xbf16>, vector<256x512xf32> -> vector<256x512xf32>
      %add3A_595 = arith.addf %add3A_591, %dot_general3A_594 : vector<256x512xf32>
      %add3A_596 = vector.broadcast %get3A_70 : vector<1x512xf32> to vector<256x512xf32>
      %add3A_597 = arith.addf %add3A_595, %add3A_596 : vector<256x512xf32>
      %slice3A_598 = vector.extract_strided_slice %get3A_579 {offsets = [0, 0], sizes = [256, 128], strides = [1, 1]} : vector<1024x128xbf16> to vector<256x128xbf16>
      %dot_general3A_599 = arith.constant dense<0.000000e+00> : vector<256x512xf32>
      %dot_general3A_600 = tpu.matmul %slice3A_598, %slice3A_75, %dot_general3A_599 {dimension_numbers = #tpu.dot_dimension_numbers<[1], [0], [0], [1], [0, 0, 1, 1], [], []>, transpose_lhs_hint = false} : vector<256x128xbf16>, vector<128x512xbf16>, vector<256x512xf32> -> vector<256x512xf32>
      %slice3A_601 = vector.extract_strided_slice %get3A_584 {offsets = [0, 0], sizes = [256, 128], strides = [1, 1]} : vector<1024x128xbf16> to vector<256x128xbf16>
      %dot_general3A_602 = arith.constant dense<0.000000e+00> : vector<256x512xf32>
      %dot_general3A_603 = tpu.matmul %slice3A_601, %slice3A_76, %dot_general3A_602 {dimension_numbers = #tpu.dot_dimension_numbers<[1], [0], [0], [1], [0, 0, 1, 1], [], []>, transpose_lhs_hint = false} : vector<256x128xbf16>, vector<128x512xbf16>, vector<256x512xf32> -> vector<256x512xf32>
      %add3A_604 = arith.addf %dot_general3A_600, %dot_general3A_603 : vector<256x512xf32>
      %convert_element_type3A_605 = arith.truncf %mul3A_257 : vector<256x128xf32> to vector<256x128xbf16>
      %dot_general3A_606 = arith.constant dense<0.000000e+00> : vector<256x512xf32>
      %dot_general3A_607 = tpu.matmul %convert_element_type3A_605, %get3A_67, %dot_general3A_606 {dimension_numbers = #tpu.dot_dimension_numbers<[1], [0], [0], [1], [0, 0, 1, 1], [], []>, transpose_lhs_hint = false} : vector<256x128xbf16>, vector<128x512xbf16>, vector<256x512xf32> -> vector<256x512xf32>
      %add3A_608 = arith.addf %add3A_604, %dot_general3A_607 : vector<256x512xf32>
      %add3A_609 = vector.broadcast %get3A_73 : vector<1x512xf32> to vector<256x512xf32>
      %add3A_610 = arith.addf %add3A_608, %add3A_609 : vector<256x512xf32>
      %slice3A_611 = vector.extract_strided_slice %add3A_597 {offsets = [0, 0], sizes = [256, 128], strides = [1, 1]} : vector<256x512xf32> to vector<256x128xf32>
      %tanh3A_612 = math.tanh %slice3A_611 : vector<256x128xf32>
      %slice3A_613 = vector.extract_strided_slice %add3A_597 {offsets = [0, 128], sizes = [256, 128], strides = [1, 1]} : vector<256x512xf32> to vector<256x128xf32>
      %tanh3A_614 = math.tanh %slice3A_613 : vector<256x128xf32>
      %slice3A_615 = vector.extract_strided_slice %add3A_597 {offsets = [0, 256], sizes = [256, 128], strides = [1, 1]} : vector<256x512xf32> to vector<256x128xf32>
      %tanh3A_616 = math.tanh %slice3A_615 : vector<256x128xf32>
      %slice3A_617 = vector.extract_strided_slice %add3A_597 {offsets = [0, 384], sizes = [256, 128], strides = [1, 1]} : vector<256x512xf32> to vector<256x128xf32>
      %tanh3A_618 = math.tanh %slice3A_617 : vector<256x128xf32>
      %mul3A_619 = arith.constant 5.000000e-01 : f32
      %mul3A_620 = vector.broadcast %mul3A_619 : f32 to vector<256x128xf32>
      %mul3A_621 = arith.mulf %mul3A_620, %tanh3A_614 : vector<256x128xf32>
      %add3A_622 = arith.constant 5.000000e-01 : f32
      %add3A_623 = vector.broadcast %add3A_622 : f32 to vector<256x128xf32>
      %add3A_624 = arith.addf %add3A_623, %mul3A_621 : vector<256x128xf32>
      %mul3A_625 = arith.mulf %add3A_624, %add3A_218 : vector<256x128xf32>
      %mul3A_626 = arith.constant 5.000000e-01 : f32
      %mul3A_627 = vector.broadcast %mul3A_626 : f32 to vector<256x128xf32>
      %mul3A_628 = arith.mulf %mul3A_627, %tanh3A_612 : vector<256x128xf32>
      %add3A_629 = arith.constant 5.000000e-01 : f32
      %add3A_630 = vector.broadcast %add3A_629 : f32 to vector<256x128xf32>
      %add3A_631 = arith.addf %add3A_630, %mul3A_628 : vector<256x128xf32>
      %mul3A_632 = arith.mulf %add3A_631, %tanh3A_616 : vector<256x128xf32>
      %add3A_633 = arith.addf %mul3A_625, %mul3A_632 : vector<256x128xf32>
      %mul3A_634 = arith.constant 5.000000e-01 : f32
      %mul3A_635 = vector.broadcast %mul3A_634 : f32 to vector<256x128xf32>
      %mul3A_636 = arith.mulf %mul3A_635, %tanh3A_618 : vector<256x128xf32>
      %add3A_637 = arith.constant 5.000000e-01 : f32
      %add3A_638 = vector.broadcast %add3A_637 : f32 to vector<256x128xf32>
      %add3A_639 = arith.addf %add3A_638, %mul3A_636 : vector<256x128xf32>
      %tanh3A_640 = math.tanh %add3A_633 : vector<256x128xf32>
      %mul3A_641 = arith.mulf %add3A_639, %tanh3A_640 : vector<256x128xf32>
      %slice3A_642 = vector.extract_strided_slice %add3A_610 {offsets = [0, 0], sizes = [256, 128], strides = [1, 1]} : vector<256x512xf32> to vector<256x128xf32>
      %tanh3A_643 = math.tanh %slice3A_642 : vector<256x128xf32>
      %slice3A_644 = vector.extract_strided_slice %add3A_610 {offsets = [0, 128], sizes = [256, 128], strides = [1, 1]} : vector<256x512xf32> to vector<256x128xf32>
      %tanh3A_645 = math.tanh %slice3A_644 : vector<256x128xf32>
      %slice3A_646 = vector.extract_strided_slice %add3A_610 {offsets = [0, 256], sizes = [256, 128], strides = [1, 1]} : vector<256x512xf32> to vector<256x128xf32>
      %tanh3A_647 = math.tanh %slice3A_646 : vector<256x128xf32>
      %slice3A_648 = vector.extract_strided_slice %add3A_610 {offsets = [0, 384], sizes = [256, 128], strides = [1, 1]} : vector<256x512xf32> to vector<256x128xf32>
      %tanh3A_649 = math.tanh %slice3A_648 : vector<256x128xf32>
      %mul3A_650 = arith.constant 5.000000e-01 : f32
      %mul3A_651 = vector.broadcast %mul3A_650 : f32 to vector<256x128xf32>
      %mul3A_652 = arith.mulf %mul3A_651, %tanh3A_645 : vector<256x128xf32>
      %add3A_653 = arith.constant 5.000000e-01 : f32
      %add3A_654 = vector.broadcast %add3A_653 : f32 to vector<256x128xf32>
      %add3A_655 = arith.addf %add3A_654, %mul3A_652 : vector<256x128xf32>
      %mul3A_656 = arith.mulf %add3A_655, %add3A_249 : vector<256x128xf32>
      %mul3A_657 = arith.constant 5.000000e-01 : f32
      %mul3A_658 = vector.broadcast %mul3A_657 : f32 to vector<256x128xf32>
      %mul3A_659 = arith.mulf %mul3A_658, %tanh3A_643 : vector<256x128xf32>
      %add3A_660 = arith.constant 5.000000e-01 : f32
      %add3A_661 = vector.broadcast %add3A_660 : f32 to vector<256x128xf32>
      %add3A_662 = arith.addf %add3A_661, %mul3A_659 : vector<256x128xf32>
      %mul3A_663 = arith.mulf %add3A_662, %tanh3A_647 : vector<256x128xf32>
      %add3A_664 = arith.addf %mul3A_656, %mul3A_663 : vector<256x128xf32>
      %mul3A_665 = arith.constant 5.000000e-01 : f32
      %mul3A_666 = vector.broadcast %mul3A_665 : f32 to vector<256x128xf32>
      %mul3A_667 = arith.mulf %mul3A_666, %tanh3A_649 : vector<256x128xf32>
      %add3A_668 = arith.constant 5.000000e-01 : f32
      %add3A_669 = vector.broadcast %add3A_668 : f32 to vector<256x128xf32>
      %add3A_670 = arith.addf %add3A_669, %mul3A_667 : vector<256x128xf32>
      %tanh3A_671 = math.tanh %add3A_664 : vector<256x128xf32>
      %mul3A_672 = arith.mulf %add3A_670, %tanh3A_671 : vector<256x128xf32>
      %swap3A_673 = arith.constant 0 : index
      %swap3A_674 = arith.constant 0 : index
      %swap3A_675 = vector.load %arg25[%swap3A_673, %swap3A_674] : memref<1024x128xf32, #tpu.memory_space<vmem>>, vector<256x128xf32>
      tpu.vector_store %arg25[%swap3A_673, %swap3A_674], %mul3A_641 {strides = array<i32>} : memref<1024x128xf32, #tpu.memory_space<vmem>>, vector<256x128xf32>,
      %swap3A_676 = arith.constant 0 : index
      %swap3A_677 = arith.constant 0 : index
      %swap3A_678 = vector.load %arg27[%swap3A_676, %swap3A_677] : memref<1024x128xf32, #tpu.memory_space<vmem>>, vector<256x128xf32>
      tpu.vector_store %arg27[%swap3A_676, %swap3A_677], %mul3A_672 {strides = array<i32>} : memref<1024x128xf32, #tpu.memory_space<vmem>>, vector<256x128xf32>,
      %slice3A_679 = vector.extract_strided_slice %get3A_569 {offsets = [256, 0], sizes = [256, 128], strides = [1, 1]} : vector<1024x128xbf16> to vector<256x128xbf16>
      %dot_general3A_680 = arith.constant dense<0.000000e+00> : vector<256x512xf32>
      %dot_general3A_681 = tpu.matmul %slice3A_679, %slice3A, %dot_general3A_680 {dimension_numbers = #tpu.dot_dimension_numbers<[1], [0], [0], [1], [0, 0, 1, 1], [], []>, transpose_lhs_hint = false} : vector<256x128xbf16>, vector<128x512xbf16>, vector<256x512xf32> -> vector<256x512xf32>
      %slice3A_682 = vector.extract_strided_slice %get3A_574 {offsets = [256, 0], sizes = [256, 128], strides = [1, 1]} : vector<1024x128xbf16> to vector<256x128xbf16>
      %dot_general3A_683 = arith.constant dense<0.000000e+00> : vector<256x512xf32>
      %dot_general3A_684 = tpu.matmul %slice3A_682, %slice3A_74, %dot_general3A_683 {dimension_numbers = #tpu.dot_dimension_numbers<[1], [0], [0], [1], [0, 0, 1, 1], [], []>, transpose_lhs_hint = false} : vector<256x128xbf16>, vector<128x512xbf16>, vector<256x512xf32> -> vector<256x512xf32>
      %add3A_685 = arith.addf %dot_general3A_681, %dot_general3A_684 : vector<256x512xf32>
      %convert_element_type3A_686 = arith.truncf %mul3A_320 : vector<256x128xf32> to vector<256x128xbf16>
      %dot_general3A_687 = arith.constant dense<0.000000e+00> : vector<256x512xf32>
      %dot_general3A_688 = tpu.matmul %convert_element_type3A_686, %get3A_64, %dot_general3A_687 {dimension_numbers = #tpu.dot_dimension_numbers<[1], [0], [0], [1], [0, 0, 1, 1], [], []>, transpose_lhs_hint = false} : vector<256x128xbf16>, vector<128x512xbf16>, vector<256x512xf32> -> vector<256x512xf32>
      %add3A_689 = arith.addf %add3A_685, %dot_general3A_688 : vector<256x512xf32>
      %add3A_690 = vector.broadcast %get3A_70 : vector<1x512xf32> to vector<256x512xf32>
      %add3A_691 = arith.addf %add3A_689, %add3A_690 : vector<256x512xf32>
      %slice3A_692 = vector.extract_strided_slice %get3A_579 {offsets = [256, 0], sizes = [256, 128], strides = [1, 1]} : vector<1024x128xbf16> to vector<256x128xbf16>
      %dot_general3A_693 = arith.constant dense<0.000000e+00> : vector<256x512xf32>
      %dot_general3A_694 = tpu.matmul %slice3A_692, %slice3A_75, %dot_general3A_693 {dimension_numbers = #tpu.dot_dimension_numbers<[1], [0], [0], [1], [0, 0, 1, 1], [], []>, transpose_lhs_hint = false} : vector<256x128xbf16>, vector<128x512xbf16>, vector<256x512xf32> -> vector<256x512xf32>
      %slice3A_695 = vector.extract_strided_slice %get3A_584 {offsets = [256, 0], sizes = [256, 128], strides = [1, 1]} : vector<1024x128xbf16> to vector<256x128xbf16>
      %dot_general3A_696 = arith.constant dense<0.000000e+00> : vector<256x512xf32>
      %dot_general3A_697 = tpu.matmul %slice3A_695, %slice3A_76, %dot_general3A_696 {dimension_numbers = #tpu.dot_dimension_numbers<[1], [0], [0], [1], [0, 0, 1, 1], [], []>, transpose_lhs_hint = false} : vector<256x128xbf16>, vector<128x512xbf16>, vector<256x512xf32> -> vector<256x512xf32>
      %add3A_698 = arith.addf %dot_general3A_694, %dot_general3A_697 : vector<256x512xf32>
      %convert_element_type3A_699 = arith.truncf %mul3A_351 : vector<256x128xf32> to vector<256x128xbf16>
      %dot_general3A_700 = arith.constant dense<0.000000e+00> : vector<256x512xf32>
      %dot_general3A_701 = tpu.matmul %convert_element_type3A_699, %get3A_67, %dot_general3A_700 {dimension_numbers = #tpu.dot_dimension_numbers<[1], [0], [0], [1], [0, 0, 1, 1], [], []>, transpose_lhs_hint = false} : vector<256x128xbf16>, vector<128x512xbf16>, vector<256x512xf32> -> vector<256x512xf32>
      %add3A_702 = arith.addf %add3A_698, %dot_general3A_701 : vector<256x512xf32>
      %add3A_703 = vector.broadcast %get3A_73 : vector<1x512xf32> to vector<256x512xf32>
      %add3A_704 = arith.addf %add3A_702, %add3A_703 : vector<256x512xf32>
      %slice3A_705 = vector.extract_strided_slice %add3A_691 {offsets = [0, 0], sizes = [256, 128], strides = [1, 1]} : vector<256x512xf32> to vector<256x128xf32>
      %tanh3A_706 = math.tanh %slice3A_705 : vector<256x128xf32>
      %slice3A_707 = vector.extract_strided_slice %add3A_691 {offsets = [0, 128], sizes = [256, 128], strides = [1, 1]} : vector<256x512xf32> to vector<256x128xf32>
      %tanh3A_708 = math.tanh %slice3A_707 : vector<256x128xf32>
      %slice3A_709 = vector.extract_strided_slice %add3A_691 {offsets = [0, 256], sizes = [256, 128], strides = [1, 1]} : vector<256x512xf32> to vector<256x128xf32>
      %tanh3A_710 = math.tanh %slice3A_709 : vector<256x128xf32>
      %slice3A_711 = vector.extract_strided_slice %add3A_691 {offsets = [0, 384], sizes = [256, 128], strides = [1, 1]} : vector<256x512xf32> to vector<256x128xf32>
      %tanh3A_712 = math.tanh %slice3A_711 : vector<256x128xf32>
      %mul3A_713 = arith.constant 5.000000e-01 : f32
      %mul3A_714 = vector.broadcast %mul3A_713 : f32 to vector<256x128xf32>
      %mul3A_715 = arith.mulf %mul3A_714, %tanh3A_708 : vector<256x128xf32>
      %add3A_716 = arith.constant 5.000000e-01 : f32
      %add3A_717 = vector.broadcast %add3A_716 : f32 to vector<256x128xf32>
      %add3A_718 = arith.addf %add3A_717, %mul3A_715 : vector<256x128xf32>
      %mul3A_719 = arith.mulf %add3A_718, %add3A_312 : vector<256x128xf32>
      %mul3A_720 = arith.constant 5.000000e-01 : f32
      %mul3A_721 = vector.broadcast %mul3A_720 : f32 to vector<256x128xf32>
      %mul3A_722 = arith.mulf %mul3A_721, %tanh3A_706 : vector<256x128xf32>
      %add3A_723 = arith.constant 5.000000e-01 : f32
      %add3A_724 = vector.broadcast %add3A_723 : f32 to vector<256x128xf32>
      %add3A_725 = arith.addf %add3A_724, %mul3A_722 : vector<256x128xf32>
      %mul3A_726 = arith.mulf %add3A_725, %tanh3A_710 : vector<256x128xf32>
      %add3A_727 = arith.addf %mul3A_719, %mul3A_726 : vector<256x128xf32>
      %mul3A_728 = arith.constant 5.000000e-01 : f32
      %mul3A_729 = vector.broadcast %mul3A_728 : f32 to vector<256x128xf32>
      %mul3A_730 = arith.mulf %mul3A_729, %tanh3A_712 : vector<256x128xf32>
      %add3A_731 = arith.constant 5.000000e-01 : f32
      %add3A_732 = vector.broadcast %add3A_731 : f32 to vector<256x128xf32>
      %add3A_733 = arith.addf %add3A_732, %mul3A_730 : vector<256x128xf32>
      %tanh3A_734 = math.tanh %add3A_727 : vector<256x128xf32>
      %mul3A_735 = arith.mulf %add3A_733, %tanh3A_734 : vector<256x128xf32>
      %slice3A_736 = vector.extract_strided_slice %add3A_704 {offsets = [0, 0], sizes = [256, 128], strides = [1, 1]} : vector<256x512xf32> to vector<256x128xf32>
      %tanh3A_737 = math.tanh %slice3A_736 : vector<256x128xf32>
      %slice3A_738 = vector.extract_strided_slice %add3A_704 {offsets = [0, 128], sizes = [256, 128], strides = [1, 1]} : vector<256x512xf32> to vector<256x128xf32>
      %tanh3A_739 = math.tanh %slice3A_738 : vector<256x128xf32>
      %slice3A_740 = vector.extract_strided_slice %add3A_704 {offsets = [0, 256], sizes = [256, 128], strides = [1, 1]} : vector<256x512xf32> to vector<256x128xf32>
      %tanh3A_741 = math.tanh %slice3A_740 : vector<256x128xf32>
      %slice3A_742 = vector.extract_strided_slice %add3A_704 {offsets = [0, 384], sizes = [256, 128], strides = [1, 1]} : vector<256x512xf32> to vector<256x128xf32>
      %tanh3A_743 = math.tanh %slice3A_742 : vector<256x128xf32>
      %mul3A_744 = arith.constant 5.000000e-01 : f32
      %mul3A_745 = vector.broadcast %mul3A_744 : f32 to vector<256x128xf32>
      %mul3A_746 = arith.mulf %mul3A_745, %tanh3A_739 : vector<256x128xf32>
      %add3A_747 = arith.constant 5.000000e-01 : f32
      %add3A_748 = vector.broadcast %add3A_747 : f32 to vector<256x128xf32>
      %add3A_749 = arith.addf %add3A_748, %mul3A_746 : vector<256x128xf32>
      %mul3A_750 = arith.mulf %add3A_749, %add3A_343 : vector<256x128xf32>
      %mul3A_751 = arith.constant 5.000000e-01 : f32
      %mul3A_752 = vector.broadcast %mul3A_751 : f32 to vector<256x128xf32>
      %mul3A_753 = arith.mulf %mul3A_752, %tanh3A_737 : vector<256x128xf32>
      %add3A_754 = arith.constant 5.000000e-01 : f32
      %add3A_755 = vector.broadcast %add3A_754 : f32 to vector<256x128xf32>
      %add3A_756 = arith.addf %add3A_755, %mul3A_753 : vector<256x128xf32>
      %mul3A_757 = arith.mulf %add3A_756, %tanh3A_741 : vector<256x128xf32>
      %add3A_758 = arith.addf %mul3A_750, %mul3A_757 : vector<256x128xf32>
      %mul3A_759 = arith.constant 5.000000e-01 : f32
      %mul3A_760 = vector.broadcast %mul3A_759 : f32 to vector<256x128xf32>
      %mul3A_761 = arith.mulf %mul3A_760, %tanh3A_743 : vector<256x128xf32>
      %add3A_762 = arith.constant 5.000000e-01 : f32
      %add3A_763 = vector.broadcast %add3A_762 : f32 to vector<256x128xf32>
      %add3A_764 = arith.addf %add3A_763, %mul3A_761 : vector<256x128xf32>
      %tanh3A_765 = math.tanh %add3A_758 : vector<256x128xf32>
      %mul3A_766 = arith.mulf %add3A_764, %tanh3A_765 : vector<256x128xf32>
      %swap3A_767 = arith.constant 256 : index
      %swap3A_768 = arith.constant 0 : index
      %swap3A_769 = vector.load %arg25[%swap3A_767, %swap3A_768] : memref<1024x128xf32, #tpu.memory_space<vmem>>, vector<256x128xf32>
      tpu.vector_store %arg25[%swap3A_767, %swap3A_768], %mul3A_735 {strides = array<i32>} : memref<1024x128xf32, #tpu.memory_space<vmem>>, vector<256x128xf32>,
      %swap3A_770 = arith.constant 256 : index
      %swap3A_771 = arith.constant 0 : index
      %swap3A_772 = vector.load %arg27[%swap3A_770, %swap3A_771] : memref<1024x128xf32, #tpu.memory_space<vmem>>, vector<256x128xf32>
      tpu.vector_store %arg27[%swap3A_770, %swap3A_771], %mul3A_766 {strides = array<i32>} : memref<1024x128xf32, #tpu.memory_space<vmem>>, vector<256x128xf32>,
      %slice3A_773 = vector.extract_strided_slice %get3A_569 {offsets = [512, 0], sizes = [256, 128], strides = [1, 1]} : vector<1024x128xbf16> to vector<256x128xbf16>
      %dot_general3A_774 = arith.constant dense<0.000000e+00> : vector<256x512xf32>
      %dot_general3A_775 = tpu.matmul %slice3A_773, %slice3A, %dot_general3A_774 {dimension_numbers = #tpu.dot_dimension_numbers<[1], [0], [0], [1], [0, 0, 1, 1], [], []>, transpose_lhs_hint = false} : vector<256x128xbf16>, vector<128x512xbf16>, vector<256x512xf32> -> vector<256x512xf32>
      %slice3A_776 = vector.extract_strided_slice %get3A_574 {offsets = [512, 0], sizes = [256, 128], strides = [1, 1]} : vector<1024x128xbf16> to vector<256x128xbf16>
      %dot_general3A_777 = arith.constant dense<0.000000e+00> : vector<256x512xf32>
      %dot_general3A_778 = tpu.matmul %slice3A_776, %slice3A_74, %dot_general3A_777 {dimension_numbers = #tpu.dot_dimension_numbers<[1], [0], [0], [1], [0, 0, 1, 1], [], []>, transpose_lhs_hint = false} : vector<256x128xbf16>, vector<128x512xbf16>, vector<256x512xf32> -> vector<256x512xf32>
      %add3A_779 = arith.addf %dot_general3A_775, %dot_general3A_778 : vector<256x512xf32>
      %convert_element_type3A_780 = arith.truncf %mul3A_414 : vector<256x128xf32> to vector<256x128xbf16>
      %dot_general3A_781 = arith.constant dense<0.000000e+00> : vector<256x512xf32>
      %dot_general3A_782 = tpu.matmul %convert_element_type3A_780, %get3A_64, %dot_general3A_781 {dimension_numbers = #tpu.dot_dimension_numbers<[1], [0], [0], [1], [0, 0, 1, 1], [], []>, transpose_lhs_hint = false} : vector<256x128xbf16>, vector<128x512xbf16>, vector<256x512xf32> -> vector<256x512xf32>
      %add3A_783 = arith.addf %add3A_779, %dot_general3A_782 : vector<256x512xf32>
      %add3A_784 = vector.broadcast %get3A_70 : vector<1x512xf32> to vector<256x512xf32>
      %add3A_785 = arith.addf %add3A_783, %add3A_784 : vector<256x512xf32>
      %slice3A_786 = vector.extract_strided_slice %get3A_579 {offsets = [512, 0], sizes = [256, 128], strides = [1, 1]} : vector<1024x128xbf16> to vector<256x128xbf16>
      %dot_general3A_787 = arith.constant dense<0.000000e+00> : vector<256x512xf32>
      %dot_general3A_788 = tpu.matmul %slice3A_786, %slice3A_75, %dot_general3A_787 {dimension_numbers = #tpu.dot_dimension_numbers<[1], [0], [0], [1], [0, 0, 1, 1], [], []>, transpose_lhs_hint = false} : vector<256x128xbf16>, vector<128x512xbf16>, vector<256x512xf32> -> vector<256x512xf32>
      %slice3A_789 = vector.extract_strided_slice %get3A_584 {offsets = [512, 0], sizes = [256, 128], strides = [1, 1]} : vector<1024x128xbf16> to vector<256x128xbf16>
      %dot_general3A_790 = arith.constant dense<0.000000e+00> : vector<256x512xf32>
      %dot_general3A_791 = tpu.matmul %slice3A_789, %slice3A_76, %dot_general3A_790 {dimension_numbers = #tpu.dot_dimension_numbers<[1], [0], [0], [1], [0, 0, 1, 1], [], []>, transpose_lhs_hint = false} : vector<256x128xbf16>, vector<128x512xbf16>, vector<256x512xf32> -> vector<256x512xf32>
      %add3A_792 = arith.addf %dot_general3A_788, %dot_general3A_791 : vector<256x512xf32>
      %convert_element_type3A_793 = arith.truncf %mul3A_445 : vector<256x128xf32> to vector<256x128xbf16>
      %dot_general3A_794 = arith.constant dense<0.000000e+00> : vector<256x512xf32>
      %dot_general3A_795 = tpu.matmul %convert_element_type3A_793, %get3A_67, %dot_general3A_794 {dimension_numbers = #tpu.dot_dimension_numbers<[1], [0], [0], [1], [0, 0, 1, 1], [], []>, transpose_lhs_hint = false} : vector<256x128xbf16>, vector<128x512xbf16>, vector<256x512xf32> -> vector<256x512xf32>
      %add3A_796 = arith.addf %add3A_792, %dot_general3A_795 : vector<256x512xf32>
      %add3A_797 = vector.broadcast %get3A_73 : vector<1x512xf32> to vector<256x512xf32>
      %add3A_798 = arith.addf %add3A_796, %add3A_797 : vector<256x512xf32>
      %slice3A_799 = vector.extract_strided_slice %add3A_785 {offsets = [0, 0], sizes = [256, 128], strides = [1, 1]} : vector<256x512xf32> to vector<256x128xf32>
      %tanh3A_800 = math.tanh %slice3A_799 : vector<256x128xf32>
      %slice3A_801 = vector.extract_strided_slice %add3A_785 {offsets = [0, 128], sizes = [256, 128], strides = [1, 1]} : vector<256x512xf32> to vector<256x128xf32>
      %tanh3A_802 = math.tanh %slice3A_801 : vector<256x128xf32>
      %slice3A_803 = vector.extract_strided_slice %add3A_785 {offsets = [0, 256], sizes = [256, 128], strides = [1, 1]} : vector<256x512xf32> to vector<256x128xf32>
      %tanh3A_804 = math.tanh %slice3A_803 : vector<256x128xf32>
      %slice3A_805 = vector.extract_strided_slice %add3A_785 {offsets = [0, 384], sizes = [256, 128], strides = [1, 1]} : vector<256x512xf32> to vector<256x128xf32>
      %tanh3A_806 = math.tanh %slice3A_805 : vector<256x128xf32>
      %mul3A_807 = arith.constant 5.000000e-01 : f32
      %mul3A_808 = vector.broadcast %mul3A_807 : f32 to vector<256x128xf32>
      %mul3A_809 = arith.mulf %mul3A_808, %tanh3A_802 : vector<256x128xf32>
      %add3A_810 = arith.constant 5.000000e-01 : f32
      %add3A_811 = vector.broadcast %add3A_810 : f32 to vector<256x128xf32>
      %add3A_812 = arith.addf %add3A_811, %mul3A_809 : vector<256x128xf32>
      %mul3A_813 = arith.mulf %add3A_812, %add3A_406 : vector<256x128xf32>
      %mul3A_814 = arith.constant 5.000000e-01 : f32
      %mul3A_815 = vector.broadcast %mul3A_814 : f32 to vector<256x128xf32>
      %mul3A_816 = arith.mulf %mul3A_815, %tanh3A_800 : vector<256x128xf32>
      %add3A_817 = arith.constant 5.000000e-01 : f32
      %add3A_818 = vector.broadcast %add3A_817 : f32 to vector<256x128xf32>
      %add3A_819 = arith.addf %add3A_818, %mul3A_816 : vector<256x128xf32>
      %mul3A_820 = arith.mulf %add3A_819, %tanh3A_804 : vector<256x128xf32>
      %add3A_821 = arith.addf %mul3A_813, %mul3A_820 : vector<256x128xf32>
      %mul3A_822 = arith.constant 5.000000e-01 : f32
      %mul3A_823 = vector.broadcast %mul3A_822 : f32 to vector<256x128xf32>
      %mul3A_824 = arith.mulf %mul3A_823, %tanh3A_806 : vector<256x128xf32>
      %add3A_825 = arith.constant 5.000000e-01 : f32
      %add3A_826 = vector.broadcast %add3A_825 : f32 to vector<256x128xf32>
      %add3A_827 = arith.addf %add3A_826, %mul3A_824 : vector<256x128xf32>
      %tanh3A_828 = math.tanh %add3A_821 : vector<256x128xf32>
      %mul3A_829 = arith.mulf %add3A_827, %tanh3A_828 : vector<256x128xf32>
      %slice3A_830 = vector.extract_strided_slice %add3A_798 {offsets = [0, 0], sizes = [256, 128], strides = [1, 1]} : vector<256x512xf32> to vector<256x128xf32>
      %tanh3A_831 = math.tanh %slice3A_830 : vector<256x128xf32>
      %slice3A_832 = vector.extract_strided_slice %add3A_798 {offsets = [0, 128], sizes = [256, 128], strides = [1, 1]} : vector<256x512xf32> to vector<256x128xf32>
      %tanh3A_833 = math.tanh %slice3A_832 : vector<256x128xf32>
      %slice3A_834 = vector.extract_strided_slice %add3A_798 {offsets = [0, 256], sizes = [256, 128], strides = [1, 1]} : vector<256x512xf32> to vector<256x128xf32>
      %tanh3A_835 = math.tanh %slice3A_834 : vector<256x128xf32>
      %slice3A_836 = vector.extract_strided_slice %add3A_798 {offsets = [0, 384], sizes = [256, 128], strides = [1, 1]} : vector<256x512xf32> to vector<256x128xf32>
      %tanh3A_837 = math.tanh %slice3A_836 : vector<256x128xf32>
      %mul3A_838 = arith.constant 5.000000e-01 : f32
      %mul3A_839 = vector.broadcast %mul3A_838 : f32 to vector<256x128xf32>
      %mul3A_840 = arith.mulf %mul3A_839, %tanh3A_833 : vector<256x128xf32>
      %add3A_841 = arith.constant 5.000000e-01 : f32
      %add3A_842 = vector.broadcast %add3A_841 : f32 to vector<256x128xf32>
      %add3A_843 = arith.addf %add3A_842, %mul3A_840 : vector<256x128xf32>
      %mul3A_844 = arith.mulf %add3A_843, %add3A_437 : vector<256x128xf32>
      %mul3A_845 = arith.constant 5.000000e-01 : f32
      %mul3A_846 = vector.broadcast %mul3A_845 : f32 to vector<256x128xf32>
      %mul3A_847 = arith.mulf %mul3A_846, %tanh3A_831 : vector<256x128xf32>
      %add3A_848 = arith.constant 5.000000e-01 : f32
      %add3A_849 = vector.broadcast %add3A_848 : f32 to vector<256x128xf32>
      %add3A_850 = arith.addf %add3A_849, %mul3A_847 : vector<256x128xf32>
      %mul3A_851 = arith.mulf %add3A_850, %tanh3A_835 : vector<256x128xf32>
      %add3A_852 = arith.addf %mul3A_844, %mul3A_851 : vector<256x128xf32>
      %mul3A_853 = arith.constant 5.000000e-01 : f32
      %mul3A_854 = vector.broadcast %mul3A_853 : f32 to vector<256x128xf32>
      %mul3A_855 = arith.mulf %mul3A_854, %tanh3A_837 : vector<256x128xf32>
      %add3A_856 = arith.constant 5.000000e-01 : f32
      %add3A_857 = vector.broadcast %add3A_856 : f32 to vector<256x128xf32>
      %add3A_858 = arith.addf %add3A_857, %mul3A_855 : vector<256x128xf32>
      %tanh3A_859 = math.tanh %add3A_852 : vector<256x128xf32>
      %mul3A_860 = arith.mulf %add3A_858, %tanh3A_859 : vector<256x128xf32>
      %swap3A_861 = arith.constant 512 : index
      %swap3A_862 = arith.constant 0 : index
      %swap3A_863 = vector.load %arg25[%swap3A_861, %swap3A_862] : memref<1024x128xf32, #tpu.memory_space<vmem>>, vector<256x128xf32>
      tpu.vector_store %arg25[%swap3A_861, %swap3A_862], %mul3A_829 {strides = array<i32>} : memref<1024x128xf32, #tpu.memory_space<vmem>>, vector<256x128xf32>,
      %swap3A_864 = arith.constant 512 : index
      %swap3A_865 = arith.constant 0 : index
      %swap3A_866 = vector.load %arg27[%swap3A_864, %swap3A_865] : memref<1024x128xf32, #tpu.memory_space<vmem>>, vector<256x128xf32>
      tpu.vector_store %arg27[%swap3A_864, %swap3A_865], %mul3A_860 {strides = array<i32>} : memref<1024x128xf32, #tpu.memory_space<vmem>>, vector<256x128xf32>,
      %slice3A_867 = vector.extract_strided_slice %get3A_569 {offsets = [768, 0], sizes = [256, 128], strides = [1, 1]} : vector<1024x128xbf16> to vector<256x128xbf16>
      %dot_general3A_868 = arith.constant dense<0.000000e+00> : vector<256x512xf32>
      %dot_general3A_869 = tpu.matmul %slice3A_867, %slice3A, %dot_general3A_868 {dimension_numbers = #tpu.dot_dimension_numbers<[1], [0], [0], [1], [0, 0, 1, 1], [], []>, transpose_lhs_hint = false} : vector<256x128xbf16>, vector<128x512xbf16>, vector<256x512xf32> -> vector<256x512xf32>
      %slice3A_870 = vector.extract_strided_slice %get3A_574 {offsets = [768, 0], sizes = [256, 128], strides = [1, 1]} : vector<1024x128xbf16> to vector<256x128xbf16>
      %dot_general3A_871 = arith.constant dense<0.000000e+00> : vector<256x512xf32>
      %dot_general3A_872 = tpu.matmul %slice3A_870, %slice3A_74, %dot_general3A_871 {dimension_numbers = #tpu.dot_dimension_numbers<[1], [0], [0], [1], [0, 0, 1, 1], [], []>, transpose_lhs_hint = false} : vector<256x128xbf16>, vector<128x512xbf16>, vector<256x512xf32> -> vector<256x512xf32>
      %add3A_873 = arith.addf %dot_general3A_869, %dot_general3A_872 : vector<256x512xf32>
      %convert_element_type3A_874 = arith.truncf %mul3A_508 : vector<256x128xf32> to vector<256x128xbf16>
      %dot_general3A_875 = arith.constant dense<0.000000e+00> : vector<256x512xf32>
      %dot_general3A_876 = tpu.matmul %convert_element_type3A_874, %get3A_64, %dot_general3A_875 {dimension_numbers = #tpu.dot_dimension_numbers<[1], [0], [0], [1], [0, 0, 1, 1], [], []>, transpose_lhs_hint = false} : vector<256x128xbf16>, vector<128x512xbf16>, vector<256x512xf32> -> vector<256x512xf32>
      %add3A_877 = arith.addf %add3A_873, %dot_general3A_876 : vector<256x512xf32>
      %add3A_878 = vector.broadcast %get3A_70 : vector<1x512xf32> to vector<256x512xf32>
      %add3A_879 = arith.addf %add3A_877, %add3A_878 : vector<256x512xf32>
      %slice3A_880 = vector.extract_strided_slice %get3A_579 {offsets = [768, 0], sizes = [256, 128], strides = [1, 1]} : vector<1024x128xbf16> to vector<256x128xbf16>
      %dot_general3A_881 = arith.constant dense<0.000000e+00> : vector<256x512xf32>
      %dot_general3A_882 = tpu.matmul %slice3A_880, %slice3A_75, %dot_general3A_881 {dimension_numbers = #tpu.dot_dimension_numbers<[1], [0], [0], [1], [0, 0, 1, 1], [], []>, transpose_lhs_hint = false} : vector<256x128xbf16>, vector<128x512xbf16>, vector<256x512xf32> -> vector<256x512xf32>
      %slice3A_883 = vector.extract_strided_slice %get3A_584 {offsets = [768, 0], sizes = [256, 128], strides = [1, 1]} : vector<1024x128xbf16> to vector<256x128xbf16>
      %dot_general3A_884 = arith.constant dense<0.000000e+00> : vector<256x512xf32>
      %dot_general3A_885 = tpu.matmul %slice3A_883, %slice3A_76, %dot_general3A_884 {dimension_numbers = #tpu.dot_dimension_numbers<[1], [0], [0], [1], [0, 0, 1, 1], [], []>, transpose_lhs_hint = false} : vector<256x128xbf16>, vector<128x512xbf16>, vector<256x512xf32> -> vector<256x512xf32>
      %add3A_886 = arith.addf %dot_general3A_882, %dot_general3A_885 : vector<256x512xf32>
      %convert_element_type3A_887 = arith.truncf %mul3A_539 : vector<256x128xf32> to vector<256x128xbf16>
      %dot_general3A_888 = arith.constant dense<0.000000e+00> : vector<256x512xf32>
      %dot_general3A_889 = tpu.matmul %convert_element_type3A_887, %get3A_67, %dot_general3A_888 {dimension_numbers = #tpu.dot_dimension_numbers<[1], [0], [0], [1], [0, 0, 1, 1], [], []>, transpose_lhs_hint = false} : vector<256x128xbf16>, vector<128x512xbf16>, vector<256x512xf32> -> vector<256x512xf32>
      %add3A_890 = arith.addf %add3A_886, %dot_general3A_889 : vector<256x512xf32>
      %add3A_891 = vector.broadcast %get3A_73 : vector<1x512xf32> to vector<256x512xf32>
      %add3A_892 = arith.addf %add3A_890, %add3A_891 : vector<256x512xf32>
      %slice3A_893 = vector.extract_strided_slice %add3A_879 {offsets = [0, 0], sizes = [256, 128], strides = [1, 1]} : vector<256x512xf32> to vector<256x128xf32>
      %tanh3A_894 = math.tanh %slice3A_893 : vector<256x128xf32>
      %slice3A_895 = vector.extract_strided_slice %add3A_879 {offsets = [0, 128], sizes = [256, 128], strides = [1, 1]} : vector<256x512xf32> to vector<256x128xf32>
      %tanh3A_896 = math.tanh %slice3A_895 : vector<256x128xf32>
      %slice3A_897 = vector.extract_strided_slice %add3A_879 {offsets = [0, 256], sizes = [256, 128], strides = [1, 1]} : vector<256x512xf32> to vector<256x128xf32>
      %tanh3A_898 = math.tanh %slice3A_897 : vector<256x128xf32>
      %slice3A_899 = vector.extract_strided_slice %add3A_879 {offsets = [0, 384], sizes = [256, 128], strides = [1, 1]} : vector<256x512xf32> to vector<256x128xf32>
      %tanh3A_900 = math.tanh %slice3A_899 : vector<256x128xf32>
      %mul3A_901 = arith.constant 5.000000e-01 : f32
      %mul3A_902 = vector.broadcast %mul3A_901 : f32 to vector<256x128xf32>
      %mul3A_903 = arith.mulf %mul3A_902, %tanh3A_896 : vector<256x128xf32>
      %add3A_904 = arith.constant 5.000000e-01 : f32
      %add3A_905 = vector.broadcast %add3A_904 : f32 to vector<256x128xf32>
      %add3A_906 = arith.addf %add3A_905, %mul3A_903 : vector<256x128xf32>
      %mul3A_907 = arith.mulf %add3A_906, %add3A_500 : vector<256x128xf32>
      %mul3A_908 = arith.constant 5.000000e-01 : f32
      %mul3A_909 = vector.broadcast %mul3A_908 : f32 to vector<256x128xf32>
      %mul3A_910 = arith.mulf %mul3A_909, %tanh3A_894 : vector<256x128xf32>
      %add3A_911 = arith.constant 5.000000e-01 : f32
      %add3A_912 = vector.broadcast %add3A_911 : f32 to vector<256x128xf32>
      %add3A_913 = arith.addf %add3A_912, %mul3A_910 : vector<256x128xf32>
      %mul3A_914 = arith.mulf %add3A_913, %tanh3A_898 : vector<256x128xf32>
      %add3A_915 = arith.addf %mul3A_907, %mul3A_914 : vector<256x128xf32>
      %mul3A_916 = arith.constant 5.000000e-01 : f32
      %mul3A_917 = vector.broadcast %mul3A_916 : f32 to vector<256x128xf32>
      %mul3A_918 = arith.mulf %mul3A_917, %tanh3A_900 : vector<256x128xf32>
      %add3A_919 = arith.constant 5.000000e-01 : f32
      %add3A_920 = vector.broadcast %add3A_919 : f32 to vector<256x128xf32>
      %add3A_921 = arith.addf %add3A_920, %mul3A_918 : vector<256x128xf32>
      %tanh3A_922 = math.tanh %add3A_915 : vector<256x128xf32>
      %mul3A_923 = arith.mulf %add3A_921, %tanh3A_922 : vector<256x128xf32>
      %slice3A_924 = vector.extract_strided_slice %add3A_892 {offsets = [0, 0], sizes = [256, 128], strides = [1, 1]} : vector<256x512xf32> to vector<256x128xf32>
      %tanh3A_925 = math.tanh %slice3A_924 : vector<256x128xf32>
      %slice3A_926 = vector.extract_strided_slice %add3A_892 {offsets = [0, 128], sizes = [256, 128], strides = [1, 1]} : vector<256x512xf32> to vector<256x128xf32>
      %tanh3A_927 = math.tanh %slice3A_926 : vector<256x128xf32>
      %slice3A_928 = vector.extract_strided_slice %add3A_892 {offsets = [0, 256], sizes = [256, 128], strides = [1, 1]} : vector<256x512xf32> to vector<256x128xf32>
      %tanh3A_929 = math.tanh %slice3A_928 : vector<256x128xf32>
      %slice3A_930 = vector.extract_strided_slice %add3A_892 {offsets = [0, 384], sizes = [256, 128], strides = [1, 1]} : vector<256x512xf32> to vector<256x128xf32>
      %tanh3A_931 = math.tanh %slice3A_930 : vector<256x128xf32>
      %mul3A_932 = arith.constant 5.000000e-01 : f32
      %mul3A_933 = vector.broadcast %mul3A_932 : f32 to vector<256x128xf32>
      %mul3A_934 = arith.mulf %mul3A_933, %tanh3A_927 : vector<256x128xf32>
      %add3A_935 = arith.constant 5.000000e-01 : f32
      %add3A_936 = vector.broadcast %add3A_935 : f32 to vector<256x128xf32>
      %add3A_937 = arith.addf %add3A_936, %mul3A_934 : vector<256x128xf32>
      %mul3A_938 = arith.mulf %add3A_937, %add3A_531 : vector<256x128xf32>
      %mul3A_939 = arith.constant 5.000000e-01 : f32
      %mul3A_940 = vector.broadcast %mul3A_939 : f32 to vector<256x128xf32>
      %mul3A_941 = arith.mulf %mul3A_940, %tanh3A_925 : vector<256x128xf32>
      %add3A_942 = arith.constant 5.000000e-01 : f32
      %add3A_943 = vector.broadcast %add3A_942 : f32 to vector<256x128xf32>
      %add3A_944 = arith.addf %add3A_943, %mul3A_941 : vector<256x128xf32>
      %mul3A_945 = arith.mulf %add3A_944, %tanh3A_929 : vector<256x128xf32>
      %add3A_946 = arith.addf %mul3A_938, %mul3A_945 : vector<256x128xf32>
      %mul3A_947 = arith.constant 5.000000e-01 : f32
      %mul3A_948 = vector.broadcast %mul3A_947 : f32 to vector<256x128xf32>
      %mul3A_949 = arith.mulf %mul3A_948, %tanh3A_931 : vector<256x128xf32>
      %add3A_950 = arith.constant 5.000000e-01 : f32
      %add3A_951 = vector.broadcast %add3A_950 : f32 to vector<256x128xf32>
      %add3A_952 = arith.addf %add3A_951, %mul3A_949 : vector<256x128xf32>
      %tanh3A_953 = math.tanh %add3A_946 : vector<256x128xf32>
      %mul3A_954 = arith.mulf %add3A_952, %tanh3A_953 : vector<256x128xf32>
      %swap3A_955 = arith.constant 768 : index
      %swap3A_956 = arith.constant 0 : index
      %swap3A_957 = vector.load %arg25[%swap3A_955, %swap3A_956] : memref<1024x128xf32, #tpu.memory_space<vmem>>, vector<256x128xf32>
      tpu.vector_store %arg25[%swap3A_955, %swap3A_956], %mul3A_923 {strides = array<i32>} : memref<1024x128xf32, #tpu.memory_space<vmem>>, vector<256x128xf32>,
      %swap3A_958 = arith.constant 768 : index
      %swap3A_959 = arith.constant 0 : index
      %swap3A_960 = vector.load %arg27[%swap3A_958, %swap3A_959] : memref<1024x128xf32, #tpu.memory_space<vmem>>, vector<256x128xf32>
      tpu.vector_store %arg27[%swap3A_958, %swap3A_959], %mul3A_954 {strides = array<i32>} : memref<1024x128xf32, #tpu.memory_space<vmem>>, vector<256x128xf32>,
      %dma_start3A_961 = arith.constant 0 : i32
      %dma_start3A_962 = arith.constant 0 : i32
      %dma_start3A_963 = tpu.memref_slice %arg11[%dma_start3A_961, %add3A_557, %dma_start3A_962] : memref<1024x50x256xf32, #tpu.memory_space<any>> -> memref<1024x1x128xf32, #tpu.memory_space<any>>
      %dma_start3A_964 = tpu.memref_squeeze %dma_start3A_963 : memref<1024x1x128xf32, #tpu.memory_space<any>> -> memref<1024x128xf32, #tpu.memory_space<any>>
      tpu.enqueue_dma source(%arg25 : memref<1024x128xf32, #tpu.memory_space<vmem>>) target(%dma_start3A_964 : memref<1024x128xf32, #tpu.memory_space<any>>) target_semaphore(%arg29 : memref<!tpu.dma_semaphore, #tpu.memory_space<semaphore_mem>>)
      %dma_start3A_965 = arith.constant 0 : i32
      %dma_start3A_966 = arith.constant 128 : i32
      %dma_start3A_967 = tpu.memref_slice %arg11[%dma_start3A_965, %sub3A_559, %dma_start3A_966] : memref<1024x50x256xf32, #tpu.memory_space<any>> -> memref<1024x1x128xf32, #tpu.memory_space<any>>
      %dma_start3A_968 = tpu.memref_squeeze %dma_start3A_967 : memref<1024x1x128xf32, #tpu.memory_space<any>> -> memref<1024x128xf32, #tpu.memory_space<any>>
      tpu.enqueue_dma source(%arg27 : memref<1024x128xf32, #tpu.memory_space<vmem>>) target(%dma_start3A_968 : memref<1024x128xf32, #tpu.memory_space<any>>) target_semaphore(%arg31 : memref<!tpu.dma_semaphore, #tpu.memory_space<semaphore_mem>>)
      scf.yield %mul3A_641, %add3A_633, %mul3A_672, %add3A_664, %mul3A_735, %add3A_727, %mul3A_766, %add3A_758, %mul3A_829, %add3A_821, %mul3A_860, %add3A_852, %mul3A_923, %add3A_915, %mul3A_954, %add3A_946 : vector<256x128xf32>, vector<256x128xf32>, vector<256x128xf32>, vector<256x128xf32>, vector<256x128xf32>, vector<256x128xf32>, vector<256x128xf32>, vector<256x128xf32>, vector<256x128xf32>, vector<256x128xf32>, vector<256x128xf32>, vector<256x128xf32>, vector<256x128xf32>, vector<256x128xf32>, vector<256x128xf32>, vector<256x128xf32>
    }
    %scan3A_82 = arith.constant 25 : i32
    %concatenate3A_83 = tpu.concatenate %scan3A_81#0, %scan3A_81#4, %scan3A_81#8, %scan3A_81#12 in 0 : vector<256x128xf32>, vector<256x128xf32>, vector<256x128xf32>, vector<256x128xf32> -> vector<1024x128xf32>
    %swap3A_84 = arith.constant 2 : index
    %swap3A_85 = arith.constant 0 : index
    %swap3A_86 = arith.constant 0 : index
    %swap3A_87 = vector.load %arg12[%swap3A_84, %swap3A_85, %swap3A_86] : memref<4x1024x128xf32, #tpu.memory_space<vmem>>, vector<1x1024x128xf32>
    %swap3A_88 = vector.shape_cast %swap3A_87 : vector<1x1024x128xf32> to vector<1024x128xf32>
    %swap3A_89 = vector.shape_cast %concatenate3A_83 : vector<1024x128xf32> to vector<1x1024x128xf32>
    tpu.vector_store %arg12[%swap3A_84, %swap3A_85, %swap3A_86], %swap3A_89 {strides = array<i32>} : memref<4x1024x128xf32, #tpu.memory_space<vmem>>, vector<1x1024x128xf32>,
    %concatenate3A_90 = tpu.concatenate %scan3A_81#2, %scan3A_81#6, %scan3A_81#10, %scan3A_81#14 in 0 : vector<256x128xf32>, vector<256x128xf32>, vector<256x128xf32>, vector<256x128xf32> -> vector<1024x128xf32>
    %swap3A_91 = arith.constant 3 : index
    %swap3A_92 = arith.constant 0 : index
    %swap3A_93 = arith.constant 0 : index
    %swap3A_94 = vector.load %arg12[%swap3A_91, %swap3A_92, %swap3A_93] : memref<4x1024x128xf32, #tpu.memory_space<vmem>>, vector<1x1024x128xf32>
    %swap3A_95 = vector.shape_cast %swap3A_94 : vector<1x1024x128xf32> to vector<1024x128xf32>
    %swap3A_96 = vector.shape_cast %concatenate3A_90 : vector<1024x128xf32> to vector<1x1024x128xf32>
    tpu.vector_store %arg12[%swap3A_91, %swap3A_92, %swap3A_93], %swap3A_96 {strides = array<i32>} : memref<4x1024x128xf32, #tpu.memory_space<vmem>>, vector<1x1024x128xf32>,
    %concatenate3A_97 = tpu.concatenate %scan3A_81#1, %scan3A_81#5, %scan3A_81#9, %scan3A_81#13 in 0 : vector<256x128xf32>, vector<256x128xf32>, vector<256x128xf32>, vector<256x128xf32> -> vector<1024x128xf32>
    %swap3A_98 = arith.constant 2 : index
    %swap3A_99 = arith.constant 0 : index
    %swap3A_100 = arith.constant 0 : index
    %swap3A_101 = vector.load %arg13[%swap3A_98, %swap3A_99, %swap3A_100] : memref<4x1024x128xf32, #tpu.memory_space<vmem>>, vector<1x1024x128xf32>
    %swap3A_102 = vector.shape_cast %swap3A_101 : vector<1x1024x128xf32> to vector<1024x128xf32>
    %swap3A_103 = vector.shape_cast %concatenate3A_97 : vector<1024x128xf32> to vector<1x1024x128xf32>
    tpu.vector_store %arg13[%swap3A_98, %swap3A_99, %swap3A_100], %swap3A_103 {strides = array<i32>} : memref<4x1024x128xf32, #tpu.memory_space<vmem>>, vector<1x1024x128xf32>,
    %concatenate3A_104 = tpu.concatenate %scan3A_81#3, %scan3A_81#7, %scan3A_81#11, %scan3A_81#15 in 0 : vector<256x128xf32>, vector<256x128xf32>, vector<256x128xf32>, vector<256x128xf32> -> vector<1024x128xf32>
    %swap3A_105 = arith.constant 3 : index
    %swap3A_106 = arith.constant 0 : index
    %swap3A_107 = arith.constant 0 : index
    %swap3A_108 = vector.load %arg13[%swap3A_105, %swap3A_106, %swap3A_107] : memref<4x1024x128xf32, #tpu.memory_space<vmem>>, vector<1x1024x128xf32>
    %swap3A_109 = vector.shape_cast %swap3A_108 : vector<1x1024x128xf32> to vector<1024x128xf32>
    %swap3A_110 = vector.shape_cast %concatenate3A_104 : vector<1024x128xf32> to vector<1x1024x128xf32>
    tpu.vector_store %arg13[%swap3A_105, %swap3A_106, %swap3A_107], %swap3A_110 {strides = array<i32>} : memref<4x1024x128xf32, #tpu.memory_space<vmem>>, vector<1x1024x128xf32>,
    %dma_wait3A = arith.constant 0 : i32
    %dma_wait3A_111 = arith.constant 0 : i32
    %dma_wait3A_112 = arith.constant 0 : i32
    %dma_wait3A_113 = tpu.memref_slice %arg11[%dma_wait3A_111, %dma_wait3A, %dma_wait3A_112] : memref<1024x50x256xf32, #tpu.memory_space<any>> -> memref<1024x1x128xf32, #tpu.memory_space<any>>
    %dma_wait3A_114 = tpu.memref_squeeze %dma_wait3A_113 : memref<1024x1x128xf32, #tpu.memory_space<any>> -> memref<1024x128xf32, #tpu.memory_space<any>>
    tpu.wait_dma2 semaphore(%arg28 : memref<!tpu.dma_semaphore, #tpu.memory_space<semaphore_mem>>) src(%arg24 : memref<1024x128xf32, #tpu.memory_space<vmem>>) dst(%dma_wait3A_114 : memref<1024x128xf32, #tpu.memory_space<any>>)
    %dma_wait3A_115 = arith.constant 0 : i32
    %dma_wait3A_116 = arith.constant 0 : i32
    %dma_wait3A_117 = arith.constant 0 : i32
    %dma_wait3A_118 = tpu.memref_slice %arg11[%dma_wait3A_116, %dma_wait3A_115, %dma_wait3A_117] : memref<1024x50x256xf32, #tpu.memory_space<any>> -> memref<1024x1x128xf32, #tpu.memory_space<any>>
    %dma_wait3A_119 = tpu.memref_squeeze %dma_wait3A_118 : memref<1024x1x128xf32, #tpu.memory_space<any>> -> memref<1024x128xf32, #tpu.memory_space<any>>
    tpu.wait_dma2 semaphore(%arg29 : memref<!tpu.dma_semaphore, #tpu.memory_space<semaphore_mem>>) src(%arg25 : memref<1024x128xf32, #tpu.memory_space<vmem>>) dst(%dma_wait3A_119 : memref<1024x128xf32, #tpu.memory_space<any>>)
    %dma_wait3A_120 = arith.constant 0 : i32
    %dma_wait3A_121 = arith.constant 0 : i32
    %dma_wait3A_122 = arith.constant 0 : i32
    %dma_wait3A_123 = tpu.memref_slice %arg11[%dma_wait3A_121, %dma_wait3A_120, %dma_wait3A_122] : memref<1024x50x256xf32, #tpu.memory_space<any>> -> memref<1024x1x128xf32, #tpu.memory_space<any>>
    %dma_wait3A_124 = tpu.memref_squeeze %dma_wait3A_123 : memref<1024x1x128xf32, #tpu.memory_space<any>> -> memref<1024x128xf32, #tpu.memory_space<any>>
    tpu.wait_dma2 semaphore(%arg30 : memref<!tpu.dma_semaphore, #tpu.memory_space<semaphore_mem>>) src(%arg26 : memref<1024x128xf32, #tpu.memory_space<vmem>>) dst(%dma_wait3A_124 : memref<1024x128xf32, #tpu.memory_space<any>>)
    %dma_wait3A_125 = arith.constant 0 : i32
    %dma_wait3A_126 = arith.constant 0 : i32
    %dma_wait3A_127 = arith.constant 0 : i32
    %dma_wait3A_128 = tpu.memref_slice %arg11[%dma_wait3A_126, %dma_wait3A_125, %dma_wait3A_127] : memref<1024x50x256xf32, #tpu.memory_space<any>> -> memref<1024x1x128xf32, #tpu.memory_space<any>>
    %dma_wait3A_129 = tpu.memref_squeeze %dma_wait3A_128 : memref<1024x1x128xf32, #tpu.memory_space<any>> -> memref<1024x128xf32, #tpu.memory_space<any>>
    tpu.wait_dma2 semaphore(%arg31 : memref<!tpu.dma_semaphore, #tpu.memory_space<semaphore_mem>>) src(%arg27 : memref<1024x128xf32, #tpu.memory_space<vmem>>) dst(%dma_wait3A_129 : memref<1024x128xf32, #tpu.memory_space<any>>)
    return
  }
}

</mosaic_0001>

<sc_bundles>
// kernel: kernel.5.cloned.1.call-start
scs
__scs_entry_jumppad:
0x0: {  	(pc) =	sbr.rel $0x88, $3  }
0x1: {  	(tag) =	ssettag $0x0;
	lr =	simm.s32 $0x1  }
0x2: {  	[smem:$0x3F8F] =	sst lr;
	_ =	strace $0xD0000000  }
0x3: {  	_ = 	snop  }
0x4: {  	_ = 	snop  }
0x5: {  	_ = 	snop  }
0x6: {  	_ = 	snop  }
0x7: {  	_ = 	snop  }
__scs_overlays_trampoline_lowered:
0x8: {  	[smem:$0x3F9E] =	sst s0  }
0x9: {  	[smem:$0x3F9F] =	sst s1  }
0xa: {  	[smem:$0x3FA0] =	sst s2  }
0xb: {  	[smem:$0x3FA1] =	sst s3  }
0xc: {  	[smem:$0x3FA2] =	sst s4  }
0xd: {  	[smem:$0x3FA3] =	sst s5  }
0xe: {  	[smem:$0x3FA4] =	sst s6  }
0xf: {  	[smem:$0x3FA5] =	sst s7  }
0x10: {  	[smem:$0x3FA6] =	sst s8  }
0x11: {  	[smem:$0x3FA7] =	sst s9;
	s0 =	simm.s32 @!p0 $0x0  }
0x12: {  	s1 =	sld [smem:$0x3F8D];
	s0 =	simm.s32 @p0 $0x1  }
0x13: {  	[smem:$0x3FA8] =	sst s0;
	s0 =	simm.s32 @!p1 $0x0  }
0x14: {  	s2 =	sld [smem:$0x3F8C];
	s0 =	simm.s32 @p1 $0x1  }
0x15: {  	[smem:$0x3FA9] =	sst s0;
	s0 =	simm.s32 @!p2 $0x0  }
0x16: {  	s3 =	sld [smem:$0x3FDB];
	s0 =	simm.s32 @p2 $0x1  }
0x17: {  	s4 =	simm.s32 $0x1BF5;
	[smem:$0x3FAB] =	sst s0  }
0x18: {  	s0 =	sld [smem:$0x3F8E];
	_ =	swait.ge [sflag:s4], $0x0  }
0x19: {  	s7 =	sld [smem:$0x3F8F]  }
0x1a: {  	s8 =	sadd.s32 $0xFFFFE003, lr  }
0x1b: {  	s9 =	sadd.s32 $0xFFFFFEF7, lr;
	s5 =	simm.s32 $0xFFFFFFFF;
	p2 =	slt.u32 s8, $0xFFFFF086  }
0x1c: {  	p1 =	slt.u32 s9, $0xF7A;
	s5 =	simm.s32 @!p2 $0x0  }
0x1d: {  	s5 =	simm.s32 @p1 $0x1;
	p0 =	seq.s32 s7, s2  }
0x1e: {  	s7 =	smul.u32 @!p0 $0xF7A, s2;
	p2 =	seq.s32 @!p0 s5, $0x0  }
0x1f: {  	s9 =	smul.u32 $0xF7A, s1;
	s8 =	simm.s32 @!p0 $0x1BF5;
	p2 =	por !p2, p0  }
0x20: {  	[sflag:s8] =	ssyncset.s32 @!p0 $0xFFFFF086;
	s6 =	sadd.s32 @!p0 s3, s7;
	s7 =	simm.s32 @!p0 $0x108  }
0x21: {  	s3 =	sadd.s32 s3, s9;
	s6 =	sadd.s32 @!p0 $0x88, s6;
	s7 =	simm.s32 @p2 $0x1082  }
0x22: {  	[simem:s7], [sflag:s8] =	dma.local @!p0 [hbm:s6], $0xF7A  }
0x23: {  	s9 =	sor.u32 $0xD0000000, s2;
	s6 =	simm.s32 $0x108;
	_ =	swait.ge @!p0 [sflag:s8], $0x0  }
0x24: {  	s3 =	sadd.s32 $0x88, s3;
	s6 =	simm.s32 @!p1 $0x1082;
	[sflag:s4] =	ssyncset.s32 $0xFFFFF086  }
0x25: {  	[simem:s6], [sflag:s4] =	dma.local [hbm:s3], $0xF7A  }
0x26: {  	[smem:$0x3F8F] =	sst s1;
	(tag) =	ssettag s2;
	_ =	strace s9  }
0x27: {  	s1 =	sld [smem:$0x3F9F]  }
0x28: {  	s2 =	sld [smem:$0x3FA0]  }
0x29: {  	s4 =	sld [smem:$0x3FA2]  }
0x2a: {  	p0 =	seq.s32 s5, $0x0;
	s5 =	sld [smem:$0x3FA3]  }
0x2b: {  	s6 =	sld [smem:$0x3FA4]  }
0x2c: {  	s7 =	sld [smem:$0x3FA5]  }
0x2d: {  	s3 =	simm.s32 $0x108;
	s8 =	sld [smem:$0x3FA6]  }
0x2e: {  	s3 =	simm.s32 @!p0 $0x1082;
	s9 =	sld [smem:$0x3FA7]  }
0x2f: {  	lr =	sadd.s32 s0, s3;
	s0 =	sld [smem:$0x3F9E]  }
0x30: {  	s3 =	sld [smem:$0x3FA1]  }
0x31: {  	[smem:$0x3FAA] =	sst s10  }
0x32: {  	s10 =	sld [smem:$0x3FA8];
	_ =	sdelay $0x3  }
0x33: {  	p0 =	seq.s32 s10, $0x1;
	s10 =	sld [smem:$0x3FAA];
	_ =	sdelay $0x3  }
0x34: {  	[smem:$0x3FAA] =	sst s10  }
0x35: {  	s10 =	sld [smem:$0x3FA9];
	_ =	sdelay $0x3  }
0x36: {  	p1 =	seq.s32 s10, $0x1;
	s10 =	sld [smem:$0x3FAA];
	_ =	sdelay $0x3  }
0x37: {  	[smem:$0x3FAA] =	sst s10  }
0x38: {  	s10 =	sld [smem:$0x3FAB]  }
0x39: {  	_ = 	snop;
	(pc) =	sbr.ind lr, $3  }
0x3a: {  	_ = 	snop  }
0x3b: {  	_ = 	snop  }
0x3c: {  	p2 =	seq.s32 s10, $0x1;
	s10 =	sld [smem:$0x3FAA]  }
0x3d: {  	_ =	shalt  }
0x3e: {  	_ =	shalt  }
0x3f: {  	_ =	shalt  }
0x40: {  	_ =	shalt  }
0x41: {  	_ =	shalt  }
0x42: {  	_ =	shalt  }
0x43: {  	_ =	shalt  }
0x44: {  	_ =	shalt  }
0x45: {  	_ =	shalt  }
0x46: {  	_ =	shalt  }
0x47: {  	_ =	shalt  }
0x48: {  	_ =	shalt  }
0x49: {  	_ =	shalt  }
0x4a: {  	_ =	shalt  }
0x4b: {  	_ =	shalt  }
0x4c: {  	_ =	shalt  }
0x4d: {  	_ =	shalt  }
0x4e: {  	_ =	shalt  }
0x4f: {  	_ =	shalt  }
0x50: {  	_ =	shalt  }
0x51: {  	_ =	shalt  }
0x52: {  	_ =	shalt  }
0x53: {  	_ =	shalt  }
0x54: {  	_ =	shalt  }
0x55: {  	_ =	shalt  }
0x56: {  	_ =	shalt  }
0x57: {  	_ =	shalt  }
0x58: {  	_ =	shalt  }
0x59: {  	_ =	shalt  }
0x5a: {  	_ =	shalt  }
0x5b: {  	_ =	shalt  }
0x5c: {  	_ =	shalt  }
0x5d: {  	_ =	shalt  }
0x5e: {  	_ =	shalt  }
0x5f: {  	_ =	shalt  }
0x60: {  	_ =	shalt  }
0x61: {  	_ =	shalt  }
0x62: {  	_ =	shalt  }
0x63: {  	_ =	shalt  }
0x64: {  	_ =	shalt  }
0x65: {  	_ =	shalt  }
0x66: {  	_ =	shalt  }
0x67: {  	_ =	shalt  }
0x68: {  	_ =	shalt  }
0x69: {  	_ =	shalt  }
0x6a: {  	_ =	shalt  }
0x6b: {  	_ =	shalt  }
0x6c: {  	_ =	shalt  }
0x6d: {  	_ =	shalt  }
0x6e: {  	_ =	shalt  }
0x6f: {  	_ =	shalt  }
0x70: {  	_ =	shalt  }
0x71: {  	_ =	shalt  }
0x72: {  	_ =	shalt  }
0x73: {  	_ =	shalt  }
0x74: {  	_ =	shalt  }
0x75: {  	_ =	shalt  }
0x76: {  	_ =	shalt  }
0x77: {  	_ =	shalt  }
0x78: {  	_ =	shalt  }
0x79: {  	_ =	shalt  }
0x7a: {  	_ =	shalt  }
0x7b: {  	_ =	shalt  }
0x7c: {  	_ =	shalt  }
0x7d: {  	_ =	shalt  }
0x7e: {  	_ =	shalt  }
0x7f: {  	_ =	shalt  }
0x80: {  	_ =	shalt  }
0x81: {  	_ =	shalt  }
0x82: {  	_ =	shalt  }
0x83: {  	_ =	shalt  }
0x84: {  	_ =	shalt  }
0x85: {  	_ =	shalt  }
0x86: {  	_ =	shalt  }
0x87: {  	_ =	shalt  }
.Lfunc_end0:
.L_simem_size_0:
called_computation_lowered:
.L_overlay_start_0:
0x88: {  	s2 =	sld [smem:$0x3FD9]  }
0x89: {  	s3 =	sld [smem:$0x3FFE];
	_ =	sdelay $0x1  }
0x8a: {  	s1 =	srdreg.scid  }
0x8b: {  	s0 =	sand.u32 $0x1, s1  }
0x8c: {  	s14 =	sshll.u32 s0, $0xA;
	s2 =	sadd.s32 s3, s2  }
0x8d: {  	s2 =	sadd.s32 s2, s14  }
0x8e: {  	[smem:$0x3FB6] =	sst s2  }
0x8f: {  	_ = 	snop  }
0x90: {  	s2 =	sld [smem:$0x3FD0];
	_ =	sdelay $0x2  }
0x91: {  	s15 =	simm.s32 $0xA;
	s4 =	simm.s32 $0x10  }
0x92: {  	[smem:s4], [sflag:s15] =	dma.local [hbm:s2], $0x1  }
0x93: {  	_ =	swait.eq [sflag:s15], $0x1  }
0x94: {  	[sflag:s15] =	ssyncset.done $0x0  }
0x95: {  	[sflag:s15] =	ssyncadd.s32 $0xFFFFFFFF  }
0x96: {  	s16 =	sld [smem:$0x12];
	(tm) =	ssettm $0x1  }
0x97: {  	s17 =	sld [smem:$0x3FFB];
	_ =	sdelay $0x3  }
0x98: {  	_ =	strace s17  }
0x99: {  	s3 =	sld [smem:$0x3FFC];
	_ =	sdelay $0x3  }
0x9a: {  	_ =	strace s3  }
0x9b: {  	s3 =	sld [smem:$0x3FFD];
	_ =	sdelay $0x3  }
0x9c: {  	_ =	strace s3  }
0x9d: {  	_ =	strace $0x8FFFFFFF  }
0x9e: {  	s18 =	sld [smem:$0x3FDB];
	_ =	sdelay $0x1  }
0x9f: {  	s19 =	simm.s32 $_scs_section_size  }
0xa0: {  	s5 =	simm.s32 $_size__tile_overlayer_lowered;
	s6 =	simm.s32 $_tile_overlayer_lowered  }
0xa1: {  	s22 =	simm.s32 $0x1BFF;
	s21 =	sshll.u32 s6, $0x1;
	s3 =	sadd.s32 s19, s18  }
0xa2: {  	s7 =	simm.s32 $0x0;
	s20 =	sshll.u32 s5, $0x1;
	s5 =	sadd.s32 s21, s3  }
0xa3: {  	[timem:s7], [sflag:s22] =	dma.local [hbm:s5], s20  }
0xa4: {  	_ =	swait.ge [sflag:s22], s20  }
0xa5: {  	s4 =	ssub.s32 $0x0, s20;
	[sflag:s22] =	ssyncset.done $0x0  }
0xa6: {  	[sflag:s22] =	ssyncadd.s32 s4;
	_ =	sdelay $0x1  }
0xa7: {  	s23 =	simm.s32 $0x1B8B  }
0xa8: {  	_ =	swait.ge [sflag:s23], $0x1  }
0xa9: {  	[sflag:s23] =	ssyncset.done $0x0  }
0xaa: {  	s25 =	simm.s32 $0x1B8E;
	s24 =	sld [smem:$0x3FFE];
	[sflag:s23] =	ssyncadd.s32 $0xFFFFFFFF  }
0xab: {  	s26 =	simm.s32 $execute0_lowered;
	[smem:$0x3FD2] =	sst s25  }
0xac: {  	s5 =	sshll.u32 s26, $0x1;
	_ =	strace $0x80000046;
	[dreg:$0x1] =	wrdreg $0xFFFFFFFF  }
0xad: {  	s28 =	simm.s32 $_size_execute0_lowered;
	s3 =	sadd.s32 s3, s5;
	[dreg:$0x0] =	wrdreg $0x0  }
0xae: {  	s5 =	sshll.u32 s28, $0x1;
	[dreg:$0x2] =	wrdreg s3  }
0xaf: {  	[dreg:$0x3] =	wrdreg s5  }
0xb0: {  	[dreg:$0x4] =	wrdreg $0xC0  }
0xb1: {  	_ =	task [dreg:s7], $0x5FFFF  }
0xb2: {  	[dreg:$0x1] =	wrdreg $0xFFFFFFFF  }
0xb3: {  	[dreg:$0x0] =	wrdreg $0x60  }
0xb4: {  	[dreg:$0x2] =	wrdreg s24  }
0xb5: {  	[dreg:$0x3] =	wrdreg s16  }
0xb6: {  	[dreg:$0x4] =	wrdreg $0x9  }
0xb7: {  	_ =	task.clear_ibuf [dreg:s7], $0x5FFFF;
	_ =	strace $0x90000046  }
0xb8: {  	s29 =	simm.s32 $0x9;
	_ =	strace $0x80000048  }
0xb9: {  	_ =	swait.ge [sflag:s29], $0x1  }
0xba: {  	[sflag:s29] =	ssyncadd.s32 $0xFFFFFFFF  }
0xbb: {  	_ =	strace $0x90000048  }
0xbc: {  	_ =	sfence  }
0xbd: {  	s30 =	sld [smem:$0x0];
	_ =	sdelay $0x2  }
0xbe: {  	s31 =	sshll.u32 s1, $0xD;
	s1 =	sshrl.u32 s1, $0x2  }
0xbf: {  	s3 =	sand.u32 $0x4000, s31;
	s1 =	sadd.s32 s1, s30  }
0xc0: {  	s0 =	sor.u32 s3, s0;
	s1 =	sshll.u32 s1, $0x11  }
0xc1: {  	s0 =	sor.u32 s1, s0  }
0xc2: {  	s0 =	sadd.s32 $0x8F2B, s0  }
0xc3: {  	[sflag:s0] =	ssyncadd.remote.s32 $0x1  }
0xc4: {  	_ =	sfence.sel $0xFFFF  }
0xc5: {  	[dreg:$0x0] =	wrdreg $0xFFFFFFFF;
	(pc) =	sbr.abs _section_cstart, $3  }
0xc6: {  	[dreg:$0x1] =	wrdreg $0xFFFFFFFF  }
0xc7: {  	_ =	task.clear_ibuf [dreg:s7], $0x2FFFF;
	_ =	strace $0x9FFFFFFF  }
0xc8: {  	(tm) =	ssettm $0x7FFFFFFF  }
0xc9: {  	_ =	shalt  }
tec
execute0_lowered:
.L_overlay_start_1:
0x0: {  	(tag) =	ssettag $0x1  }
0x1: {  	s0 =	srdreg.scid;
	s1 =	stileid.u32  }
0x2: {  	s2 =	sand.u32 $0x1, s0;
	s14 =	sshll.u32 s1, $0x1  }
0x3: {  	s0 =	sor.u32 s2, s14  }
0x4: {  	[smem:$0x7FB] =	sst s0;
	s0 =	smul.u32 $0x640, s0  }
0x5: {  	_ = 	snop  }
0x6: {  	s3 =	rddreg [dreg:$0x1];
	s15 =	sshrl.u32 s0, $0xA  }
0x7: {  	[dreg:$0x1f] =	wrdreg s2;
	s2 =	simm.s32 $0x0;
	s1 =	smin.u32 s15, $0x2F  }
0x8: {  	[smem:$0x7FF] =	sst s2;
	s4 =	sshll.u32 s1, $0xA  }
0x9: {  	_ =	strace $0x80000047;
	s1 =	sshll.u32 s1, $0x7;
	s6 =	ssub.s32 s0, s4  }
0xa: {  	p0 =	sne.s32 s0, s4;
	s0 =	simm.s32 $0x1;
	s1 =	sadd.s32 s3, s1  }
0xb: {  	s5 =	sshra.s32 s6, $0x1F;
	s0 =	simm.s32 @!p0 $0x0;
	s23 =	sadd.s32 $0x40, s6  }
0xc: {  	[dreg:$0x3] =	wrdreg s1;
	s1 =	simm.s32 $0x1;
	s21 =	sadd.s32 $0x80, s6  }
0xd: {  	s8 =	sadd.s32 $0xC0, s6;
	p3 =	slt.s32 s6, $0xFFFFFF81;
	p5 =	slt.s32 s6, $0xFFFFFF41  }
0xe: {  	s9 =	sadd.s32 $0x140, s6;
	s13 =	sadd.s32 $0x180, s6;
	s30 =	sadd.s32 $0x340, s6  }
0xf: {  	s29 =	sadd.s32 $0x380, s6;
	s7 =	sshrl.u32 s5, $0x16;
	s0 =	sor.u32 s0, s5  }
0x10: {  	s18 =	sshra.s32 s23, $0x1F;
	s20 =	sshra.s32 s21, $0x1F;
	s24 =	sshra.s32 s8, $0x1F  }
0x11: {  	s11 =	sshra.s32 s13, $0x1F;
	s16 =	sadd.s32 s7, s6;
	p6 =	sne.s32 s0, $0x1  }
0x12: {  	s0 =	sshrl.u32 s18, $0x16;
	s7 =	sshra.s32 s9, $0x1F;
	s12 =	sshrl.u32 s11, $0x16  }
0x13: {  	s18 =	sadd.s32 $0x400, s6;
	s17 =	sand.u32 $0xFFFFFC00, s16;
	s0 =	sadd.s32 s0, s23  }
0x14: {  	s3 =	sshrl.u32 s16, $0xA;
	p1 =	sne.s32 s6, s17;
	s19 =	sand.u32 $0xFFFFFC00, s0  }
0x15: {  	s0 =	sshrl.u32 s0, $0xA;
	s17 =	sadd.s32 $0x100, s6;
	p0 =	por !p1, !p6  }
0x16: {  	p1 =	slt.s32 s6, $0xFFFFFFC1;
	p2 =	sne.s32 s23, s19;
	s26 =	sshra.s32 s17, $0x1F  }
0x17: {  	s19 =	sshra.s32 s18, $0x1F;
	p0 =	por !p0, !p0;
	s4 =	sshrl.u32 s26, $0x16  }
0x18: {  	s1 =	simm.s32 @!p0 $0x0;
	p0 =	por !p1, !p2;
	p1 =	slt.s32 s6, $0xFFFFFF01  }
0x19: {  	s1 =	ssub.s32 s3, s1;
	p0 =	por !p0, !p0;
	s3 =	simm.s32 $0x1  }
0x1a: {  	[smem:$0x7ED] =	sst s1;
	s1 =	sshrl.u32 s20, $0x16;
	s3 =	simm.s32 @!p0 $0x0  }
0x1b: {  	s1 =	sadd.s32 s1, s21;
	s0 =	ssub.s32 s0, s3;
	s3 =	simm.s32 $0x1  }
0x1c: {  	[smem:$0x7EE] =	sst s0;
	s22 =	sand.u32 $0xFFFFFC00, s1;
	s0 =	sshrl.u32 s24, $0x16  }
0x1d: {  	s1 =	sshrl.u32 s1, $0xA;
	p4 =	sne.s32 s21, s22;
	s0 =	sadd.s32 s0, s8  }
0x1e: {  	s22 =	sshrl.u32 s19, $0x16;
	s19 =	sadd.s32 $0x240, s6;
	p0 =	por !p3, !p4  }
0x1f: {  	s25 =	sand.u32 $0xFFFFFC00, s0;
	s0 =	sshrl.u32 s0, $0xA;
	p0 =	por !p0, !p0  }
0x20: {  	p3 =	slt.s32 s6, $0xFFFFFEC1;
	p6 =	sne.s32 s8, s25;
	s3 =	simm.s32 @!p0 $0x0  }
0x21: {  	p0 =	por !p5, !p6;
	p5 =	slt.s32 s6, $0xFFFFFE81;
	s1 =	ssub.s32 s1, s3  }
0x22: {  	p0 =	por !p0, !p0;
	s3 =	simm.s32 $0x1;
	[smem:$0x7EF] =	sst s1  }
0x23: {  	s1 =	sadd.s32 s4, s17;
	s3 =	simm.s32 @!p0 $0x0;
	s4 =	sadd.s32 s12, s13  }
0x24: {  	s5 =	sand.u32 $0xFFFFFC00, s1;
	s0 =	ssub.s32 s0, s3;
	s1 =	sshrl.u32 s1, $0xA  }
0x25: {  	s3 =	simm.s32 $0x1;
	s14 =	sand.u32 $0xFFFFFC00, s4;
	s15 =	sshrl.u32 s4, $0xA  }
0x26: {  	s4 =	simm.s32 $0x1;
	p2 =	sne.s32 s17, s5;
	[smem:$0x7F0] =	sst s0  }
0x27: {  	s0 =	sshrl.u32 s7, $0x16;
	s5 =	simm.s32 $0x1;
	p6 =	sne.s32 s13, s14  }
0x28: {  	s14 =	sadd.s32 $0x1C0, s6;
	p0 =	por !p1, !p2;
	s0 =	sadd.s32 s0, s9  }
0x29: {  	s16 =	sshra.s32 s14, $0x1F;
	p0 =	por !p0, !p0;
	s10 =	sand.u32 $0xFFFFFC00, s0  }
0x2a: {  	p2 =	slt.s32 s6, $0xFFFFFE41;
	s3 =	simm.s32 @!p0 $0x0;
	p4 =	sne.s32 s9, s10  }
0x2b: {  	s0 =	sshrl.u32 s0, $0xA;
	p0 =	por !p3, !p4;
	s1 =	ssub.s32 s1, s3  }
0x2c: {  	s3 =	sshrl.u32 s16, $0x16;
	s16 =	sadd.s32 $0x200, s6;
	p4 =	slt.s32 s6, $0xFFFFFE01  }
0x2d: {  	p0 =	por !p0, !p0;
	[smem:$0x7F1] =	sst s1;
	s1 =	simm.s32 $0x1  }
0x2e: {  	s20 =	sadd.s32 s3, s14;
	s25 =	sshra.s32 s16, $0x1F;
	s5 =	simm.s32 @!p0 $0x0  }
0x2f: {  	p0 =	por !p5, !p6;
	s3 =	sand.u32 $0xFFFFFC00, s20;
	s0 =	ssub.s32 s0, s5  }
0x30: {  	p0 =	por !p0, !p0;
	p3 =	sne.s32 s14, s3;
	s3 =	sshrl.u32 s25, $0x16  }
0x31: {  	s5 =	sshra.s32 s19, $0x1F;
	s25 =	sadd.s32 $0x300, s6;
	[smem:$0x7F2] =	sst s0  }
0x32: {  	s1 =	simm.s32 @!p0 $0x0;
	p1 =	por !p2, !p3;
	s3 =	sadd.s32 s3, s16  }
0x33: {  	p3 =	slt.s32 s6, $0xFFFFFDC1;
	s0 =	ssub.s32 s15, s1;
	p1 =	por !p1, !p1  }
0x34: {  	s1 =	sshrl.u32 s20, $0xA;
	s26 =	sshrl.u32 s3, $0xA;
	s3 =	sand.u32 $0xFFFFFC00, s3  }
0x35: {  	[smem:$0x7F3] =	sst s0;
	s0 =	sadd.s32 s22, s18;
	s4 =	simm.s32 @!p1 $0x0  }
0x36: {  	p2 =	sne.s32 s16, s3;
	s3 =	sshrl.u32 s5, $0x16;
	s5 =	simm.s32 $0x1  }
0x37: {  	s22 =	sadd.s32 $0x2C0, s6;
	s24 =	sand.u32 $0xFFFFFC00, s0;
	s1 =	ssub.s32 s1, s4  }
0x38: {  	p1 =	por !p4, !p2;
	s3 =	sadd.s32 s3, s19;
	s15 =	sshra.s32 s22, $0x1F  }
0x39: {  	p4 =	slt.s32 s6, $0xFFFFFD81;
	s0 =	sshrl.u32 s0, $0xA;
	p0 =	sne.s32 s18, s24  }
0x3a: {  	[smem:$0x7F4] =	sst s1;
	s18 =	sadd.s32 $0x280, s6;
	p1 =	por !p1, !p1  }
0x3b: {  	s10 =	sand.u32 $0xFFFFFC00, s3;
	s12 =	sshrl.u32 s3, $0xA;
	s3 =	sshrl.u32 s15, $0x16  }
0x3c: {  	s7 =	sshra.s32 s18, $0x1F;
	s5 =	simm.s32 @!p1 $0x0;
	p5 =	sne.s32 s19, s10  }
0x3d: {  	s3 =	sadd.s32 s3, s22;
	s4 =	sshrl.u32 s7, $0x16;
	s1 =	ssub.s32 s26, s5  }
0x3e: {  	p1 =	por !p3, !p5;
	s5 =	simm.s32 $0x1;
	s20 =	sand.u32 $0xFFFFFC00, s3  }
0x3f: {  	s26 =	sshra.s32 s25, $0x1F;
	s7 =	simm.s32 $0x1;
	s3 =	sshrl.u32 s3, $0xA  }
0x40: {  	s4 =	sadd.s32 s4, s18;
	[smem:$0x7F5] =	sst s1;
	p1 =	por !p1, !p1  }
0x41: {  	p5 =	sne.s32 s22, s20;
	s11 =	sand.u32 $0xFFFFFC00, s4;
	s5 =	simm.s32 @!p1 $0x0  }
0x42: {  	s24 =	sshrl.u32 s4, $0xA;
	s4 =	simm.s32 $0x1;
	p6 =	sne.s32 s18, s11  }
0x43: {  	s1 =	ssub.s32 s12, s5;
	s5 =	sshrl.u32 s26, $0x16;
	s11 =	sshra.s32 s29, $0x1F  }
0x44: {  	s26 =	sadd.s32 $0x3C0, s6;
	[smem:$0x7F6] =	sst s1;
	p1 =	por !p4, !p6  }
0x45: {  	p6 =	slt.s32 s6, $0xFFFFFD41;
	s5 =	sadd.s32 s5, s25;
	s12 =	sshrl.u32 s11, $0x16  }
0x46: {  	s15 =	sshra.s32 s26, $0x1F;
	p1 =	por !p1, !p1;
	p4 =	por !p6, !p5  }
0x47: {  	p6 =	slt.s32 s6, $0xFFFFFD01;
	s4 =	simm.s32 @!p1 $0x0;
	p1 =	por !p4, !p4  }
0x48: {  	p4 =	slt.s32 s6, $0xFFFFFCC1;
	s7 =	simm.s32 @!p1 $0x0;
	s1 =	ssub.s32 s24, s4  }
0x49: {  	s4 =	sand.u32 $0xFFFFFC00, s5;
	s5 =	sshrl.u32 s5, $0xA;
	[smem:$0x7F7] =	sst s1  }
0x4a: {  	s3 =	ssub.s32 s3, s7;
	p5 =	sne.s32 s25, s4;
	s7 =	sshra.s32 s30, $0x1F  }
0x4b: {  	s4 =	simm.s32 $0x1;
	[smem:$0x7F8] =	sst s3;
	p1 =	por !p6, !p5  }
0x4c: {  	s3 =	sshrl.u32 s7, $0x16;
	p6 =	slt.s32 s6, $0xFFFFFC81;
	p1 =	por !p1, !p1  }
0x4d: {  	s7 =	simm.s32 $0x1;
	s3 =	sadd.s32 s3, s30;
	s4 =	simm.s32 @!p1 $0x0  }
0x4e: {  	s10 =	sand.u32 $0xFFFFFC00, s3;
	s3 =	sshrl.u32 s3, $0xA;
	s1 =	ssub.s32 s5, s4  }
0x4f: {  	p3 =	sne.s32 s30, s10;
	s4 =	sshrl.u32 s15, $0x16;
	s5 =	simm.s32 $0x1  }
0x50: {  	[smem:$0x7F9] =	sst s1;
	s1 =	sadd.s32 s12, s29;
	p1 =	por !p4, !p3  }
0x51: {  	s4 =	sadd.s32 s4, s26;
	s12 =	sadd.s32 $0x440, s6;
	s20 =	sand.u32 $0xFFFFFC00, s1  }
0x52: {  	p1 =	por !p1, !p1;
	s24 =	sand.u32 $0xFFFFFC00, s4;
	s1 =	sshrl.u32 s1, $0xA  }
0x53: {  	s10 =	sshrl.u32 s4, $0xA;
	s11 =	sshra.s32 s12, $0x1F;
	p5 =	sne.s32 s29, s20  }
0x54: {  	p4 =	sne.s32 s26, s24;
	s5 =	simm.s32 @!p1 $0x0;
	s4 =	sshrl.u32 s11, $0x16  }
0x55: {  	s11 =	sadd.s32 $0x4C0, s6;
	p3 =	por !p6, !p5;
	p5 =	slt.s32 s6, $0xFFFFFC41  }
0x56: {  	s31 =	ssub.s32 s3, s5;
	p6 =	slt.s32 s6, $0xFFFFFC01;
	s3 =	simm.s32 $0x1  }
0x57: {  	s4 =	sadd.s32 s4, s12;
	s5 =	sadd.s32 $0x500, s6;
	p1 =	por !p3, !p3  }
0x58: {  	p0 =	por !p6, !p0;
	s15 =	sand.u32 $0xFFFFFC00, s4;
	p3 =	slt.s32 s6, $0xFFFFFBC1  }
0x59: {  	p6 =	slt.s32 s6, $0xFFFFFB81;
	s7 =	simm.s32 @!p1 $0x0;
	p1 =	por !p5, !p4  }
0x5a: {  	p0 =	por !p0, !p0;
	p2 =	sne.s32 s12, s15;
	s15 =	sshrl.u32 s4, $0xA  }
0x5b: {  	s1 =	ssub.s32 s1, s7;
	p1 =	por !p1, !p1;
	s7 =	simm.s32 $0x1  }
0x5c: {  	[smem:$0x7FA] =	sst s1;
	s3 =	simm.s32 @!p1 $0x0;
	s7 =	simm.s32 @!p0 $0x0  }
0x5d: {  	p0 =	por !p3, !p2;
	p2 =	slt.s32 s6, $0xFFFFFB41;
	s1 =	ssub.s32 s10, s3  }
0x5e: {  	s0 =	ssub.s32 s0, s7;
	s10 =	sadd.s32 $0x480, s6;
	p0 =	por !p0, !p0  }
0x5f: {  	s3 =	sshra.s32 s11, $0x1F;
	[smem:$0x7FC] =	sst s1;
	s24 =	sshra.s32 s10, $0x1F  }
0x60: {  	s7 =	simm.s32 $0x1;
	[smem:$0x7FD] =	sst s0;
	s1 =	sshrl.u32 s24, $0x16  }
0x61: {  	s20 =	sshrl.u32 s3, $0x16;
	s7 =	simm.s32 @!p0 $0x0;
	s4 =	sadd.s32 s1, s10  }
0x62: {  	s0 =	simm.s32 $0x1;
	s20 =	sadd.s32 s20, s11;
	s24 =	sand.u32 $0xFFFFFC00, s4  }
0x63: {  	s28 =	ssub.s32 s15, s7;
	s15 =	simm.s32 $0x1;
	p4 =	sne.s32 s10, s24  }
0x64: {  	s3 =	sshrl.u32 s4, $0xA;
	s4 =	sshra.s32 s5, $0x1F;
	p0 =	por !p6, !p4  }
0x65: {  	s1 =	sand.u32 $0xFFFFFC00, s20;
	s7 =	sshrl.u32 s4, $0x16;
	p0 =	por !p0, !p0  }
0x66: {  	p5 =	sne.s32 s11, s1;
	s7 =	sadd.s32 s7, s5;
	s15 =	simm.s32 @!p0 $0x0  }
0x67: {  	p0 =	por !p2, !p5;
	s24 =	ssub.s32 s3, s15;
	s15 =	sand.u32 $0xFFFFFC00, s7  }
0x68: {  	p4 =	slt.s32 s6, $0xFFFFFB01;
	p0 =	por !p0, !p0;
	p3 =	sne.s32 s5, s15  }
0x69: {  	s0 =	simm.s32 @!p0 $0x0;
	p0 =	por !p4, !p3  }
0x6a: {  	s15 =	simm.s32 $0x1;
	p0 =	por !p0, !p0  }
0x6b: {  	s7 =	sshrl.u32 s7, $0xA;
	s15 =	simm.s32 @!p0 $0x0  }
0x6c: {  	s15 =	ssub.s32 s7, s15;
	s7 =	sld [smem:$0x7ED]  }
0x6d: {  	s1 =	sshrl.u32 s20, $0xA;
	s4 =	sadd.s32 $0x540, s6  }
0x6e: {  	s3 =	sshra.s32 s4, $0x1F;
	s20 =	ssub.s32 s1, s0  }
0x6f: {  	s0 =	sshrl.u32 s3, $0x16;
	s3 =	sshll.u32 s7, $0xC;
	s7 =	sld [smem:$0x7EE]  }
0x70: {  	_ = 	snop  }
0x71: {  	s1 =	sadd.s32 s0, s4  }
0x72: {  	s0 =	sshra.s32 s3, $0x2;
	s3 =	sshll.u32 s7, $0xC;
	s7 =	sand.u32 $0x3C0, s6  }
0x73: {  	s0 =	sor.u32 s7, s0  }
0x74: {  	s23 =	sand.u32 $0x3C0, s23;
	s3 =	sshra.s32 s3, $0x2;
	[dreg:$0x4] =	wrdreg s0  }
0x75: {  	s0 =	sor.u32 s23, s3;
	s3 =	sld [smem:$0x7EF]  }
0x76: {  	s21 =	sand.u32 $0x3C0, s21;
	s23 =	sand.u32 $0xFFFFFC00, s1  }
0x77: {  	s8 =	sand.u32 $0x3C0, s8;
	p5 =	sne.s32 s4, s23;
	s23 =	sld [smem:$0x7F0]  }
0x78: {  	p6 =	slt.s32 s6, $0xFFFFFAC1;
	[dreg:$0x5] =	wrdreg s0;
	s0 =	sshll.u32 s3, $0xC  }
0x79: {  	s9 =	sand.u32 $0x3C0, s9;
	p0 =	por !p6, !p5;
	s0 =	sshra.s32 s0, $0x2  }
0x7a: {  	s3 =	sor.u32 s21, s0;
	s0 =	sshrl.u32 s1, $0xA;
	s1 =	sshll.u32 s23, $0xC  }
0x7b: {  	s14 =	sand.u32 $0x3C0, s14;
	p0 =	por !p0, !p0;
	s1 =	sshra.s32 s1, $0x2  }
0x7c: {  	s21 =	simm.s32 $0x1;
	s1 =	sor.u32 s8, s1;
	s8 =	sld [smem:$0x7F1]  }
0x7d: {  	s18 =	sand.u32 $0x3C0, s18;
	s25 =	sand.u32 $0x3C0, s25;
	s21 =	simm.s32 @!p0 $0x0  }
0x7e: {  	s12 =	sand.u32 $0x3C0, s12;
	s10 =	sand.u32 $0x3C0, s10;
	s0 =	ssub.s32 s0, s21  }
0x7f: {  	[dreg:$0x7] =	wrdreg s1;
	s1 =	sshll.u32 s8, $0xC;
	s8 =	sadd.s32 $0x580, s6  }
0x80: {  	s21 =	sand.u32 $0x3C0, s17;
	s1 =	sshra.s32 s1, $0x2;
	s23 =	sshra.s32 s8, $0x1F  }
0x81: {  	s1 =	sor.u32 s21, s1;
	s21 =	sshrl.u32 s23, $0x16;
	s23 =	sld [smem:$0x7F2]  }
0x82: {  	p2 =	slt.s32 s6, $0xFFFFFA81;
	s5 =	sand.u32 $0x3C0, s5;
	s0 =	sshll.u32 s0, $0xC  }
0x83: {  	p4 =	slt.s32 s6, $0xFFFFFA41;
	s4 =	sand.u32 $0x3C0, s4;
	s0 =	sshra.s32 s0, $0x2  }
0x84: {  	[dreg:$0x6] =	wrdreg s3;
	s0 =	sor.u32 s4, s0;
	s17 =	sshll.u32 s23, $0xC  }
0x85: {  	p5 =	slt.s32 s6, $0xFFFFFA01;
	[dreg:$0x19] =	wrdreg s0;
	s17 =	sshra.s32 s17, $0x2  }
0x86: {  	s3 =	sadd.s32 s21, s8;
	s21 =	sor.u32 s9, s17;
	s17 =	sld [smem:$0x7F3]  }
0x87: {  	s4 =	simm.s32 $0x1;
	s23 =	sand.u32 $0xFFFFFC00, s3;
	[dreg:$0x9] =	wrdreg s21  }
0x88: {  	p1 =	sne.s32 s8, s23;
	s21 =	sand.u32 $0x3C0, s13;
	s13 =	sld [smem:$0x7F4]  }
0x89: {  	[dreg:$0x8] =	wrdreg s1;
	s23 =	sshrl.u32 s3, $0xA;
	p0 =	por !p2, !p1  }
0x8a: {  	p0 =	por !p0, !p0;
	s1 =	sshll.u32 s17, $0xC;
	s17 =	sld [smem:$0x7F5]  }
0x8b: {  	s1 =	sshra.s32 s1, $0x2;
	s3 =	sshll.u32 s13, $0xC;
	s13 =	simm.s32 $0x1  }
0x8c: {  	s9 =	sor.u32 s21, s1;
	s13 =	simm.s32 @!p0 $0x0;
	s3 =	sshra.s32 s3, $0x2  }
0x8d: {  	s21 =	sand.u32 $0x3C0, s16;
	[dreg:$0xa] =	wrdreg s9;
	s3 =	sor.u32 s14, s3  }
0x8e: {  	s1 =	ssub.s32 s23, s13;
	s9 =	sadd.s32 $0x5C0, s6;
	[dreg:$0xb] =	wrdreg s3  }
0x8f: {  	s3 =	sshll.u32 s17, $0xC;
	s23 =	sshra.s32 s9, $0x1F;
	s17 =	sld [smem:$0x7F6]  }
0x90: {  	s1 =	sshll.u32 s1, $0xC;
	s3 =	sshra.s32 s3, $0x2;
	s16 =	sshrl.u32 s23, $0x16  }
0x91: {  	s3 =	sor.u32 s21, s3;
	s21 =	sand.u32 $0x3C0, s19;
	s19 =	sld [smem:$0x7F8]  }
0x92: {  	s1 =	sshra.s32 s1, $0x2;
	s13 =	sadd.s32 s16, s9;
	[dreg:$0xc] =	wrdreg s3  }
0x93: {  	s14 =	sshll.u32 s17, $0xC;
	s16 =	sand.u32 $0xFFFFFC00, s13;
	s17 =	sld [smem:$0x7F7]  }
0x94: {  	s13 =	sshrl.u32 s13, $0xA;
	s14 =	sshra.s32 s14, $0x2;
	p3 =	sne.s32 s9, s16  }
0x95: {  	s23 =	sor.u32 s21, s14;
	s16 =	sshll.u32 s19, $0xC;
	s21 =	sand.u32 $0x3C0, s22  }
0x96: {  	p0 =	por !p4, !p3;
	s19 =	sand.u32 $0x3C0, s30;
	s30 =	simm.s32 $0x3C00  }
0x97: {  	[dreg:$0xd] =	wrdreg s23;
	s3 =	sshll.u32 s17, $0xC;
	s16 =	sshra.s32 s16, $0x2  }
0x98: {  	s23 =	sld [smem:$0x7F9];
	p0 =	por !p0, !p0;
	s3 =	sshra.s32 s3, $0x2  }
0x99: {  	s22 =	sor.u32 s21, s16;
	s16 =	simm.s32 $0x1;
	s21 =	sld [smem:$0x7FA]  }
0x9a: {  	s3 =	sor.u32 s18, s3;
	[dreg:$0xf] =	wrdreg s22;
	s18 =	sshll.u32 s31, $0xC  }
0x9b: {  	s16 =	simm.s32 @!p0 $0x0;
	s22 =	sld [smem:$0x7FB];
	s31 =	simm.s32 $0x2C00  }
0x9c: {  	[dreg:$0xe] =	wrdreg s3;
	s14 =	sshll.u32 s23, $0xC;
	s3 =	sshra.s32 s18, $0x2  }
0x9d: {  	s13 =	ssub.s32 s13, s16;
	s23 =	sand.u32 $0x3C0, s29;
	s29 =	simm.s32 $0x4C00  }
0x9e: {  	s14 =	sshra.s32 s14, $0x2;
	s3 =	sor.u32 s19, s3;
	s19 =	sld [smem:$0x7FC]  }
0x9f: {  	s17 =	sor.u32 s25, s14;
	[dreg:$0x11] =	wrdreg s3;
	s3 =	sshll.u32 s21, $0xC  }
0xa0: {  	s14 =	smul.u32 $0x3200, s22;
	s25 =	rddreg [dreg:$0x0];
	s21 =	sand.u32 $0x3C0, s26  }
0xa1: {  	s22 =	sld [smem:$0x7FD];
	s26 =	sshll.u32 s24, $0xC;
	s24 =	sshll.u32 s15, $0xC  }
0xa2: {  	[dreg:$0x10] =	wrdreg s17;
	s3 =	sshra.s32 s3, $0x2;
	s17 =	sadd.s32 $0x600, s6  }
0xa3: {  	s6 =	sadd.s32 $0xF45600, s25;
	s16 =	sor.u32 s23, s3;
	s3 =	sadd.s32 s14, s25  }
0xa4: {  	s18 =	sshra.s32 s17, $0x1F;
	s25 =	sshll.u32 s28, $0xC;
	s28 =	simm.s32 $0x5C00  }
0xa5: {  	[dreg:$0x12] =	wrdreg s16;
	s14 =	sshrl.u32 s18, $0x16;
	s16 =	sshll.u32 s19, $0xC  }
0xa6: {  	s19 =	sshll.u32 s22, $0xC;
	s18 =	sshra.s32 s26, $0x2;
	s22 =	sshll.u32 s20, $0xC  }
0xa7: {  	s26 =	sand.u32 $0x3C0, s8;
	s8 =	sshll.u32 s13, $0xC;
	s15 =	sadd.s32 $0x3200, s3  }
0xa8: {  	s3 =	simm.s32 $0x2;
	s20 =	simm.s32 $0xCC00;
	s16 =	sshra.s32 s16, $0x2  }
0xa9: {  	s14 =	sadd.s32 s14, s17;
	s23 =	sshra.s32 s19, $0x2;
	s0 =	sshra.s32 s8, $0x2  }
0xaa: {  	[dreg:$0x1d] =	wrdreg s15;
	s15 =	simm.s32 $0x10C00;
	s16 =	sor.u32 s21, s16  }
0xab: {  	s19 =	sshrl.u32 s14, $0xA;
	s7 =	sor.u32 s7, s23;
	s14 =	sand.u32 $0xFFFFFC00, s14  }
0xac: {  	s21 =	sor.u32 s10, s18;
	s23 =	sand.u32 $0x3C0, s11;
	s10 =	sand.u32 $0x3C0, s9  }
0xad: {  	s11 =	sand.u32 $0x3C0, s17;
	s18 =	simm.s32 $0xEC00;
	[dreg:$0x13] =	wrdreg s16  }
0xae: {  	s9 =	simm.s32 $0x18C00;
	[dreg:$0x14] =	wrdreg s7;
	s7 =	sshra.s32 s25, $0x2  }
0xaf: {  	p6 =	sne.s32 s17, s14;
	[dreg:$0x16] =	wrdreg s21;
	s25 =	sshra.s32 s24, $0x2  }
0xb0: {  	s0 =	sor.u32 s10, s0;
	s24 =	simm.s32 $0x8C00;
	s7 =	sor.u32 s12, s7  }
0xb1: {  	s21 =	simm.s32 $0xBC00;
	[dreg:$0x15] =	wrdreg s7;
	s7 =	sshra.s32 s22, $0x2  }
0xb2: {  	s17 =	simm.s32 $0xFC00;
	p0 =	por !p5, !p6;
	s7 =	sor.u32 s23, s7  }
0xb3: {  	p0 =	por !p0, !p0;
	[dreg:$0x17] =	wrdreg s7;
	s7 =	simm.s32 $0x1  }
0xb4: {  	s5 =	sor.u32 s5, s25;
	s12 =	rddreg [dreg:$0x1f];
	s7 =	simm.s32 @!p0 $0x0  }
0xb5: {  	[dreg:$0x18] =	wrdreg s5;
	s5 =	sor.u32 s26, s1;
	s7 =	ssub.s32 s19, s7  }
0xb6: {  	[dreg:$0x1a] =	wrdreg s5;
	s5 =	ssub.s32 $0x2, s12;
	s1 =	sshll.u32 s7, $0xC  }
0xb7: {  	s10 =	simm.s32 $0x16C00;
	s14 =	sshrl.u32 s5, $0x1;
	s1 =	sshra.s32 s1, $0x2  }
0xb8: {  	[dreg:$0x1b] =	wrdreg s0;
	s13 =	sor.u32 s11, s1;
	s1 =	ssub.s32 s5, s14  }
0xb9: {  	s25 =	simm.s32 $0x7C00;
	s0 =	rddreg [dreg:$0x3];
	s16 =	smax.u32 s1, $0x1  }
0xba: {  	s26 =	simm.s32 $0x1C00;
	s22 =	simm.s32 $0xAC00;
	p1 =	sne.s32 s16, $0x1  }
.Ltmp0:
0xbb: {  	[dreg:$0x1e] =	wrdreg s26;
	s26 =	simm.s32 $0x6C00;
	(pc) =	sbr.rel @!p1 .LBB2_1-.Ltmp0, $4  }
0xbc: {  	s23 =	simm.s32 $0x9C00;
	s12 =	simm.s32 $0x15C00;
	p0 =	por $0x0, $0x0  }
0xbd: {  	s19 =	simm.s32 $0xDC00;
	s7 =	simm.s32 $0x40;
	s5 =	simm.s32 $0xC00  }
0xbe: {  	s11 =	simm.s32 $0x12C00;
	s14 =	simm.s32 $0x14C00;
	[dreg:$0x1c] =	wrdreg s13  }
0xbf: {  	s13 =	simm.s32 $0x11C00;
	s8 =	sadd.s32 $0xFFFFFFFF, s16;
	s16 =	simm.s32 $0x13C00  }
0xc0: {  	[tilespmem:s2], [sflag:$0x2] =	stream.linear.gather [hbm4b:s0+s2], $0xC00, $0x38;
	[tilespmem:$0x19C00] =	vst v63  }
0xc1: {  	_ =	swait.ge [sflag:s3], $0xC00  }
0xc2: {  	s1 =	rddreg [dreg:$0x4]  }
0xc3: {  	s0 =	rddreg [dreg:$0x1e]  }
0xc4: {  	[smem:$0x7EC] =	sst s8  }
0xc5: {  	[sflag:s3] =	ssyncset.done $0x0;
	[smem:$0x7EB] =	sst s0  }
0xc6: {  	[sflag:s3] =	ssyncadd.s32 $0xFFFFF400;
	s8 =	sld [smem:$0x7EB]  }
0xc7: {  	[tilespmem:s5], [sflag:$0x1] =	stream.indirect.gather [hbm4b:s6+s7], $0x40, s1, s7, $0xb8;
	[tilespmem:$0x19C00] =	vst v63  }
0xc8: {  	s0 =	rddreg [dreg:$0x5]  }
0xc9: {  	[tilespmem:s8], [sflag:$0x1] =	stream.indirect.gather [hbm4b:s6+s7], $0x40, s0, s7, $0xb8;
	[tilespmem:$0x19C00] =	vst v63  }
0xca: {  	s1 =	rddreg [dreg:$0x6]  }
0xcb: {  	[tilespmem:s31], [sflag:$0x1] =	stream.indirect.gather [hbm4b:s6+s7], $0x40, s1, s7, $0xb8;
	[tilespmem:$0x19C00] =	vst v63  }
0xcc: {  	s8 =	rddreg [dreg:$0x7]  }
0xcd: {  	[tilespmem:s30], [sflag:$0x1] =	stream.indirect.gather [hbm4b:s6+s7], $0x40, s8, s7, $0xb8;
	[tilespmem:$0x19C00] =	vst v63  }
0xce: {  	s1 =	rddreg [dreg:$0x8]  }
0xcf: {  	[tilespmem:s29], [sflag:$0x1] =	stream.indirect.gather [hbm4b:s6+s7], $0x40, s1, s7, $0xb8;
	[tilespmem:$0x19C00] =	vst v63  }
0xd0: {  	s8 =	rddreg [dreg:$0x9]  }
0xd1: {  	[tilespmem:s28], [sflag:$0x1] =	stream.indirect.gather [hbm4b:s6+s7], $0x40, s8, s7, $0xb8;
	[tilespmem:$0x19C00] =	vst v63  }
0xd2: {  	s1 =	rddreg [dreg:$0xa]  }
0xd3: {  	[tilespmem:s26], [sflag:$0x1] =	stream.indirect.gather [hbm4b:s6+s7], $0x40, s1, s7, $0xb8;
	[tilespmem:$0x19C00] =	vst v63  }
0xd4: {  	s8 =	rddreg [dreg:$0xb]  }
0xd5: {  	[tilespmem:s25], [sflag:$0x1] =	stream.indirect.gather [hbm4b:s6+s7], $0x40, s8, s7, $0xb8;
	[tilespmem:$0x19C00] =	vst v63  }
0xd6: {  	s1 =	rddreg [dreg:$0xc]  }
0xd7: {  	[tilespmem:s24], [sflag:$0x1] =	stream.indirect.gather [hbm4b:s6+s7], $0x40, s1, s7, $0xb8;
	[tilespmem:$0x19C00] =	vst v63  }
0xd8: {  	s8 =	rddreg [dreg:$0xd]  }
0xd9: {  	[tilespmem:s23], [sflag:$0x1] =	stream.indirect.gather [hbm4b:s6+s7], $0x40, s8, s7, $0xb8;
	[tilespmem:$0x19C00] =	vst v63  }
0xda: {  	s1 =	rddreg [dreg:$0xe]  }
0xdb: {  	[tilespmem:s22], [sflag:$0x1] =	stream.indirect.gather [hbm4b:s6+s7], $0x40, s1, s7, $0xb8;
	[tilespmem:$0x19C00] =	vst v63  }
0xdc: {  	s8 =	rddreg [dreg:$0xf]  }
0xdd: {  	[tilespmem:s21], [sflag:$0x1] =	stream.indirect.gather [hbm4b:s6+s7], $0x40, s8, s7, $0xb8;
	[tilespmem:$0x19C00] =	vst v63  }
0xde: {  	s1 =	rddreg [dreg:$0x10]  }
0xdf: {  	[tilespmem:s20], [sflag:$0x1] =	stream.indirect.gather [hbm4b:s6+s7], $0x40, s1, s7, $0xb8;
	[tilespmem:$0x19C00] =	vst v63  }
0xe0: {  	s8 =	rddreg [dreg:$0x11]  }
0xe1: {  	[tilespmem:s19], [sflag:$0x1] =	stream.indirect.gather [hbm4b:s6+s7], $0x40, s8, s7, $0xb8;
	[tilespmem:$0x19C00] =	vst v63  }
0xe2: {  	s1 =	rddreg [dreg:$0x12]  }
0xe3: {  	[tilespmem:s18], [sflag:$0x1] =	stream.indirect.gather [hbm4b:s6+s7], $0x40, s1, s7, $0xb8;
	[tilespmem:$0x19C00] =	vst v63  }
0xe4: {  	s8 =	rddreg [dreg:$0x13]  }
0xe5: {  	[tilespmem:s17], [sflag:$0x1] =	stream.indirect.gather [hbm4b:s6+s7], $0x40, s8, s7, $0xb8;
	[tilespmem:$0x19C00] =	vst v63  }
0xe6: {  	s1 =	rddreg [dreg:$0x14]  }
0xe7: {  	[tilespmem:s15], [sflag:$0x1] =	stream.indirect.gather [hbm4b:s6+s7], $0x40, s1, s7, $0xb8;
	[tilespmem:$0x19C00] =	vst v63  }
0xe8: {  	s8 =	rddreg [dreg:$0x15]  }
0xe9: {  	[tilespmem:s13], [sflag:$0x1] =	stream.indirect.gather [hbm4b:s6+s7], $0x40, s8, s7, $0xb8;
	[tilespmem:$0x19C00] =	vst v63  }
0xea: {  	s1 =	rddreg [dreg:$0x16]  }
0xeb: {  	[tilespmem:s11], [sflag:$0x1] =	stream.indirect.gather [hbm4b:s6+s7], $0x40, s1, s7, $0xb8;
	[tilespmem:$0x19C00] =	vst v63  }
0xec: {  	s8 =	rddreg [dreg:$0x17]  }
0xed: {  	[tilespmem:s16], [sflag:$0x1] =	stream.indirect.gather [hbm4b:s6+s7], $0x40, s8, s7, $0xb8;
	[tilespmem:$0x19C00] =	vst v63  }
0xee: {  	s1 =	rddreg [dreg:$0x18]  }
0xef: {  	[tilespmem:s14], [sflag:$0x1] =	stream.indirect.gather [hbm4b:s6+s7], $0x40, s1, s7, $0xb8;
	[tilespmem:$0x19C00] =	vst v63  }
0xf0: {  	s8 =	rddreg [dreg:$0x19]  }
0xf1: {  	[tilespmem:s12], [sflag:$0x1] =	stream.indirect.gather [hbm4b:s6+s7], $0x40, s8, s7, $0xb8;
	[tilespmem:$0x19C00] =	vst v63  }
0xf2: {  	s1 =	rddreg [dreg:$0x1a]  }
0xf3: {  	[tilespmem:s10], [sflag:$0x1] =	stream.indirect.gather [hbm4b:s6+s7], $0x40, s1, s7, $0xb8;
	[tilespmem:$0x19C00] =	vst v63  }
0xf4: {  	s0 =	simm.s32 $0x17C00;
	s8 =	rddreg [dreg:$0x1b]  }
0xf5: {  	[tilespmem:s0], [sflag:$0x1] =	stream.indirect.gather [hbm4b:s6+s7], $0x40, s8, s7, $0xb8;
	[tilespmem:$0x19C00] =	vst v63  }
0xf6: {  	s1 =	rddreg [dreg:$0x1c]  }
0xf7: {  	[tilespmem:s9], [sflag:$0x1] =	stream.indirect.gather [hbm4b:s6+s7], $0x40, s1, s7, $0xb8;
	[tilespmem:$0x19C00] =	vst v63  }
0xf8: {  	_ =	swait.ge [sflag:s4], $0x1000  }
0xf9: {  	[sflag:s4] =	ssyncset.done $0x0  }
0xfa: {  	[sflag:s4] =	ssyncadd.s32 $0xFFFFF000  }
0xfb: {  	_ =	swait.ge [sflag:s4], $0x1000  }
0xfc: {  	[sflag:s4] =	ssyncset.done $0x0  }
0xfd: {  	[sflag:s4] =	ssyncadd.s32 $0xFFFFF000  }
0xfe: {  	_ =	swait.ge [sflag:s4], $0x1000  }
0xff: {  	[sflag:s4] =	ssyncset.done $0x0  }
0x100: {  	[sflag:s4] =	ssyncadd.s32 $0xFFFFF000  }
0x101: {  	_ =	swait.ge [sflag:s4], $0x1000  }
0x102: {  	[sflag:s4] =	ssyncset.done $0x0  }
0x103: {  	[sflag:s4] =	ssyncadd.s32 $0xFFFFF000  }
0x104: {  	_ =	swait.ge [sflag:s4], $0x1000  }
0x105: {  	[sflag:s4] =	ssyncset.done $0x0  }
0x106: {  	[sflag:s4] =	ssyncadd.s32 $0xFFFFF000  }
0x107: {  	_ =	swait.ge [sflag:s4], $0x1000  }
0x108: {  	[sflag:s4] =	ssyncset.done $0x0  }
0x109: {  	[sflag:s4] =	ssyncadd.s32 $0xFFFFF000  }
0x10a: {  	_ =	swait.ge [sflag:s4], $0x1000  }
0x10b: {  	[sflag:s4] =	ssyncset.done $0x0  }
0x10c: {  	[sflag:s4] =	ssyncadd.s32 $0xFFFFF000  }
0x10d: {  	_ =	swait.ge [sflag:s4], $0x1000  }
0x10e: {  	[sflag:s4] =	ssyncset.done $0x0  }
0x10f: {  	[sflag:s4] =	ssyncadd.s32 $0xFFFFF000  }
0x110: {  	_ =	swait.ge [sflag:s4], $0x1000  }
0x111: {  	[sflag:s4] =	ssyncset.done $0x0  }
0x112: {  	[sflag:s4] =	ssyncadd.s32 $0xFFFFF000  }
0x113: {  	_ =	swait.ge [sflag:s4], $0x1000  }
0x114: {  	[sflag:s4] =	ssyncset.done $0x0  }
0x115: {  	[sflag:s4] =	ssyncadd.s32 $0xFFFFF000  }
0x116: {  	_ =	swait.ge [sflag:s4], $0x1000  }
0x117: {  	[sflag:s4] =	ssyncset.done $0x0  }
0x118: {  	[sflag:s4] =	ssyncadd.s32 $0xFFFFF000  }
0x119: {  	_ =	swait.ge [sflag:s4], $0x1000  }
0x11a: {  	[sflag:s4] =	ssyncset.done $0x0  }
0x11b: {  	[sflag:s4] =	ssyncadd.s32 $0xFFFFF000  }
0x11c: {  	_ =	swait.ge [sflag:s4], $0x1000  }
0x11d: {  	[sflag:s4] =	ssyncset.done $0x0  }
0x11e: {  	[sflag:s4] =	ssyncadd.s32 $0xFFFFF000  }
0x11f: {  	_ =	swait.ge [sflag:s4], $0x1000  }
0x120: {  	[sflag:s4] =	ssyncset.done $0x0  }
0x121: {  	[sflag:s4] =	ssyncadd.s32 $0xFFFFF000  }
0x122: {  	_ =	swait.ge [sflag:s4], $0x1000  }
0x123: {  	[sflag:s4] =	ssyncset.done $0x0  }
0x124: {  	[sflag:s4] =	ssyncadd.s32 $0xFFFFF000  }
0x125: {  	_ =	swait.ge [sflag:s4], $0x1000  }
0x126: {  	[sflag:s4] =	ssyncset.done $0x0  }
0x127: {  	[sflag:s4] =	ssyncadd.s32 $0xFFFFF000  }
0x128: {  	_ =	swait.ge [sflag:s4], $0x1000  }
0x129: {  	[sflag:s4] =	ssyncset.done $0x0  }
0x12a: {  	[sflag:s4] =	ssyncadd.s32 $0xFFFFF000  }
0x12b: {  	_ =	swait.ge [sflag:s4], $0x1000  }
0x12c: {  	[sflag:s4] =	ssyncset.done $0x0  }
0x12d: {  	[sflag:s4] =	ssyncadd.s32 $0xFFFFF000  }
0x12e: {  	_ =	swait.ge [sflag:s4], $0x1000  }
0x12f: {  	[sflag:s4] =	ssyncset.done $0x0  }
0x130: {  	[sflag:s4] =	ssyncadd.s32 $0xFFFFF000  }
0x131: {  	_ =	swait.ge [sflag:s4], $0x1000  }
0x132: {  	[sflag:s4] =	ssyncset.done $0x0  }
0x133: {  	[sflag:s4] =	ssyncadd.s32 $0xFFFFF000  }
0x134: {  	_ =	swait.ge [sflag:s4], $0x1000  }
0x135: {  	[sflag:s4] =	ssyncset.done $0x0  }
0x136: {  	[sflag:s4] =	ssyncadd.s32 $0xFFFFF000  }
0x137: {  	_ =	swait.ge [sflag:s4], $0x1000  }
0x138: {  	[sflag:s4] =	ssyncset.done $0x0  }
0x139: {  	[sflag:s4] =	ssyncadd.s32 $0xFFFFF000  }
0x13a: {  	_ =	swait.ge [sflag:s4], $0x1000  }
0x13b: {  	[sflag:s4] =	ssyncset.done $0x0  }
0x13c: {  	[sflag:s4] =	ssyncadd.s32 $0xFFFFF000  }
0x13d: {  	_ =	swait.ge [sflag:s4], $0x1000  }
0x13e: {  	[sflag:s4] =	ssyncset.done $0x0  }
0x13f: {  	[sflag:s4] =	ssyncadd.s32 $0xFFFFF000  }
0x140: {  	_ =	swait.ge [sflag:s4], $0x1000  }
0x141: {  	s8 =	sld [smem:$0x7EC];
	_ =	sdelay $0x2  }
0x142: {  	p1 =	sne.s32 s8, $0x1  }
.Ltmp1:
0x143: {  	[sflag:s4] =	ssyncset.done $0x0;
	(pc) =	sbr.rel @!p1 .LBB2_3-.Ltmp1, $4  }
0x144: {  	s1 =	rddreg [dreg:$0x1d];
	[sflag:s4] =	ssyncadd.s32 $0xFFFFF000  }
0x145: {  	[hbm4b:s1+s2] =	stream.linear.scatter [tilespmem:s5], [sflag:$0x2], $0x19000, $0x38;
	[tilespmem:$0x19C00] =	vst v63  }
0x146: {  	p0 =	por $0x1, $0x1;
	_ =	swait.ge [sflag:s3], $0x19000  }
0x147: {  	s1 =	sadd.s32 $0xFFFFFFFF, s8;
	s0 =	rddreg [dreg:$0x3];
	[sflag:s3] =	ssyncset.done $0x0  }
.LBB2_4:
0x148: {  	[sflag:s3] =	ssyncadd.s32 $0xFFFE7000  }
0x149: {  	[tilespmem:s2], [sflag:$0x2] =	stream.linear.gather [hbm4b:s0+s2], $0xC00, $0x38;
	[tilespmem:$0x19C00] =	vst v63  }
0x14a: {  	_ =	swait.ge [sflag:s3], $0xC00  }
0x14b: {  	s0 =	rddreg [dreg:$0x4];
	[sflag:s3] =	ssyncset.done $0x0  }
0x14c: {  	s2 =	rddreg [dreg:$0x1e];
	[sflag:s3] =	ssyncadd.s32 $0xFFFFF400  }
0x14d: {  	[tilespmem:s5], [sflag:$0x1] =	stream.indirect.gather [hbm4b:s6+s7], $0x40, s0, s7, $0xb8;
	[tilespmem:$0x19C00] =	vst v63  }
0x14e: {  	s8 =	rddreg [dreg:$0x5]  }
0x14f: {  	[tilespmem:s2], [sflag:$0x1] =	stream.indirect.gather [hbm4b:s6+s7], $0x40, s8, s7, $0xb8;
	[tilespmem:$0x19C00] =	vst v63  }
0x150: {  	s0 =	rddreg [dreg:$0x6]  }
0x151: {  	[tilespmem:s31], [sflag:$0x1] =	stream.indirect.gather [hbm4b:s6+s7], $0x40, s0, s7, $0xb8;
	[tilespmem:$0x19C00] =	vst v63  }
0x152: {  	s2 =	rddreg [dreg:$0x7]  }
0x153: {  	[tilespmem:s30], [sflag:$0x1] =	stream.indirect.gather [hbm4b:s6+s7], $0x40, s2, s7, $0xb8;
	[tilespmem:$0x19C00] =	vst v63  }
0x154: {  	s0 =	rddreg [dreg:$0x8]  }
0x155: {  	[tilespmem:s29], [sflag:$0x1] =	stream.indirect.gather [hbm4b:s6+s7], $0x40, s0, s7, $0xb8;
	[tilespmem:$0x19C00] =	vst v63  }
0x156: {  	s2 =	rddreg [dreg:$0x9]  }
0x157: {  	[tilespmem:s28], [sflag:$0x1] =	stream.indirect.gather [hbm4b:s6+s7], $0x40, s2, s7, $0xb8;
	[tilespmem:$0x19C00] =	vst v63  }
0x158: {  	s0 =	rddreg [dreg:$0xa]  }
0x159: {  	[tilespmem:s26], [sflag:$0x1] =	stream.indirect.gather [hbm4b:s6+s7], $0x40, s0, s7, $0xb8;
	[tilespmem:$0x19C00] =	vst v63  }
0x15a: {  	s2 =	rddreg [dreg:$0xb]  }
0x15b: {  	[tilespmem:s25], [sflag:$0x1] =	stream.indirect.gather [hbm4b:s6+s7], $0x40, s2, s7, $0xb8;
	[tilespmem:$0x19C00] =	vst v63  }
0x15c: {  	s0 =	rddreg [dreg:$0xc]  }
0x15d: {  	[tilespmem:s24], [sflag:$0x1] =	stream.indirect.gather [hbm4b:s6+s7], $0x40, s0, s7, $0xb8;
	[tilespmem:$0x19C00] =	vst v63  }
0x15e: {  	s2 =	rddreg [dreg:$0xd]  }
0x15f: {  	[tilespmem:s23], [sflag:$0x1] =	stream.indirect.gather [hbm4b:s6+s7], $0x40, s2, s7, $0xb8;
	[tilespmem:$0x19C00] =	vst v63  }
0x160: {  	s0 =	rddreg [dreg:$0xe]  }
0x161: {  	[tilespmem:s22], [sflag:$0x1] =	stream.indirect.gather [hbm4b:s6+s7], $0x40, s0, s7, $0xb8;
	[tilespmem:$0x19C00] =	vst v63  }
0x162: {  	s2 =	rddreg [dreg:$0xf]  }
0x163: {  	[tilespmem:s21], [sflag:$0x1] =	stream.indirect.gather [hbm4b:s6+s7], $0x40, s2, s7, $0xb8;
	[tilespmem:$0x19C00] =	vst v63  }
0x164: {  	s0 =	rddreg [dreg:$0x10]  }
0x165: {  	[tilespmem:s20], [sflag:$0x1] =	stream.indirect.gather [hbm4b:s6+s7], $0x40, s0, s7, $0xb8;
	[tilespmem:$0x19C00] =	vst v63  }
0x166: {  	s2 =	rddreg [dreg:$0x11]  }
0x167: {  	[tilespmem:s19], [sflag:$0x1] =	stream.indirect.gather [hbm4b:s6+s7], $0x40, s2, s7, $0xb8;
	[tilespmem:$0x19C00] =	vst v63  }
0x168: {  	s0 =	rddreg [dreg:$0x12]  }
0x169: {  	[tilespmem:s18], [sflag:$0x1] =	stream.indirect.gather [hbm4b:s6+s7], $0x40, s0, s7, $0xb8;
	[tilespmem:$0x19C00] =	vst v63  }
0x16a: {  	s2 =	rddreg [dreg:$0x13]  }
0x16b: {  	[tilespmem:s17], [sflag:$0x1] =	stream.indirect.gather [hbm4b:s6+s7], $0x40, s2, s7, $0xb8;
	[tilespmem:$0x19C00] =	vst v63  }
0x16c: {  	s0 =	rddreg [dreg:$0x14]  }
0x16d: {  	[tilespmem:s15], [sflag:$0x1] =	stream.indirect.gather [hbm4b:s6+s7], $0x40, s0, s7, $0xb8;
	[tilespmem:$0x19C00] =	vst v63  }
0x16e: {  	s2 =	rddreg [dreg:$0x15]  }
0x16f: {  	[tilespmem:s13], [sflag:$0x1] =	stream.indirect.gather [hbm4b:s6+s7], $0x40, s2, s7, $0xb8;
	[tilespmem:$0x19C00] =	vst v63  }
0x170: {  	s0 =	rddreg [dreg:$0x16]  }
0x171: {  	[tilespmem:s11], [sflag:$0x1] =	stream.indirect.gather [hbm4b:s6+s7], $0x40, s0, s7, $0xb8;
	[tilespmem:$0x19C00] =	vst v63  }
0x172: {  	s2 =	rddreg [dreg:$0x17]  }
0x173: {  	[tilespmem:s16], [sflag:$0x1] =	stream.indirect.gather [hbm4b:s6+s7], $0x40, s2, s7, $0xb8;
	[tilespmem:$0x19C00] =	vst v63  }
0x174: {  	s0 =	rddreg [dreg:$0x18]  }
0x175: {  	[tilespmem:s14], [sflag:$0x1] =	stream.indirect.gather [hbm4b:s6+s7], $0x40, s0, s7, $0xb8;
	[tilespmem:$0x19C00] =	vst v63  }
0x176: {  	s2 =	rddreg [dreg:$0x19]  }
0x177: {  	[tilespmem:s12], [sflag:$0x1] =	stream.indirect.gather [hbm4b:s6+s7], $0x40, s2, s7, $0xb8;
	[tilespmem:$0x19C00] =	vst v63  }
0x178: {  	s0 =	rddreg [dreg:$0x1a]  }
0x179: {  	[tilespmem:s10], [sflag:$0x1] =	stream.indirect.gather [hbm4b:s6+s7], $0x40, s0, s7, $0xb8;
	[tilespmem:$0x19C00] =	vst v63  }
0x17a: {  	s8 =	simm.s32 $0x17C00;
	s2 =	rddreg [dreg:$0x1b]  }
0x17b: {  	[tilespmem:s8], [sflag:$0x1] =	stream.indirect.gather [hbm4b:s6+s7], $0x40, s2, s7, $0xb8;
	[tilespmem:$0x19C00] =	vst v63  }
0x17c: {  	s0 =	rddreg [dreg:$0x1c]  }
0x17d: {  	[tilespmem:s9], [sflag:$0x1] =	stream.indirect.gather [hbm4b:s6+s7], $0x40, s0, s7, $0xb8;
	[tilespmem:$0x19C00] =	vst v63  }
0x17e: {  	_ =	swait.ge [sflag:s4], $0x1000  }
0x17f: {  	[sflag:s4] =	ssyncset.done $0x0  }
0x180: {  	[sflag:s4] =	ssyncadd.s32 $0xFFFFF000  }
0x181: {  	_ =	swait.ge [sflag:s4], $0x1000  }
0x182: {  	[sflag:s4] =	ssyncset.done $0x0  }
0x183: {  	[sflag:s4] =	ssyncadd.s32 $0xFFFFF000  }
0x184: {  	_ =	swait.ge [sflag:s4], $0x1000  }
0x185: {  	[sflag:s4] =	ssyncset.done $0x0  }
0x186: {  	[sflag:s4] =	ssyncadd.s32 $0xFFFFF000  }
0x187: {  	_ =	swait.ge [sflag:s4], $0x1000  }
0x188: {  	[sflag:s4] =	ssyncset.done $0x0  }
0x189: {  	[sflag:s4] =	ssyncadd.s32 $0xFFFFF000  }
0x18a: {  	_ =	swait.ge [sflag:s4], $0x1000  }
0x18b: {  	[sflag:s4] =	ssyncset.done $0x0  }
0x18c: {  	[sflag:s4] =	ssyncadd.s32 $0xFFFFF000  }
0x18d: {  	_ =	swait.ge [sflag:s4], $0x1000  }
0x18e: {  	[sflag:s4] =	ssyncset.done $0x0  }
0x18f: {  	[sflag:s4] =	ssyncadd.s32 $0xFFFFF000  }
0x190: {  	_ =	swait.ge [sflag:s4], $0x1000  }
0x191: {  	[sflag:s4] =	ssyncset.done $0x0  }
0x192: {  	[sflag:s4] =	ssyncadd.s32 $0xFFFFF000  }
0x193: {  	_ =	swait.ge [sflag:s4], $0x1000  }
0x194: {  	[sflag:s4] =	ssyncset.done $0x0  }
0x195: {  	[sflag:s4] =	ssyncadd.s32 $0xFFFFF000  }
0x196: {  	_ =	swait.ge [sflag:s4], $0x1000  }
0x197: {  	[sflag:s4] =	ssyncset.done $0x0  }
0x198: {  	[sflag:s4] =	ssyncadd.s32 $0xFFFFF000  }
0x199: {  	_ =	swait.ge [sflag:s4], $0x1000  }
0x19a: {  	[sflag:s4] =	ssyncset.done $0x0  }
0x19b: {  	[sflag:s4] =	ssyncadd.s32 $0xFFFFF000  }
0x19c: {  	_ =	swait.ge [sflag:s4], $0x1000  }
0x19d: {  	[sflag:s4] =	ssyncset.done $0x0  }
0x19e: {  	[sflag:s4] =	ssyncadd.s32 $0xFFFFF000  }
0x19f: {  	_ =	swait.ge [sflag:s4], $0x1000  }
0x1a0: {  	[sflag:s4] =	ssyncset.done $0x0  }
0x1a1: {  	[sflag:s4] =	ssyncadd.s32 $0xFFFFF000  }
0x1a2: {  	_ =	swait.ge [sflag:s4], $0x1000  }
0x1a3: {  	[sflag:s4] =	ssyncset.done $0x0  }
0x1a4: {  	[sflag:s4] =	ssyncadd.s32 $0xFFFFF000  }
0x1a5: {  	_ =	swait.ge [sflag:s4], $0x1000  }
0x1a6: {  	[sflag:s4] =	ssyncset.done $0x0  }
0x1a7: {  	[sflag:s4] =	ssyncadd.s32 $0xFFFFF000  }
0x1a8: {  	_ =	swait.ge [sflag:s4], $0x1000  }
0x1a9: {  	[sflag:s4] =	ssyncset.done $0x0  }
0x1aa: {  	[sflag:s4] =	ssyncadd.s32 $0xFFFFF000  }
0x1ab: {  	_ =	swait.ge [sflag:s4], $0x1000  }
0x1ac: {  	[sflag:s4] =	ssyncset.done $0x0  }
0x1ad: {  	[sflag:s4] =	ssyncadd.s32 $0xFFFFF000  }
0x1ae: {  	_ =	swait.ge [sflag:s4], $0x1000  }
0x1af: {  	[sflag:s4] =	ssyncset.done $0x0  }
0x1b0: {  	[sflag:s4] =	ssyncadd.s32 $0xFFFFF000  }
0x1b1: {  	_ =	swait.ge [sflag:s4], $0x1000  }
0x1b2: {  	[sflag:s4] =	ssyncset.done $0x0  }
0x1b3: {  	[sflag:s4] =	ssyncadd.s32 $0xFFFFF000  }
0x1b4: {  	_ =	swait.ge [sflag:s4], $0x1000  }
0x1b5: {  	[sflag:s4] =	ssyncset.done $0x0  }
0x1b6: {  	[sflag:s4] =	ssyncadd.s32 $0xFFFFF000  }
0x1b7: {  	_ =	swait.ge [sflag:s4], $0x1000  }
0x1b8: {  	[sflag:s4] =	ssyncset.done $0x0  }
0x1b9: {  	[sflag:s4] =	ssyncadd.s32 $0xFFFFF000  }
0x1ba: {  	_ =	swait.ge [sflag:s4], $0x1000  }
0x1bb: {  	[sflag:s4] =	ssyncset.done $0x0  }
0x1bc: {  	[sflag:s4] =	ssyncadd.s32 $0xFFFFF000  }
0x1bd: {  	_ =	swait.ge [sflag:s4], $0x1000  }
0x1be: {  	[sflag:s4] =	ssyncset.done $0x0  }
0x1bf: {  	[sflag:s4] =	ssyncadd.s32 $0xFFFFF000  }
0x1c0: {  	_ =	swait.ge [sflag:s4], $0x1000  }
0x1c1: {  	[sflag:s4] =	ssyncset.done $0x0  }
0x1c2: {  	[sflag:s4] =	ssyncadd.s32 $0xFFFFF000  }
0x1c3: {  	_ =	swait.ge [sflag:s4], $0x1000  }
0x1c4: {  	[sflag:s4] =	ssyncset.done $0x0  }
0x1c5: {  	[sflag:s4] =	ssyncadd.s32 $0xFFFFF000  }
0x1c6: {  	p1 =	sne.s32 s1, $0x1;
	_ =	swait.ge [sflag:s4], $0x1000  }
.Ltmp2:
0x1c7: {  	[sflag:s4] =	ssyncset.done $0x0;
	(pc) =	sbr.rel @p1 .LBB2_4-.Ltmp2, $4  }
0x1c8: {  	s2 =	simm.s32 $0x0;
	s8 =	rddreg [dreg:$0x1d];
	[sflag:s4] =	ssyncadd.s32 $0xFFFFF000  }
0x1c9: {  	[hbm4b:s8+s2] =	stream.linear.scatter [tilespmem:s5], [sflag:$0x2], $0x19000, $0x38;
	[tilespmem:$0x19C00] =	vst v63  }
0x1ca: {  	_ =	swait.ge [sflag:s3], $0x19000  }
0x1cb: {  	s1 =	sadd.s32 $0xFFFFFFFF, s1;
	s0 =	rddreg [dreg:$0x3];
	[sflag:s3] =	ssyncset.done $0x0  }
0x1cc: {  	s8 =	simm.s32 $0x17C00  }
.LBB2_6:
0x1cd: {  	[sflag:s3] =	ssyncadd.s32 @p0 $0xFFFE7000  }
0x1ce: {  	[tilespmem:s2], [sflag:$0x2] =	stream.linear.gather [hbm4b:s0+s2], $0xC00, $0x38;
	[tilespmem:$0x19C00] =	vst v63  }
0x1cf: {  	_ =	swait.ge [sflag:s3], $0xC00  }
0x1d0: {  	s0 =	rddreg [dreg:$0x4];
	[sflag:s3] =	ssyncset.done $0x0  }
0x1d1: {  	s1 =	rddreg [dreg:$0x1e];
	[sflag:s3] =	ssyncadd.s32 $0xFFFFF400  }
0x1d2: {  	[tilespmem:s5], [sflag:$0x1] =	stream.indirect.gather [hbm4b:s6+s7], $0x40, s0, s7, $0xb8;
	[tilespmem:$0x19C00] =	vst v63  }
0x1d3: {  	s2 =	rddreg [dreg:$0x5]  }
0x1d4: {  	[tilespmem:s1], [sflag:$0x1] =	stream.indirect.gather [hbm4b:s6+s7], $0x40, s2, s7, $0xb8;
	[tilespmem:$0x19C00] =	vst v63  }
0x1d5: {  	s0 =	rddreg [dreg:$0x6]  }
0x1d6: {  	[tilespmem:s31], [sflag:$0x1] =	stream.indirect.gather [hbm4b:s6+s7], $0x40, s0, s7, $0xb8;
	[tilespmem:$0x19C00] =	vst v63  }
0x1d7: {  	s2 =	rddreg [dreg:$0x7]  }
0x1d8: {  	[tilespmem:s30], [sflag:$0x1] =	stream.indirect.gather [hbm4b:s6+s7], $0x40, s2, s7, $0xb8;
	[tilespmem:$0x19C00] =	vst v63  }
0x1d9: {  	s31 =	rddreg [dreg:$0x8]  }
0x1da: {  	[tilespmem:s29], [sflag:$0x1] =	stream.indirect.gather [hbm4b:s6+s7], $0x40, s31, s7, $0xb8;
	[tilespmem:$0x19C00] =	vst v63  }
0x1db: {  	s2 =	rddreg [dreg:$0x9]  }
0x1dc: {  	[tilespmem:s28], [sflag:$0x1] =	stream.indirect.gather [hbm4b:s6+s7], $0x40, s2, s7, $0xb8;
	[tilespmem:$0x19C00] =	vst v63  }
0x1dd: {  	s30 =	rddreg [dreg:$0xa]  }
0x1de: {  	[tilespmem:s26], [sflag:$0x1] =	stream.indirect.gather [hbm4b:s6+s7], $0x40, s30, s7, $0xb8;
	[tilespmem:$0x19C00] =	vst v63  }
0x1df: {  	s31 =	rddreg [dreg:$0xb]  }
0x1e0: {  	[tilespmem:s25], [sflag:$0x1] =	stream.indirect.gather [hbm4b:s6+s7], $0x40, s31, s7, $0xb8;
	[tilespmem:$0x19C00] =	vst v63  }
0x1e1: {  	s2 =	rddreg [dreg:$0xc]  }
0x1e2: {  	[tilespmem:s24], [sflag:$0x1] =	stream.indirect.gather [hbm4b:s6+s7], $0x40, s2, s7, $0xb8;
	[tilespmem:$0x19C00] =	vst v63  }
0x1e3: {  	s25 =	rddreg [dreg:$0xd]  }
0x1e4: {  	[tilespmem:s23], [sflag:$0x1] =	stream.indirect.gather [hbm4b:s6+s7], $0x40, s25, s7, $0xb8;
	[tilespmem:$0x19C00] =	vst v63  }
0x1e5: {  	s26 =	rddreg [dreg:$0xe]  }
0x1e6: {  	[tilespmem:s22], [sflag:$0x1] =	stream.indirect.gather [hbm4b:s6+s7], $0x40, s26, s7, $0xb8;
	[tilespmem:$0x19C00] =	vst v63  }
0x1e7: {  	s28 =	rddreg [dreg:$0xf]  }
0x1e8: {  	[tilespmem:s21], [sflag:$0x1] =	stream.indirect.gather [hbm4b:s6+s7], $0x40, s28, s7, $0xb8;
	[tilespmem:$0x19C00] =	vst v63  }
0x1e9: {  	s29 =	rddreg [dreg:$0x10]  }
0x1ea: {  	[tilespmem:s20], [sflag:$0x1] =	stream.indirect.gather [hbm4b:s6+s7], $0x40, s29, s7, $0xb8;
	[tilespmem:$0x19C00] =	vst v63  }
0x1eb: {  	s30 =	rddreg [dreg:$0x11]  }
0x1ec: {  	[tilespmem:s19], [sflag:$0x1] =	stream.indirect.gather [hbm4b:s6+s7], $0x40, s30, s7, $0xb8;
	[tilespmem:$0x19C00] =	vst v63  }
0x1ed: {  	s31 =	rddreg [dreg:$0x12]  }
0x1ee: {  	[tilespmem:s18], [sflag:$0x1] =	stream.indirect.gather [hbm4b:s6+s7], $0x40, s31, s7, $0xb8;
	[tilespmem:$0x19C00] =	vst v63  }
0x1ef: {  	s2 =	rddreg [dreg:$0x13]  }
0x1f0: {  	[tilespmem:s17], [sflag:$0x1] =	stream.indirect.gather [hbm4b:s6+s7], $0x40, s2, s7, $0xb8;
	[tilespmem:$0x19C00] =	vst v63  }
0x1f1: {  	s19 =	rddreg [dreg:$0x14]  }
0x1f2: {  	[tilespmem:s15], [sflag:$0x1] =	stream.indirect.gather [hbm4b:s6+s7], $0x40, s19, s7, $0xb8;
	[tilespmem:$0x19C00] =	vst v63  }
0x1f3: {  	s20 =	rddreg [dreg:$0x15]  }
0x1f4: {  	[tilespmem:s13], [sflag:$0x1] =	stream.indirect.gather [hbm4b:s6+s7], $0x40, s20, s7, $0xb8;
	[tilespmem:$0x19C00] =	vst v63  }
0x1f5: {  	s21 =	rddreg [dreg:$0x16]  }
0x1f6: {  	[tilespmem:s11], [sflag:$0x1] =	stream.indirect.gather [hbm4b:s6+s7], $0x40, s21, s7, $0xb8;
	[tilespmem:$0x19C00] =	vst v63  }
0x1f7: {  	s22 =	rddreg [dreg:$0x17]  }
0x1f8: {  	[tilespmem:s16], [sflag:$0x1] =	stream.indirect.gather [hbm4b:s6+s7], $0x40, s22, s7, $0xb8;
	[tilespmem:$0x19C00] =	vst v63  }
0x1f9: {  	s23 =	rddreg [dreg:$0x18]  }
0x1fa: {  	[tilespmem:s14], [sflag:$0x1] =	stream.indirect.gather [hbm4b:s6+s7], $0x40, s23, s7, $0xb8;
	[tilespmem:$0x19C00] =	vst v63  }
0x1fb: {  	s24 =	rddreg [dreg:$0x19]  }
0x1fc: {  	[tilespmem:s12], [sflag:$0x1] =	stream.indirect.gather [hbm4b:s6+s7], $0x40, s24, s7, $0xb8;
	[tilespmem:$0x19C00] =	vst v63  }
0x1fd: {  	s25 =	rddreg [dreg:$0x1a]  }
0x1fe: {  	[tilespmem:s10], [sflag:$0x1] =	stream.indirect.gather [hbm4b:s6+s7], $0x40, s25, s7, $0xb8;
	[tilespmem:$0x19C00] =	vst v63  }
0x1ff: {  	s26 =	rddreg [dreg:$0x1b]  }
0x200: {  	[tilespmem:s8], [sflag:$0x1] =	stream.indirect.gather [hbm4b:s6+s7], $0x40, s26, s7, $0xb8;
	[tilespmem:$0x19C00] =	vst v63  }
0x201: {  	s28 =	rddreg [dreg:$0x1c]  }
0x202: {  	[tilespmem:s9], [sflag:$0x1] =	stream.indirect.gather [hbm4b:s6+s7], $0x40, s28, s7, $0xb8;
	[tilespmem:$0x19C00] =	vst v63  }
0x203: {  	_ =	swait.ge [sflag:s4], $0x1000  }
0x204: {  	[sflag:s4] =	ssyncset.done $0x0  }
0x205: {  	[sflag:s4] =	ssyncadd.s32 $0xFFFFF000  }
0x206: {  	_ =	swait.ge [sflag:s4], $0x1000  }
0x207: {  	[sflag:s4] =	ssyncset.done $0x0  }
0x208: {  	[sflag:s4] =	ssyncadd.s32 $0xFFFFF000  }
0x209: {  	_ =	swait.ge [sflag:s4], $0x1000  }
0x20a: {  	[sflag:s4] =	ssyncset.done $0x0  }
0x20b: {  	[sflag:s4] =	ssyncadd.s32 $0xFFFFF000  }
0x20c: {  	_ =	swait.ge [sflag:s4], $0x1000  }
0x20d: {  	[sflag:s4] =	ssyncset.done $0x0  }
0x20e: {  	[sflag:s4] =	ssyncadd.s32 $0xFFFFF000  }
0x20f: {  	_ =	swait.ge [sflag:s4], $0x1000  }
0x210: {  	[sflag:s4] =	ssyncset.done $0x0  }
0x211: {  	[sflag:s4] =	ssyncadd.s32 $0xFFFFF000  }
0x212: {  	_ =	swait.ge [sflag:s4], $0x1000  }
0x213: {  	[sflag:s4] =	ssyncset.done $0x0  }
0x214: {  	[sflag:s4] =	ssyncadd.s32 $0xFFFFF000  }
0x215: {  	_ =	swait.ge [sflag:s4], $0x1000  }
0x216: {  	[sflag:s4] =	ssyncset.done $0x0  }
0x217: {  	[sflag:s4] =	ssyncadd.s32 $0xFFFFF000  }
0x218: {  	_ =	swait.ge [sflag:s4], $0x1000  }
0x219: {  	[sflag:s4] =	ssyncset.done $0x0  }
0x21a: {  	[sflag:s4] =	ssyncadd.s32 $0xFFFFF000  }
0x21b: {  	_ =	swait.ge [sflag:s4], $0x1000  }
0x21c: {  	[sflag:s4] =	ssyncset.done $0x0  }
0x21d: {  	[sflag:s4] =	ssyncadd.s32 $0xFFFFF000  }
0x21e: {  	_ =	swait.ge [sflag:s4], $0x1000  }
0x21f: {  	[sflag:s4] =	ssyncset.done $0x0  }
0x220: {  	[sflag:s4] =	ssyncadd.s32 $0xFFFFF000  }
0x221: {  	_ =	swait.ge [sflag:s4], $0x1000  }
0x222: {  	[sflag:s4] =	ssyncset.done $0x0  }
0x223: {  	[sflag:s4] =	ssyncadd.s32 $0xFFFFF000  }
0x224: {  	_ =	swait.ge [sflag:s4], $0x1000  }
0x225: {  	[sflag:s4] =	ssyncset.done $0x0  }
0x226: {  	[sflag:s4] =	ssyncadd.s32 $0xFFFFF000  }
0x227: {  	_ =	swait.ge [sflag:s4], $0x1000  }
0x228: {  	[sflag:s4] =	ssyncset.done $0x0  }
0x229: {  	[sflag:s4] =	ssyncadd.s32 $0xFFFFF000  }
0x22a: {  	_ =	swait.ge [sflag:s4], $0x1000  }
0x22b: {  	[sflag:s4] =	ssyncset.done $0x0  }
0x22c: {  	[sflag:s4] =	ssyncadd.s32 $0xFFFFF000  }
0x22d: {  	_ =	swait.ge [sflag:s4], $0x1000  }
0x22e: {  	[sflag:s4] =	ssyncset.done $0x0  }
0x22f: {  	[sflag:s4] =	ssyncadd.s32 $0xFFFFF000  }
0x230: {  	_ =	swait.ge [sflag:s4], $0x1000  }
0x231: {  	[sflag:s4] =	ssyncset.done $0x0  }
0x232: {  	[sflag:s4] =	ssyncadd.s32 $0xFFFFF000  }
0x233: {  	_ =	swait.ge [sflag:s4], $0x1000  }
0x234: {  	[sflag:s4] =	ssyncset.done $0x0  }
0x235: {  	[sflag:s4] =	ssyncadd.s32 $0xFFFFF000  }
0x236: {  	_ =	swait.ge [sflag:s4], $0x1000  }
0x237: {  	[sflag:s4] =	ssyncset.done $0x0  }
0x238: {  	[sflag:s4] =	ssyncadd.s32 $0xFFFFF000  }
0x239: {  	_ =	swait.ge [sflag:s4], $0x1000  }
0x23a: {  	[sflag:s4] =	ssyncset.done $0x0  }
0x23b: {  	[sflag:s4] =	ssyncadd.s32 $0xFFFFF000  }
0x23c: {  	_ =	swait.ge [sflag:s4], $0x1000  }
0x23d: {  	[sflag:s4] =	ssyncset.done $0x0  }
0x23e: {  	[sflag:s4] =	ssyncadd.s32 $0xFFFFF000  }
0x23f: {  	_ =	swait.ge [sflag:s4], $0x1000  }
0x240: {  	[sflag:s4] =	ssyncset.done $0x0  }
0x241: {  	[sflag:s4] =	ssyncadd.s32 $0xFFFFF000  }
0x242: {  	_ =	swait.ge [sflag:s4], $0x1000  }
0x243: {  	[sflag:s4] =	ssyncset.done $0x0  }
0x244: {  	[sflag:s4] =	ssyncadd.s32 $0xFFFFF000  }
0x245: {  	_ =	swait.ge [sflag:s4], $0x1000  }
0x246: {  	[sflag:s4] =	ssyncset.done $0x0  }
0x247: {  	[sflag:s4] =	ssyncadd.s32 $0xFFFFF000  }
0x248: {  	_ =	swait.ge [sflag:s4], $0x1000  }
0x249: {  	[sflag:s4] =	ssyncset.done $0x0  }
0x24a: {  	[sflag:s4] =	ssyncadd.s32 $0xFFFFF000  }
0x24b: {  	_ =	swait.ge [sflag:s4], $0x1000  }
0x24c: {  	[sflag:s4] =	ssyncset.done $0x0  }
0x24d: {  	s30 =	simm.s32 $0x0;
	s29 =	rddreg [dreg:$0x1d];
	[sflag:s4] =	ssyncadd.s32 $0xFFFFF000  }
0x24e: {  	[hbm4b:s29+s30] =	stream.linear.scatter [tilespmem:s5], [sflag:$0x2], $0x19000, $0x38;
	[tilespmem:$0x19C00] =	vst v63  }
0x24f: {  	_ =	swait.ge [sflag:s3], $0x19000  }
0x250: {  	[sflag:s3] =	ssyncset.done $0x0  }
0x251: {  	[sflag:s3] =	ssyncadd.s32 $0xFFFE7000  }
0x252: {  	_ =	sfence.sel $0x180000  }
0x253: {  	[bflag:$0x0] =	sbarrier.arrive $0xFFFF  }
0x254: {  	_ =	strace $0x90000047  }
0x255: {  	s31 =	stileid.u32;
	[bflag:$0x2] =	sbarrier.arrive $0xFFFF  }
0x256: {  	p0 =	sne.s32 s31, $0x0;
	s0 =	rddreg [dreg:$0x2]  }
0x257: {  	s0 =	sadd.s32 @!p0 $0x100000, s0  }
0x258: {  	[sflag:s0] =	ssyncadd.tile.s32 @!p0 $0x1;
	_ =	shalt  }
.LBB2_1:
.Ltmp3:
0x259: {  	(pc) =	sbr.rel .LBB2_6-.Ltmp3, $2  }
0x25a: {  	_ =	sdelay $0x2  }
0x25b: {  	s8 =	simm.s32 $0x17C00  }
.LBB2_3:
.Ltmp4:
0x25c: {  	(pc) =	sbr.rel .LBB2_6-.Ltmp4, $2  }
0x25d: {  	_ =	sdelay $0x2  }
0x25e: {  	s8 =	simm.s32 $0x17C00  }
.Lfunc_end2:
_tile_overlayer_lowered:
.L_overlay_start_2:
0x25f: {  	(tag) =	ssettag $0x2  }
0x260: {  	s0 =	rddreg [dreg:$0x0];
	s2 =	stileid.u32  }
0x261: {  	s1 =	rddreg [dreg:$0x1];
	p0 =	sne.s32 s2, $0x0  }
0x262: {  	s3 =	rddreg [dreg:$0x2];
	[bflag:$0x3] =	sbarrier.arrive $0xFFFF;
	s2 =	simm.s32 @!p0 $0x1C02  }
0x263: {  	[timem:s3], [sflag:s2] =	dma.local @!p0 [hbm:s0], s1  }
0x264: {  	s0 =	simm.s32 @!p0 $0x2  }
0x265: {  	_ =	swait.ge @!p0 [sflag:s0], s1  }
0x266: {  	s1 =	ssub.s32 @!p0 $0x0, s1;
	[sflag:s0] =	ssyncset.done @!p0 $0x0  }
0x267: {  	[sflag:s0] =	ssyncadd.s32 @!p0 s1  }
0x268: {  	[bflag:$0x3] =	sbarrier.arrive $0xFFFF  }
0x269: {  	_ =	shalt  }

</sc_bundles>
